<compile_context>
chip_gen: v7x
topology: tpu7x:2x2x1
jax: 0.10.2.dev20260603
libtpu: 0.0.44.dev20260713+nightly
codegen_flags: <defaults>
</compile_context>

<pallas_src>
import jax
import jax.numpy as jnp
from jax import lax
from jax.experimental import pallas as pl
from jax.experimental.pallas import tpu as pltpu, tpu_sc as plsc

N_EMB = 1024
D = 64
B = 32
L = 576
_LOSS_SCALE = 1.25 / (B * L * D)

_NL = 16
_CH = 96
_CW = 128
_SL = 8


def _vq_tc_body(z_ref, emb_ref, loss_ref, codes_ref):
    b = pl.program_id(0)
    z = z_ref[0]
    emb = emb_ref[...]

    z_sq = jnp.sum(z * z, axis=0, keepdims=True)
    e_sq = jnp.sum(emb * emb, axis=1, keepdims=True)
    m2 = jax.lax.dot_general(
        emb, z + z, (((1,), (0,)), ((), ())),
        preferred_element_type=jnp.float32)

    kio = jax.lax.broadcasted_iota(jnp.int32, (_SL, L), 0)
    minv = (z_sq - m2[0:_SL]) + e_sq[0:_SL]
    mini = kio
    for g in range(1, N_EMB // _SL):
        dch = (z_sq - m2[g * _SL:(g + 1) * _SL]) + e_sq[g * _SL:(g + 1) * _SL]
        upd = dch < minv
        minv = jnp.where(upd, dch, minv)
        mini = jnp.where(upd, kio + g * _SL, mini)

    h = _SL
    while h > 1:
        h //= 2
        v1, v2 = minv[:h], minv[h:2 * h]
        k1, k2 = mini[:h], mini[h:2 * h]
        take2 = (v2 < v1) | ((v2 == v1) & (k2 < k1))
        minv = jnp.where(take2, v2, v1)
        mini = jnp.where(take2, k2, k1)

    codes_ref[0] = mini

    part = jnp.sum(minv, axis=1, keepdims=True)

    @pl.when(b == 0)
    def _():
        loss_ref[...] = jnp.zeros((1, 1), jnp.float32)

    total = loss_ref[...] + part
    loss_ref[...] = jnp.where(b == B - 1, total * _LOSS_SCALE, total)


def _codes_and_loss(z, embedding):
    loss, codes3 = pl.pallas_call(
        _vq_tc_body,
        grid=(B,),
        in_specs=[
            pl.BlockSpec((1, D, L), lambda b: (b, 0, 0)),
            pl.BlockSpec((N_EMB, D), lambda b: (0, 0)),
        ],
        out_specs=[
            pl.BlockSpec((1, 1), lambda b: (0, 0)),
            pl.BlockSpec((1, 1, L), lambda b: (b, 0, 0)),
        ],
        out_shape=[
            jax.ShapeDtypeStruct((1, 1), jnp.float32),
            jax.ShapeDtypeStruct((B, 1, L), jnp.int32),
        ],
    )(z, embedding)
    return loss[0, 0], codes3.reshape(B, L)


def _sc_gather_body(emb_hbm, codes_hbm, zq_hbm,
                    codes_v, gidx_v, off_v, rows_v, out_v, sem):
    info = plsc.get_sparse_core_info()
    wid = lax.axis_index("s") * info.num_cores + lax.axis_index("c")

    pltpu.sync_copy(codes_hbm.at[wid], codes_v)
    for i in range(L // _NL):
        c16 = codes_v[pl.ds(i * _NL, _NL)]
        gidx_v[pl.ds(i * _NL, _NL)] = c16 >> 1
        off_v[pl.ds(i * _NL, _NL)] = (c16 & 1) << 6

    copies = [
        pltpu.async_copy(
            emb_hbm.at[gidx_v.at[pl.ds(j * _CH, _CH)]],
            rows_v.at[pl.ds(j * _CH, _CH), :], sem.at[j])
        for j in range(L // _CH)
    ]

    lane = lax.iota(jnp.int32, _NL)
    per_chunk = _CH // _NL

    def lc_body(lc, carry):
        row16 = lc * _NL + lane
        cbase = off_v[pl.ds(lc * _NL, _NL)]

        @plsc.parallel_loop(0, D, unroll=16)
        def _(d):
            vals = plsc.load_gather(rows_v, [row16, cbase + d])
            out_v[d, pl.ds(lc * _NL, _NL)] = vals

        return carry

    for j in range(L // _CH):
        copies[j].wait()
        lax.fori_loop(j * per_chunk, (j + 1) * per_chunk, lc_body, 0)

    pltpu.sync_copy(out_v, zq_hbm.at[wid])


def _sc_gather(embedding, codes):
    mesh = plsc.VectorSubcoreMesh(core_axis_name="c", subcore_axis_name="s")
    return pl.kernel(
        _sc_gather_body,
        out_type=jax.ShapeDtypeStruct((B, D, L), jnp.float32),
        mesh=mesh,
        compiler_params=pltpu.CompilerParams(needs_layout_passes=False),
        scratch_types=[
            pltpu.VMEM((L,), jnp.int32),
            pltpu.VMEM((L,), jnp.int32),
            pltpu.VMEM((L,), jnp.int32),
            pltpu.VMEM((L, _CW), jnp.float32),
            pltpu.VMEM((D, L), jnp.float32),
            pltpu.SemaphoreType.DMA((L // _CH,)),
        ],
    )(embedding.reshape(N_EMB // 2, _CW), codes)


@jax.jit
def kernel(z, embedding):
    loss, codes = _codes_and_loss(z, embedding)
    zq = _sc_gather(embedding, codes)
    return zq, loss, codes

# --- scband reference (transcript-rebuilt; emitter-appended) ---
"""Pipeline reference for scband-vector-quantiser-28355374088288 (READ-ONLY COPY).

The authoritative reference and input builder live on the scoring server;
editing this copy changes nothing except your own understanding.
"""

import jax, jax.numpy as jnp
import numpy as np

N_EMB = 1024
D = 64
B = 32
L = 576
COMMITMENT_COST = 0.25


def setup_inputs(seed: int = 0) -> dict:
    key = jax.random.key(seed)
    k1, k2 = jax.random.split(key)
    z = jax.random.normal(k1, (B, D, L), dtype=jnp.float32)
    embedding = jax.random.uniform(k2, (N_EMB, D), dtype=jnp.float32, minval=-1.0 / N_EMB, maxval=1.0 / N_EMB)
    return {"z": z, "embedding": embedding}


def reference(z, embedding):
    # z: (B, D, L) -> eval-mode forward of VectorQuantiser (EMA update only runs in training)
    B_, D_, L_ = z.shape
    z_flat = jnp.transpose(z, (0, 2, 1)).reshape(-1, D_)  # (B*L, D)
    distances = (
        jnp.sum(z_flat ** 2, axis=1, keepdims=True)
        - 2.0 * (z_flat @ embedding.T)
        + jnp.sum(embedding ** 2, axis=1)
    )  # (B*L, K)
    codes = jnp.argmin(distances, axis=1)  # (B*L,)
    z_q_flat = jnp.take(embedding, codes, axis=0)  # gather -> (B*L, D)
    vq_loss = jnp.mean((z_q_flat - jax.lax.stop_gradient(z_flat)) ** 2)
    commitment_loss = jnp.mean((z_flat - jax.lax.stop_gradient(z_q_flat)) ** 2)
    loss = vq_loss + COMMITMENT_COST * commitment_loss
    # straight-through estimator
    z_q_flat_st = z_flat + jax.lax.stop_gradient(z_q_flat - z_flat)
    z_q = jnp.transpose(z_q_flat_st.reshape(B_, L_, D_), (0, 2, 1))
    return (z_q, loss, codes.reshape(B_, L_))

if __name__ == "__main__":
    import jax
    _d = setup_inputs()
    print(jax.jit(kernel)(*tuple(_d.values())))

</pallas_src>

<mosaic_0001>
#map = affine_map<(d0, d1) -> (0, 0)>
#map1 = affine_map<(d0, d1) -> (0, 0, 0)>
module attributes {stable_mosaic.version = 14 : i64} {
  func.func @_sc_gather_body(%arg0: i32, %arg1: i32, %arg2: memref<512x128xf32, #tpu.memory_space<hbm>>, %arg3: memref<32x576xi32, #tpu.memory_space<hbm>>, %arg4: memref<32x64x576xf32, #tpu.memory_space<hbm>>, %arg5: memref<576xi32, #tpu.memory_space<vmem>>, %arg6: memref<576xi32, #tpu.memory_space<vmem>>, %arg7: memref<576xi32, #tpu.memory_space<vmem>>, %arg8: memref<576x128xf32, #tpu.memory_space<vmem>>, %arg9: memref<64x576xf32, #tpu.memory_space<vmem>>, %arg10: memref<6x!tpu.dma_semaphore, #tpu.memory_space<semaphore_mem>>) attributes {dimension_semantics = [#tpu.dimension_semantics<core_parallel>, #tpu.dimension_semantics<subcore_parallel>], iteration_bounds = array<i64: 2, 16>, scalar_prefetch = 0 : i64, scratch_operands = 6 : i64, tpu.core_type = #tpu.core_type<sc_vector_subcore>, window_params = [{transform_indices = #map}, {transform_indices = #map}, {transform_indices = #map1}]} {
    %mul3A = arith.constant 2 : i32
    %mul3A_0 = arith.muli %arg1, %mul3A : i32
    %add3A = arith.addi %mul3A_0, %arg0 : i32
    "tpu.region"() ({
      %run_scoped3A = tpu.sem_alloc : memref<!tpu.dma_semaphore, #tpu.memory_space<semaphore_mem>>
      %dma_start3A_701 = arith.constant 0 : i32
      %dma_start3A_702 = tpu.memref_slice %arg3[%add3A, %dma_start3A_701] : memref<32x576xi32, #tpu.memory_space<hbm>> -> memref<1x576xi32, #tpu.memory_space<hbm>>
      %dma_start3A_703 = tpu.memref_squeeze %dma_start3A_702 : memref<1x576xi32, #tpu.memory_space<hbm>> -> memref<576xi32, #tpu.memory_space<hbm>>
      %dma_start3A_704 = arith.constant 0 : i32
      %dma_start3A_705 = tpu.memref_slice %arg3[%add3A, %dma_start3A_704] : memref<32x576xi32, #tpu.memory_space<hbm>> -> memref<1x576xi32, #tpu.memory_space<hbm>>
      %dma_start3A_706 = tpu.memref_squeeze %dma_start3A_705 : memref<1x576xi32, #tpu.memory_space<hbm>> -> memref<576xi32, #tpu.memory_space<hbm>>
      tpu.enqueue_dma source(%dma_start3A_706 : memref<576xi32, #tpu.memory_space<hbm>>) target(%arg5 : memref<576xi32, #tpu.memory_space<vmem>>) target_semaphore(%run_scoped3A : memref<!tpu.dma_semaphore, #tpu.memory_space<semaphore_mem>>)
      %dma_wait3A_707 = arith.constant 0 : i32
      %dma_wait3A_708 = tpu.memref_slice %arg3[%add3A, %dma_wait3A_707] : memref<32x576xi32, #tpu.memory_space<hbm>> -> memref<1x576xi32, #tpu.memory_space<hbm>>
      %dma_wait3A_709 = tpu.memref_squeeze %dma_wait3A_708 : memref<1x576xi32, #tpu.memory_space<hbm>> -> memref<576xi32, #tpu.memory_space<hbm>>
      %dma_wait3A_710 = arith.constant 0 : i32
      %dma_wait3A_711 = tpu.memref_slice %arg3[%add3A, %dma_wait3A_710] : memref<32x576xi32, #tpu.memory_space<hbm>> -> memref<1x576xi32, #tpu.memory_space<hbm>>
      %dma_wait3A_712 = tpu.memref_squeeze %dma_wait3A_711 : memref<1x576xi32, #tpu.memory_space<hbm>> -> memref<576xi32, #tpu.memory_space<hbm>>
      tpu.wait_dma2 semaphore(%run_scoped3A : memref<!tpu.dma_semaphore, #tpu.memory_space<semaphore_mem>>) src(%dma_wait3A_712 : memref<576xi32, #tpu.memory_space<hbm>>) dst(%arg5 : memref<576xi32, #tpu.memory_space<vmem>>)
      tpu.yield
    }) : () -> ()
    %get3A = arith.constant 0 : index
    %get3A_1 = tpu.vector_load %arg5[%get3A] {strides = array<i32>} : memref<576xi32, #tpu.memory_space<vmem>>, vector<16xi32>,
    %shift_right_arithmetic3A = arith.constant 1 : i32
    %shift_right_arithmetic3A_2 = vector.broadcast %shift_right_arithmetic3A : i32 to vector<16xi32>
    %shift_right_arithmetic3A_3 = arith.shrsi %get3A_1, %shift_right_arithmetic3A_2 : vector<16xi32>
    %swap3A = arith.constant 0 : index
    %swap3A_4 = tpu.vector_load %arg6[%swap3A] {strides = array<i32>} : memref<576xi32, #tpu.memory_space<vmem>>, vector<16xi32>,
    tpu.vector_store %arg6[%swap3A], %shift_right_arithmetic3A_3 {strides = array<i32>} : memref<576xi32, #tpu.memory_space<vmem>>, vector<16xi32>,
    %and3A = arith.constant 1 : i32
    %and3A_5 = vector.broadcast %and3A : i32 to vector<16xi32>
    %and3A_6 = arith.andi %get3A_1, %and3A_5 : vector<16xi32>
    %shift_left3A = arith.constant 6 : i32
    %shift_left3A_7 = vector.broadcast %shift_left3A : i32 to vector<16xi32>
    %shift_left3A_8 = arith.shli %and3A_6, %shift_left3A_7 : vector<16xi32>
    %swap3A_9 = arith.constant 0 : index
    %swap3A_10 = tpu.vector_load %arg7[%swap3A_9] {strides = array<i32>} : memref<576xi32, #tpu.memory_space<vmem>>, vector<16xi32>,
    tpu.vector_store %arg7[%swap3A_9], %shift_left3A_8 {strides = array<i32>} : memref<576xi32, #tpu.memory_space<vmem>>, vector<16xi32>,
    %get3A_11 = arith.constant 16 : index
    %get3A_12 = tpu.vector_load %arg5[%get3A_11] {strides = array<i32>} : memref<576xi32, #tpu.memory_space<vmem>>, vector<16xi32>,
    %shift_right_arithmetic3A_13 = arith.constant 1 : i32
    %shift_right_arithmetic3A_14 = vector.broadcast %shift_right_arithmetic3A_13 : i32 to vector<16xi32>
    %shift_right_arithmetic3A_15 = arith.shrsi %get3A_12, %shift_right_arithmetic3A_14 : vector<16xi32>
    %swap3A_16 = arith.constant 16 : index
    %swap3A_17 = tpu.vector_load %arg6[%swap3A_16] {strides = array<i32>} : memref<576xi32, #tpu.memory_space<vmem>>, vector<16xi32>,
    tpu.vector_store %arg6[%swap3A_16], %shift_right_arithmetic3A_15 {strides = array<i32>} : memref<576xi32, #tpu.memory_space<vmem>>, vector<16xi32>,
    %and3A_18 = arith.constant 1 : i32
    %and3A_19 = vector.broadcast %and3A_18 : i32 to vector<16xi32>
    %and3A_20 = arith.andi %get3A_12, %and3A_19 : vector<16xi32>
    %shift_left3A_21 = arith.constant 6 : i32
    %shift_left3A_22 = vector.broadcast %shift_left3A_21 : i32 to vector<16xi32>
    %shift_left3A_23 = arith.shli %and3A_20, %shift_left3A_22 : vector<16xi32>
    %swap3A_24 = arith.constant 16 : index
    %swap3A_25 = tpu.vector_load %arg7[%swap3A_24] {strides = array<i32>} : memref<576xi32, #tpu.memory_space<vmem>>, vector<16xi32>,
    tpu.vector_store %arg7[%swap3A_24], %shift_left3A_23 {strides = array<i32>} : memref<576xi32, #tpu.memory_space<vmem>>, vector<16xi32>,
    %get3A_26 = arith.constant 32 : index
    %get3A_27 = tpu.vector_load %arg5[%get3A_26] {strides = array<i32>} : memref<576xi32, #tpu.memory_space<vmem>>, vector<16xi32>,
    %shift_right_arithmetic3A_28 = arith.constant 1 : i32
    %shift_right_arithmetic3A_29 = vector.broadcast %shift_right_arithmetic3A_28 : i32 to vector<16xi32>
    %shift_right_arithmetic3A_30 = arith.shrsi %get3A_27, %shift_right_arithmetic3A_29 : vector<16xi32>
    %swap3A_31 = arith.constant 32 : index
    %swap3A_32 = tpu.vector_load %arg6[%swap3A_31] {strides = array<i32>} : memref<576xi32, #tpu.memory_space<vmem>>, vector<16xi32>,
    tpu.vector_store %arg6[%swap3A_31], %shift_right_arithmetic3A_30 {strides = array<i32>} : memref<576xi32, #tpu.memory_space<vmem>>, vector<16xi32>,
    %and3A_33 = arith.constant 1 : i32
    %and3A_34 = vector.broadcast %and3A_33 : i32 to vector<16xi32>
    %and3A_35 = arith.andi %get3A_27, %and3A_34 : vector<16xi32>
    %shift_left3A_36 = arith.constant 6 : i32
    %shift_left3A_37 = vector.broadcast %shift_left3A_36 : i32 to vector<16xi32>
    %shift_left3A_38 = arith.shli %and3A_35, %shift_left3A_37 : vector<16xi32>
    %swap3A_39 = arith.constant 32 : index
    %swap3A_40 = tpu.vector_load %arg7[%swap3A_39] {strides = array<i32>} : memref<576xi32, #tpu.memory_space<vmem>>, vector<16xi32>,
    tpu.vector_store %arg7[%swap3A_39], %shift_left3A_38 {strides = array<i32>} : memref<576xi32, #tpu.memory_space<vmem>>, vector<16xi32>,
    %get3A_41 = arith.constant 48 : index
    %get3A_42 = tpu.vector_load %arg5[%get3A_41] {strides = array<i32>} : memref<576xi32, #tpu.memory_space<vmem>>, vector<16xi32>,
    %shift_right_arithmetic3A_43 = arith.constant 1 : i32
    %shift_right_arithmetic3A_44 = vector.broadcast %shift_right_arithmetic3A_43 : i32 to vector<16xi32>
    %shift_right_arithmetic3A_45 = arith.shrsi %get3A_42, %shift_right_arithmetic3A_44 : vector<16xi32>
    %swap3A_46 = arith.constant 48 : index
    %swap3A_47 = tpu.vector_load %arg6[%swap3A_46] {strides = array<i32>} : memref<576xi32, #tpu.memory_space<vmem>>, vector<16xi32>,
    tpu.vector_store %arg6[%swap3A_46], %shift_right_arithmetic3A_45 {strides = array<i32>} : memref<576xi32, #tpu.memory_space<vmem>>, vector<16xi32>,
    %and3A_48 = arith.constant 1 : i32
    %and3A_49 = vector.broadcast %and3A_48 : i32 to vector<16xi32>
    %and3A_50 = arith.andi %get3A_42, %and3A_49 : vector<16xi32>
    %shift_left3A_51 = arith.constant 6 : i32
    %shift_left3A_52 = vector.broadcast %shift_left3A_51 : i32 to vector<16xi32>
    %shift_left3A_53 = arith.shli %and3A_50, %shift_left3A_52 : vector<16xi32>
    %swap3A_54 = arith.constant 48 : index
    %swap3A_55 = tpu.vector_load %arg7[%swap3A_54] {strides = array<i32>} : memref<576xi32, #tpu.memory_space<vmem>>, vector<16xi32>,
    tpu.vector_store %arg7[%swap3A_54], %shift_left3A_53 {strides = array<i32>} : memref<576xi32, #tpu.memory_space<vmem>>, vector<16xi32>,
    %get3A_56 = arith.constant 64 : index
    %get3A_57 = tpu.vector_load %arg5[%get3A_56] {strides = array<i32>} : memref<576xi32, #tpu.memory_space<vmem>>, vector<16xi32>,
    %shift_right_arithmetic3A_58 = arith.constant 1 : i32
    %shift_right_arithmetic3A_59 = vector.broadcast %shift_right_arithmetic3A_58 : i32 to vector<16xi32>
    %shift_right_arithmetic3A_60 = arith.shrsi %get3A_57, %shift_right_arithmetic3A_59 : vector<16xi32>
    %swap3A_61 = arith.constant 64 : index
    %swap3A_62 = tpu.vector_load %arg6[%swap3A_61] {strides = array<i32>} : memref<576xi32, #tpu.memory_space<vmem>>, vector<16xi32>,
    tpu.vector_store %arg6[%swap3A_61], %shift_right_arithmetic3A_60 {strides = array<i32>} : memref<576xi32, #tpu.memory_space<vmem>>, vector<16xi32>,
    %and3A_63 = arith.constant 1 : i32
    %and3A_64 = vector.broadcast %and3A_63 : i32 to vector<16xi32>
    %and3A_65 = arith.andi %get3A_57, %and3A_64 : vector<16xi32>
    %shift_left3A_66 = arith.constant 6 : i32
    %shift_left3A_67 = vector.broadcast %shift_left3A_66 : i32 to vector<16xi32>
    %shift_left3A_68 = arith.shli %and3A_65, %shift_left3A_67 : vector<16xi32>
    %swap3A_69 = arith.constant 64 : index
    %swap3A_70 = tpu.vector_load %arg7[%swap3A_69] {strides = array<i32>} : memref<576xi32, #tpu.memory_space<vmem>>, vector<16xi32>,
    tpu.vector_store %arg7[%swap3A_69], %shift_left3A_68 {strides = array<i32>} : memref<576xi32, #tpu.memory_space<vmem>>, vector<16xi32>,
    %get3A_71 = arith.constant 80 : index
    %get3A_72 = tpu.vector_load %arg5[%get3A_71] {strides = array<i32>} : memref<576xi32, #tpu.memory_space<vmem>>, vector<16xi32>,
    %shift_right_arithmetic3A_73 = arith.constant 1 : i32
    %shift_right_arithmetic3A_74 = vector.broadcast %shift_right_arithmetic3A_73 : i32 to vector<16xi32>
    %shift_right_arithmetic3A_75 = arith.shrsi %get3A_72, %shift_right_arithmetic3A_74 : vector<16xi32>
    %swap3A_76 = arith.constant 80 : index
    %swap3A_77 = tpu.vector_load %arg6[%swap3A_76] {strides = array<i32>} : memref<576xi32, #tpu.memory_space<vmem>>, vector<16xi32>,
    tpu.vector_store %arg6[%swap3A_76], %shift_right_arithmetic3A_75 {strides = array<i32>} : memref<576xi32, #tpu.memory_space<vmem>>, vector<16xi32>,
    %and3A_78 = arith.constant 1 : i32
    %and3A_79 = vector.broadcast %and3A_78 : i32 to vector<16xi32>
    %and3A_80 = arith.andi %get3A_72, %and3A_79 : vector<16xi32>
    %shift_left3A_81 = arith.constant 6 : i32
    %shift_left3A_82 = vector.broadcast %shift_left3A_81 : i32 to vector<16xi32>
    %shift_left3A_83 = arith.shli %and3A_80, %shift_left3A_82 : vector<16xi32>
    %swap3A_84 = arith.constant 80 : index
    %swap3A_85 = tpu.vector_load %arg7[%swap3A_84] {strides = array<i32>} : memref<576xi32, #tpu.memory_space<vmem>>, vector<16xi32>,
    tpu.vector_store %arg7[%swap3A_84], %shift_left3A_83 {strides = array<i32>} : memref<576xi32, #tpu.memory_space<vmem>>, vector<16xi32>,
    %get3A_86 = arith.constant 96 : index
    %get3A_87 = tpu.vector_load %arg5[%get3A_86] {strides = array<i32>} : memref<576xi32, #tpu.memory_space<vmem>>, vector<16xi32>,
    %shift_right_arithmetic3A_88 = arith.constant 1 : i32
    %shift_right_arithmetic3A_89 = vector.broadcast %shift_right_arithmetic3A_88 : i32 to vector<16xi32>
    %shift_right_arithmetic3A_90 = arith.shrsi %get3A_87, %shift_right_arithmetic3A_89 : vector<16xi32>
    %swap3A_91 = arith.constant 96 : index
    %swap3A_92 = tpu.vector_load %arg6[%swap3A_91] {strides = array<i32>} : memref<576xi32, #tpu.memory_space<vmem>>, vector<16xi32>,
    tpu.vector_store %arg6[%swap3A_91], %shift_right_arithmetic3A_90 {strides = array<i32>} : memref<576xi32, #tpu.memory_space<vmem>>, vector<16xi32>,
    %and3A_93 = arith.constant 1 : i32
    %and3A_94 = vector.broadcast %and3A_93 : i32 to vector<16xi32>
    %and3A_95 = arith.andi %get3A_87, %and3A_94 : vector<16xi32>
    %shift_left3A_96 = arith.constant 6 : i32
    %shift_left3A_97 = vector.broadcast %shift_left3A_96 : i32 to vector<16xi32>
    %shift_left3A_98 = arith.shli %and3A_95, %shift_left3A_97 : vector<16xi32>
    %swap3A_99 = arith.constant 96 : index
    %swap3A_100 = tpu.vector_load %arg7[%swap3A_99] {strides = array<i32>} : memref<576xi32, #tpu.memory_space<vmem>>, vector<16xi32>,
    tpu.vector_store %arg7[%swap3A_99], %shift_left3A_98 {strides = array<i32>} : memref<576xi32, #tpu.memory_space<vmem>>, vector<16xi32>,
    %get3A_101 = arith.constant 112 : index
    %get3A_102 = tpu.vector_load %arg5[%get3A_101] {strides = array<i32>} : memref<576xi32, #tpu.memory_space<vmem>>, vector<16xi32>,
    %shift_right_arithmetic3A_103 = arith.constant 1 : i32
    %shift_right_arithmetic3A_104 = vector.broadcast %shift_right_arithmetic3A_103 : i32 to vector<16xi32>
    %shift_right_arithmetic3A_105 = arith.shrsi %get3A_102, %shift_right_arithmetic3A_104 : vector<16xi32>
    %swap3A_106 = arith.constant 112 : index
    %swap3A_107 = tpu.vector_load %arg6[%swap3A_106] {strides = array<i32>} : memref<576xi32, #tpu.memory_space<vmem>>, vector<16xi32>,
    tpu.vector_store %arg6[%swap3A_106], %shift_right_arithmetic3A_105 {strides = array<i32>} : memref<576xi32, #tpu.memory_space<vmem>>, vector<16xi32>,
    %and3A_108 = arith.constant 1 : i32
    %and3A_109 = vector.broadcast %and3A_108 : i32 to vector<16xi32>
    %and3A_110 = arith.andi %get3A_102, %and3A_109 : vector<16xi32>
    %shift_left3A_111 = arith.constant 6 : i32
    %shift_left3A_112 = vector.broadcast %shift_left3A_111 : i32 to vector<16xi32>
    %shift_left3A_113 = arith.shli %and3A_110, %shift_left3A_112 : vector<16xi32>
    %swap3A_114 = arith.constant 112 : index
    %swap3A_115 = tpu.vector_load %arg7[%swap3A_114] {strides = array<i32>} : memref<576xi32, #tpu.memory_space<vmem>>, vector<16xi32>,
    tpu.vector_store %arg7[%swap3A_114], %shift_left3A_113 {strides = array<i32>} : memref<576xi32, #tpu.memory_space<vmem>>, vector<16xi32>,
    %get3A_116 = arith.constant 128 : index
    %get3A_117 = tpu.vector_load %arg5[%get3A_116] {strides = array<i32>} : memref<576xi32, #tpu.memory_space<vmem>>, vector<16xi32>,
    %shift_right_arithmetic3A_118 = arith.constant 1 : i32
    %shift_right_arithmetic3A_119 = vector.broadcast %shift_right_arithmetic3A_118 : i32 to vector<16xi32>
    %shift_right_arithmetic3A_120 = arith.shrsi %get3A_117, %shift_right_arithmetic3A_119 : vector<16xi32>
    %swap3A_121 = arith.constant 128 : index
    %swap3A_122 = tpu.vector_load %arg6[%swap3A_121] {strides = array<i32>} : memref<576xi32, #tpu.memory_space<vmem>>, vector<16xi32>,
    tpu.vector_store %arg6[%swap3A_121], %shift_right_arithmetic3A_120 {strides = array<i32>} : memref<576xi32, #tpu.memory_space<vmem>>, vector<16xi32>,
    %and3A_123 = arith.constant 1 : i32
    %and3A_124 = vector.broadcast %and3A_123 : i32 to vector<16xi32>
    %and3A_125 = arith.andi %get3A_117, %and3A_124 : vector<16xi32>
    %shift_left3A_126 = arith.constant 6 : i32
    %shift_left3A_127 = vector.broadcast %shift_left3A_126 : i32 to vector<16xi32>
    %shift_left3A_128 = arith.shli %and3A_125, %shift_left3A_127 : vector<16xi32>
    %swap3A_129 = arith.constant 128 : index
    %swap3A_130 = tpu.vector_load %arg7[%swap3A_129] {strides = array<i32>} : memref<576xi32, #tpu.memory_space<vmem>>, vector<16xi32>,
    tpu.vector_store %arg7[%swap3A_129], %shift_left3A_128 {strides = array<i32>} : memref<576xi32, #tpu.memory_space<vmem>>, vector<16xi32>,
    %get3A_131 = arith.constant 144 : index
    %get3A_132 = tpu.vector_load %arg5[%get3A_131] {strides = array<i32>} : memref<576xi32, #tpu.memory_space<vmem>>, vector<16xi32>,
    %shift_right_arithmetic3A_133 = arith.constant 1 : i32
    %shift_right_arithmetic3A_134 = vector.broadcast %shift_right_arithmetic3A_133 : i32 to vector<16xi32>
    %shift_right_arithmetic3A_135 = arith.shrsi %get3A_132, %shift_right_arithmetic3A_134 : vector<16xi32>
    %swap3A_136 = arith.constant 144 : index
    %swap3A_137 = tpu.vector_load %arg6[%swap3A_136] {strides = array<i32>} : memref<576xi32, #tpu.memory_space<vmem>>, vector<16xi32>,
    tpu.vector_store %arg6[%swap3A_136], %shift_right_arithmetic3A_135 {strides = array<i32>} : memref<576xi32, #tpu.memory_space<vmem>>, vector<16xi32>,
    %and3A_138 = arith.constant 1 : i32
    %and3A_139 = vector.broadcast %and3A_138 : i32 to vector<16xi32>
    %and3A_140 = arith.andi %get3A_132, %and3A_139 : vector<16xi32>
    %shift_left3A_141 = arith.constant 6 : i32
    %shift_left3A_142 = vector.broadcast %shift_left3A_141 : i32 to vector<16xi32>
    %shift_left3A_143 = arith.shli %and3A_140, %shift_left3A_142 : vector<16xi32>
    %swap3A_144 = arith.constant 144 : index
    %swap3A_145 = tpu.vector_load %arg7[%swap3A_144] {strides = array<i32>} : memref<576xi32, #tpu.memory_space<vmem>>, vector<16xi32>,
    tpu.vector_store %arg7[%swap3A_144], %shift_left3A_143 {strides = array<i32>} : memref<576xi32, #tpu.memory_space<vmem>>, vector<16xi32>,
    %get3A_146 = arith.constant 160 : index
    %get3A_147 = tpu.vector_load %arg5[%get3A_146] {strides = array<i32>} : memref<576xi32, #tpu.memory_space<vmem>>, vector<16xi32>,
    %shift_right_arithmetic3A_148 = arith.constant 1 : i32
    %shift_right_arithmetic3A_149 = vector.broadcast %shift_right_arithmetic3A_148 : i32 to vector<16xi32>
    %shift_right_arithmetic3A_150 = arith.shrsi %get3A_147, %shift_right_arithmetic3A_149 : vector<16xi32>
    %swap3A_151 = arith.constant 160 : index
    %swap3A_152 = tpu.vector_load %arg6[%swap3A_151] {strides = array<i32>} : memref<576xi32, #tpu.memory_space<vmem>>, vector<16xi32>,
    tpu.vector_store %arg6[%swap3A_151], %shift_right_arithmetic3A_150 {strides = array<i32>} : memref<576xi32, #tpu.memory_space<vmem>>, vector<16xi32>,
    %and3A_153 = arith.constant 1 : i32
    %and3A_154 = vector.broadcast %and3A_153 : i32 to vector<16xi32>
    %and3A_155 = arith.andi %get3A_147, %and3A_154 : vector<16xi32>
    %shift_left3A_156 = arith.constant 6 : i32
    %shift_left3A_157 = vector.broadcast %shift_left3A_156 : i32 to vector<16xi32>
    %shift_left3A_158 = arith.shli %and3A_155, %shift_left3A_157 : vector<16xi32>
    %swap3A_159 = arith.constant 160 : index
    %swap3A_160 = tpu.vector_load %arg7[%swap3A_159] {strides = array<i32>} : memref<576xi32, #tpu.memory_space<vmem>>, vector<16xi32>,
    tpu.vector_store %arg7[%swap3A_159], %shift_left3A_158 {strides = array<i32>} : memref<576xi32, #tpu.memory_space<vmem>>, vector<16xi32>,
    %get3A_161 = arith.constant 176 : index
    %get3A_162 = tpu.vector_load %arg5[%get3A_161] {strides = array<i32>} : memref<576xi32, #tpu.memory_space<vmem>>, vector<16xi32>,
    %shift_right_arithmetic3A_163 = arith.constant 1 : i32
    %shift_right_arithmetic3A_164 = vector.broadcast %shift_right_arithmetic3A_163 : i32 to vector<16xi32>
    %shift_right_arithmetic3A_165 = arith.shrsi %get3A_162, %shift_right_arithmetic3A_164 : vector<16xi32>
    %swap3A_166 = arith.constant 176 : index
    %swap3A_167 = tpu.vector_load %arg6[%swap3A_166] {strides = array<i32>} : memref<576xi32, #tpu.memory_space<vmem>>, vector<16xi32>,
    tpu.vector_store %arg6[%swap3A_166], %shift_right_arithmetic3A_165 {strides = array<i32>} : memref<576xi32, #tpu.memory_space<vmem>>, vector<16xi32>,
    %and3A_168 = arith.constant 1 : i32
    %and3A_169 = vector.broadcast %and3A_168 : i32 to vector<16xi32>
    %and3A_170 = arith.andi %get3A_162, %and3A_169 : vector<16xi32>
    %shift_left3A_171 = arith.constant 6 : i32
    %shift_left3A_172 = vector.broadcast %shift_left3A_171 : i32 to vector<16xi32>
    %shift_left3A_173 = arith.shli %and3A_170, %shift_left3A_172 : vector<16xi32>
    %swap3A_174 = arith.constant 176 : index
    %swap3A_175 = tpu.vector_load %arg7[%swap3A_174] {strides = array<i32>} : memref<576xi32, #tpu.memory_space<vmem>>, vector<16xi32>,
    tpu.vector_store %arg7[%swap3A_174], %shift_left3A_173 {strides = array<i32>} : memref<576xi32, #tpu.memory_space<vmem>>, vector<16xi32>,
    %get3A_176 = arith.constant 192 : index
    %get3A_177 = tpu.vector_load %arg5[%get3A_176] {strides = array<i32>} : memref<576xi32, #tpu.memory_space<vmem>>, vector<16xi32>,
    %shift_right_arithmetic3A_178 = arith.constant 1 : i32
    %shift_right_arithmetic3A_179 = vector.broadcast %shift_right_arithmetic3A_178 : i32 to vector<16xi32>
    %shift_right_arithmetic3A_180 = arith.shrsi %get3A_177, %shift_right_arithmetic3A_179 : vector<16xi32>
    %swap3A_181 = arith.constant 192 : index
    %swap3A_182 = tpu.vector_load %arg6[%swap3A_181] {strides = array<i32>} : memref<576xi32, #tpu.memory_space<vmem>>, vector<16xi32>,
    tpu.vector_store %arg6[%swap3A_181], %shift_right_arithmetic3A_180 {strides = array<i32>} : memref<576xi32, #tpu.memory_space<vmem>>, vector<16xi32>,
    %and3A_183 = arith.constant 1 : i32
    %and3A_184 = vector.broadcast %and3A_183 : i32 to vector<16xi32>
    %and3A_185 = arith.andi %get3A_177, %and3A_184 : vector<16xi32>
    %shift_left3A_186 = arith.constant 6 : i32
    %shift_left3A_187 = vector.broadcast %shift_left3A_186 : i32 to vector<16xi32>
    %shift_left3A_188 = arith.shli %and3A_185, %shift_left3A_187 : vector<16xi32>
    %swap3A_189 = arith.constant 192 : index
    %swap3A_190 = tpu.vector_load %arg7[%swap3A_189] {strides = array<i32>} : memref<576xi32, #tpu.memory_space<vmem>>, vector<16xi32>,
    tpu.vector_store %arg7[%swap3A_189], %shift_left3A_188 {strides = array<i32>} : memref<576xi32, #tpu.memory_space<vmem>>, vector<16xi32>,
    %get3A_191 = arith.constant 208 : index
    %get3A_192 = tpu.vector_load %arg5[%get3A_191] {strides = array<i32>} : memref<576xi32, #tpu.memory_space<vmem>>, vector<16xi32>,
    %shift_right_arithmetic3A_193 = arith.constant 1 : i32
    %shift_right_arithmetic3A_194 = vector.broadcast %shift_right_arithmetic3A_193 : i32 to vector<16xi32>
    %shift_right_arithmetic3A_195 = arith.shrsi %get3A_192, %shift_right_arithmetic3A_194 : vector<16xi32>
    %swap3A_196 = arith.constant 208 : index
    %swap3A_197 = tpu.vector_load %arg6[%swap3A_196] {strides = array<i32>} : memref<576xi32, #tpu.memory_space<vmem>>, vector<16xi32>,
    tpu.vector_store %arg6[%swap3A_196], %shift_right_arithmetic3A_195 {strides = array<i32>} : memref<576xi32, #tpu.memory_space<vmem>>, vector<16xi32>,
    %and3A_198 = arith.constant 1 : i32
    %and3A_199 = vector.broadcast %and3A_198 : i32 to vector<16xi32>
    %and3A_200 = arith.andi %get3A_192, %and3A_199 : vector<16xi32>
    %shift_left3A_201 = arith.constant 6 : i32
    %shift_left3A_202 = vector.broadcast %shift_left3A_201 : i32 to vector<16xi32>
    %shift_left3A_203 = arith.shli %and3A_200, %shift_left3A_202 : vector<16xi32>
    %swap3A_204 = arith.constant 208 : index
    %swap3A_205 = tpu.vector_load %arg7[%swap3A_204] {strides = array<i32>} : memref<576xi32, #tpu.memory_space<vmem>>, vector<16xi32>,
    tpu.vector_store %arg7[%swap3A_204], %shift_left3A_203 {strides = array<i32>} : memref<576xi32, #tpu.memory_space<vmem>>, vector<16xi32>,
    %get3A_206 = arith.constant 224 : index
    %get3A_207 = tpu.vector_load %arg5[%get3A_206] {strides = array<i32>} : memref<576xi32, #tpu.memory_space<vmem>>, vector<16xi32>,
    %shift_right_arithmetic3A_208 = arith.constant 1 : i32
    %shift_right_arithmetic3A_209 = vector.broadcast %shift_right_arithmetic3A_208 : i32 to vector<16xi32>
    %shift_right_arithmetic3A_210 = arith.shrsi %get3A_207, %shift_right_arithmetic3A_209 : vector<16xi32>
    %swap3A_211 = arith.constant 224 : index
    %swap3A_212 = tpu.vector_load %arg6[%swap3A_211] {strides = array<i32>} : memref<576xi32, #tpu.memory_space<vmem>>, vector<16xi32>,
    tpu.vector_store %arg6[%swap3A_211], %shift_right_arithmetic3A_210 {strides = array<i32>} : memref<576xi32, #tpu.memory_space<vmem>>, vector<16xi32>,
    %and3A_213 = arith.constant 1 : i32
    %and3A_214 = vector.broadcast %and3A_213 : i32 to vector<16xi32>
    %and3A_215 = arith.andi %get3A_207, %and3A_214 : vector<16xi32>
    %shift_left3A_216 = arith.constant 6 : i32
    %shift_left3A_217 = vector.broadcast %shift_left3A_216 : i32 to vector<16xi32>
    %shift_left3A_218 = arith.shli %and3A_215, %shift_left3A_217 : vector<16xi32>
    %swap3A_219 = arith.constant 224 : index
    %swap3A_220 = tpu.vector_load %arg7[%swap3A_219] {strides = array<i32>} : memref<576xi32, #tpu.memory_space<vmem>>, vector<16xi32>,
    tpu.vector_store %arg7[%swap3A_219], %shift_left3A_218 {strides = array<i32>} : memref<576xi32, #tpu.memory_space<vmem>>, vector<16xi32>,
    %get3A_221 = arith.constant 240 : index
    %get3A_222 = tpu.vector_load %arg5[%get3A_221] {strides = array<i32>} : memref<576xi32, #tpu.memory_space<vmem>>, vector<16xi32>,
    %shift_right_arithmetic3A_223 = arith.constant 1 : i32
    %shift_right_arithmetic3A_224 = vector.broadcast %shift_right_arithmetic3A_223 : i32 to vector<16xi32>
    %shift_right_arithmetic3A_225 = arith.shrsi %get3A_222, %shift_right_arithmetic3A_224 : vector<16xi32>
    %swap3A_226 = arith.constant 240 : index
    %swap3A_227 = tpu.vector_load %arg6[%swap3A_226] {strides = array<i32>} : memref<576xi32, #tpu.memory_space<vmem>>, vector<16xi32>,
    tpu.vector_store %arg6[%swap3A_226], %shift_right_arithmetic3A_225 {strides = array<i32>} : memref<576xi32, #tpu.memory_space<vmem>>, vector<16xi32>,
    %and3A_228 = arith.constant 1 : i32
    %and3A_229 = vector.broadcast %and3A_228 : i32 to vector<16xi32>
    %and3A_230 = arith.andi %get3A_222, %and3A_229 : vector<16xi32>
    %shift_left3A_231 = arith.constant 6 : i32
    %shift_left3A_232 = vector.broadcast %shift_left3A_231 : i32 to vector<16xi32>
    %shift_left3A_233 = arith.shli %and3A_230, %shift_left3A_232 : vector<16xi32>
    %swap3A_234 = arith.constant 240 : index
    %swap3A_235 = tpu.vector_load %arg7[%swap3A_234] {strides = array<i32>} : memref<576xi32, #tpu.memory_space<vmem>>, vector<16xi32>,
    tpu.vector_store %arg7[%swap3A_234], %shift_left3A_233 {strides = array<i32>} : memref<576xi32, #tpu.memory_space<vmem>>, vector<16xi32>,
    %get3A_236 = arith.constant 256 : index
    %get3A_237 = tpu.vector_load %arg5[%get3A_236] {strides = array<i32>} : memref<576xi32, #tpu.memory_space<vmem>>, vector<16xi32>,
    %shift_right_arithmetic3A_238 = arith.constant 1 : i32
    %shift_right_arithmetic3A_239 = vector.broadcast %shift_right_arithmetic3A_238 : i32 to vector<16xi32>
    %shift_right_arithmetic3A_240 = arith.shrsi %get3A_237, %shift_right_arithmetic3A_239 : vector<16xi32>
    %swap3A_241 = arith.constant 256 : index
    %swap3A_242 = tpu.vector_load %arg6[%swap3A_241] {strides = array<i32>} : memref<576xi32, #tpu.memory_space<vmem>>, vector<16xi32>,
    tpu.vector_store %arg6[%swap3A_241], %shift_right_arithmetic3A_240 {strides = array<i32>} : memref<576xi32, #tpu.memory_space<vmem>>, vector<16xi32>,
    %and3A_243 = arith.constant 1 : i32
    %and3A_244 = vector.broadcast %and3A_243 : i32 to vector<16xi32>
    %and3A_245 = arith.andi %get3A_237, %and3A_244 : vector<16xi32>
    %shift_left3A_246 = arith.constant 6 : i32
    %shift_left3A_247 = vector.broadcast %shift_left3A_246 : i32 to vector<16xi32>
    %shift_left3A_248 = arith.shli %and3A_245, %shift_left3A_247 : vector<16xi32>
    %swap3A_249 = arith.constant 256 : index
    %swap3A_250 = tpu.vector_load %arg7[%swap3A_249] {strides = array<i32>} : memref<576xi32, #tpu.memory_space<vmem>>, vector<16xi32>,
    tpu.vector_store %arg7[%swap3A_249], %shift_left3A_248 {strides = array<i32>} : memref<576xi32, #tpu.memory_space<vmem>>, vector<16xi32>,
    %get3A_251 = arith.constant 272 : index
    %get3A_252 = tpu.vector_load %arg5[%get3A_251] {strides = array<i32>} : memref<576xi32, #tpu.memory_space<vmem>>, vector<16xi32>,
    %shift_right_arithmetic3A_253 = arith.constant 1 : i32
    %shift_right_arithmetic3A_254 = vector.broadcast %shift_right_arithmetic3A_253 : i32 to vector<16xi32>
    %shift_right_arithmetic3A_255 = arith.shrsi %get3A_252, %shift_right_arithmetic3A_254 : vector<16xi32>
    %swap3A_256 = arith.constant 272 : index
    %swap3A_257 = tpu.vector_load %arg6[%swap3A_256] {strides = array<i32>} : memref<576xi32, #tpu.memory_space<vmem>>, vector<16xi32>,
    tpu.vector_store %arg6[%swap3A_256], %shift_right_arithmetic3A_255 {strides = array<i32>} : memref<576xi32, #tpu.memory_space<vmem>>, vector<16xi32>,
    %and3A_258 = arith.constant 1 : i32
    %and3A_259 = vector.broadcast %and3A_258 : i32 to vector<16xi32>
    %and3A_260 = arith.andi %get3A_252, %and3A_259 : vector<16xi32>
    %shift_left3A_261 = arith.constant 6 : i32
    %shift_left3A_262 = vector.broadcast %shift_left3A_261 : i32 to vector<16xi32>
    %shift_left3A_263 = arith.shli %and3A_260, %shift_left3A_262 : vector<16xi32>
    %swap3A_264 = arith.constant 272 : index
    %swap3A_265 = tpu.vector_load %arg7[%swap3A_264] {strides = array<i32>} : memref<576xi32, #tpu.memory_space<vmem>>, vector<16xi32>,
    tpu.vector_store %arg7[%swap3A_264], %shift_left3A_263 {strides = array<i32>} : memref<576xi32, #tpu.memory_space<vmem>>, vector<16xi32>,
    %get3A_266 = arith.constant 288 : index
    %get3A_267 = tpu.vector_load %arg5[%get3A_266] {strides = array<i32>} : memref<576xi32, #tpu.memory_space<vmem>>, vector<16xi32>,
    %shift_right_arithmetic3A_268 = arith.constant 1 : i32
    %shift_right_arithmetic3A_269 = vector.broadcast %shift_right_arithmetic3A_268 : i32 to vector<16xi32>
    %shift_right_arithmetic3A_270 = arith.shrsi %get3A_267, %shift_right_arithmetic3A_269 : vector<16xi32>
    %swap3A_271 = arith.constant 288 : index
    %swap3A_272 = tpu.vector_load %arg6[%swap3A_271] {strides = array<i32>} : memref<576xi32, #tpu.memory_space<vmem>>, vector<16xi32>,
    tpu.vector_store %arg6[%swap3A_271], %shift_right_arithmetic3A_270 {strides = array<i32>} : memref<576xi32, #tpu.memory_space<vmem>>, vector<16xi32>,
    %and3A_273 = arith.constant 1 : i32
    %and3A_274 = vector.broadcast %and3A_273 : i32 to vector<16xi32>
    %and3A_275 = arith.andi %get3A_267, %and3A_274 : vector<16xi32>
    %shift_left3A_276 = arith.constant 6 : i32
    %shift_left3A_277 = vector.broadcast %shift_left3A_276 : i32 to vector<16xi32>
    %shift_left3A_278 = arith.shli %and3A_275, %shift_left3A_277 : vector<16xi32>
    %swap3A_279 = arith.constant 288 : index
    %swap3A_280 = tpu.vector_load %arg7[%swap3A_279] {strides = array<i32>} : memref<576xi32, #tpu.memory_space<vmem>>, vector<16xi32>,
    tpu.vector_store %arg7[%swap3A_279], %shift_left3A_278 {strides = array<i32>} : memref<576xi32, #tpu.memory_space<vmem>>, vector<16xi32>,
    %get3A_281 = arith.constant 304 : index
    %get3A_282 = tpu.vector_load %arg5[%get3A_281] {strides = array<i32>} : memref<576xi32, #tpu.memory_space<vmem>>, vector<16xi32>,
    %shift_right_arithmetic3A_283 = arith.constant 1 : i32
    %shift_right_arithmetic3A_284 = vector.broadcast %shift_right_arithmetic3A_283 : i32 to vector<16xi32>
    %shift_right_arithmetic3A_285 = arith.shrsi %get3A_282, %shift_right_arithmetic3A_284 : vector<16xi32>
    %swap3A_286 = arith.constant 304 : index
    %swap3A_287 = tpu.vector_load %arg6[%swap3A_286] {strides = array<i32>} : memref<576xi32, #tpu.memory_space<vmem>>, vector<16xi32>,
    tpu.vector_store %arg6[%swap3A_286], %shift_right_arithmetic3A_285 {strides = array<i32>} : memref<576xi32, #tpu.memory_space<vmem>>, vector<16xi32>,
    %and3A_288 = arith.constant 1 : i32
    %and3A_289 = vector.broadcast %and3A_288 : i32 to vector<16xi32>
    %and3A_290 = arith.andi %get3A_282, %and3A_289 : vector<16xi32>
    %shift_left3A_291 = arith.constant 6 : i32
    %shift_left3A_292 = vector.broadcast %shift_left3A_291 : i32 to vector<16xi32>
    %shift_left3A_293 = arith.shli %and3A_290, %shift_left3A_292 : vector<16xi32>
    %swap3A_294 = arith.constant 304 : index
    %swap3A_295 = tpu.vector_load %arg7[%swap3A_294] {strides = array<i32>} : memref<576xi32, #tpu.memory_space<vmem>>, vector<16xi32>,
    tpu.vector_store %arg7[%swap3A_294], %shift_left3A_293 {strides = array<i32>} : memref<576xi32, #tpu.memory_space<vmem>>, vector<16xi32>,
    %get3A_296 = arith.constant 320 : index
    %get3A_297 = tpu.vector_load %arg5[%get3A_296] {strides = array<i32>} : memref<576xi32, #tpu.memory_space<vmem>>, vector<16xi32>,
    %shift_right_arithmetic3A_298 = arith.constant 1 : i32
    %shift_right_arithmetic3A_299 = vector.broadcast %shift_right_arithmetic3A_298 : i32 to vector<16xi32>
    %shift_right_arithmetic3A_300 = arith.shrsi %get3A_297, %shift_right_arithmetic3A_299 : vector<16xi32>
    %swap3A_301 = arith.constant 320 : index
    %swap3A_302 = tpu.vector_load %arg6[%swap3A_301] {strides = array<i32>} : memref<576xi32, #tpu.memory_space<vmem>>, vector<16xi32>,
    tpu.vector_store %arg6[%swap3A_301], %shift_right_arithmetic3A_300 {strides = array<i32>} : memref<576xi32, #tpu.memory_space<vmem>>, vector<16xi32>,
    %and3A_303 = arith.constant 1 : i32
    %and3A_304 = vector.broadcast %and3A_303 : i32 to vector<16xi32>
    %and3A_305 = arith.andi %get3A_297, %and3A_304 : vector<16xi32>
    %shift_left3A_306 = arith.constant 6 : i32
    %shift_left3A_307 = vector.broadcast %shift_left3A_306 : i32 to vector<16xi32>
    %shift_left3A_308 = arith.shli %and3A_305, %shift_left3A_307 : vector<16xi32>
    %swap3A_309 = arith.constant 320 : index
    %swap3A_310 = tpu.vector_load %arg7[%swap3A_309] {strides = array<i32>} : memref<576xi32, #tpu.memory_space<vmem>>, vector<16xi32>,
    tpu.vector_store %arg7[%swap3A_309], %shift_left3A_308 {strides = array<i32>} : memref<576xi32, #tpu.memory_space<vmem>>, vector<16xi32>,
    %get3A_311 = arith.constant 336 : index
    %get3A_312 = tpu.vector_load %arg5[%get3A_311] {strides = array<i32>} : memref<576xi32, #tpu.memory_space<vmem>>, vector<16xi32>,
    %shift_right_arithmetic3A_313 = arith.constant 1 : i32
    %shift_right_arithmetic3A_314 = vector.broadcast %shift_right_arithmetic3A_313 : i32 to vector<16xi32>
    %shift_right_arithmetic3A_315 = arith.shrsi %get3A_312, %shift_right_arithmetic3A_314 : vector<16xi32>
    %swap3A_316 = arith.constant 336 : index
    %swap3A_317 = tpu.vector_load %arg6[%swap3A_316] {strides = array<i32>} : memref<576xi32, #tpu.memory_space<vmem>>, vector<16xi32>,
    tpu.vector_store %arg6[%swap3A_316], %shift_right_arithmetic3A_315 {strides = array<i32>} : memref<576xi32, #tpu.memory_space<vmem>>, vector<16xi32>,
    %and3A_318 = arith.constant 1 : i32
    %and3A_319 = vector.broadcast %and3A_318 : i32 to vector<16xi32>
    %and3A_320 = arith.andi %get3A_312, %and3A_319 : vector<16xi32>
    %shift_left3A_321 = arith.constant 6 : i32
    %shift_left3A_322 = vector.broadcast %shift_left3A_321 : i32 to vector<16xi32>
    %shift_left3A_323 = arith.shli %and3A_320, %shift_left3A_322 : vector<16xi32>
    %swap3A_324 = arith.constant 336 : index
    %swap3A_325 = tpu.vector_load %arg7[%swap3A_324] {strides = array<i32>} : memref<576xi32, #tpu.memory_space<vmem>>, vector<16xi32>,
    tpu.vector_store %arg7[%swap3A_324], %shift_left3A_323 {strides = array<i32>} : memref<576xi32, #tpu.memory_space<vmem>>, vector<16xi32>,
    %get3A_326 = arith.constant 352 : index
    %get3A_327 = tpu.vector_load %arg5[%get3A_326] {strides = array<i32>} : memref<576xi32, #tpu.memory_space<vmem>>, vector<16xi32>,
    %shift_right_arithmetic3A_328 = arith.constant 1 : i32
    %shift_right_arithmetic3A_329 = vector.broadcast %shift_right_arithmetic3A_328 : i32 to vector<16xi32>
    %shift_right_arithmetic3A_330 = arith.shrsi %get3A_327, %shift_right_arithmetic3A_329 : vector<16xi32>
    %swap3A_331 = arith.constant 352 : index
    %swap3A_332 = tpu.vector_load %arg6[%swap3A_331] {strides = array<i32>} : memref<576xi32, #tpu.memory_space<vmem>>, vector<16xi32>,
    tpu.vector_store %arg6[%swap3A_331], %shift_right_arithmetic3A_330 {strides = array<i32>} : memref<576xi32, #tpu.memory_space<vmem>>, vector<16xi32>,
    %and3A_333 = arith.constant 1 : i32
    %and3A_334 = vector.broadcast %and3A_333 : i32 to vector<16xi32>
    %and3A_335 = arith.andi %get3A_327, %and3A_334 : vector<16xi32>
    %shift_left3A_336 = arith.constant 6 : i32
    %shift_left3A_337 = vector.broadcast %shift_left3A_336 : i32 to vector<16xi32>
    %shift_left3A_338 = arith.shli %and3A_335, %shift_left3A_337 : vector<16xi32>
    %swap3A_339 = arith.constant 352 : index
    %swap3A_340 = tpu.vector_load %arg7[%swap3A_339] {strides = array<i32>} : memref<576xi32, #tpu.memory_space<vmem>>, vector<16xi32>,
    tpu.vector_store %arg7[%swap3A_339], %shift_left3A_338 {strides = array<i32>} : memref<576xi32, #tpu.memory_space<vmem>>, vector<16xi32>,
    %get3A_341 = arith.constant 368 : index
    %get3A_342 = tpu.vector_load %arg5[%get3A_341] {strides = array<i32>} : memref<576xi32, #tpu.memory_space<vmem>>, vector<16xi32>,
    %shift_right_arithmetic3A_343 = arith.constant 1 : i32
    %shift_right_arithmetic3A_344 = vector.broadcast %shift_right_arithmetic3A_343 : i32 to vector<16xi32>
    %shift_right_arithmetic3A_345 = arith.shrsi %get3A_342, %shift_right_arithmetic3A_344 : vector<16xi32>
    %swap3A_346 = arith.constant 368 : index
    %swap3A_347 = tpu.vector_load %arg6[%swap3A_346] {strides = array<i32>} : memref<576xi32, #tpu.memory_space<vmem>>, vector<16xi32>,
    tpu.vector_store %arg6[%swap3A_346], %shift_right_arithmetic3A_345 {strides = array<i32>} : memref<576xi32, #tpu.memory_space<vmem>>, vector<16xi32>,
    %and3A_348 = arith.constant 1 : i32
    %and3A_349 = vector.broadcast %and3A_348 : i32 to vector<16xi32>
    %and3A_350 = arith.andi %get3A_342, %and3A_349 : vector<16xi32>
    %shift_left3A_351 = arith.constant 6 : i32
    %shift_left3A_352 = vector.broadcast %shift_left3A_351 : i32 to vector<16xi32>
    %shift_left3A_353 = arith.shli %and3A_350, %shift_left3A_352 : vector<16xi32>
    %swap3A_354 = arith.constant 368 : index
    %swap3A_355 = tpu.vector_load %arg7[%swap3A_354] {strides = array<i32>} : memref<576xi32, #tpu.memory_space<vmem>>, vector<16xi32>,
    tpu.vector_store %arg7[%swap3A_354], %shift_left3A_353 {strides = array<i32>} : memref<576xi32, #tpu.memory_space<vmem>>, vector<16xi32>,
    %get3A_356 = arith.constant 384 : index
    %get3A_357 = tpu.vector_load %arg5[%get3A_356] {strides = array<i32>} : memref<576xi32, #tpu.memory_space<vmem>>, vector<16xi32>,
    %shift_right_arithmetic3A_358 = arith.constant 1 : i32
    %shift_right_arithmetic3A_359 = vector.broadcast %shift_right_arithmetic3A_358 : i32 to vector<16xi32>
    %shift_right_arithmetic3A_360 = arith.shrsi %get3A_357, %shift_right_arithmetic3A_359 : vector<16xi32>
    %swap3A_361 = arith.constant 384 : index
    %swap3A_362 = tpu.vector_load %arg6[%swap3A_361] {strides = array<i32>} : memref<576xi32, #tpu.memory_space<vmem>>, vector<16xi32>,
    tpu.vector_store %arg6[%swap3A_361], %shift_right_arithmetic3A_360 {strides = array<i32>} : memref<576xi32, #tpu.memory_space<vmem>>, vector<16xi32>,
    %and3A_363 = arith.constant 1 : i32
    %and3A_364 = vector.broadcast %and3A_363 : i32 to vector<16xi32>
    %and3A_365 = arith.andi %get3A_357, %and3A_364 : vector<16xi32>
    %shift_left3A_366 = arith.constant 6 : i32
    %shift_left3A_367 = vector.broadcast %shift_left3A_366 : i32 to vector<16xi32>
    %shift_left3A_368 = arith.shli %and3A_365, %shift_left3A_367 : vector<16xi32>
    %swap3A_369 = arith.constant 384 : index
    %swap3A_370 = tpu.vector_load %arg7[%swap3A_369] {strides = array<i32>} : memref<576xi32, #tpu.memory_space<vmem>>, vector<16xi32>,
    tpu.vector_store %arg7[%swap3A_369], %shift_left3A_368 {strides = array<i32>} : memref<576xi32, #tpu.memory_space<vmem>>, vector<16xi32>,
    %get3A_371 = arith.constant 400 : index
    %get3A_372 = tpu.vector_load %arg5[%get3A_371] {strides = array<i32>} : memref<576xi32, #tpu.memory_space<vmem>>, vector<16xi32>,
    %shift_right_arithmetic3A_373 = arith.constant 1 : i32
    %shift_right_arithmetic3A_374 = vector.broadcast %shift_right_arithmetic3A_373 : i32 to vector<16xi32>
    %shift_right_arithmetic3A_375 = arith.shrsi %get3A_372, %shift_right_arithmetic3A_374 : vector<16xi32>
    %swap3A_376 = arith.constant 400 : index
    %swap3A_377 = tpu.vector_load %arg6[%swap3A_376] {strides = array<i32>} : memref<576xi32, #tpu.memory_space<vmem>>, vector<16xi32>,
    tpu.vector_store %arg6[%swap3A_376], %shift_right_arithmetic3A_375 {strides = array<i32>} : memref<576xi32, #tpu.memory_space<vmem>>, vector<16xi32>,
    %and3A_378 = arith.constant 1 : i32
    %and3A_379 = vector.broadcast %and3A_378 : i32 to vector<16xi32>
    %and3A_380 = arith.andi %get3A_372, %and3A_379 : vector<16xi32>
    %shift_left3A_381 = arith.constant 6 : i32
    %shift_left3A_382 = vector.broadcast %shift_left3A_381 : i32 to vector<16xi32>
    %shift_left3A_383 = arith.shli %and3A_380, %shift_left3A_382 : vector<16xi32>
    %swap3A_384 = arith.constant 400 : index
    %swap3A_385 = tpu.vector_load %arg7[%swap3A_384] {strides = array<i32>} : memref<576xi32, #tpu.memory_space<vmem>>, vector<16xi32>,
    tpu.vector_store %arg7[%swap3A_384], %shift_left3A_383 {strides = array<i32>} : memref<576xi32, #tpu.memory_space<vmem>>, vector<16xi32>,
    %get3A_386 = arith.constant 416 : index
    %get3A_387 = tpu.vector_load %arg5[%get3A_386] {strides = array<i32>} : memref<576xi32, #tpu.memory_space<vmem>>, vector<16xi32>,
    %shift_right_arithmetic3A_388 = arith.constant 1 : i32
    %shift_right_arithmetic3A_389 = vector.broadcast %shift_right_arithmetic3A_388 : i32 to vector<16xi32>
    %shift_right_arithmetic3A_390 = arith.shrsi %get3A_387, %shift_right_arithmetic3A_389 : vector<16xi32>
    %swap3A_391 = arith.constant 416 : index
    %swap3A_392 = tpu.vector_load %arg6[%swap3A_391] {strides = array<i32>} : memref<576xi32, #tpu.memory_space<vmem>>, vector<16xi32>,
    tpu.vector_store %arg6[%swap3A_391], %shift_right_arithmetic3A_390 {strides = array<i32>} : memref<576xi32, #tpu.memory_space<vmem>>, vector<16xi32>,
    %and3A_393 = arith.constant 1 : i32
    %and3A_394 = vector.broadcast %and3A_393 : i32 to vector<16xi32>
    %and3A_395 = arith.andi %get3A_387, %and3A_394 : vector<16xi32>
    %shift_left3A_396 = arith.constant 6 : i32
    %shift_left3A_397 = vector.broadcast %shift_left3A_396 : i32 to vector<16xi32>
    %shift_left3A_398 = arith.shli %and3A_395, %shift_left3A_397 : vector<16xi32>
    %swap3A_399 = arith.constant 416 : index
    %swap3A_400 = tpu.vector_load %arg7[%swap3A_399] {strides = array<i32>} : memref<576xi32, #tpu.memory_space<vmem>>, vector<16xi32>,
    tpu.vector_store %arg7[%swap3A_399], %shift_left3A_398 {strides = array<i32>} : memref<576xi32, #tpu.memory_space<vmem>>, vector<16xi32>,
    %get3A_401 = arith.constant 432 : index
    %get3A_402 = tpu.vector_load %arg5[%get3A_401] {strides = array<i32>} : memref<576xi32, #tpu.memory_space<vmem>>, vector<16xi32>,
    %shift_right_arithmetic3A_403 = arith.constant 1 : i32
    %shift_right_arithmetic3A_404 = vector.broadcast %shift_right_arithmetic3A_403 : i32 to vector<16xi32>
    %shift_right_arithmetic3A_405 = arith.shrsi %get3A_402, %shift_right_arithmetic3A_404 : vector<16xi32>
    %swap3A_406 = arith.constant 432 : index
    %swap3A_407 = tpu.vector_load %arg6[%swap3A_406] {strides = array<i32>} : memref<576xi32, #tpu.memory_space<vmem>>, vector<16xi32>,
    tpu.vector_store %arg6[%swap3A_406], %shift_right_arithmetic3A_405 {strides = array<i32>} : memref<576xi32, #tpu.memory_space<vmem>>, vector<16xi32>,
    %and3A_408 = arith.constant 1 : i32
    %and3A_409 = vector.broadcast %and3A_408 : i32 to vector<16xi32>
    %and3A_410 = arith.andi %get3A_402, %and3A_409 : vector<16xi32>
    %shift_left3A_411 = arith.constant 6 : i32
    %shift_left3A_412 = vector.broadcast %shift_left3A_411 : i32 to vector<16xi32>
    %shift_left3A_413 = arith.shli %and3A_410, %shift_left3A_412 : vector<16xi32>
    %swap3A_414 = arith.constant 432 : index
    %swap3A_415 = tpu.vector_load %arg7[%swap3A_414] {strides = array<i32>} : memref<576xi32, #tpu.memory_space<vmem>>, vector<16xi32>,
    tpu.vector_store %arg7[%swap3A_414], %shift_left3A_413 {strides = array<i32>} : memref<576xi32, #tpu.memory_space<vmem>>, vector<16xi32>,
    %get3A_416 = arith.constant 448 : index
    %get3A_417 = tpu.vector_load %arg5[%get3A_416] {strides = array<i32>} : memref<576xi32, #tpu.memory_space<vmem>>, vector<16xi32>,
    %shift_right_arithmetic3A_418 = arith.constant 1 : i32
    %shift_right_arithmetic3A_419 = vector.broadcast %shift_right_arithmetic3A_418 : i32 to vector<16xi32>
    %shift_right_arithmetic3A_420 = arith.shrsi %get3A_417, %shift_right_arithmetic3A_419 : vector<16xi32>
    %swap3A_421 = arith.constant 448 : index
    %swap3A_422 = tpu.vector_load %arg6[%swap3A_421] {strides = array<i32>} : memref<576xi32, #tpu.memory_space<vmem>>, vector<16xi32>,
    tpu.vector_store %arg6[%swap3A_421], %shift_right_arithmetic3A_420 {strides = array<i32>} : memref<576xi32, #tpu.memory_space<vmem>>, vector<16xi32>,
    %and3A_423 = arith.constant 1 : i32
    %and3A_424 = vector.broadcast %and3A_423 : i32 to vector<16xi32>
    %and3A_425 = arith.andi %get3A_417, %and3A_424 : vector<16xi32>
    %shift_left3A_426 = arith.constant 6 : i32
    %shift_left3A_427 = vector.broadcast %shift_left3A_426 : i32 to vector<16xi32>
    %shift_left3A_428 = arith.shli %and3A_425, %shift_left3A_427 : vector<16xi32>
    %swap3A_429 = arith.constant 448 : index
    %swap3A_430 = tpu.vector_load %arg7[%swap3A_429] {strides = array<i32>} : memref<576xi32, #tpu.memory_space<vmem>>, vector<16xi32>,
    tpu.vector_store %arg7[%swap3A_429], %shift_left3A_428 {strides = array<i32>} : memref<576xi32, #tpu.memory_space<vmem>>, vector<16xi32>,
    %get3A_431 = arith.constant 464 : index
    %get3A_432 = tpu.vector_load %arg5[%get3A_431] {strides = array<i32>} : memref<576xi32, #tpu.memory_space<vmem>>, vector<16xi32>,
    %shift_right_arithmetic3A_433 = arith.constant 1 : i32
    %shift_right_arithmetic3A_434 = vector.broadcast %shift_right_arithmetic3A_433 : i32 to vector<16xi32>
    %shift_right_arithmetic3A_435 = arith.shrsi %get3A_432, %shift_right_arithmetic3A_434 : vector<16xi32>
    %swap3A_436 = arith.constant 464 : index
    %swap3A_437 = tpu.vector_load %arg6[%swap3A_436] {strides = array<i32>} : memref<576xi32, #tpu.memory_space<vmem>>, vector<16xi32>,
    tpu.vector_store %arg6[%swap3A_436], %shift_right_arithmetic3A_435 {strides = array<i32>} : memref<576xi32, #tpu.memory_space<vmem>>, vector<16xi32>,
    %and3A_438 = arith.constant 1 : i32
    %and3A_439 = vector.broadcast %and3A_438 : i32 to vector<16xi32>
    %and3A_440 = arith.andi %get3A_432, %and3A_439 : vector<16xi32>
    %shift_left3A_441 = arith.constant 6 : i32
    %shift_left3A_442 = vector.broadcast %shift_left3A_441 : i32 to vector<16xi32>
    %shift_left3A_443 = arith.shli %and3A_440, %shift_left3A_442 : vector<16xi32>
    %swap3A_444 = arith.constant 464 : index
    %swap3A_445 = tpu.vector_load %arg7[%swap3A_444] {strides = array<i32>} : memref<576xi32, #tpu.memory_space<vmem>>, vector<16xi32>,
    tpu.vector_store %arg7[%swap3A_444], %shift_left3A_443 {strides = array<i32>} : memref<576xi32, #tpu.memory_space<vmem>>, vector<16xi32>,
    %get3A_446 = arith.constant 480 : index
    %get3A_447 = tpu.vector_load %arg5[%get3A_446] {strides = array<i32>} : memref<576xi32, #tpu.memory_space<vmem>>, vector<16xi32>,
    %shift_right_arithmetic3A_448 = arith.constant 1 : i32
    %shift_right_arithmetic3A_449 = vector.broadcast %shift_right_arithmetic3A_448 : i32 to vector<16xi32>
    %shift_right_arithmetic3A_450 = arith.shrsi %get3A_447, %shift_right_arithmetic3A_449 : vector<16xi32>
    %swap3A_451 = arith.constant 480 : index
    %swap3A_452 = tpu.vector_load %arg6[%swap3A_451] {strides = array<i32>} : memref<576xi32, #tpu.memory_space<vmem>>, vector<16xi32>,
    tpu.vector_store %arg6[%swap3A_451], %shift_right_arithmetic3A_450 {strides = array<i32>} : memref<576xi32, #tpu.memory_space<vmem>>, vector<16xi32>,
    %and3A_453 = arith.constant 1 : i32
    %and3A_454 = vector.broadcast %and3A_453 : i32 to vector<16xi32>
    %and3A_455 = arith.andi %get3A_447, %and3A_454 : vector<16xi32>
    %shift_left3A_456 = arith.constant 6 : i32
    %shift_left3A_457 = vector.broadcast %shift_left3A_456 : i32 to vector<16xi32>
    %shift_left3A_458 = arith.shli %and3A_455, %shift_left3A_457 : vector<16xi32>
    %swap3A_459 = arith.constant 480 : index
    %swap3A_460 = tpu.vector_load %arg7[%swap3A_459] {strides = array<i32>} : memref<576xi32, #tpu.memory_space<vmem>>, vector<16xi32>,
    tpu.vector_store %arg7[%swap3A_459], %shift_left3A_458 {strides = array<i32>} : memref<576xi32, #tpu.memory_space<vmem>>, vector<16xi32>,
    %get3A_461 = arith.constant 496 : index
    %get3A_462 = tpu.vector_load %arg5[%get3A_461] {strides = array<i32>} : memref<576xi32, #tpu.memory_space<vmem>>, vector<16xi32>,
    %shift_right_arithmetic3A_463 = arith.constant 1 : i32
    %shift_right_arithmetic3A_464 = vector.broadcast %shift_right_arithmetic3A_463 : i32 to vector<16xi32>
    %shift_right_arithmetic3A_465 = arith.shrsi %get3A_462, %shift_right_arithmetic3A_464 : vector<16xi32>
    %swap3A_466 = arith.constant 496 : index
    %swap3A_467 = tpu.vector_load %arg6[%swap3A_466] {strides = array<i32>} : memref<576xi32, #tpu.memory_space<vmem>>, vector<16xi32>,
    tpu.vector_store %arg6[%swap3A_466], %shift_right_arithmetic3A_465 {strides = array<i32>} : memref<576xi32, #tpu.memory_space<vmem>>, vector<16xi32>,
    %and3A_468 = arith.constant 1 : i32
    %and3A_469 = vector.broadcast %and3A_468 : i32 to vector<16xi32>
    %and3A_470 = arith.andi %get3A_462, %and3A_469 : vector<16xi32>
    %shift_left3A_471 = arith.constant 6 : i32
    %shift_left3A_472 = vector.broadcast %shift_left3A_471 : i32 to vector<16xi32>
    %shift_left3A_473 = arith.shli %and3A_470, %shift_left3A_472 : vector<16xi32>
    %swap3A_474 = arith.constant 496 : index
    %swap3A_475 = tpu.vector_load %arg7[%swap3A_474] {strides = array<i32>} : memref<576xi32, #tpu.memory_space<vmem>>, vector<16xi32>,
    tpu.vector_store %arg7[%swap3A_474], %shift_left3A_473 {strides = array<i32>} : memref<576xi32, #tpu.memory_space<vmem>>, vector<16xi32>,
    %get3A_476 = arith.constant 512 : index
    %get3A_477 = tpu.vector_load %arg5[%get3A_476] {strides = array<i32>} : memref<576xi32, #tpu.memory_space<vmem>>, vector<16xi32>,
    %shift_right_arithmetic3A_478 = arith.constant 1 : i32
    %shift_right_arithmetic3A_479 = vector.broadcast %shift_right_arithmetic3A_478 : i32 to vector<16xi32>
    %shift_right_arithmetic3A_480 = arith.shrsi %get3A_477, %shift_right_arithmetic3A_479 : vector<16xi32>
    %swap3A_481 = arith.constant 512 : index
    %swap3A_482 = tpu.vector_load %arg6[%swap3A_481] {strides = array<i32>} : memref<576xi32, #tpu.memory_space<vmem>>, vector<16xi32>,
    tpu.vector_store %arg6[%swap3A_481], %shift_right_arithmetic3A_480 {strides = array<i32>} : memref<576xi32, #tpu.memory_space<vmem>>, vector<16xi32>,
    %and3A_483 = arith.constant 1 : i32
    %and3A_484 = vector.broadcast %and3A_483 : i32 to vector<16xi32>
    %and3A_485 = arith.andi %get3A_477, %and3A_484 : vector<16xi32>
    %shift_left3A_486 = arith.constant 6 : i32
    %shift_left3A_487 = vector.broadcast %shift_left3A_486 : i32 to vector<16xi32>
    %shift_left3A_488 = arith.shli %and3A_485, %shift_left3A_487 : vector<16xi32>
    %swap3A_489 = arith.constant 512 : index
    %swap3A_490 = tpu.vector_load %arg7[%swap3A_489] {strides = array<i32>} : memref<576xi32, #tpu.memory_space<vmem>>, vector<16xi32>,
    tpu.vector_store %arg7[%swap3A_489], %shift_left3A_488 {strides = array<i32>} : memref<576xi32, #tpu.memory_space<vmem>>, vector<16xi32>,
    %get3A_491 = arith.constant 528 : index
    %get3A_492 = tpu.vector_load %arg5[%get3A_491] {strides = array<i32>} : memref<576xi32, #tpu.memory_space<vmem>>, vector<16xi32>,
    %shift_right_arithmetic3A_493 = arith.constant 1 : i32
    %shift_right_arithmetic3A_494 = vector.broadcast %shift_right_arithmetic3A_493 : i32 to vector<16xi32>
    %shift_right_arithmetic3A_495 = arith.shrsi %get3A_492, %shift_right_arithmetic3A_494 : vector<16xi32>
    %swap3A_496 = arith.constant 528 : index
    %swap3A_497 = tpu.vector_load %arg6[%swap3A_496] {strides = array<i32>} : memref<576xi32, #tpu.memory_space<vmem>>, vector<16xi32>,
    tpu.vector_store %arg6[%swap3A_496], %shift_right_arithmetic3A_495 {strides = array<i32>} : memref<576xi32, #tpu.memory_space<vmem>>, vector<16xi32>,
    %and3A_498 = arith.constant 1 : i32
    %and3A_499 = vector.broadcast %and3A_498 : i32 to vector<16xi32>
    %and3A_500 = arith.andi %get3A_492, %and3A_499 : vector<16xi32>
    %shift_left3A_501 = arith.constant 6 : i32
    %shift_left3A_502 = vector.broadcast %shift_left3A_501 : i32 to vector<16xi32>
    %shift_left3A_503 = arith.shli %and3A_500, %shift_left3A_502 : vector<16xi32>
    %swap3A_504 = arith.constant 528 : index
    %swap3A_505 = tpu.vector_load %arg7[%swap3A_504] {strides = array<i32>} : memref<576xi32, #tpu.memory_space<vmem>>, vector<16xi32>,
    tpu.vector_store %arg7[%swap3A_504], %shift_left3A_503 {strides = array<i32>} : memref<576xi32, #tpu.memory_space<vmem>>, vector<16xi32>,
    %get3A_506 = arith.constant 544 : index
    %get3A_507 = tpu.vector_load %arg5[%get3A_506] {strides = array<i32>} : memref<576xi32, #tpu.memory_space<vmem>>, vector<16xi32>,
    %shift_right_arithmetic3A_508 = arith.constant 1 : i32
    %shift_right_arithmetic3A_509 = vector.broadcast %shift_right_arithmetic3A_508 : i32 to vector<16xi32>
    %shift_right_arithmetic3A_510 = arith.shrsi %get3A_507, %shift_right_arithmetic3A_509 : vector<16xi32>
    %swap3A_511 = arith.constant 544 : index
    %swap3A_512 = tpu.vector_load %arg6[%swap3A_511] {strides = array<i32>} : memref<576xi32, #tpu.memory_space<vmem>>, vector<16xi32>,
    tpu.vector_store %arg6[%swap3A_511], %shift_right_arithmetic3A_510 {strides = array<i32>} : memref<576xi32, #tpu.memory_space<vmem>>, vector<16xi32>,
    %and3A_513 = arith.constant 1 : i32
    %and3A_514 = vector.broadcast %and3A_513 : i32 to vector<16xi32>
    %and3A_515 = arith.andi %get3A_507, %and3A_514 : vector<16xi32>
    %shift_left3A_516 = arith.constant 6 : i32
    %shift_left3A_517 = vector.broadcast %shift_left3A_516 : i32 to vector<16xi32>
    %shift_left3A_518 = arith.shli %and3A_515, %shift_left3A_517 : vector<16xi32>
    %swap3A_519 = arith.constant 544 : index
    %swap3A_520 = tpu.vector_load %arg7[%swap3A_519] {strides = array<i32>} : memref<576xi32, #tpu.memory_space<vmem>>, vector<16xi32>,
    tpu.vector_store %arg7[%swap3A_519], %shift_left3A_518 {strides = array<i32>} : memref<576xi32, #tpu.memory_space<vmem>>, vector<16xi32>,
    %get3A_521 = arith.constant 560 : index
    %get3A_522 = tpu.vector_load %arg5[%get3A_521] {strides = array<i32>} : memref<576xi32, #tpu.memory_space<vmem>>, vector<16xi32>,
    %shift_right_arithmetic3A_523 = arith.constant 1 : i32
    %shift_right_arithmetic3A_524 = vector.broadcast %shift_right_arithmetic3A_523 : i32 to vector<16xi32>
    %shift_right_arithmetic3A_525 = arith.shrsi %get3A_522, %shift_right_arithmetic3A_524 : vector<16xi32>
    %swap3A_526 = arith.constant 560 : index
    %swap3A_527 = tpu.vector_load %arg6[%swap3A_526] {strides = array<i32>} : memref<576xi32, #tpu.memory_space<vmem>>, vector<16xi32>,
    tpu.vector_store %arg6[%swap3A_526], %shift_right_arithmetic3A_525 {strides = array<i32>} : memref<576xi32, #tpu.memory_space<vmem>>, vector<16xi32>,
    %and3A_528 = arith.constant 1 : i32
    %and3A_529 = vector.broadcast %and3A_528 : i32 to vector<16xi32>
    %and3A_530 = arith.andi %get3A_522, %and3A_529 : vector<16xi32>
    %shift_left3A_531 = arith.constant 6 : i32
    %shift_left3A_532 = vector.broadcast %shift_left3A_531 : i32 to vector<16xi32>
    %shift_left3A_533 = arith.shli %and3A_530, %shift_left3A_532 : vector<16xi32>
    %swap3A_534 = arith.constant 560 : index
    %swap3A_535 = tpu.vector_load %arg7[%swap3A_534] {strides = array<i32>} : memref<576xi32, #tpu.memory_space<vmem>>, vector<16xi32>,
    tpu.vector_store %arg7[%swap3A_534], %shift_left3A_533 {strides = array<i32>} : memref<576xi32, #tpu.memory_space<vmem>>, vector<16xi32>,
    %dma_start3A = arith.constant 0 : i32
    %dma_start3A_536 = arith.constant 0 : i32
    %dma_start3A_537 = arith.constant 0 : i32
    %dma_start3A_538 = tpu.memref_slice %arg8[%dma_start3A_536, %dma_start3A_537] : memref<576x128xf32, #tpu.memory_space<vmem>> -> memref<96x128xf32, #tpu.memory_space<vmem>>
    %dma_start3A_539 = arith.constant 0 : i32
    %dma_start3A_540 = tpu.memref_slice %arg6[%dma_start3A_539] : memref<576xi32, #tpu.memory_space<vmem>> -> memref<96xi32, #tpu.memory_space<vmem>>
    %dma_start3A_541 = arith.constant 0 : i32
    %dma_start3A_542 = arith.constant 0 : i32
    %dma_start3A_543 = tpu.memref_slice %arg2[%dma_start3A_541, %dma_start3A_542] : memref<512x128xf32, #tpu.memory_space<hbm>> -> memref<512x128xf32, #tpu.memory_space<hbm>>
    %dma_start3A_544 = tpu.memref_slice %arg10[%dma_start3A] : memref<6x!tpu.dma_semaphore, #tpu.memory_space<semaphore_mem>> -> memref<1x!tpu.dma_semaphore, #tpu.memory_space<semaphore_mem>>
    %dma_start3A_545 = tpu.memref_squeeze %dma_start3A_544 : memref<1x!tpu.dma_semaphore, #tpu.memory_space<semaphore_mem>> -> memref<!tpu.dma_semaphore, #tpu.memory_space<semaphore_mem>>
    tpu.enqueue_indirect_dma source(%dma_start3A_543 : memref<512x128xf32, #tpu.memory_space<hbm>>) target(%dma_start3A_538 : memref<96x128xf32, #tpu.memory_space<vmem>>) offsets(%dma_start3A_540 : memref<96xi32, #tpu.memory_space<vmem>>) semaphore(%dma_start3A_545 : memref<!tpu.dma_semaphore, #tpu.memory_space<semaphore_mem>>)
    %dma_start3A_546 = arith.constant 1 : i32
    %dma_start3A_547 = arith.constant 96 : i32
    %dma_start3A_548 = arith.constant 0 : i32
    %dma_start3A_549 = tpu.memref_slice %arg8[%dma_start3A_547, %dma_start3A_548] : memref<576x128xf32, #tpu.memory_space<vmem>> -> memref<96x128xf32, #tpu.memory_space<vmem>>
    %dma_start3A_550 = arith.constant 96 : i32
    %dma_start3A_551 = tpu.memref_slice %arg6[%dma_start3A_550] : memref<576xi32, #tpu.memory_space<vmem>> -> memref<96xi32, #tpu.memory_space<vmem>>
    %dma_start3A_552 = arith.constant 0 : i32
    %dma_start3A_553 = arith.constant 0 : i32
    %dma_start3A_554 = tpu.memref_slice %arg2[%dma_start3A_552, %dma_start3A_553] : memref<512x128xf32, #tpu.memory_space<hbm>> -> memref<512x128xf32, #tpu.memory_space<hbm>>
    %dma_start3A_555 = tpu.memref_slice %arg10[%dma_start3A_546] : memref<6x!tpu.dma_semaphore, #tpu.memory_space<semaphore_mem>> -> memref<1x!tpu.dma_semaphore, #tpu.memory_space<semaphore_mem>>
    %dma_start3A_556 = tpu.memref_squeeze %dma_start3A_555 : memref<1x!tpu.dma_semaphore, #tpu.memory_space<semaphore_mem>> -> memref<!tpu.dma_semaphore, #tpu.memory_space<semaphore_mem>>
    tpu.enqueue_indirect_dma source(%dma_start3A_554 : memref<512x128xf32, #tpu.memory_space<hbm>>) target(%dma_start3A_549 : memref<96x128xf32, #tpu.memory_space<vmem>>) offsets(%dma_start3A_551 : memref<96xi32, #tpu.memory_space<vmem>>) semaphore(%dma_start3A_556 : memref<!tpu.dma_semaphore, #tpu.memory_space<semaphore_mem>>)
    %dma_start3A_557 = arith.constant 2 : i32
    %dma_start3A_558 = arith.constant 192 : i32
    %dma_start3A_559 = arith.constant 0 : i32
    %dma_start3A_560 = tpu.memref_slice %arg8[%dma_start3A_558, %dma_start3A_559] : memref<576x128xf32, #tpu.memory_space<vmem>> -> memref<96x128xf32, #tpu.memory_space<vmem>>
    %dma_start3A_561 = arith.constant 192 : i32
    %dma_start3A_562 = tpu.memref_slice %arg6[%dma_start3A_561] : memref<576xi32, #tpu.memory_space<vmem>> -> memref<96xi32, #tpu.memory_space<vmem>>
    %dma_start3A_563 = arith.constant 0 : i32
    %dma_start3A_564 = arith.constant 0 : i32
    %dma_start3A_565 = tpu.memref_slice %arg2[%dma_start3A_563, %dma_start3A_564] : memref<512x128xf32, #tpu.memory_space<hbm>> -> memref<512x128xf32, #tpu.memory_space<hbm>>
    %dma_start3A_566 = tpu.memref_slice %arg10[%dma_start3A_557] : memref<6x!tpu.dma_semaphore, #tpu.memory_space<semaphore_mem>> -> memref<1x!tpu.dma_semaphore, #tpu.memory_space<semaphore_mem>>
    %dma_start3A_567 = tpu.memref_squeeze %dma_start3A_566 : memref<1x!tpu.dma_semaphore, #tpu.memory_space<semaphore_mem>> -> memref<!tpu.dma_semaphore, #tpu.memory_space<semaphore_mem>>
    tpu.enqueue_indirect_dma source(%dma_start3A_565 : memref<512x128xf32, #tpu.memory_space<hbm>>) target(%dma_start3A_560 : memref<96x128xf32, #tpu.memory_space<vmem>>) offsets(%dma_start3A_562 : memref<96xi32, #tpu.memory_space<vmem>>) semaphore(%dma_start3A_567 : memref<!tpu.dma_semaphore, #tpu.memory_space<semaphore_mem>>)
    %dma_start3A_568 = arith.constant 3 : i32
    %dma_start3A_569 = arith.constant 288 : i32
    %dma_start3A_570 = arith.constant 0 : i32
    %dma_start3A_571 = tpu.memref_slice %arg8[%dma_start3A_569, %dma_start3A_570] : memref<576x128xf32, #tpu.memory_space<vmem>> -> memref<96x128xf32, #tpu.memory_space<vmem>>
    %dma_start3A_572 = arith.constant 288 : i32
    %dma_start3A_573 = tpu.memref_slice %arg6[%dma_start3A_572] : memref<576xi32, #tpu.memory_space<vmem>> -> memref<96xi32, #tpu.memory_space<vmem>>
    %dma_start3A_574 = arith.constant 0 : i32
    %dma_start3A_575 = arith.constant 0 : i32
    %dma_start3A_576 = tpu.memref_slice %arg2[%dma_start3A_574, %dma_start3A_575] : memref<512x128xf32, #tpu.memory_space<hbm>> -> memref<512x128xf32, #tpu.memory_space<hbm>>
    %dma_start3A_577 = tpu.memref_slice %arg10[%dma_start3A_568] : memref<6x!tpu.dma_semaphore, #tpu.memory_space<semaphore_mem>> -> memref<1x!tpu.dma_semaphore, #tpu.memory_space<semaphore_mem>>
    %dma_start3A_578 = tpu.memref_squeeze %dma_start3A_577 : memref<1x!tpu.dma_semaphore, #tpu.memory_space<semaphore_mem>> -> memref<!tpu.dma_semaphore, #tpu.memory_space<semaphore_mem>>
    tpu.enqueue_indirect_dma source(%dma_start3A_576 : memref<512x128xf32, #tpu.memory_space<hbm>>) target(%dma_start3A_571 : memref<96x128xf32, #tpu.memory_space<vmem>>) offsets(%dma_start3A_573 : memref<96xi32, #tpu.memory_space<vmem>>) semaphore(%dma_start3A_578 : memref<!tpu.dma_semaphore, #tpu.memory_space<semaphore_mem>>)
    %dma_start3A_579 = arith.constant 4 : i32
    %dma_start3A_580 = arith.constant 384 : i32
    %dma_start3A_581 = arith.constant 0 : i32
    %dma_start3A_582 = tpu.memref_slice %arg8[%dma_start3A_580, %dma_start3A_581] : memref<576x128xf32, #tpu.memory_space<vmem>> -> memref<96x128xf32, #tpu.memory_space<vmem>>
    %dma_start3A_583 = arith.constant 384 : i32
    %dma_start3A_584 = tpu.memref_slice %arg6[%dma_start3A_583] : memref<576xi32, #tpu.memory_space<vmem>> -> memref<96xi32, #tpu.memory_space<vmem>>
    %dma_start3A_585 = arith.constant 0 : i32
    %dma_start3A_586 = arith.constant 0 : i32
    %dma_start3A_587 = tpu.memref_slice %arg2[%dma_start3A_585, %dma_start3A_586] : memref<512x128xf32, #tpu.memory_space<hbm>> -> memref<512x128xf32, #tpu.memory_space<hbm>>
    %dma_start3A_588 = tpu.memref_slice %arg10[%dma_start3A_579] : memref<6x!tpu.dma_semaphore, #tpu.memory_space<semaphore_mem>> -> memref<1x!tpu.dma_semaphore, #tpu.memory_space<semaphore_mem>>
    %dma_start3A_589 = tpu.memref_squeeze %dma_start3A_588 : memref<1x!tpu.dma_semaphore, #tpu.memory_space<semaphore_mem>> -> memref<!tpu.dma_semaphore, #tpu.memory_space<semaphore_mem>>
    tpu.enqueue_indirect_dma source(%dma_start3A_587 : memref<512x128xf32, #tpu.memory_space<hbm>>) target(%dma_start3A_582 : memref<96x128xf32, #tpu.memory_space<vmem>>) offsets(%dma_start3A_584 : memref<96xi32, #tpu.memory_space<vmem>>) semaphore(%dma_start3A_589 : memref<!tpu.dma_semaphore, #tpu.memory_space<semaphore_mem>>)
    %dma_start3A_590 = arith.constant 5 : i32
    %dma_start3A_591 = arith.constant 480 : i32
    %dma_start3A_592 = arith.constant 0 : i32
    %dma_start3A_593 = tpu.memref_slice %arg8[%dma_start3A_591, %dma_start3A_592] : memref<576x128xf32, #tpu.memory_space<vmem>> -> memref<96x128xf32, #tpu.memory_space<vmem>>
    %dma_start3A_594 = arith.constant 480 : i32
    %dma_start3A_595 = tpu.memref_slice %arg6[%dma_start3A_594] : memref<576xi32, #tpu.memory_space<vmem>> -> memref<96xi32, #tpu.memory_space<vmem>>
    %dma_start3A_596 = arith.constant 0 : i32
    %dma_start3A_597 = arith.constant 0 : i32
    %dma_start3A_598 = tpu.memref_slice %arg2[%dma_start3A_596, %dma_start3A_597] : memref<512x128xf32, #tpu.memory_space<hbm>> -> memref<512x128xf32, #tpu.memory_space<hbm>>
    %dma_start3A_599 = tpu.memref_slice %arg10[%dma_start3A_590] : memref<6x!tpu.dma_semaphore, #tpu.memory_space<semaphore_mem>> -> memref<1x!tpu.dma_semaphore, #tpu.memory_space<semaphore_mem>>
    %dma_start3A_600 = tpu.memref_squeeze %dma_start3A_599 : memref<1x!tpu.dma_semaphore, #tpu.memory_space<semaphore_mem>> -> memref<!tpu.dma_semaphore, #tpu.memory_space<semaphore_mem>>
    tpu.enqueue_indirect_dma source(%dma_start3A_598 : memref<512x128xf32, #tpu.memory_space<hbm>>) target(%dma_start3A_593 : memref<96x128xf32, #tpu.memory_space<vmem>>) offsets(%dma_start3A_595 : memref<96xi32, #tpu.memory_space<vmem>>) semaphore(%dma_start3A_600 : memref<!tpu.dma_semaphore, #tpu.memory_space<semaphore_mem>>)
    %iota3A = tpu.iota {dimensions = array<i32: 0>} : vector<16xi32>
    %dma_wait3A = arith.constant 0 : i32
    %dma_wait3A_601 = arith.constant 0 : i32
    %dma_wait3A_602 = arith.constant 0 : i32
    %dma_wait3A_603 = tpu.memref_slice %arg8[%dma_wait3A_601, %dma_wait3A_602] : memref<576x128xf32, #tpu.memory_space<vmem>> -> memref<96x128xf32, #tpu.memory_space<vmem>>
    %dma_wait3A_604 = arith.constant 0 : i32
    %dma_wait3A_605 = tpu.memref_slice %arg6[%dma_wait3A_604] : memref<576xi32, #tpu.memory_space<vmem>> -> memref<96xi32, #tpu.memory_space<vmem>>
    %dma_wait3A_606 = arith.constant 0 : i32
    %dma_wait3A_607 = arith.constant 0 : i32
    %dma_wait3A_608 = tpu.memref_slice %arg2[%dma_wait3A_606, %dma_wait3A_607] : memref<512x128xf32, #tpu.memory_space<hbm>> -> memref<512x128xf32, #tpu.memory_space<hbm>>
    %dma_wait3A_609 = tpu.memref_slice %arg10[%dma_wait3A] : memref<6x!tpu.dma_semaphore, #tpu.memory_space<semaphore_mem>> -> memref<1x!tpu.dma_semaphore, #tpu.memory_space<semaphore_mem>>
    %dma_wait3A_610 = tpu.memref_squeeze %dma_wait3A_609 : memref<1x!tpu.dma_semaphore, #tpu.memory_space<semaphore_mem>> -> memref<!tpu.dma_semaphore, #tpu.memory_space<semaphore_mem>>
    tpu.wait_indirect_dma semaphore(%dma_wait3A_610 : memref<!tpu.dma_semaphore, #tpu.memory_space<semaphore_mem>>) src(%dma_wait3A_608 : memref<512x128xf32, #tpu.memory_space<hbm>>) dst(%dma_wait3A_603 : memref<96x128xf32, #tpu.memory_space<vmem>>)
    %scan3A = arith.constant 0 : i32
    %scan3A_611 = arith.constant 0 : i32
    %scan3A_612 = arith.constant 6 : i32
    %scan3A_613 = arith.addi %scan3A_611, %scan3A_612 : i32
    %scan3A_614 = arith.constant 1 : i32
    scf.for %scan3A_701 = %scan3A_611 to %scan3A_613 step %scan3A_614  : i32 {
      %mul3A_702 = arith.constant 16 : i32
      %mul3A_703 = arith.muli %scan3A_701, %mul3A_702 : i32
      %add3A_704 = vector.broadcast %mul3A_703 : i32 to vector<16xi32>
      %add3A_705 = arith.addi %add3A_704, %iota3A : vector<16xi32>
      %mul3A_706 = arith.constant 16 : i32
      %mul3A_707 = arith.muli %scan3A_701, %mul3A_706 : i32
      %get3A_708 = arith.index_cast %mul3A_707 : i32 to index
      %get3A_709 = tpu.vector_load %arg7[%get3A_708] {strides = array<i32>} : memref<576xi32, #tpu.memory_space<vmem>>, vector<16xi32>,
      %parallel_loop3A = arith.constant 0 : i32
      %parallel_loop3A_710 = arith.constant 64 : i32
      %parallel_loop3A_711 = arith.constant 1 : i32
      scf.for %parallel_loop3A_712 = %parallel_loop3A to %parallel_loop3A_710 step %parallel_loop3A_711  : i32 {
        %parallel_loop3A_713 = vector.broadcast %parallel_loop3A_712 : i32 to vector<16xi32>
        %parallel_loop3A_714 = arith.addi %get3A_709, %parallel_loop3A_713 : vector<16xi32>
        %parallel_loop3A_715 = tpu.vector_load_idx %arg8[%add3A_705, %parallel_loop3A_714] : memref<576x128xf32, #tpu.memory_space<vmem>>[vector<16xi32>, vector<16xi32>], vector<16xf32>,
        %parallel_loop3A_716 = arith.constant 16 : i32
        %parallel_loop3A_717 = arith.muli %scan3A_701, %parallel_loop3A_716 : i32
        %parallel_loop3A_718 = arith.index_cast %parallel_loop3A_712 : i32 to index
        %parallel_loop3A_719 = arith.index_cast %parallel_loop3A_717 : i32 to index
        %parallel_loop3A_720 = tpu.vector_load %arg9[%parallel_loop3A_718, %parallel_loop3A_719] {strides = array<i32>} : memref<64x576xf32, #tpu.memory_space<vmem>>, vector<16xf32>,
        tpu.vector_store %arg9[%parallel_loop3A_718, %parallel_loop3A_719], %parallel_loop3A_715 {strides = array<i32>} : memref<64x576xf32, #tpu.memory_space<vmem>>, vector<16xf32>,
      } {sc.loop_unroll_factor = 16 : i64, sc.parallel_access}
    }
    %scan3A_615 = arith.constant 6 : i32
    %dma_wait3A_616 = arith.constant 1 : i32
    %dma_wait3A_617 = arith.constant 96 : i32
    %dma_wait3A_618 = arith.constant 0 : i32
    %dma_wait3A_619 = tpu.memref_slice %arg8[%dma_wait3A_617, %dma_wait3A_618] : memref<576x128xf32, #tpu.memory_space<vmem>> -> memref<96x128xf32, #tpu.memory_space<vmem>>
    %dma_wait3A_620 = arith.constant 96 : i32
    %dma_wait3A_621 = tpu.memref_slice %arg6[%dma_wait3A_620] : memref<576xi32, #tpu.memory_space<vmem>> -> memref<96xi32, #tpu.memory_space<vmem>>
    %dma_wait3A_622 = arith.constant 0 : i32
    %dma_wait3A_623 = arith.constant 0 : i32
    %dma_wait3A_624 = tpu.memref_slice %arg2[%dma_wait3A_622, %dma_wait3A_623] : memref<512x128xf32, #tpu.memory_space<hbm>> -> memref<512x128xf32, #tpu.memory_space<hbm>>
    %dma_wait3A_625 = tpu.memref_slice %arg10[%dma_wait3A_616] : memref<6x!tpu.dma_semaphore, #tpu.memory_space<semaphore_mem>> -> memref<1x!tpu.dma_semaphore, #tpu.memory_space<semaphore_mem>>
    %dma_wait3A_626 = tpu.memref_squeeze %dma_wait3A_625 : memref<1x!tpu.dma_semaphore, #tpu.memory_space<semaphore_mem>> -> memref<!tpu.dma_semaphore, #tpu.memory_space<semaphore_mem>>
    tpu.wait_indirect_dma semaphore(%dma_wait3A_626 : memref<!tpu.dma_semaphore, #tpu.memory_space<semaphore_mem>>) src(%dma_wait3A_624 : memref<512x128xf32, #tpu.memory_space<hbm>>) dst(%dma_wait3A_619 : memref<96x128xf32, #tpu.memory_space<vmem>>)
    %scan3A_627 = arith.constant 0 : i32
    %scan3A_628 = arith.constant 6 : i32
    %scan3A_629 = arith.constant 6 : i32
    %scan3A_630 = arith.addi %scan3A_628, %scan3A_629 : i32
    %scan3A_631 = arith.constant 1 : i32
    scf.for %scan3A_701 = %scan3A_628 to %scan3A_630 step %scan3A_631  : i32 {
      %mul3A_702 = arith.constant 16 : i32
      %mul3A_703 = arith.muli %scan3A_701, %mul3A_702 : i32
      %add3A_704 = vector.broadcast %mul3A_703 : i32 to vector<16xi32>
      %add3A_705 = arith.addi %add3A_704, %iota3A : vector<16xi32>
      %mul3A_706 = arith.constant 16 : i32
      %mul3A_707 = arith.muli %scan3A_701, %mul3A_706 : i32
      %get3A_708 = arith.index_cast %mul3A_707 : i32 to index
      %get3A_709 = tpu.vector_load %arg7[%get3A_708] {strides = array<i32>} : memref<576xi32, #tpu.memory_space<vmem>>, vector<16xi32>,
      %parallel_loop3A = arith.constant 0 : i32
      %parallel_loop3A_710 = arith.constant 64 : i32
      %parallel_loop3A_711 = arith.constant 1 : i32
      scf.for %parallel_loop3A_712 = %parallel_loop3A to %parallel_loop3A_710 step %parallel_loop3A_711  : i32 {
        %parallel_loop3A_713 = vector.broadcast %parallel_loop3A_712 : i32 to vector<16xi32>
        %parallel_loop3A_714 = arith.addi %get3A_709, %parallel_loop3A_713 : vector<16xi32>
        %parallel_loop3A_715 = tpu.vector_load_idx %arg8[%add3A_705, %parallel_loop3A_714] : memref<576x128xf32, #tpu.memory_space<vmem>>[vector<16xi32>, vector<16xi32>], vector<16xf32>,
        %parallel_loop3A_716 = arith.constant 16 : i32
        %parallel_loop3A_717 = arith.muli %scan3A_701, %parallel_loop3A_716 : i32
        %parallel_loop3A_718 = arith.index_cast %parallel_loop3A_712 : i32 to index
        %parallel_loop3A_719 = arith.index_cast %parallel_loop3A_717 : i32 to index
        %parallel_loop3A_720 = tpu.vector_load %arg9[%parallel_loop3A_718, %parallel_loop3A_719] {strides = array<i32>} : memref<64x576xf32, #tpu.memory_space<vmem>>, vector<16xf32>,
        tpu.vector_store %arg9[%parallel_loop3A_718, %parallel_loop3A_719], %parallel_loop3A_715 {strides = array<i32>} : memref<64x576xf32, #tpu.memory_space<vmem>>, vector<16xf32>,
      } {sc.loop_unroll_factor = 16 : i64, sc.parallel_access}
    }
    %scan3A_632 = arith.constant 6 : i32
    %dma_wait3A_633 = arith.constant 2 : i32
    %dma_wait3A_634 = arith.constant 192 : i32
    %dma_wait3A_635 = arith.constant 0 : i32
    %dma_wait3A_636 = tpu.memref_slice %arg8[%dma_wait3A_634, %dma_wait3A_635] : memref<576x128xf32, #tpu.memory_space<vmem>> -> memref<96x128xf32, #tpu.memory_space<vmem>>
    %dma_wait3A_637 = arith.constant 192 : i32
    %dma_wait3A_638 = tpu.memref_slice %arg6[%dma_wait3A_637] : memref<576xi32, #tpu.memory_space<vmem>> -> memref<96xi32, #tpu.memory_space<vmem>>
    %dma_wait3A_639 = arith.constant 0 : i32
    %dma_wait3A_640 = arith.constant 0 : i32
    %dma_wait3A_641 = tpu.memref_slice %arg2[%dma_wait3A_639, %dma_wait3A_640] : memref<512x128xf32, #tpu.memory_space<hbm>> -> memref<512x128xf32, #tpu.memory_space<hbm>>
    %dma_wait3A_642 = tpu.memref_slice %arg10[%dma_wait3A_633] : memref<6x!tpu.dma_semaphore, #tpu.memory_space<semaphore_mem>> -> memref<1x!tpu.dma_semaphore, #tpu.memory_space<semaphore_mem>>
    %dma_wait3A_643 = tpu.memref_squeeze %dma_wait3A_642 : memref<1x!tpu.dma_semaphore, #tpu.memory_space<semaphore_mem>> -> memref<!tpu.dma_semaphore, #tpu.memory_space<semaphore_mem>>
    tpu.wait_indirect_dma semaphore(%dma_wait3A_643 : memref<!tpu.dma_semaphore, #tpu.memory_space<semaphore_mem>>) src(%dma_wait3A_641 : memref<512x128xf32, #tpu.memory_space<hbm>>) dst(%dma_wait3A_636 : memref<96x128xf32, #tpu.memory_space<vmem>>)
    %scan3A_644 = arith.constant 0 : i32
    %scan3A_645 = arith.constant 12 : i32
    %scan3A_646 = arith.constant 6 : i32
    %scan3A_647 = arith.addi %scan3A_645, %scan3A_646 : i32
    %scan3A_648 = arith.constant 1 : i32
    scf.for %scan3A_701 = %scan3A_645 to %scan3A_647 step %scan3A_648  : i32 {
      %mul3A_702 = arith.constant 16 : i32
      %mul3A_703 = arith.muli %scan3A_701, %mul3A_702 : i32
      %add3A_704 = vector.broadcast %mul3A_703 : i32 to vector<16xi32>
      %add3A_705 = arith.addi %add3A_704, %iota3A : vector<16xi32>
      %mul3A_706 = arith.constant 16 : i32
      %mul3A_707 = arith.muli %scan3A_701, %mul3A_706 : i32
      %get3A_708 = arith.index_cast %mul3A_707 : i32 to index
      %get3A_709 = tpu.vector_load %arg7[%get3A_708] {strides = array<i32>} : memref<576xi32, #tpu.memory_space<vmem>>, vector<16xi32>,
      %parallel_loop3A = arith.constant 0 : i32
      %parallel_loop3A_710 = arith.constant 64 : i32
      %parallel_loop3A_711 = arith.constant 1 : i32
      scf.for %parallel_loop3A_712 = %parallel_loop3A to %parallel_loop3A_710 step %parallel_loop3A_711  : i32 {
        %parallel_loop3A_713 = vector.broadcast %parallel_loop3A_712 : i32 to vector<16xi32>
        %parallel_loop3A_714 = arith.addi %get3A_709, %parallel_loop3A_713 : vector<16xi32>
        %parallel_loop3A_715 = tpu.vector_load_idx %arg8[%add3A_705, %parallel_loop3A_714] : memref<576x128xf32, #tpu.memory_space<vmem>>[vector<16xi32>, vector<16xi32>], vector<16xf32>,
        %parallel_loop3A_716 = arith.constant 16 : i32
        %parallel_loop3A_717 = arith.muli %scan3A_701, %parallel_loop3A_716 : i32
        %parallel_loop3A_718 = arith.index_cast %parallel_loop3A_712 : i32 to index
        %parallel_loop3A_719 = arith.index_cast %parallel_loop3A_717 : i32 to index
        %parallel_loop3A_720 = tpu.vector_load %arg9[%parallel_loop3A_718, %parallel_loop3A_719] {strides = array<i32>} : memref<64x576xf32, #tpu.memory_space<vmem>>, vector<16xf32>,
        tpu.vector_store %arg9[%parallel_loop3A_718, %parallel_loop3A_719], %parallel_loop3A_715 {strides = array<i32>} : memref<64x576xf32, #tpu.memory_space<vmem>>, vector<16xf32>,
      } {sc.loop_unroll_factor = 16 : i64, sc.parallel_access}
    }
    %scan3A_649 = arith.constant 6 : i32
    %dma_wait3A_650 = arith.constant 3 : i32
    %dma_wait3A_651 = arith.constant 288 : i32
    %dma_wait3A_652 = arith.constant 0 : i32
    %dma_wait3A_653 = tpu.memref_slice %arg8[%dma_wait3A_651, %dma_wait3A_652] : memref<576x128xf32, #tpu.memory_space<vmem>> -> memref<96x128xf32, #tpu.memory_space<vmem>>
    %dma_wait3A_654 = arith.constant 288 : i32
    %dma_wait3A_655 = tpu.memref_slice %arg6[%dma_wait3A_654] : memref<576xi32, #tpu.memory_space<vmem>> -> memref<96xi32, #tpu.memory_space<vmem>>
    %dma_wait3A_656 = arith.constant 0 : i32
    %dma_wait3A_657 = arith.constant 0 : i32
    %dma_wait3A_658 = tpu.memref_slice %arg2[%dma_wait3A_656, %dma_wait3A_657] : memref<512x128xf32, #tpu.memory_space<hbm>> -> memref<512x128xf32, #tpu.memory_space<hbm>>
    %dma_wait3A_659 = tpu.memref_slice %arg10[%dma_wait3A_650] : memref<6x!tpu.dma_semaphore, #tpu.memory_space<semaphore_mem>> -> memref<1x!tpu.dma_semaphore, #tpu.memory_space<semaphore_mem>>
    %dma_wait3A_660 = tpu.memref_squeeze %dma_wait3A_659 : memref<1x!tpu.dma_semaphore, #tpu.memory_space<semaphore_mem>> -> memref<!tpu.dma_semaphore, #tpu.memory_space<semaphore_mem>>
    tpu.wait_indirect_dma semaphore(%dma_wait3A_660 : memref<!tpu.dma_semaphore, #tpu.memory_space<semaphore_mem>>) src(%dma_wait3A_658 : memref<512x128xf32, #tpu.memory_space<hbm>>) dst(%dma_wait3A_653 : memref<96x128xf32, #tpu.memory_space<vmem>>)
    %scan3A_661 = arith.constant 0 : i32
    %scan3A_662 = arith.constant 18 : i32
    %scan3A_663 = arith.constant 6 : i32
    %scan3A_664 = arith.addi %scan3A_662, %scan3A_663 : i32
    %scan3A_665 = arith.constant 1 : i32
    scf.for %scan3A_701 = %scan3A_662 to %scan3A_664 step %scan3A_665  : i32 {
      %mul3A_702 = arith.constant 16 : i32
      %mul3A_703 = arith.muli %scan3A_701, %mul3A_702 : i32
      %add3A_704 = vector.broadcast %mul3A_703 : i32 to vector<16xi32>
      %add3A_705 = arith.addi %add3A_704, %iota3A : vector<16xi32>
      %mul3A_706 = arith.constant 16 : i32
      %mul3A_707 = arith.muli %scan3A_701, %mul3A_706 : i32
      %get3A_708 = arith.index_cast %mul3A_707 : i32 to index
      %get3A_709 = tpu.vector_load %arg7[%get3A_708] {strides = array<i32>} : memref<576xi32, #tpu.memory_space<vmem>>, vector<16xi32>,
      %parallel_loop3A = arith.constant 0 : i32
      %parallel_loop3A_710 = arith.constant 64 : i32
      %parallel_loop3A_711 = arith.constant 1 : i32
      scf.for %parallel_loop3A_712 = %parallel_loop3A to %parallel_loop3A_710 step %parallel_loop3A_711  : i32 {
        %parallel_loop3A_713 = vector.broadcast %parallel_loop3A_712 : i32 to vector<16xi32>
        %parallel_loop3A_714 = arith.addi %get3A_709, %parallel_loop3A_713 : vector<16xi32>
        %parallel_loop3A_715 = tpu.vector_load_idx %arg8[%add3A_705, %parallel_loop3A_714] : memref<576x128xf32, #tpu.memory_space<vmem>>[vector<16xi32>, vector<16xi32>], vector<16xf32>,
        %parallel_loop3A_716 = arith.constant 16 : i32
        %parallel_loop3A_717 = arith.muli %scan3A_701, %parallel_loop3A_716 : i32
        %parallel_loop3A_718 = arith.index_cast %parallel_loop3A_712 : i32 to index
        %parallel_loop3A_719 = arith.index_cast %parallel_loop3A_717 : i32 to index
        %parallel_loop3A_720 = tpu.vector_load %arg9[%parallel_loop3A_718, %parallel_loop3A_719] {strides = array<i32>} : memref<64x576xf32, #tpu.memory_space<vmem>>, vector<16xf32>,
        tpu.vector_store %arg9[%parallel_loop3A_718, %parallel_loop3A_719], %parallel_loop3A_715 {strides = array<i32>} : memref<64x576xf32, #tpu.memory_space<vmem>>, vector<16xf32>,
      } {sc.loop_unroll_factor = 16 : i64, sc.parallel_access}
    }
    %scan3A_666 = arith.constant 6 : i32
    %dma_wait3A_667 = arith.constant 4 : i32
    %dma_wait3A_668 = arith.constant 384 : i32
    %dma_wait3A_669 = arith.constant 0 : i32
    %dma_wait3A_670 = tpu.memref_slice %arg8[%dma_wait3A_668, %dma_wait3A_669] : memref<576x128xf32, #tpu.memory_space<vmem>> -> memref<96x128xf32, #tpu.memory_space<vmem>>
    %dma_wait3A_671 = arith.constant 384 : i32
    %dma_wait3A_672 = tpu.memref_slice %arg6[%dma_wait3A_671] : memref<576xi32, #tpu.memory_space<vmem>> -> memref<96xi32, #tpu.memory_space<vmem>>
    %dma_wait3A_673 = arith.constant 0 : i32
    %dma_wait3A_674 = arith.constant 0 : i32
    %dma_wait3A_675 = tpu.memref_slice %arg2[%dma_wait3A_673, %dma_wait3A_674] : memref<512x128xf32, #tpu.memory_space<hbm>> -> memref<512x128xf32, #tpu.memory_space<hbm>>
    %dma_wait3A_676 = tpu.memref_slice %arg10[%dma_wait3A_667] : memref<6x!tpu.dma_semaphore, #tpu.memory_space<semaphore_mem>> -> memref<1x!tpu.dma_semaphore, #tpu.memory_space<semaphore_mem>>
    %dma_wait3A_677 = tpu.memref_squeeze %dma_wait3A_676 : memref<1x!tpu.dma_semaphore, #tpu.memory_space<semaphore_mem>> -> memref<!tpu.dma_semaphore, #tpu.memory_space<semaphore_mem>>
    tpu.wait_indirect_dma semaphore(%dma_wait3A_677 : memref<!tpu.dma_semaphore, #tpu.memory_space<semaphore_mem>>) src(%dma_wait3A_675 : memref<512x128xf32, #tpu.memory_space<hbm>>) dst(%dma_wait3A_670 : memref<96x128xf32, #tpu.memory_space<vmem>>)
    %scan3A_678 = arith.constant 0 : i32
    %scan3A_679 = arith.constant 24 : i32
    %scan3A_680 = arith.constant 6 : i32
    %scan3A_681 = arith.addi %scan3A_679, %scan3A_680 : i32
    %scan3A_682 = arith.constant 1 : i32
    scf.for %scan3A_701 = %scan3A_679 to %scan3A_681 step %scan3A_682  : i32 {
      %mul3A_702 = arith.constant 16 : i32
      %mul3A_703 = arith.muli %scan3A_701, %mul3A_702 : i32
      %add3A_704 = vector.broadcast %mul3A_703 : i32 to vector<16xi32>
      %add3A_705 = arith.addi %add3A_704, %iota3A : vector<16xi32>
      %mul3A_706 = arith.constant 16 : i32
      %mul3A_707 = arith.muli %scan3A_701, %mul3A_706 : i32
      %get3A_708 = arith.index_cast %mul3A_707 : i32 to index
      %get3A_709 = tpu.vector_load %arg7[%get3A_708] {strides = array<i32>} : memref<576xi32, #tpu.memory_space<vmem>>, vector<16xi32>,
      %parallel_loop3A = arith.constant 0 : i32
      %parallel_loop3A_710 = arith.constant 64 : i32
      %parallel_loop3A_711 = arith.constant 1 : i32
      scf.for %parallel_loop3A_712 = %parallel_loop3A to %parallel_loop3A_710 step %parallel_loop3A_711  : i32 {
        %parallel_loop3A_713 = vector.broadcast %parallel_loop3A_712 : i32 to vector<16xi32>
        %parallel_loop3A_714 = arith.addi %get3A_709, %parallel_loop3A_713 : vector<16xi32>
        %parallel_loop3A_715 = tpu.vector_load_idx %arg8[%add3A_705, %parallel_loop3A_714] : memref<576x128xf32, #tpu.memory_space<vmem>>[vector<16xi32>, vector<16xi32>], vector<16xf32>,
        %parallel_loop3A_716 = arith.constant 16 : i32
        %parallel_loop3A_717 = arith.muli %scan3A_701, %parallel_loop3A_716 : i32
        %parallel_loop3A_718 = arith.index_cast %parallel_loop3A_712 : i32 to index
        %parallel_loop3A_719 = arith.index_cast %parallel_loop3A_717 : i32 to index
        %parallel_loop3A_720 = tpu.vector_load %arg9[%parallel_loop3A_718, %parallel_loop3A_719] {strides = array<i32>} : memref<64x576xf32, #tpu.memory_space<vmem>>, vector<16xf32>,
        tpu.vector_store %arg9[%parallel_loop3A_718, %parallel_loop3A_719], %parallel_loop3A_715 {strides = array<i32>} : memref<64x576xf32, #tpu.memory_space<vmem>>, vector<16xf32>,
      } {sc.loop_unroll_factor = 16 : i64, sc.parallel_access}
    }
    %scan3A_683 = arith.constant 6 : i32
    %dma_wait3A_684 = arith.constant 5 : i32
    %dma_wait3A_685 = arith.constant 480 : i32
    %dma_wait3A_686 = arith.constant 0 : i32
    %dma_wait3A_687 = tpu.memref_slice %arg8[%dma_wait3A_685, %dma_wait3A_686] : memref<576x128xf32, #tpu.memory_space<vmem>> -> memref<96x128xf32, #tpu.memory_space<vmem>>
    %dma_wait3A_688 = arith.constant 480 : i32
    %dma_wait3A_689 = tpu.memref_slice %arg6[%dma_wait3A_688] : memref<576xi32, #tpu.memory_space<vmem>> -> memref<96xi32, #tpu.memory_space<vmem>>
    %dma_wait3A_690 = arith.constant 0 : i32
    %dma_wait3A_691 = arith.constant 0 : i32
    %dma_wait3A_692 = tpu.memref_slice %arg2[%dma_wait3A_690, %dma_wait3A_691] : memref<512x128xf32, #tpu.memory_space<hbm>> -> memref<512x128xf32, #tpu.memory_space<hbm>>
    %dma_wait3A_693 = tpu.memref_slice %arg10[%dma_wait3A_684] : memref<6x!tpu.dma_semaphore, #tpu.memory_space<semaphore_mem>> -> memref<1x!tpu.dma_semaphore, #tpu.memory_space<semaphore_mem>>
    %dma_wait3A_694 = tpu.memref_squeeze %dma_wait3A_693 : memref<1x!tpu.dma_semaphore, #tpu.memory_space<semaphore_mem>> -> memref<!tpu.dma_semaphore, #tpu.memory_space<semaphore_mem>>
    tpu.wait_indirect_dma semaphore(%dma_wait3A_694 : memref<!tpu.dma_semaphore, #tpu.memory_space<semaphore_mem>>) src(%dma_wait3A_692 : memref<512x128xf32, #tpu.memory_space<hbm>>) dst(%dma_wait3A_687 : memref<96x128xf32, #tpu.memory_space<vmem>>)
    %scan3A_695 = arith.constant 0 : i32
    %scan3A_696 = arith.constant 30 : i32
    %scan3A_697 = arith.constant 6 : i32
    %scan3A_698 = arith.addi %scan3A_696, %scan3A_697 : i32
    %scan3A_699 = arith.constant 1 : i32
    scf.for %scan3A_701 = %scan3A_696 to %scan3A_698 step %scan3A_699  : i32 {
      %mul3A_702 = arith.constant 16 : i32
      %mul3A_703 = arith.muli %scan3A_701, %mul3A_702 : i32
      %add3A_704 = vector.broadcast %mul3A_703 : i32 to vector<16xi32>
      %add3A_705 = arith.addi %add3A_704, %iota3A : vector<16xi32>
      %mul3A_706 = arith.constant 16 : i32
      %mul3A_707 = arith.muli %scan3A_701, %mul3A_706 : i32
      %get3A_708 = arith.index_cast %mul3A_707 : i32 to index
      %get3A_709 = tpu.vector_load %arg7[%get3A_708] {strides = array<i32>} : memref<576xi32, #tpu.memory_space<vmem>>, vector<16xi32>,
      %parallel_loop3A = arith.constant 0 : i32
      %parallel_loop3A_710 = arith.constant 64 : i32
      %parallel_loop3A_711 = arith.constant 1 : i32
      scf.for %parallel_loop3A_712 = %parallel_loop3A to %parallel_loop3A_710 step %parallel_loop3A_711  : i32 {
        %parallel_loop3A_713 = vector.broadcast %parallel_loop3A_712 : i32 to vector<16xi32>
        %parallel_loop3A_714 = arith.addi %get3A_709, %parallel_loop3A_713 : vector<16xi32>
        %parallel_loop3A_715 = tpu.vector_load_idx %arg8[%add3A_705, %parallel_loop3A_714] : memref<576x128xf32, #tpu.memory_space<vmem>>[vector<16xi32>, vector<16xi32>], vector<16xf32>,
        %parallel_loop3A_716 = arith.constant 16 : i32
        %parallel_loop3A_717 = arith.muli %scan3A_701, %parallel_loop3A_716 : i32
        %parallel_loop3A_718 = arith.index_cast %parallel_loop3A_712 : i32 to index
        %parallel_loop3A_719 = arith.index_cast %parallel_loop3A_717 : i32 to index
        %parallel_loop3A_720 = tpu.vector_load %arg9[%parallel_loop3A_718, %parallel_loop3A_719] {strides = array<i32>} : memref<64x576xf32, #tpu.memory_space<vmem>>, vector<16xf32>,
        tpu.vector_store %arg9[%parallel_loop3A_718, %parallel_loop3A_719], %parallel_loop3A_715 {strides = array<i32>} : memref<64x576xf32, #tpu.memory_space<vmem>>, vector<16xf32>,
      } {sc.loop_unroll_factor = 16 : i64, sc.parallel_access}
    }
    %scan3A_700 = arith.constant 6 : i32
    "tpu.region"() ({
      %run_scoped3A = tpu.sem_alloc : memref<!tpu.dma_semaphore, #tpu.memory_space<semaphore_mem>>
      %dma_start3A_701 = arith.constant 0 : i32
      %dma_start3A_702 = arith.constant 0 : i32
      %dma_start3A_703 = tpu.memref_slice %arg4[%add3A, %dma_start3A_701, %dma_start3A_702] : memref<32x64x576xf32, #tpu.memory_space<hbm>> -> memref<1x64x576xf32, #tpu.memory_space<hbm>>
      %dma_start3A_704 = tpu.memref_squeeze %dma_start3A_703 : memref<1x64x576xf32, #tpu.memory_space<hbm>> -> memref<64x576xf32, #tpu.memory_space<hbm>>
      %dma_start3A_705 = arith.constant 0 : i32
      %dma_start3A_706 = arith.constant 0 : i32
      %dma_start3A_707 = tpu.memref_slice %arg4[%add3A, %dma_start3A_705, %dma_start3A_706] : memref<32x64x576xf32, #tpu.memory_space<hbm>> -> memref<1x64x576xf32, #tpu.memory_space<hbm>>
      %dma_start3A_708 = tpu.memref_squeeze %dma_start3A_707 : memref<1x64x576xf32, #tpu.memory_space<hbm>> -> memref<64x576xf32, #tpu.memory_space<hbm>>
      tpu.enqueue_dma source(%arg9 : memref<64x576xf32, #tpu.memory_space<vmem>>) target(%dma_start3A_708 : memref<64x576xf32, #tpu.memory_space<hbm>>) target_semaphore(%run_scoped3A : memref<!tpu.dma_semaphore, #tpu.memory_space<semaphore_mem>>)
      %dma_wait3A_709 = arith.constant 0 : i32
      %dma_wait3A_710 = arith.constant 0 : i32
      %dma_wait3A_711 = tpu.memref_slice %arg4[%add3A, %dma_wait3A_709, %dma_wait3A_710] : memref<32x64x576xf32, #tpu.memory_space<hbm>> -> memref<1x64x576xf32, #tpu.memory_space<hbm>>
      %dma_wait3A_712 = tpu.memref_squeeze %dma_wait3A_711 : memref<1x64x576xf32, #tpu.memory_space<hbm>> -> memref<64x576xf32, #tpu.memory_space<hbm>>
      %dma_wait3A_713 = arith.constant 0 : i32
      %dma_wait3A_714 = arith.constant 0 : i32
      %dma_wait3A_715 = tpu.memref_slice %arg4[%add3A, %dma_wait3A_713, %dma_wait3A_714] : memref<32x64x576xf32, #tpu.memory_space<hbm>> -> memref<1x64x576xf32, #tpu.memory_space<hbm>>
      %dma_wait3A_716 = tpu.memref_squeeze %dma_wait3A_715 : memref<1x64x576xf32, #tpu.memory_space<hbm>> -> memref<64x576xf32, #tpu.memory_space<hbm>>
      tpu.wait_dma2 semaphore(%run_scoped3A : memref<!tpu.dma_semaphore, #tpu.memory_space<semaphore_mem>>) src(%arg9 : memref<64x576xf32, #tpu.memory_space<vmem>>) dst(%dma_wait3A_716 : memref<64x576xf32, #tpu.memory_space<hbm>>)
      tpu.yield
    }) : () -> ()
    return
  }
}

module attributes {stable_mosaic.version = 14 : i64} {
  func.func @_vq_tc_body(%arg0: i32, %arg1: memref<1x64x576xf32, #tpu.memory_space<vmem>>, %arg2: memref<1024x64xf32, #tpu.memory_space<vmem>>, %arg3: memref<1x1xf32, #tpu.memory_space<vmem>>, %arg4: memref<1x1x576xi32, #tpu.memory_space<vmem>>) attributes {dimension_semantics = [#tpu.dimension_semantics<arbitrary>], iteration_bounds = array<i64: 32>, scalar_prefetch = 0 : i64, scratch_operands = 0 : i64, tpu.core_type = #tpu.core_type<tc>, window_params = [{transform_indices = @transform_0, window_bounds = array<i64: 1, 64, 576>}, {pipeline_mode = #tpu.pipeline_mode<synchronous>, transform_indices = @transform_1, window_bounds = array<i64: 1024, 64>}, {pipeline_mode = #tpu.pipeline_mode<synchronous>, transform_indices = @transform_2, window_bounds = array<i64: 1, 1>}, {transform_indices = @transform_3, window_bounds = array<i64: 1, 1, 576>}]} {
    %get3A = arith.constant 0 : index
    %get3A_0 = arith.constant 0 : index
    %get3A_1 = arith.constant 0 : index
    %get3A_2 = vector.load %arg1[%get3A, %get3A_0, %get3A_1] : memref<1x64x576xf32, #tpu.memory_space<vmem>>, vector<1x64x576xf32>
    %get3A_3 = vector.shape_cast %get3A_2 : vector<1x64x576xf32> to vector<64x576xf32>
    %get3A_4 = arith.constant 0 : index
    %get3A_5 = arith.constant 0 : index
    %get3A_6 = vector.load %arg2[%get3A_4, %get3A_5] : memref<1024x64xf32, #tpu.memory_space<vmem>>, vector<1024x64xf32>
    %mul3A = arith.mulf %get3A_3, %get3A_3 : vector<64x576xf32>
    %reduce_sum3A = arith.constant dense<0.000000e+00> : vector<576xf32>
    %reduce_sum3A_7 = vector.multi_reduction <add>, %mul3A, %reduce_sum3A [0] : vector<64x576xf32> to vector<576xf32>
    %broadcast_in_dim3A = vector.shape_cast %reduce_sum3A_7 : vector<576xf32> to vector<1x576xf32>
    %mul3A_8 = arith.mulf %get3A_6, %get3A_6 : vector<1024x64xf32>
    %reduce_sum3A_9 = arith.constant dense<0.000000e+00> : vector<1024xf32>
    %reduce_sum3A_10 = vector.multi_reduction <add>, %mul3A_8, %reduce_sum3A_9 [1] : vector<1024x64xf32> to vector<1024xf32>
    %broadcast_in_dim3A_11 = vector.shape_cast %reduce_sum3A_10 : vector<1024xf32> to vector<1024x1xf32>
    %add3A = arith.addf %get3A_3, %get3A_3 : vector<64x576xf32>
    %dot_general3A = arith.constant dense<0.000000e+00> : vector<1024x576xf32>
    %dot_general3A_12 = tpu.matmul %get3A_6, %add3A, %dot_general3A {dimension_numbers = #tpu.dot_dimension_numbers<[1], [0], [0], [1], [0, 0, 1, 1], [], []>, transpose_lhs_hint = false} : vector<1024x64xf32>, vector<64x576xf32>, vector<1024x576xf32> -> vector<1024x576xf32>
    %iota3A = tpu.iota {dimensions = array<i32: 0>} : vector<8x576xi32>
    %slice3A = vector.extract_strided_slice %dot_general3A_12 {offsets = [0, 0], sizes = [8, 576], strides = [1, 1]} : vector<1024x576xf32> to vector<8x576xf32>
    %sub3A = vector.broadcast %broadcast_in_dim3A : vector<1x576xf32> to vector<8x576xf32>
    %sub3A_13 = arith.subf %sub3A, %slice3A : vector<8x576xf32>
    %slice3A_14 = vector.extract_strided_slice %broadcast_in_dim3A_11 {offsets = [0, 0], sizes = [8, 1], strides = [1, 1]} : vector<1024x1xf32> to vector<8x1xf32>
    %add3A_15 = vector.broadcast %slice3A_14 : vector<8x1xf32> to vector<8x576xf32>
    %add3A_16 = arith.addf %sub3A_13, %add3A_15 : vector<8x576xf32>
    %slice3A_17 = vector.extract_strided_slice %dot_general3A_12 {offsets = [8, 0], sizes = [8, 576], strides = [1, 1]} : vector<1024x576xf32> to vector<8x576xf32>
    %sub3A_18 = vector.broadcast %broadcast_in_dim3A : vector<1x576xf32> to vector<8x576xf32>
    %sub3A_19 = arith.subf %sub3A_18, %slice3A_17 : vector<8x576xf32>
    %slice3A_20 = vector.extract_strided_slice %broadcast_in_dim3A_11 {offsets = [8, 0], sizes = [8, 1], strides = [1, 1]} : vector<1024x1xf32> to vector<8x1xf32>
    %add3A_21 = vector.broadcast %slice3A_20 : vector<8x1xf32> to vector<8x576xf32>
    %add3A_22 = arith.addf %sub3A_19, %add3A_21 : vector<8x576xf32>
    %lt3A = arith.cmpf olt, %add3A_22, %add3A_16 : vector<8x576xf32>
    %select_n3A = arith.select %lt3A, %add3A_22, %add3A_16 : vector<8x576xi1>, vector<8x576xf32>
    %add3A_23 = arith.constant 8 : i32
    %add3A_24 = vector.broadcast %add3A_23 : i32 to vector<8x576xi32>
    %add3A_25 = arith.addi %iota3A, %add3A_24 : vector<8x576xi32>
    %select_n3A_26 = arith.select %lt3A, %add3A_25, %iota3A : vector<8x576xi1>, vector<8x576xi32>
    %slice3A_27 = vector.extract_strided_slice %dot_general3A_12 {offsets = [16, 0], sizes = [8, 576], strides = [1, 1]} : vector<1024x576xf32> to vector<8x576xf32>
    %sub3A_28 = vector.broadcast %broadcast_in_dim3A : vector<1x576xf32> to vector<8x576xf32>
    %sub3A_29 = arith.subf %sub3A_28, %slice3A_27 : vector<8x576xf32>
    %slice3A_30 = vector.extract_strided_slice %broadcast_in_dim3A_11 {offsets = [16, 0], sizes = [8, 1], strides = [1, 1]} : vector<1024x1xf32> to vector<8x1xf32>
    %add3A_31 = vector.broadcast %slice3A_30 : vector<8x1xf32> to vector<8x576xf32>
    %add3A_32 = arith.addf %sub3A_29, %add3A_31 : vector<8x576xf32>
    %lt3A_33 = arith.cmpf olt, %add3A_32, %select_n3A : vector<8x576xf32>
    %select_n3A_34 = arith.select %lt3A_33, %add3A_32, %select_n3A : vector<8x576xi1>, vector<8x576xf32>
    %add3A_35 = arith.constant 16 : i32
    %add3A_36 = vector.broadcast %add3A_35 : i32 to vector<8x576xi32>
    %add3A_37 = arith.addi %iota3A, %add3A_36 : vector<8x576xi32>
    %select_n3A_38 = arith.select %lt3A_33, %add3A_37, %select_n3A_26 : vector<8x576xi1>, vector<8x576xi32>
    %slice3A_39 = vector.extract_strided_slice %dot_general3A_12 {offsets = [24, 0], sizes = [8, 576], strides = [1, 1]} : vector<1024x576xf32> to vector<8x576xf32>
    %sub3A_40 = vector.broadcast %broadcast_in_dim3A : vector<1x576xf32> to vector<8x576xf32>
    %sub3A_41 = arith.subf %sub3A_40, %slice3A_39 : vector<8x576xf32>
    %slice3A_42 = vector.extract_strided_slice %broadcast_in_dim3A_11 {offsets = [24, 0], sizes = [8, 1], strides = [1, 1]} : vector<1024x1xf32> to vector<8x1xf32>
    %add3A_43 = vector.broadcast %slice3A_42 : vector<8x1xf32> to vector<8x576xf32>
    %add3A_44 = arith.addf %sub3A_41, %add3A_43 : vector<8x576xf32>
    %lt3A_45 = arith.cmpf olt, %add3A_44, %select_n3A_34 : vector<8x576xf32>
    %select_n3A_46 = arith.select %lt3A_45, %add3A_44, %select_n3A_34 : vector<8x576xi1>, vector<8x576xf32>
    %add3A_47 = arith.constant 24 : i32
    %add3A_48 = vector.broadcast %add3A_47 : i32 to vector<8x576xi32>
    %add3A_49 = arith.addi %iota3A, %add3A_48 : vector<8x576xi32>
    %select_n3A_50 = arith.select %lt3A_45, %add3A_49, %select_n3A_38 : vector<8x576xi1>, vector<8x576xi32>
    %slice3A_51 = vector.extract_strided_slice %dot_general3A_12 {offsets = [32, 0], sizes = [8, 576], strides = [1, 1]} : vector<1024x576xf32> to vector<8x576xf32>
    %sub3A_52 = vector.broadcast %broadcast_in_dim3A : vector<1x576xf32> to vector<8x576xf32>
    %sub3A_53 = arith.subf %sub3A_52, %slice3A_51 : vector<8x576xf32>
    %slice3A_54 = vector.extract_strided_slice %broadcast_in_dim3A_11 {offsets = [32, 0], sizes = [8, 1], strides = [1, 1]} : vector<1024x1xf32> to vector<8x1xf32>
    %add3A_55 = vector.broadcast %slice3A_54 : vector<8x1xf32> to vector<8x576xf32>
    %add3A_56 = arith.addf %sub3A_53, %add3A_55 : vector<8x576xf32>
    %lt3A_57 = arith.cmpf olt, %add3A_56, %select_n3A_46 : vector<8x576xf32>
    %select_n3A_58 = arith.select %lt3A_57, %add3A_56, %select_n3A_46 : vector<8x576xi1>, vector<8x576xf32>
    %add3A_59 = arith.constant 32 : i32
    %add3A_60 = vector.broadcast %add3A_59 : i32 to vector<8x576xi32>
    %add3A_61 = arith.addi %iota3A, %add3A_60 : vector<8x576xi32>
    %select_n3A_62 = arith.select %lt3A_57, %add3A_61, %select_n3A_50 : vector<8x576xi1>, vector<8x576xi32>
    %slice3A_63 = vector.extract_strided_slice %dot_general3A_12 {offsets = [40, 0], sizes = [8, 576], strides = [1, 1]} : vector<1024x576xf32> to vector<8x576xf32>
    %sub3A_64 = vector.broadcast %broadcast_in_dim3A : vector<1x576xf32> to vector<8x576xf32>
    %sub3A_65 = arith.subf %sub3A_64, %slice3A_63 : vector<8x576xf32>
    %slice3A_66 = vector.extract_strided_slice %broadcast_in_dim3A_11 {offsets = [40, 0], sizes = [8, 1], strides = [1, 1]} : vector<1024x1xf32> to vector<8x1xf32>
    %add3A_67 = vector.broadcast %slice3A_66 : vector<8x1xf32> to vector<8x576xf32>
    %add3A_68 = arith.addf %sub3A_65, %add3A_67 : vector<8x576xf32>
    %lt3A_69 = arith.cmpf olt, %add3A_68, %select_n3A_58 : vector<8x576xf32>
    %select_n3A_70 = arith.select %lt3A_69, %add3A_68, %select_n3A_58 : vector<8x576xi1>, vector<8x576xf32>
    %add3A_71 = arith.constant 40 : i32
    %add3A_72 = vector.broadcast %add3A_71 : i32 to vector<8x576xi32>
    %add3A_73 = arith.addi %iota3A, %add3A_72 : vector<8x576xi32>
    %select_n3A_74 = arith.select %lt3A_69, %add3A_73, %select_n3A_62 : vector<8x576xi1>, vector<8x576xi32>
    %slice3A_75 = vector.extract_strided_slice %dot_general3A_12 {offsets = [48, 0], sizes = [8, 576], strides = [1, 1]} : vector<1024x576xf32> to vector<8x576xf32>
    %sub3A_76 = vector.broadcast %broadcast_in_dim3A : vector<1x576xf32> to vector<8x576xf32>
    %sub3A_77 = arith.subf %sub3A_76, %slice3A_75 : vector<8x576xf32>
    %slice3A_78 = vector.extract_strided_slice %broadcast_in_dim3A_11 {offsets = [48, 0], sizes = [8, 1], strides = [1, 1]} : vector<1024x1xf32> to vector<8x1xf32>
    %add3A_79 = vector.broadcast %slice3A_78 : vector<8x1xf32> to vector<8x576xf32>
    %add3A_80 = arith.addf %sub3A_77, %add3A_79 : vector<8x576xf32>
    %lt3A_81 = arith.cmpf olt, %add3A_80, %select_n3A_70 : vector<8x576xf32>
    %select_n3A_82 = arith.select %lt3A_81, %add3A_80, %select_n3A_70 : vector<8x576xi1>, vector<8x576xf32>
    %add3A_83 = arith.constant 48 : i32
    %add3A_84 = vector.broadcast %add3A_83 : i32 to vector<8x576xi32>
    %add3A_85 = arith.addi %iota3A, %add3A_84 : vector<8x576xi32>
    %select_n3A_86 = arith.select %lt3A_81, %add3A_85, %select_n3A_74 : vector<8x576xi1>, vector<8x576xi32>
    %slice3A_87 = vector.extract_strided_slice %dot_general3A_12 {offsets = [56, 0], sizes = [8, 576], strides = [1, 1]} : vector<1024x576xf32> to vector<8x576xf32>
    %sub3A_88 = vector.broadcast %broadcast_in_dim3A : vector<1x576xf32> to vector<8x576xf32>
    %sub3A_89 = arith.subf %sub3A_88, %slice3A_87 : vector<8x576xf32>
    %slice3A_90 = vector.extract_strided_slice %broadcast_in_dim3A_11 {offsets = [56, 0], sizes = [8, 1], strides = [1, 1]} : vector<1024x1xf32> to vector<8x1xf32>
    %add3A_91 = vector.broadcast %slice3A_90 : vector<8x1xf32> to vector<8x576xf32>
    %add3A_92 = arith.addf %sub3A_89, %add3A_91 : vector<8x576xf32>
    %lt3A_93 = arith.cmpf olt, %add3A_92, %select_n3A_82 : vector<8x576xf32>
    %select_n3A_94 = arith.select %lt3A_93, %add3A_92, %select_n3A_82 : vector<8x576xi1>, vector<8x576xf32>
    %add3A_95 = arith.constant 56 : i32
    %add3A_96 = vector.broadcast %add3A_95 : i32 to vector<8x576xi32>
    %add3A_97 = arith.addi %iota3A, %add3A_96 : vector<8x576xi32>
    %select_n3A_98 = arith.select %lt3A_93, %add3A_97, %select_n3A_86 : vector<8x576xi1>, vector<8x576xi32>
    %slice3A_99 = vector.extract_strided_slice %dot_general3A_12 {offsets = [64, 0], sizes = [8, 576], strides = [1, 1]} : vector<1024x576xf32> to vector<8x576xf32>
    %sub3A_100 = vector.broadcast %broadcast_in_dim3A : vector<1x576xf32> to vector<8x576xf32>
    %sub3A_101 = arith.subf %sub3A_100, %slice3A_99 : vector<8x576xf32>
    %slice3A_102 = vector.extract_strided_slice %broadcast_in_dim3A_11 {offsets = [64, 0], sizes = [8, 1], strides = [1, 1]} : vector<1024x1xf32> to vector<8x1xf32>
    %add3A_103 = vector.broadcast %slice3A_102 : vector<8x1xf32> to vector<8x576xf32>
    %add3A_104 = arith.addf %sub3A_101, %add3A_103 : vector<8x576xf32>
    %lt3A_105 = arith.cmpf olt, %add3A_104, %select_n3A_94 : vector<8x576xf32>
    %select_n3A_106 = arith.select %lt3A_105, %add3A_104, %select_n3A_94 : vector<8x576xi1>, vector<8x576xf32>
    %add3A_107 = arith.constant 64 : i32
    %add3A_108 = vector.broadcast %add3A_107 : i32 to vector<8x576xi32>
    %add3A_109 = arith.addi %iota3A, %add3A_108 : vector<8x576xi32>
    %select_n3A_110 = arith.select %lt3A_105, %add3A_109, %select_n3A_98 : vector<8x576xi1>, vector<8x576xi32>
    %slice3A_111 = vector.extract_strided_slice %dot_general3A_12 {offsets = [72, 0], sizes = [8, 576], strides = [1, 1]} : vector<1024x576xf32> to vector<8x576xf32>
    %sub3A_112 = vector.broadcast %broadcast_in_dim3A : vector<1x576xf32> to vector<8x576xf32>
    %sub3A_113 = arith.subf %sub3A_112, %slice3A_111 : vector<8x576xf32>
    %slice3A_114 = vector.extract_strided_slice %broadcast_in_dim3A_11 {offsets = [72, 0], sizes = [8, 1], strides = [1, 1]} : vector<1024x1xf32> to vector<8x1xf32>
    %add3A_115 = vector.broadcast %slice3A_114 : vector<8x1xf32> to vector<8x576xf32>
    %add3A_116 = arith.addf %sub3A_113, %add3A_115 : vector<8x576xf32>
    %lt3A_117 = arith.cmpf olt, %add3A_116, %select_n3A_106 : vector<8x576xf32>
    %select_n3A_118 = arith.select %lt3A_117, %add3A_116, %select_n3A_106 : vector<8x576xi1>, vector<8x576xf32>
    %add3A_119 = arith.constant 72 : i32
    %add3A_120 = vector.broadcast %add3A_119 : i32 to vector<8x576xi32>
    %add3A_121 = arith.addi %iota3A, %add3A_120 : vector<8x576xi32>
    %select_n3A_122 = arith.select %lt3A_117, %add3A_121, %select_n3A_110 : vector<8x576xi1>, vector<8x576xi32>
    %slice3A_123 = vector.extract_strided_slice %dot_general3A_12 {offsets = [80, 0], sizes = [8, 576], strides = [1, 1]} : vector<1024x576xf32> to vector<8x576xf32>
    %sub3A_124 = vector.broadcast %broadcast_in_dim3A : vector<1x576xf32> to vector<8x576xf32>
    %sub3A_125 = arith.subf %sub3A_124, %slice3A_123 : vector<8x576xf32>
    %slice3A_126 = vector.extract_strided_slice %broadcast_in_dim3A_11 {offsets = [80, 0], sizes = [8, 1], strides = [1, 1]} : vector<1024x1xf32> to vector<8x1xf32>
    %add3A_127 = vector.broadcast %slice3A_126 : vector<8x1xf32> to vector<8x576xf32>
    %add3A_128 = arith.addf %sub3A_125, %add3A_127 : vector<8x576xf32>
    %lt3A_129 = arith.cmpf olt, %add3A_128, %select_n3A_118 : vector<8x576xf32>
    %select_n3A_130 = arith.select %lt3A_129, %add3A_128, %select_n3A_118 : vector<8x576xi1>, vector<8x576xf32>
    %add3A_131 = arith.constant 80 : i32
    %add3A_132 = vector.broadcast %add3A_131 : i32 to vector<8x576xi32>
    %add3A_133 = arith.addi %iota3A, %add3A_132 : vector<8x576xi32>
    %select_n3A_134 = arith.select %lt3A_129, %add3A_133, %select_n3A_122 : vector<8x576xi1>, vector<8x576xi32>
    %slice3A_135 = vector.extract_strided_slice %dot_general3A_12 {offsets = [88, 0], sizes = [8, 576], strides = [1, 1]} : vector<1024x576xf32> to vector<8x576xf32>
    %sub3A_136 = vector.broadcast %broadcast_in_dim3A : vector<1x576xf32> to vector<8x576xf32>
    %sub3A_137 = arith.subf %sub3A_136, %slice3A_135 : vector<8x576xf32>
    %slice3A_138 = vector.extract_strided_slice %broadcast_in_dim3A_11 {offsets = [88, 0], sizes = [8, 1], strides = [1, 1]} : vector<1024x1xf32> to vector<8x1xf32>
    %add3A_139 = vector.broadcast %slice3A_138 : vector<8x1xf32> to vector<8x576xf32>
    %add3A_140 = arith.addf %sub3A_137, %add3A_139 : vector<8x576xf32>
    %lt3A_141 = arith.cmpf olt, %add3A_140, %select_n3A_130 : vector<8x576xf32>
    %select_n3A_142 = arith.select %lt3A_141, %add3A_140, %select_n3A_130 : vector<8x576xi1>, vector<8x576xf32>
    %add3A_143 = arith.constant 88 : i32
    %add3A_144 = vector.broadcast %add3A_143 : i32 to vector<8x576xi32>
    %add3A_145 = arith.addi %iota3A, %add3A_144 : vector<8x576xi32>
    %select_n3A_146 = arith.select %lt3A_141, %add3A_145, %select_n3A_134 : vector<8x576xi1>, vector<8x576xi32>
    %slice3A_147 = vector.extract_strided_slice %dot_general3A_12 {offsets = [96, 0], sizes = [8, 576], strides = [1, 1]} : vector<1024x576xf32> to vector<8x576xf32>
    %sub3A_148 = vector.broadcast %broadcast_in_dim3A : vector<1x576xf32> to vector<8x576xf32>
    %sub3A_149 = arith.subf %sub3A_148, %slice3A_147 : vector<8x576xf32>
    %slice3A_150 = vector.extract_strided_slice %broadcast_in_dim3A_11 {offsets = [96, 0], sizes = [8, 1], strides = [1, 1]} : vector<1024x1xf32> to vector<8x1xf32>
    %add3A_151 = vector.broadcast %slice3A_150 : vector<8x1xf32> to vector<8x576xf32>
    %add3A_152 = arith.addf %sub3A_149, %add3A_151 : vector<8x576xf32>
    %lt3A_153 = arith.cmpf olt, %add3A_152, %select_n3A_142 : vector<8x576xf32>
    %select_n3A_154 = arith.select %lt3A_153, %add3A_152, %select_n3A_142 : vector<8x576xi1>, vector<8x576xf32>
    %add3A_155 = arith.constant 96 : i32
    %add3A_156 = vector.broadcast %add3A_155 : i32 to vector<8x576xi32>
    %add3A_157 = arith.addi %iota3A, %add3A_156 : vector<8x576xi32>
    %select_n3A_158 = arith.select %lt3A_153, %add3A_157, %select_n3A_146 : vector<8x576xi1>, vector<8x576xi32>
    %slice3A_159 = vector.extract_strided_slice %dot_general3A_12 {offsets = [104, 0], sizes = [8, 576], strides = [1, 1]} : vector<1024x576xf32> to vector<8x576xf32>
    %sub3A_160 = vector.broadcast %broadcast_in_dim3A : vector<1x576xf32> to vector<8x576xf32>
    %sub3A_161 = arith.subf %sub3A_160, %slice3A_159 : vector<8x576xf32>
    %slice3A_162 = vector.extract_strided_slice %broadcast_in_dim3A_11 {offsets = [104, 0], sizes = [8, 1], strides = [1, 1]} : vector<1024x1xf32> to vector<8x1xf32>
    %add3A_163 = vector.broadcast %slice3A_162 : vector<8x1xf32> to vector<8x576xf32>
    %add3A_164 = arith.addf %sub3A_161, %add3A_163 : vector<8x576xf32>
    %lt3A_165 = arith.cmpf olt, %add3A_164, %select_n3A_154 : vector<8x576xf32>
    %select_n3A_166 = arith.select %lt3A_165, %add3A_164, %select_n3A_154 : vector<8x576xi1>, vector<8x576xf32>
    %add3A_167 = arith.constant 104 : i32
    %add3A_168 = vector.broadcast %add3A_167 : i32 to vector<8x576xi32>
    %add3A_169 = arith.addi %iota3A, %add3A_168 : vector<8x576xi32>
    %select_n3A_170 = arith.select %lt3A_165, %add3A_169, %select_n3A_158 : vector<8x576xi1>, vector<8x576xi32>
    %slice3A_171 = vector.extract_strided_slice %dot_general3A_12 {offsets = [112, 0], sizes = [8, 576], strides = [1, 1]} : vector<1024x576xf32> to vector<8x576xf32>
    %sub3A_172 = vector.broadcast %broadcast_in_dim3A : vector<1x576xf32> to vector<8x576xf32>
    %sub3A_173 = arith.subf %sub3A_172, %slice3A_171 : vector<8x576xf32>
    %slice3A_174 = vector.extract_strided_slice %broadcast_in_dim3A_11 {offsets = [112, 0], sizes = [8, 1], strides = [1, 1]} : vector<1024x1xf32> to vector<8x1xf32>
    %add3A_175 = vector.broadcast %slice3A_174 : vector<8x1xf32> to vector<8x576xf32>
    %add3A_176 = arith.addf %sub3A_173, %add3A_175 : vector<8x576xf32>
    %lt3A_177 = arith.cmpf olt, %add3A_176, %select_n3A_166 : vector<8x576xf32>
    %select_n3A_178 = arith.select %lt3A_177, %add3A_176, %select_n3A_166 : vector<8x576xi1>, vector<8x576xf32>
    %add3A_179 = arith.constant 112 : i32
    %add3A_180 = vector.broadcast %add3A_179 : i32 to vector<8x576xi32>
    %add3A_181 = arith.addi %iota3A, %add3A_180 : vector<8x576xi32>
    %select_n3A_182 = arith.select %lt3A_177, %add3A_181, %select_n3A_170 : vector<8x576xi1>, vector<8x576xi32>
    %slice3A_183 = vector.extract_strided_slice %dot_general3A_12 {offsets = [120, 0], sizes = [8, 576], strides = [1, 1]} : vector<1024x576xf32> to vector<8x576xf32>
    %sub3A_184 = vector.broadcast %broadcast_in_dim3A : vector<1x576xf32> to vector<8x576xf32>
    %sub3A_185 = arith.subf %sub3A_184, %slice3A_183 : vector<8x576xf32>
    %slice3A_186 = vector.extract_strided_slice %broadcast_in_dim3A_11 {offsets = [120, 0], sizes = [8, 1], strides = [1, 1]} : vector<1024x1xf32> to vector<8x1xf32>
    %add3A_187 = vector.broadcast %slice3A_186 : vector<8x1xf32> to vector<8x576xf32>
    %add3A_188 = arith.addf %sub3A_185, %add3A_187 : vector<8x576xf32>
    %lt3A_189 = arith.cmpf olt, %add3A_188, %select_n3A_178 : vector<8x576xf32>
    %select_n3A_190 = arith.select %lt3A_189, %add3A_188, %select_n3A_178 : vector<8x576xi1>, vector<8x576xf32>
    %add3A_191 = arith.constant 120 : i32
    %add3A_192 = vector.broadcast %add3A_191 : i32 to vector<8x576xi32>
    %add3A_193 = arith.addi %iota3A, %add3A_192 : vector<8x576xi32>
    %select_n3A_194 = arith.select %lt3A_189, %add3A_193, %select_n3A_182 : vector<8x576xi1>, vector<8x576xi32>
    %slice3A_195 = vector.extract_strided_slice %dot_general3A_12 {offsets = [128, 0], sizes = [8, 576], strides = [1, 1]} : vector<1024x576xf32> to vector<8x576xf32>
    %sub3A_196 = vector.broadcast %broadcast_in_dim3A : vector<1x576xf32> to vector<8x576xf32>
    %sub3A_197 = arith.subf %sub3A_196, %slice3A_195 : vector<8x576xf32>
    %slice3A_198 = vector.extract_strided_slice %broadcast_in_dim3A_11 {offsets = [128, 0], sizes = [8, 1], strides = [1, 1]} : vector<1024x1xf32> to vector<8x1xf32>
    %add3A_199 = vector.broadcast %slice3A_198 : vector<8x1xf32> to vector<8x576xf32>
    %add3A_200 = arith.addf %sub3A_197, %add3A_199 : vector<8x576xf32>
    %lt3A_201 = arith.cmpf olt, %add3A_200, %select_n3A_190 : vector<8x576xf32>
    %select_n3A_202 = arith.select %lt3A_201, %add3A_200, %select_n3A_190 : vector<8x576xi1>, vector<8x576xf32>
    %add3A_203 = arith.constant 128 : i32
    %add3A_204 = vector.broadcast %add3A_203 : i32 to vector<8x576xi32>
    %add3A_205 = arith.addi %iota3A, %add3A_204 : vector<8x576xi32>
    %select_n3A_206 = arith.select %lt3A_201, %add3A_205, %select_n3A_194 : vector<8x576xi1>, vector<8x576xi32>
    %slice3A_207 = vector.extract_strided_slice %dot_general3A_12 {offsets = [136, 0], sizes = [8, 576], strides = [1, 1]} : vector<1024x576xf32> to vector<8x576xf32>
    %sub3A_208 = vector.broadcast %broadcast_in_dim3A : vector<1x576xf32> to vector<8x576xf32>
    %sub3A_209 = arith.subf %sub3A_208, %slice3A_207 : vector<8x576xf32>
    %slice3A_210 = vector.extract_strided_slice %broadcast_in_dim3A_11 {offsets = [136, 0], sizes = [8, 1], strides = [1, 1]} : vector<1024x1xf32> to vector<8x1xf32>
    %add3A_211 = vector.broadcast %slice3A_210 : vector<8x1xf32> to vector<8x576xf32>
    %add3A_212 = arith.addf %sub3A_209, %add3A_211 : vector<8x576xf32>
    %lt3A_213 = arith.cmpf olt, %add3A_212, %select_n3A_202 : vector<8x576xf32>
    %select_n3A_214 = arith.select %lt3A_213, %add3A_212, %select_n3A_202 : vector<8x576xi1>, vector<8x576xf32>
    %add3A_215 = arith.constant 136 : i32
    %add3A_216 = vector.broadcast %add3A_215 : i32 to vector<8x576xi32>
    %add3A_217 = arith.addi %iota3A, %add3A_216 : vector<8x576xi32>
    %select_n3A_218 = arith.select %lt3A_213, %add3A_217, %select_n3A_206 : vector<8x576xi1>, vector<8x576xi32>
    %slice3A_219 = vector.extract_strided_slice %dot_general3A_12 {offsets = [144, 0], sizes = [8, 576], strides = [1, 1]} : vector<1024x576xf32> to vector<8x576xf32>
    %sub3A_220 = vector.broadcast %broadcast_in_dim3A : vector<1x576xf32> to vector<8x576xf32>
    %sub3A_221 = arith.subf %sub3A_220, %slice3A_219 : vector<8x576xf32>
    %slice3A_222 = vector.extract_strided_slice %broadcast_in_dim3A_11 {offsets = [144, 0], sizes = [8, 1], strides = [1, 1]} : vector<1024x1xf32> to vector<8x1xf32>
    %add3A_223 = vector.broadcast %slice3A_222 : vector<8x1xf32> to vector<8x576xf32>
    %add3A_224 = arith.addf %sub3A_221, %add3A_223 : vector<8x576xf32>
    %lt3A_225 = arith.cmpf olt, %add3A_224, %select_n3A_214 : vector<8x576xf32>
    %select_n3A_226 = arith.select %lt3A_225, %add3A_224, %select_n3A_214 : vector<8x576xi1>, vector<8x576xf32>
    %add3A_227 = arith.constant 144 : i32
    %add3A_228 = vector.broadcast %add3A_227 : i32 to vector<8x576xi32>
    %add3A_229 = arith.addi %iota3A, %add3A_228 : vector<8x576xi32>
    %select_n3A_230 = arith.select %lt3A_225, %add3A_229, %select_n3A_218 : vector<8x576xi1>, vector<8x576xi32>
    %slice3A_231 = vector.extract_strided_slice %dot_general3A_12 {offsets = [152, 0], sizes = [8, 576], strides = [1, 1]} : vector<1024x576xf32> to vector<8x576xf32>
    %sub3A_232 = vector.broadcast %broadcast_in_dim3A : vector<1x576xf32> to vector<8x576xf32>
    %sub3A_233 = arith.subf %sub3A_232, %slice3A_231 : vector<8x576xf32>
    %slice3A_234 = vector.extract_strided_slice %broadcast_in_dim3A_11 {offsets = [152, 0], sizes = [8, 1], strides = [1, 1]} : vector<1024x1xf32> to vector<8x1xf32>
    %add3A_235 = vector.broadcast %slice3A_234 : vector<8x1xf32> to vector<8x576xf32>
    %add3A_236 = arith.addf %sub3A_233, %add3A_235 : vector<8x576xf32>
    %lt3A_237 = arith.cmpf olt, %add3A_236, %select_n3A_226 : vector<8x576xf32>
    %select_n3A_238 = arith.select %lt3A_237, %add3A_236, %select_n3A_226 : vector<8x576xi1>, vector<8x576xf32>
    %add3A_239 = arith.constant 152 : i32
    %add3A_240 = vector.broadcast %add3A_239 : i32 to vector<8x576xi32>
    %add3A_241 = arith.addi %iota3A, %add3A_240 : vector<8x576xi32>
    %select_n3A_242 = arith.select %lt3A_237, %add3A_241, %select_n3A_230 : vector<8x576xi1>, vector<8x576xi32>
    %slice3A_243 = vector.extract_strided_slice %dot_general3A_12 {offsets = [160, 0], sizes = [8, 576], strides = [1, 1]} : vector<1024x576xf32> to vector<8x576xf32>
    %sub3A_244 = vector.broadcast %broadcast_in_dim3A : vector<1x576xf32> to vector<8x576xf32>
    %sub3A_245 = arith.subf %sub3A_244, %slice3A_243 : vector<8x576xf32>
    %slice3A_246 = vector.extract_strided_slice %broadcast_in_dim3A_11 {offsets = [160, 0], sizes = [8, 1], strides = [1, 1]} : vector<1024x1xf32> to vector<8x1xf32>
    %add3A_247 = vector.broadcast %slice3A_246 : vector<8x1xf32> to vector<8x576xf32>
    %add3A_248 = arith.addf %sub3A_245, %add3A_247 : vector<8x576xf32>
    %lt3A_249 = arith.cmpf olt, %add3A_248, %select_n3A_238 : vector<8x576xf32>
    %select_n3A_250 = arith.select %lt3A_249, %add3A_248, %select_n3A_238 : vector<8x576xi1>, vector<8x576xf32>
    %add3A_251 = arith.constant 160 : i32
    %add3A_252 = vector.broadcast %add3A_251 : i32 to vector<8x576xi32>
    %add3A_253 = arith.addi %iota3A, %add3A_252 : vector<8x576xi32>
    %select_n3A_254 = arith.select %lt3A_249, %add3A_253, %select_n3A_242 : vector<8x576xi1>, vector<8x576xi32>
    %slice3A_255 = vector.extract_strided_slice %dot_general3A_12 {offsets = [168, 0], sizes = [8, 576], strides = [1, 1]} : vector<1024x576xf32> to vector<8x576xf32>
    %sub3A_256 = vector.broadcast %broadcast_in_dim3A : vector<1x576xf32> to vector<8x576xf32>
    %sub3A_257 = arith.subf %sub3A_256, %slice3A_255 : vector<8x576xf32>
    %slice3A_258 = vector.extract_strided_slice %broadcast_in_dim3A_11 {offsets = [168, 0], sizes = [8, 1], strides = [1, 1]} : vector<1024x1xf32> to vector<8x1xf32>
    %add3A_259 = vector.broadcast %slice3A_258 : vector<8x1xf32> to vector<8x576xf32>
    %add3A_260 = arith.addf %sub3A_257, %add3A_259 : vector<8x576xf32>
    %lt3A_261 = arith.cmpf olt, %add3A_260, %select_n3A_250 : vector<8x576xf32>
    %select_n3A_262 = arith.select %lt3A_261, %add3A_260, %select_n3A_250 : vector<8x576xi1>, vector<8x576xf32>
    %add3A_263 = arith.constant 168 : i32
    %add3A_264 = vector.broadcast %add3A_263 : i32 to vector<8x576xi32>
    %add3A_265 = arith.addi %iota3A, %add3A_264 : vector<8x576xi32>
    %select_n3A_266 = arith.select %lt3A_261, %add3A_265, %select_n3A_254 : vector<8x576xi1>, vector<8x576xi32>
    %slice3A_267 = vector.extract_strided_slice %dot_general3A_12 {offsets = [176, 0], sizes = [8, 576], strides = [1, 1]} : vector<1024x576xf32> to vector<8x576xf32>
    %sub3A_268 = vector.broadcast %broadcast_in_dim3A : vector<1x576xf32> to vector<8x576xf32>
    %sub3A_269 = arith.subf %sub3A_268, %slice3A_267 : vector<8x576xf32>
    %slice3A_270 = vector.extract_strided_slice %broadcast_in_dim3A_11 {offsets = [176, 0], sizes = [8, 1], strides = [1, 1]} : vector<1024x1xf32> to vector<8x1xf32>
    %add3A_271 = vector.broadcast %slice3A_270 : vector<8x1xf32> to vector<8x576xf32>
    %add3A_272 = arith.addf %sub3A_269, %add3A_271 : vector<8x576xf32>
    %lt3A_273 = arith.cmpf olt, %add3A_272, %select_n3A_262 : vector<8x576xf32>
    %select_n3A_274 = arith.select %lt3A_273, %add3A_272, %select_n3A_262 : vector<8x576xi1>, vector<8x576xf32>
    %add3A_275 = arith.constant 176 : i32
    %add3A_276 = vector.broadcast %add3A_275 : i32 to vector<8x576xi32>
    %add3A_277 = arith.addi %iota3A, %add3A_276 : vector<8x576xi32>
    %select_n3A_278 = arith.select %lt3A_273, %add3A_277, %select_n3A_266 : vector<8x576xi1>, vector<8x576xi32>
    %slice3A_279 = vector.extract_strided_slice %dot_general3A_12 {offsets = [184, 0], sizes = [8, 576], strides = [1, 1]} : vector<1024x576xf32> to vector<8x576xf32>
    %sub3A_280 = vector.broadcast %broadcast_in_dim3A : vector<1x576xf32> to vector<8x576xf32>
    %sub3A_281 = arith.subf %sub3A_280, %slice3A_279 : vector<8x576xf32>
    %slice3A_282 = vector.extract_strided_slice %broadcast_in_dim3A_11 {offsets = [184, 0], sizes = [8, 1], strides = [1, 1]} : vector<1024x1xf32> to vector<8x1xf32>
    %add3A_283 = vector.broadcast %slice3A_282 : vector<8x1xf32> to vector<8x576xf32>
    %add3A_284 = arith.addf %sub3A_281, %add3A_283 : vector<8x576xf32>
    %lt3A_285 = arith.cmpf olt, %add3A_284, %select_n3A_274 : vector<8x576xf32>
    %select_n3A_286 = arith.select %lt3A_285, %add3A_284, %select_n3A_274 : vector<8x576xi1>, vector<8x576xf32>
    %add3A_287 = arith.constant 184 : i32
    %add3A_288 = vector.broadcast %add3A_287 : i32 to vector<8x576xi32>
    %add3A_289 = arith.addi %iota3A, %add3A_288 : vector<8x576xi32>
    %select_n3A_290 = arith.select %lt3A_285, %add3A_289, %select_n3A_278 : vector<8x576xi1>, vector<8x576xi32>
    %slice3A_291 = vector.extract_strided_slice %dot_general3A_12 {offsets = [192, 0], sizes = [8, 576], strides = [1, 1]} : vector<1024x576xf32> to vector<8x576xf32>
    %sub3A_292 = vector.broadcast %broadcast_in_dim3A : vector<1x576xf32> to vector<8x576xf32>
    %sub3A_293 = arith.subf %sub3A_292, %slice3A_291 : vector<8x576xf32>
    %slice3A_294 = vector.extract_strided_slice %broadcast_in_dim3A_11 {offsets = [192, 0], sizes = [8, 1], strides = [1, 1]} : vector<1024x1xf32> to vector<8x1xf32>
    %add3A_295 = vector.broadcast %slice3A_294 : vector<8x1xf32> to vector<8x576xf32>
    %add3A_296 = arith.addf %sub3A_293, %add3A_295 : vector<8x576xf32>
    %lt3A_297 = arith.cmpf olt, %add3A_296, %select_n3A_286 : vector<8x576xf32>
    %select_n3A_298 = arith.select %lt3A_297, %add3A_296, %select_n3A_286 : vector<8x576xi1>, vector<8x576xf32>
    %add3A_299 = arith.constant 192 : i32
    %add3A_300 = vector.broadcast %add3A_299 : i32 to vector<8x576xi32>
    %add3A_301 = arith.addi %iota3A, %add3A_300 : vector<8x576xi32>
    %select_n3A_302 = arith.select %lt3A_297, %add3A_301, %select_n3A_290 : vector<8x576xi1>, vector<8x576xi32>
    %slice3A_303 = vector.extract_strided_slice %dot_general3A_12 {offsets = [200, 0], sizes = [8, 576], strides = [1, 1]} : vector<1024x576xf32> to vector<8x576xf32>
    %sub3A_304 = vector.broadcast %broadcast_in_dim3A : vector<1x576xf32> to vector<8x576xf32>
    %sub3A_305 = arith.subf %sub3A_304, %slice3A_303 : vector<8x576xf32>
    %slice3A_306 = vector.extract_strided_slice %broadcast_in_dim3A_11 {offsets = [200, 0], sizes = [8, 1], strides = [1, 1]} : vector<1024x1xf32> to vector<8x1xf32>
    %add3A_307 = vector.broadcast %slice3A_306 : vector<8x1xf32> to vector<8x576xf32>
    %add3A_308 = arith.addf %sub3A_305, %add3A_307 : vector<8x576xf32>
    %lt3A_309 = arith.cmpf olt, %add3A_308, %select_n3A_298 : vector<8x576xf32>
    %select_n3A_310 = arith.select %lt3A_309, %add3A_308, %select_n3A_298 : vector<8x576xi1>, vector<8x576xf32>
    %add3A_311 = arith.constant 200 : i32
    %add3A_312 = vector.broadcast %add3A_311 : i32 to vector<8x576xi32>
    %add3A_313 = arith.addi %iota3A, %add3A_312 : vector<8x576xi32>
    %select_n3A_314 = arith.select %lt3A_309, %add3A_313, %select_n3A_302 : vector<8x576xi1>, vector<8x576xi32>
    %slice3A_315 = vector.extract_strided_slice %dot_general3A_12 {offsets = [208, 0], sizes = [8, 576], strides = [1, 1]} : vector<1024x576xf32> to vector<8x576xf32>
    %sub3A_316 = vector.broadcast %broadcast_in_dim3A : vector<1x576xf32> to vector<8x576xf32>
    %sub3A_317 = arith.subf %sub3A_316, %slice3A_315 : vector<8x576xf32>
    %slice3A_318 = vector.extract_strided_slice %broadcast_in_dim3A_11 {offsets = [208, 0], sizes = [8, 1], strides = [1, 1]} : vector<1024x1xf32> to vector<8x1xf32>
    %add3A_319 = vector.broadcast %slice3A_318 : vector<8x1xf32> to vector<8x576xf32>
    %add3A_320 = arith.addf %sub3A_317, %add3A_319 : vector<8x576xf32>
    %lt3A_321 = arith.cmpf olt, %add3A_320, %select_n3A_310 : vector<8x576xf32>
    %select_n3A_322 = arith.select %lt3A_321, %add3A_320, %select_n3A_310 : vector<8x576xi1>, vector<8x576xf32>
    %add3A_323 = arith.constant 208 : i32
    %add3A_324 = vector.broadcast %add3A_323 : i32 to vector<8x576xi32>
    %add3A_325 = arith.addi %iota3A, %add3A_324 : vector<8x576xi32>
    %select_n3A_326 = arith.select %lt3A_321, %add3A_325, %select_n3A_314 : vector<8x576xi1>, vector<8x576xi32>
    %slice3A_327 = vector.extract_strided_slice %dot_general3A_12 {offsets = [216, 0], sizes = [8, 576], strides = [1, 1]} : vector<1024x576xf32> to vector<8x576xf32>
    %sub3A_328 = vector.broadcast %broadcast_in_dim3A : vector<1x576xf32> to vector<8x576xf32>
    %sub3A_329 = arith.subf %sub3A_328, %slice3A_327 : vector<8x576xf32>
    %slice3A_330 = vector.extract_strided_slice %broadcast_in_dim3A_11 {offsets = [216, 0], sizes = [8, 1], strides = [1, 1]} : vector<1024x1xf32> to vector<8x1xf32>
    %add3A_331 = vector.broadcast %slice3A_330 : vector<8x1xf32> to vector<8x576xf32>
    %add3A_332 = arith.addf %sub3A_329, %add3A_331 : vector<8x576xf32>
    %lt3A_333 = arith.cmpf olt, %add3A_332, %select_n3A_322 : vector<8x576xf32>
    %select_n3A_334 = arith.select %lt3A_333, %add3A_332, %select_n3A_322 : vector<8x576xi1>, vector<8x576xf32>
    %add3A_335 = arith.constant 216 : i32
    %add3A_336 = vector.broadcast %add3A_335 : i32 to vector<8x576xi32>
    %add3A_337 = arith.addi %iota3A, %add3A_336 : vector<8x576xi32>
    %select_n3A_338 = arith.select %lt3A_333, %add3A_337, %select_n3A_326 : vector<8x576xi1>, vector<8x576xi32>
    %slice3A_339 = vector.extract_strided_slice %dot_general3A_12 {offsets = [224, 0], sizes = [8, 576], strides = [1, 1]} : vector<1024x576xf32> to vector<8x576xf32>
    %sub3A_340 = vector.broadcast %broadcast_in_dim3A : vector<1x576xf32> to vector<8x576xf32>
    %sub3A_341 = arith.subf %sub3A_340, %slice3A_339 : vector<8x576xf32>
    %slice3A_342 = vector.extract_strided_slice %broadcast_in_dim3A_11 {offsets = [224, 0], sizes = [8, 1], strides = [1, 1]} : vector<1024x1xf32> to vector<8x1xf32>
    %add3A_343 = vector.broadcast %slice3A_342 : vector<8x1xf32> to vector<8x576xf32>
    %add3A_344 = arith.addf %sub3A_341, %add3A_343 : vector<8x576xf32>
    %lt3A_345 = arith.cmpf olt, %add3A_344, %select_n3A_334 : vector<8x576xf32>
    %select_n3A_346 = arith.select %lt3A_345, %add3A_344, %select_n3A_334 : vector<8x576xi1>, vector<8x576xf32>
    %add3A_347 = arith.constant 224 : i32
    %add3A_348 = vector.broadcast %add3A_347 : i32 to vector<8x576xi32>
    %add3A_349 = arith.addi %iota3A, %add3A_348 : vector<8x576xi32>
    %select_n3A_350 = arith.select %lt3A_345, %add3A_349, %select_n3A_338 : vector<8x576xi1>, vector<8x576xi32>
    %slice3A_351 = vector.extract_strided_slice %dot_general3A_12 {offsets = [232, 0], sizes = [8, 576], strides = [1, 1]} : vector<1024x576xf32> to vector<8x576xf32>
    %sub3A_352 = vector.broadcast %broadcast_in_dim3A : vector<1x576xf32> to vector<8x576xf32>
    %sub3A_353 = arith.subf %sub3A_352, %slice3A_351 : vector<8x576xf32>
    %slice3A_354 = vector.extract_strided_slice %broadcast_in_dim3A_11 {offsets = [232, 0], sizes = [8, 1], strides = [1, 1]} : vector<1024x1xf32> to vector<8x1xf32>
    %add3A_355 = vector.broadcast %slice3A_354 : vector<8x1xf32> to vector<8x576xf32>
    %add3A_356 = arith.addf %sub3A_353, %add3A_355 : vector<8x576xf32>
    %lt3A_357 = arith.cmpf olt, %add3A_356, %select_n3A_346 : vector<8x576xf32>
    %select_n3A_358 = arith.select %lt3A_357, %add3A_356, %select_n3A_346 : vector<8x576xi1>, vector<8x576xf32>
    %add3A_359 = arith.constant 232 : i32
    %add3A_360 = vector.broadcast %add3A_359 : i32 to vector<8x576xi32>
    %add3A_361 = arith.addi %iota3A, %add3A_360 : vector<8x576xi32>
    %select_n3A_362 = arith.select %lt3A_357, %add3A_361, %select_n3A_350 : vector<8x576xi1>, vector<8x576xi32>
    %slice3A_363 = vector.extract_strided_slice %dot_general3A_12 {offsets = [240, 0], sizes = [8, 576], strides = [1, 1]} : vector<1024x576xf32> to vector<8x576xf32>
    %sub3A_364 = vector.broadcast %broadcast_in_dim3A : vector<1x576xf32> to vector<8x576xf32>
    %sub3A_365 = arith.subf %sub3A_364, %slice3A_363 : vector<8x576xf32>
    %slice3A_366 = vector.extract_strided_slice %broadcast_in_dim3A_11 {offsets = [240, 0], sizes = [8, 1], strides = [1, 1]} : vector<1024x1xf32> to vector<8x1xf32>
    %add3A_367 = vector.broadcast %slice3A_366 : vector<8x1xf32> to vector<8x576xf32>
    %add3A_368 = arith.addf %sub3A_365, %add3A_367 : vector<8x576xf32>
    %lt3A_369 = arith.cmpf olt, %add3A_368, %select_n3A_358 : vector<8x576xf32>
    %select_n3A_370 = arith.select %lt3A_369, %add3A_368, %select_n3A_358 : vector<8x576xi1>, vector<8x576xf32>
    %add3A_371 = arith.constant 240 : i32
    %add3A_372 = vector.broadcast %add3A_371 : i32 to vector<8x576xi32>
    %add3A_373 = arith.addi %iota3A, %add3A_372 : vector<8x576xi32>
    %select_n3A_374 = arith.select %lt3A_369, %add3A_373, %select_n3A_362 : vector<8x576xi1>, vector<8x576xi32>
    %slice3A_375 = vector.extract_strided_slice %dot_general3A_12 {offsets = [248, 0], sizes = [8, 576], strides = [1, 1]} : vector<1024x576xf32> to vector<8x576xf32>
    %sub3A_376 = vector.broadcast %broadcast_in_dim3A : vector<1x576xf32> to vector<8x576xf32>
    %sub3A_377 = arith.subf %sub3A_376, %slice3A_375 : vector<8x576xf32>
    %slice3A_378 = vector.extract_strided_slice %broadcast_in_dim3A_11 {offsets = [248, 0], sizes = [8, 1], strides = [1, 1]} : vector<1024x1xf32> to vector<8x1xf32>
    %add3A_379 = vector.broadcast %slice3A_378 : vector<8x1xf32> to vector<8x576xf32>
    %add3A_380 = arith.addf %sub3A_377, %add3A_379 : vector<8x576xf32>
    %lt3A_381 = arith.cmpf olt, %add3A_380, %select_n3A_370 : vector<8x576xf32>
    %select_n3A_382 = arith.select %lt3A_381, %add3A_380, %select_n3A_370 : vector<8x576xi1>, vector<8x576xf32>
    %add3A_383 = arith.constant 248 : i32
    %add3A_384 = vector.broadcast %add3A_383 : i32 to vector<8x576xi32>
    %add3A_385 = arith.addi %iota3A, %add3A_384 : vector<8x576xi32>
    %select_n3A_386 = arith.select %lt3A_381, %add3A_385, %select_n3A_374 : vector<8x576xi1>, vector<8x576xi32>
    %slice3A_387 = vector.extract_strided_slice %dot_general3A_12 {offsets = [256, 0], sizes = [8, 576], strides = [1, 1]} : vector<1024x576xf32> to vector<8x576xf32>
    %sub3A_388 = vector.broadcast %broadcast_in_dim3A : vector<1x576xf32> to vector<8x576xf32>
    %sub3A_389 = arith.subf %sub3A_388, %slice3A_387 : vector<8x576xf32>
    %slice3A_390 = vector.extract_strided_slice %broadcast_in_dim3A_11 {offsets = [256, 0], sizes = [8, 1], strides = [1, 1]} : vector<1024x1xf32> to vector<8x1xf32>
    %add3A_391 = vector.broadcast %slice3A_390 : vector<8x1xf32> to vector<8x576xf32>
    %add3A_392 = arith.addf %sub3A_389, %add3A_391 : vector<8x576xf32>
    %lt3A_393 = arith.cmpf olt, %add3A_392, %select_n3A_382 : vector<8x576xf32>
    %select_n3A_394 = arith.select %lt3A_393, %add3A_392, %select_n3A_382 : vector<8x576xi1>, vector<8x576xf32>
    %add3A_395 = arith.constant 256 : i32
    %add3A_396 = vector.broadcast %add3A_395 : i32 to vector<8x576xi32>
    %add3A_397 = arith.addi %iota3A, %add3A_396 : vector<8x576xi32>
    %select_n3A_398 = arith.select %lt3A_393, %add3A_397, %select_n3A_386 : vector<8x576xi1>, vector<8x576xi32>
    %slice3A_399 = vector.extract_strided_slice %dot_general3A_12 {offsets = [264, 0], sizes = [8, 576], strides = [1, 1]} : vector<1024x576xf32> to vector<8x576xf32>
    %sub3A_400 = vector.broadcast %broadcast_in_dim3A : vector<1x576xf32> to vector<8x576xf32>
    %sub3A_401 = arith.subf %sub3A_400, %slice3A_399 : vector<8x576xf32>
    %slice3A_402 = vector.extract_strided_slice %broadcast_in_dim3A_11 {offsets = [264, 0], sizes = [8, 1], strides = [1, 1]} : vector<1024x1xf32> to vector<8x1xf32>
    %add3A_403 = vector.broadcast %slice3A_402 : vector<8x1xf32> to vector<8x576xf32>
    %add3A_404 = arith.addf %sub3A_401, %add3A_403 : vector<8x576xf32>
    %lt3A_405 = arith.cmpf olt, %add3A_404, %select_n3A_394 : vector<8x576xf32>
    %select_n3A_406 = arith.select %lt3A_405, %add3A_404, %select_n3A_394 : vector<8x576xi1>, vector<8x576xf32>
    %add3A_407 = arith.constant 264 : i32
    %add3A_408 = vector.broadcast %add3A_407 : i32 to vector<8x576xi32>
    %add3A_409 = arith.addi %iota3A, %add3A_408 : vector<8x576xi32>
    %select_n3A_410 = arith.select %lt3A_405, %add3A_409, %select_n3A_398 : vector<8x576xi1>, vector<8x576xi32>
    %slice3A_411 = vector.extract_strided_slice %dot_general3A_12 {offsets = [272, 0], sizes = [8, 576], strides = [1, 1]} : vector<1024x576xf32> to vector<8x576xf32>
    %sub3A_412 = vector.broadcast %broadcast_in_dim3A : vector<1x576xf32> to vector<8x576xf32>
    %sub3A_413 = arith.subf %sub3A_412, %slice3A_411 : vector<8x576xf32>
    %slice3A_414 = vector.extract_strided_slice %broadcast_in_dim3A_11 {offsets = [272, 0], sizes = [8, 1], strides = [1, 1]} : vector<1024x1xf32> to vector<8x1xf32>
    %add3A_415 = vector.broadcast %slice3A_414 : vector<8x1xf32> to vector<8x576xf32>
    %add3A_416 = arith.addf %sub3A_413, %add3A_415 : vector<8x576xf32>
    %lt3A_417 = arith.cmpf olt, %add3A_416, %select_n3A_406 : vector<8x576xf32>
    %select_n3A_418 = arith.select %lt3A_417, %add3A_416, %select_n3A_406 : vector<8x576xi1>, vector<8x576xf32>
    %add3A_419 = arith.constant 272 : i32
    %add3A_420 = vector.broadcast %add3A_419 : i32 to vector<8x576xi32>
    %add3A_421 = arith.addi %iota3A, %add3A_420 : vector<8x576xi32>
    %select_n3A_422 = arith.select %lt3A_417, %add3A_421, %select_n3A_410 : vector<8x576xi1>, vector<8x576xi32>
    %slice3A_423 = vector.extract_strided_slice %dot_general3A_12 {offsets = [280, 0], sizes = [8, 576], strides = [1, 1]} : vector<1024x576xf32> to vector<8x576xf32>
    %sub3A_424 = vector.broadcast %broadcast_in_dim3A : vector<1x576xf32> to vector<8x576xf32>
    %sub3A_425 = arith.subf %sub3A_424, %slice3A_423 : vector<8x576xf32>
    %slice3A_426 = vector.extract_strided_slice %broadcast_in_dim3A_11 {offsets = [280, 0], sizes = [8, 1], strides = [1, 1]} : vector<1024x1xf32> to vector<8x1xf32>
    %add3A_427 = vector.broadcast %slice3A_426 : vector<8x1xf32> to vector<8x576xf32>
    %add3A_428 = arith.addf %sub3A_425, %add3A_427 : vector<8x576xf32>
    %lt3A_429 = arith.cmpf olt, %add3A_428, %select_n3A_418 : vector<8x576xf32>
    %select_n3A_430 = arith.select %lt3A_429, %add3A_428, %select_n3A_418 : vector<8x576xi1>, vector<8x576xf32>
    %add3A_431 = arith.constant 280 : i32
    %add3A_432 = vector.broadcast %add3A_431 : i32 to vector<8x576xi32>
    %add3A_433 = arith.addi %iota3A, %add3A_432 : vector<8x576xi32>
    %select_n3A_434 = arith.select %lt3A_429, %add3A_433, %select_n3A_422 : vector<8x576xi1>, vector<8x576xi32>
    %slice3A_435 = vector.extract_strided_slice %dot_general3A_12 {offsets = [288, 0], sizes = [8, 576], strides = [1, 1]} : vector<1024x576xf32> to vector<8x576xf32>
    %sub3A_436 = vector.broadcast %broadcast_in_dim3A : vector<1x576xf32> to vector<8x576xf32>
    %sub3A_437 = arith.subf %sub3A_436, %slice3A_435 : vector<8x576xf32>
    %slice3A_438 = vector.extract_strided_slice %broadcast_in_dim3A_11 {offsets = [288, 0], sizes = [8, 1], strides = [1, 1]} : vector<1024x1xf32> to vector<8x1xf32>
    %add3A_439 = vector.broadcast %slice3A_438 : vector<8x1xf32> to vector<8x576xf32>
    %add3A_440 = arith.addf %sub3A_437, %add3A_439 : vector<8x576xf32>
    %lt3A_441 = arith.cmpf olt, %add3A_440, %select_n3A_430 : vector<8x576xf32>
    %select_n3A_442 = arith.select %lt3A_441, %add3A_440, %select_n3A_430 : vector<8x576xi1>, vector<8x576xf32>
    %add3A_443 = arith.constant 288 : i32
    %add3A_444 = vector.broadcast %add3A_443 : i32 to vector<8x576xi32>
    %add3A_445 = arith.addi %iota3A, %add3A_444 : vector<8x576xi32>
    %select_n3A_446 = arith.select %lt3A_441, %add3A_445, %select_n3A_434 : vector<8x576xi1>, vector<8x576xi32>
    %slice3A_447 = vector.extract_strided_slice %dot_general3A_12 {offsets = [296, 0], sizes = [8, 576], strides = [1, 1]} : vector<1024x576xf32> to vector<8x576xf32>
    %sub3A_448 = vector.broadcast %broadcast_in_dim3A : vector<1x576xf32> to vector<8x576xf32>
    %sub3A_449 = arith.subf %sub3A_448, %slice3A_447 : vector<8x576xf32>
    %slice3A_450 = vector.extract_strided_slice %broadcast_in_dim3A_11 {offsets = [296, 0], sizes = [8, 1], strides = [1, 1]} : vector<1024x1xf32> to vector<8x1xf32>
    %add3A_451 = vector.broadcast %slice3A_450 : vector<8x1xf32> to vector<8x576xf32>
    %add3A_452 = arith.addf %sub3A_449, %add3A_451 : vector<8x576xf32>
    %lt3A_453 = arith.cmpf olt, %add3A_452, %select_n3A_442 : vector<8x576xf32>
    %select_n3A_454 = arith.select %lt3A_453, %add3A_452, %select_n3A_442 : vector<8x576xi1>, vector<8x576xf32>
    %add3A_455 = arith.constant 296 : i32
    %add3A_456 = vector.broadcast %add3A_455 : i32 to vector<8x576xi32>
    %add3A_457 = arith.addi %iota3A, %add3A_456 : vector<8x576xi32>
    %select_n3A_458 = arith.select %lt3A_453, %add3A_457, %select_n3A_446 : vector<8x576xi1>, vector<8x576xi32>
    %slice3A_459 = vector.extract_strided_slice %dot_general3A_12 {offsets = [304, 0], sizes = [8, 576], strides = [1, 1]} : vector<1024x576xf32> to vector<8x576xf32>
    %sub3A_460 = vector.broadcast %broadcast_in_dim3A : vector<1x576xf32> to vector<8x576xf32>
    %sub3A_461 = arith.subf %sub3A_460, %slice3A_459 : vector<8x576xf32>
    %slice3A_462 = vector.extract_strided_slice %broadcast_in_dim3A_11 {offsets = [304, 0], sizes = [8, 1], strides = [1, 1]} : vector<1024x1xf32> to vector<8x1xf32>
    %add3A_463 = vector.broadcast %slice3A_462 : vector<8x1xf32> to vector<8x576xf32>
    %add3A_464 = arith.addf %sub3A_461, %add3A_463 : vector<8x576xf32>
    %lt3A_465 = arith.cmpf olt, %add3A_464, %select_n3A_454 : vector<8x576xf32>
    %select_n3A_466 = arith.select %lt3A_465, %add3A_464, %select_n3A_454 : vector<8x576xi1>, vector<8x576xf32>
    %add3A_467 = arith.constant 304 : i32
    %add3A_468 = vector.broadcast %add3A_467 : i32 to vector<8x576xi32>
    %add3A_469 = arith.addi %iota3A, %add3A_468 : vector<8x576xi32>
    %select_n3A_470 = arith.select %lt3A_465, %add3A_469, %select_n3A_458 : vector<8x576xi1>, vector<8x576xi32>
    %slice3A_471 = vector.extract_strided_slice %dot_general3A_12 {offsets = [312, 0], sizes = [8, 576], strides = [1, 1]} : vector<1024x576xf32> to vector<8x576xf32>
    %sub3A_472 = vector.broadcast %broadcast_in_dim3A : vector<1x576xf32> to vector<8x576xf32>
    %sub3A_473 = arith.subf %sub3A_472, %slice3A_471 : vector<8x576xf32>
    %slice3A_474 = vector.extract_strided_slice %broadcast_in_dim3A_11 {offsets = [312, 0], sizes = [8, 1], strides = [1, 1]} : vector<1024x1xf32> to vector<8x1xf32>
    %add3A_475 = vector.broadcast %slice3A_474 : vector<8x1xf32> to vector<8x576xf32>
    %add3A_476 = arith.addf %sub3A_473, %add3A_475 : vector<8x576xf32>
    %lt3A_477 = arith.cmpf olt, %add3A_476, %select_n3A_466 : vector<8x576xf32>
    %select_n3A_478 = arith.select %lt3A_477, %add3A_476, %select_n3A_466 : vector<8x576xi1>, vector<8x576xf32>
    %add3A_479 = arith.constant 312 : i32
    %add3A_480 = vector.broadcast %add3A_479 : i32 to vector<8x576xi32>
    %add3A_481 = arith.addi %iota3A, %add3A_480 : vector<8x576xi32>
    %select_n3A_482 = arith.select %lt3A_477, %add3A_481, %select_n3A_470 : vector<8x576xi1>, vector<8x576xi32>
    %slice3A_483 = vector.extract_strided_slice %dot_general3A_12 {offsets = [320, 0], sizes = [8, 576], strides = [1, 1]} : vector<1024x576xf32> to vector<8x576xf32>
    %sub3A_484 = vector.broadcast %broadcast_in_dim3A : vector<1x576xf32> to vector<8x576xf32>
    %sub3A_485 = arith.subf %sub3A_484, %slice3A_483 : vector<8x576xf32>
    %slice3A_486 = vector.extract_strided_slice %broadcast_in_dim3A_11 {offsets = [320, 0], sizes = [8, 1], strides = [1, 1]} : vector<1024x1xf32> to vector<8x1xf32>
    %add3A_487 = vector.broadcast %slice3A_486 : vector<8x1xf32> to vector<8x576xf32>
    %add3A_488 = arith.addf %sub3A_485, %add3A_487 : vector<8x576xf32>
    %lt3A_489 = arith.cmpf olt, %add3A_488, %select_n3A_478 : vector<8x576xf32>
    %select_n3A_490 = arith.select %lt3A_489, %add3A_488, %select_n3A_478 : vector<8x576xi1>, vector<8x576xf32>
    %add3A_491 = arith.constant 320 : i32
    %add3A_492 = vector.broadcast %add3A_491 : i32 to vector<8x576xi32>
    %add3A_493 = arith.addi %iota3A, %add3A_492 : vector<8x576xi32>
    %select_n3A_494 = arith.select %lt3A_489, %add3A_493, %select_n3A_482 : vector<8x576xi1>, vector<8x576xi32>
    %slice3A_495 = vector.extract_strided_slice %dot_general3A_12 {offsets = [328, 0], sizes = [8, 576], strides = [1, 1]} : vector<1024x576xf32> to vector<8x576xf32>
    %sub3A_496 = vector.broadcast %broadcast_in_dim3A : vector<1x576xf32> to vector<8x576xf32>
    %sub3A_497 = arith.subf %sub3A_496, %slice3A_495 : vector<8x576xf32>
    %slice3A_498 = vector.extract_strided_slice %broadcast_in_dim3A_11 {offsets = [328, 0], sizes = [8, 1], strides = [1, 1]} : vector<1024x1xf32> to vector<8x1xf32>
    %add3A_499 = vector.broadcast %slice3A_498 : vector<8x1xf32> to vector<8x576xf32>
    %add3A_500 = arith.addf %sub3A_497, %add3A_499 : vector<8x576xf32>
    %lt3A_501 = arith.cmpf olt, %add3A_500, %select_n3A_490 : vector<8x576xf32>
    %select_n3A_502 = arith.select %lt3A_501, %add3A_500, %select_n3A_490 : vector<8x576xi1>, vector<8x576xf32>
    %add3A_503 = arith.constant 328 : i32
    %add3A_504 = vector.broadcast %add3A_503 : i32 to vector<8x576xi32>
    %add3A_505 = arith.addi %iota3A, %add3A_504 : vector<8x576xi32>
    %select_n3A_506 = arith.select %lt3A_501, %add3A_505, %select_n3A_494 : vector<8x576xi1>, vector<8x576xi32>
    %slice3A_507 = vector.extract_strided_slice %dot_general3A_12 {offsets = [336, 0], sizes = [8, 576], strides = [1, 1]} : vector<1024x576xf32> to vector<8x576xf32>
    %sub3A_508 = vector.broadcast %broadcast_in_dim3A : vector<1x576xf32> to vector<8x576xf32>
    %sub3A_509 = arith.subf %sub3A_508, %slice3A_507 : vector<8x576xf32>
    %slice3A_510 = vector.extract_strided_slice %broadcast_in_dim3A_11 {offsets = [336, 0], sizes = [8, 1], strides = [1, 1]} : vector<1024x1xf32> to vector<8x1xf32>
    %add3A_511 = vector.broadcast %slice3A_510 : vector<8x1xf32> to vector<8x576xf32>
    %add3A_512 = arith.addf %sub3A_509, %add3A_511 : vector<8x576xf32>
    %lt3A_513 = arith.cmpf olt, %add3A_512, %select_n3A_502 : vector<8x576xf32>
    %select_n3A_514 = arith.select %lt3A_513, %add3A_512, %select_n3A_502 : vector<8x576xi1>, vector<8x576xf32>
    %add3A_515 = arith.constant 336 : i32
    %add3A_516 = vector.broadcast %add3A_515 : i32 to vector<8x576xi32>
    %add3A_517 = arith.addi %iota3A, %add3A_516 : vector<8x576xi32>
    %select_n3A_518 = arith.select %lt3A_513, %add3A_517, %select_n3A_506 : vector<8x576xi1>, vector<8x576xi32>
    %slice3A_519 = vector.extract_strided_slice %dot_general3A_12 {offsets = [344, 0], sizes = [8, 576], strides = [1, 1]} : vector<1024x576xf32> to vector<8x576xf32>
    %sub3A_520 = vector.broadcast %broadcast_in_dim3A : vector<1x576xf32> to vector<8x576xf32>
    %sub3A_521 = arith.subf %sub3A_520, %slice3A_519 : vector<8x576xf32>
    %slice3A_522 = vector.extract_strided_slice %broadcast_in_dim3A_11 {offsets = [344, 0], sizes = [8, 1], strides = [1, 1]} : vector<1024x1xf32> to vector<8x1xf32>
    %add3A_523 = vector.broadcast %slice3A_522 : vector<8x1xf32> to vector<8x576xf32>
    %add3A_524 = arith.addf %sub3A_521, %add3A_523 : vector<8x576xf32>
    %lt3A_525 = arith.cmpf olt, %add3A_524, %select_n3A_514 : vector<8x576xf32>
    %select_n3A_526 = arith.select %lt3A_525, %add3A_524, %select_n3A_514 : vector<8x576xi1>, vector<8x576xf32>
    %add3A_527 = arith.constant 344 : i32
    %add3A_528 = vector.broadcast %add3A_527 : i32 to vector<8x576xi32>
    %add3A_529 = arith.addi %iota3A, %add3A_528 : vector<8x576xi32>
    %select_n3A_530 = arith.select %lt3A_525, %add3A_529, %select_n3A_518 : vector<8x576xi1>, vector<8x576xi32>
    %slice3A_531 = vector.extract_strided_slice %dot_general3A_12 {offsets = [352, 0], sizes = [8, 576], strides = [1, 1]} : vector<1024x576xf32> to vector<8x576xf32>
    %sub3A_532 = vector.broadcast %broadcast_in_dim3A : vector<1x576xf32> to vector<8x576xf32>
    %sub3A_533 = arith.subf %sub3A_532, %slice3A_531 : vector<8x576xf32>
    %slice3A_534 = vector.extract_strided_slice %broadcast_in_dim3A_11 {offsets = [352, 0], sizes = [8, 1], strides = [1, 1]} : vector<1024x1xf32> to vector<8x1xf32>
    %add3A_535 = vector.broadcast %slice3A_534 : vector<8x1xf32> to vector<8x576xf32>
    %add3A_536 = arith.addf %sub3A_533, %add3A_535 : vector<8x576xf32>
    %lt3A_537 = arith.cmpf olt, %add3A_536, %select_n3A_526 : vector<8x576xf32>
    %select_n3A_538 = arith.select %lt3A_537, %add3A_536, %select_n3A_526 : vector<8x576xi1>, vector<8x576xf32>
    %add3A_539 = arith.constant 352 : i32
    %add3A_540 = vector.broadcast %add3A_539 : i32 to vector<8x576xi32>
    %add3A_541 = arith.addi %iota3A, %add3A_540 : vector<8x576xi32>
    %select_n3A_542 = arith.select %lt3A_537, %add3A_541, %select_n3A_530 : vector<8x576xi1>, vector<8x576xi32>
    %slice3A_543 = vector.extract_strided_slice %dot_general3A_12 {offsets = [360, 0], sizes = [8, 576], strides = [1, 1]} : vector<1024x576xf32> to vector<8x576xf32>
    %sub3A_544 = vector.broadcast %broadcast_in_dim3A : vector<1x576xf32> to vector<8x576xf32>
    %sub3A_545 = arith.subf %sub3A_544, %slice3A_543 : vector<8x576xf32>
    %slice3A_546 = vector.extract_strided_slice %broadcast_in_dim3A_11 {offsets = [360, 0], sizes = [8, 1], strides = [1, 1]} : vector<1024x1xf32> to vector<8x1xf32>
    %add3A_547 = vector.broadcast %slice3A_546 : vector<8x1xf32> to vector<8x576xf32>
    %add3A_548 = arith.addf %sub3A_545, %add3A_547 : vector<8x576xf32>
    %lt3A_549 = arith.cmpf olt, %add3A_548, %select_n3A_538 : vector<8x576xf32>
    %select_n3A_550 = arith.select %lt3A_549, %add3A_548, %select_n3A_538 : vector<8x576xi1>, vector<8x576xf32>
    %add3A_551 = arith.constant 360 : i32
    %add3A_552 = vector.broadcast %add3A_551 : i32 to vector<8x576xi32>
    %add3A_553 = arith.addi %iota3A, %add3A_552 : vector<8x576xi32>
    %select_n3A_554 = arith.select %lt3A_549, %add3A_553, %select_n3A_542 : vector<8x576xi1>, vector<8x576xi32>
    %slice3A_555 = vector.extract_strided_slice %dot_general3A_12 {offsets = [368, 0], sizes = [8, 576], strides = [1, 1]} : vector<1024x576xf32> to vector<8x576xf32>
    %sub3A_556 = vector.broadcast %broadcast_in_dim3A : vector<1x576xf32> to vector<8x576xf32>
    %sub3A_557 = arith.subf %sub3A_556, %slice3A_555 : vector<8x576xf32>
    %slice3A_558 = vector.extract_strided_slice %broadcast_in_dim3A_11 {offsets = [368, 0], sizes = [8, 1], strides = [1, 1]} : vector<1024x1xf32> to vector<8x1xf32>
    %add3A_559 = vector.broadcast %slice3A_558 : vector<8x1xf32> to vector<8x576xf32>
    %add3A_560 = arith.addf %sub3A_557, %add3A_559 : vector<8x576xf32>
    %lt3A_561 = arith.cmpf olt, %add3A_560, %select_n3A_550 : vector<8x576xf32>
    %select_n3A_562 = arith.select %lt3A_561, %add3A_560, %select_n3A_550 : vector<8x576xi1>, vector<8x576xf32>
    %add3A_563 = arith.constant 368 : i32
    %add3A_564 = vector.broadcast %add3A_563 : i32 to vector<8x576xi32>
    %add3A_565 = arith.addi %iota3A, %add3A_564 : vector<8x576xi32>
    %select_n3A_566 = arith.select %lt3A_561, %add3A_565, %select_n3A_554 : vector<8x576xi1>, vector<8x576xi32>
    %slice3A_567 = vector.extract_strided_slice %dot_general3A_12 {offsets = [376, 0], sizes = [8, 576], strides = [1, 1]} : vector<1024x576xf32> to vector<8x576xf32>
    %sub3A_568 = vector.broadcast %broadcast_in_dim3A : vector<1x576xf32> to vector<8x576xf32>
    %sub3A_569 = arith.subf %sub3A_568, %slice3A_567 : vector<8x576xf32>
    %slice3A_570 = vector.extract_strided_slice %broadcast_in_dim3A_11 {offsets = [376, 0], sizes = [8, 1], strides = [1, 1]} : vector<1024x1xf32> to vector<8x1xf32>
    %add3A_571 = vector.broadcast %slice3A_570 : vector<8x1xf32> to vector<8x576xf32>
    %add3A_572 = arith.addf %sub3A_569, %add3A_571 : vector<8x576xf32>
    %lt3A_573 = arith.cmpf olt, %add3A_572, %select_n3A_562 : vector<8x576xf32>
    %select_n3A_574 = arith.select %lt3A_573, %add3A_572, %select_n3A_562 : vector<8x576xi1>, vector<8x576xf32>
    %add3A_575 = arith.constant 376 : i32
    %add3A_576 = vector.broadcast %add3A_575 : i32 to vector<8x576xi32>
    %add3A_577 = arith.addi %iota3A, %add3A_576 : vector<8x576xi32>
    %select_n3A_578 = arith.select %lt3A_573, %add3A_577, %select_n3A_566 : vector<8x576xi1>, vector<8x576xi32>
    %slice3A_579 = vector.extract_strided_slice %dot_general3A_12 {offsets = [384, 0], sizes = [8, 576], strides = [1, 1]} : vector<1024x576xf32> to vector<8x576xf32>
    %sub3A_580 = vector.broadcast %broadcast_in_dim3A : vector<1x576xf32> to vector<8x576xf32>
    %sub3A_581 = arith.subf %sub3A_580, %slice3A_579 : vector<8x576xf32>
    %slice3A_582 = vector.extract_strided_slice %broadcast_in_dim3A_11 {offsets = [384, 0], sizes = [8, 1], strides = [1, 1]} : vector<1024x1xf32> to vector<8x1xf32>
    %add3A_583 = vector.broadcast %slice3A_582 : vector<8x1xf32> to vector<8x576xf32>
    %add3A_584 = arith.addf %sub3A_581, %add3A_583 : vector<8x576xf32>
    %lt3A_585 = arith.cmpf olt, %add3A_584, %select_n3A_574 : vector<8x576xf32>
    %select_n3A_586 = arith.select %lt3A_585, %add3A_584, %select_n3A_574 : vector<8x576xi1>, vector<8x576xf32>
    %add3A_587 = arith.constant 384 : i32
    %add3A_588 = vector.broadcast %add3A_587 : i32 to vector<8x576xi32>
    %add3A_589 = arith.addi %iota3A, %add3A_588 : vector<8x576xi32>
    %select_n3A_590 = arith.select %lt3A_585, %add3A_589, %select_n3A_578 : vector<8x576xi1>, vector<8x576xi32>
    %slice3A_591 = vector.extract_strided_slice %dot_general3A_12 {offsets = [392, 0], sizes = [8, 576], strides = [1, 1]} : vector<1024x576xf32> to vector<8x576xf32>
    %sub3A_592 = vector.broadcast %broadcast_in_dim3A : vector<1x576xf32> to vector<8x576xf32>
    %sub3A_593 = arith.subf %sub3A_592, %slice3A_591 : vector<8x576xf32>
    %slice3A_594 = vector.extract_strided_slice %broadcast_in_dim3A_11 {offsets = [392, 0], sizes = [8, 1], strides = [1, 1]} : vector<1024x1xf32> to vector<8x1xf32>
    %add3A_595 = vector.broadcast %slice3A_594 : vector<8x1xf32> to vector<8x576xf32>
    %add3A_596 = arith.addf %sub3A_593, %add3A_595 : vector<8x576xf32>
    %lt3A_597 = arith.cmpf olt, %add3A_596, %select_n3A_586 : vector<8x576xf32>
    %select_n3A_598 = arith.select %lt3A_597, %add3A_596, %select_n3A_586 : vector<8x576xi1>, vector<8x576xf32>
    %add3A_599 = arith.constant 392 : i32
    %add3A_600 = vector.broadcast %add3A_599 : i32 to vector<8x576xi32>
    %add3A_601 = arith.addi %iota3A, %add3A_600 : vector<8x576xi32>
    %select_n3A_602 = arith.select %lt3A_597, %add3A_601, %select_n3A_590 : vector<8x576xi1>, vector<8x576xi32>
    %slice3A_603 = vector.extract_strided_slice %dot_general3A_12 {offsets = [400, 0], sizes = [8, 576], strides = [1, 1]} : vector<1024x576xf32> to vector<8x576xf32>
    %sub3A_604 = vector.broadcast %broadcast_in_dim3A : vector<1x576xf32> to vector<8x576xf32>
    %sub3A_605 = arith.subf %sub3A_604, %slice3A_603 : vector<8x576xf32>
    %slice3A_606 = vector.extract_strided_slice %broadcast_in_dim3A_11 {offsets = [400, 0], sizes = [8, 1], strides = [1, 1]} : vector<1024x1xf32> to vector<8x1xf32>
    %add3A_607 = vector.broadcast %slice3A_606 : vector<8x1xf32> to vector<8x576xf32>
    %add3A_608 = arith.addf %sub3A_605, %add3A_607 : vector<8x576xf32>
    %lt3A_609 = arith.cmpf olt, %add3A_608, %select_n3A_598 : vector<8x576xf32>
    %select_n3A_610 = arith.select %lt3A_609, %add3A_608, %select_n3A_598 : vector<8x576xi1>, vector<8x576xf32>
    %add3A_611 = arith.constant 400 : i32
    %add3A_612 = vector.broadcast %add3A_611 : i32 to vector<8x576xi32>
    %add3A_613 = arith.addi %iota3A, %add3A_612 : vector<8x576xi32>
    %select_n3A_614 = arith.select %lt3A_609, %add3A_613, %select_n3A_602 : vector<8x576xi1>, vector<8x576xi32>
    %slice3A_615 = vector.extract_strided_slice %dot_general3A_12 {offsets = [408, 0], sizes = [8, 576], strides = [1, 1]} : vector<1024x576xf32> to vector<8x576xf32>
    %sub3A_616 = vector.broadcast %broadcast_in_dim3A : vector<1x576xf32> to vector<8x576xf32>
    %sub3A_617 = arith.subf %sub3A_616, %slice3A_615 : vector<8x576xf32>
    %slice3A_618 = vector.extract_strided_slice %broadcast_in_dim3A_11 {offsets = [408, 0], sizes = [8, 1], strides = [1, 1]} : vector<1024x1xf32> to vector<8x1xf32>
    %add3A_619 = vector.broadcast %slice3A_618 : vector<8x1xf32> to vector<8x576xf32>
    %add3A_620 = arith.addf %sub3A_617, %add3A_619 : vector<8x576xf32>
    %lt3A_621 = arith.cmpf olt, %add3A_620, %select_n3A_610 : vector<8x576xf32>
    %select_n3A_622 = arith.select %lt3A_621, %add3A_620, %select_n3A_610 : vector<8x576xi1>, vector<8x576xf32>
    %add3A_623 = arith.constant 408 : i32
    %add3A_624 = vector.broadcast %add3A_623 : i32 to vector<8x576xi32>
    %add3A_625 = arith.addi %iota3A, %add3A_624 : vector<8x576xi32>
    %select_n3A_626 = arith.select %lt3A_621, %add3A_625, %select_n3A_614 : vector<8x576xi1>, vector<8x576xi32>
    %slice3A_627 = vector.extract_strided_slice %dot_general3A_12 {offsets = [416, 0], sizes = [8, 576], strides = [1, 1]} : vector<1024x576xf32> to vector<8x576xf32>
    %sub3A_628 = vector.broadcast %broadcast_in_dim3A : vector<1x576xf32> to vector<8x576xf32>
    %sub3A_629 = arith.subf %sub3A_628, %slice3A_627 : vector<8x576xf32>
    %slice3A_630 = vector.extract_strided_slice %broadcast_in_dim3A_11 {offsets = [416, 0], sizes = [8, 1], strides = [1, 1]} : vector<1024x1xf32> to vector<8x1xf32>
    %add3A_631 = vector.broadcast %slice3A_630 : vector<8x1xf32> to vector<8x576xf32>
    %add3A_632 = arith.addf %sub3A_629, %add3A_631 : vector<8x576xf32>
    %lt3A_633 = arith.cmpf olt, %add3A_632, %select_n3A_622 : vector<8x576xf32>
    %select_n3A_634 = arith.select %lt3A_633, %add3A_632, %select_n3A_622 : vector<8x576xi1>, vector<8x576xf32>
    %add3A_635 = arith.constant 416 : i32
    %add3A_636 = vector.broadcast %add3A_635 : i32 to vector<8x576xi32>
    %add3A_637 = arith.addi %iota3A, %add3A_636 : vector<8x576xi32>
    %select_n3A_638 = arith.select %lt3A_633, %add3A_637, %select_n3A_626 : vector<8x576xi1>, vector<8x576xi32>
    %slice3A_639 = vector.extract_strided_slice %dot_general3A_12 {offsets = [424, 0], sizes = [8, 576], strides = [1, 1]} : vector<1024x576xf32> to vector<8x576xf32>
    %sub3A_640 = vector.broadcast %broadcast_in_dim3A : vector<1x576xf32> to vector<8x576xf32>
    %sub3A_641 = arith.subf %sub3A_640, %slice3A_639 : vector<8x576xf32>
    %slice3A_642 = vector.extract_strided_slice %broadcast_in_dim3A_11 {offsets = [424, 0], sizes = [8, 1], strides = [1, 1]} : vector<1024x1xf32> to vector<8x1xf32>
    %add3A_643 = vector.broadcast %slice3A_642 : vector<8x1xf32> to vector<8x576xf32>
    %add3A_644 = arith.addf %sub3A_641, %add3A_643 : vector<8x576xf32>
    %lt3A_645 = arith.cmpf olt, %add3A_644, %select_n3A_634 : vector<8x576xf32>
    %select_n3A_646 = arith.select %lt3A_645, %add3A_644, %select_n3A_634 : vector<8x576xi1>, vector<8x576xf32>
    %add3A_647 = arith.constant 424 : i32
    %add3A_648 = vector.broadcast %add3A_647 : i32 to vector<8x576xi32>
    %add3A_649 = arith.addi %iota3A, %add3A_648 : vector<8x576xi32>
    %select_n3A_650 = arith.select %lt3A_645, %add3A_649, %select_n3A_638 : vector<8x576xi1>, vector<8x576xi32>
    %slice3A_651 = vector.extract_strided_slice %dot_general3A_12 {offsets = [432, 0], sizes = [8, 576], strides = [1, 1]} : vector<1024x576xf32> to vector<8x576xf32>
    %sub3A_652 = vector.broadcast %broadcast_in_dim3A : vector<1x576xf32> to vector<8x576xf32>
    %sub3A_653 = arith.subf %sub3A_652, %slice3A_651 : vector<8x576xf32>
    %slice3A_654 = vector.extract_strided_slice %broadcast_in_dim3A_11 {offsets = [432, 0], sizes = [8, 1], strides = [1, 1]} : vector<1024x1xf32> to vector<8x1xf32>
    %add3A_655 = vector.broadcast %slice3A_654 : vector<8x1xf32> to vector<8x576xf32>
    %add3A_656 = arith.addf %sub3A_653, %add3A_655 : vector<8x576xf32>
    %lt3A_657 = arith.cmpf olt, %add3A_656, %select_n3A_646 : vector<8x576xf32>
    %select_n3A_658 = arith.select %lt3A_657, %add3A_656, %select_n3A_646 : vector<8x576xi1>, vector<8x576xf32>
    %add3A_659 = arith.constant 432 : i32
    %add3A_660 = vector.broadcast %add3A_659 : i32 to vector<8x576xi32>
    %add3A_661 = arith.addi %iota3A, %add3A_660 : vector<8x576xi32>
    %select_n3A_662 = arith.select %lt3A_657, %add3A_661, %select_n3A_650 : vector<8x576xi1>, vector<8x576xi32>
    %slice3A_663 = vector.extract_strided_slice %dot_general3A_12 {offsets = [440, 0], sizes = [8, 576], strides = [1, 1]} : vector<1024x576xf32> to vector<8x576xf32>
    %sub3A_664 = vector.broadcast %broadcast_in_dim3A : vector<1x576xf32> to vector<8x576xf32>
    %sub3A_665 = arith.subf %sub3A_664, %slice3A_663 : vector<8x576xf32>
    %slice3A_666 = vector.extract_strided_slice %broadcast_in_dim3A_11 {offsets = [440, 0], sizes = [8, 1], strides = [1, 1]} : vector<1024x1xf32> to vector<8x1xf32>
    %add3A_667 = vector.broadcast %slice3A_666 : vector<8x1xf32> to vector<8x576xf32>
    %add3A_668 = arith.addf %sub3A_665, %add3A_667 : vector<8x576xf32>
    %lt3A_669 = arith.cmpf olt, %add3A_668, %select_n3A_658 : vector<8x576xf32>
    %select_n3A_670 = arith.select %lt3A_669, %add3A_668, %select_n3A_658 : vector<8x576xi1>, vector<8x576xf32>
    %add3A_671 = arith.constant 440 : i32
    %add3A_672 = vector.broadcast %add3A_671 : i32 to vector<8x576xi32>
    %add3A_673 = arith.addi %iota3A, %add3A_672 : vector<8x576xi32>
    %select_n3A_674 = arith.select %lt3A_669, %add3A_673, %select_n3A_662 : vector<8x576xi1>, vector<8x576xi32>
    %slice3A_675 = vector.extract_strided_slice %dot_general3A_12 {offsets = [448, 0], sizes = [8, 576], strides = [1, 1]} : vector<1024x576xf32> to vector<8x576xf32>
    %sub3A_676 = vector.broadcast %broadcast_in_dim3A : vector<1x576xf32> to vector<8x576xf32>
    %sub3A_677 = arith.subf %sub3A_676, %slice3A_675 : vector<8x576xf32>
    %slice3A_678 = vector.extract_strided_slice %broadcast_in_dim3A_11 {offsets = [448, 0], sizes = [8, 1], strides = [1, 1]} : vector<1024x1xf32> to vector<8x1xf32>
    %add3A_679 = vector.broadcast %slice3A_678 : vector<8x1xf32> to vector<8x576xf32>
    %add3A_680 = arith.addf %sub3A_677, %add3A_679 : vector<8x576xf32>
    %lt3A_681 = arith.cmpf olt, %add3A_680, %select_n3A_670 : vector<8x576xf32>
    %select_n3A_682 = arith.select %lt3A_681, %add3A_680, %select_n3A_670 : vector<8x576xi1>, vector<8x576xf32>
    %add3A_683 = arith.constant 448 : i32
    %add3A_684 = vector.broadcast %add3A_683 : i32 to vector<8x576xi32>
    %add3A_685 = arith.addi %iota3A, %add3A_684 : vector<8x576xi32>
    %select_n3A_686 = arith.select %lt3A_681, %add3A_685, %select_n3A_674 : vector<8x576xi1>, vector<8x576xi32>
    %slice3A_687 = vector.extract_strided_slice %dot_general3A_12 {offsets = [456, 0], sizes = [8, 576], strides = [1, 1]} : vector<1024x576xf32> to vector<8x576xf32>
    %sub3A_688 = vector.broadcast %broadcast_in_dim3A : vector<1x576xf32> to vector<8x576xf32>
    %sub3A_689 = arith.subf %sub3A_688, %slice3A_687 : vector<8x576xf32>
    %slice3A_690 = vector.extract_strided_slice %broadcast_in_dim3A_11 {offsets = [456, 0], sizes = [8, 1], strides = [1, 1]} : vector<1024x1xf32> to vector<8x1xf32>
    %add3A_691 = vector.broadcast %slice3A_690 : vector<8x1xf32> to vector<8x576xf32>
    %add3A_692 = arith.addf %sub3A_689, %add3A_691 : vector<8x576xf32>
    %lt3A_693 = arith.cmpf olt, %add3A_692, %select_n3A_682 : vector<8x576xf32>
    %select_n3A_694 = arith.select %lt3A_693, %add3A_692, %select_n3A_682 : vector<8x576xi1>, vector<8x576xf32>
    %add3A_695 = arith.constant 456 : i32
    %add3A_696 = vector.broadcast %add3A_695 : i32 to vector<8x576xi32>
    %add3A_697 = arith.addi %iota3A, %add3A_696 : vector<8x576xi32>
    %select_n3A_698 = arith.select %lt3A_693, %add3A_697, %select_n3A_686 : vector<8x576xi1>, vector<8x576xi32>
    %slice3A_699 = vector.extract_strided_slice %dot_general3A_12 {offsets = [464, 0], sizes = [8, 576], strides = [1, 1]} : vector<1024x576xf32> to vector<8x576xf32>
    %sub3A_700 = vector.broadcast %broadcast_in_dim3A : vector<1x576xf32> to vector<8x576xf32>
    %sub3A_701 = arith.subf %sub3A_700, %slice3A_699 : vector<8x576xf32>
    %slice3A_702 = vector.extract_strided_slice %broadcast_in_dim3A_11 {offsets = [464, 0], sizes = [8, 1], strides = [1, 1]} : vector<1024x1xf32> to vector<8x1xf32>
    %add3A_703 = vector.broadcast %slice3A_702 : vector<8x1xf32> to vector<8x576xf32>
    %add3A_704 = arith.addf %sub3A_701, %add3A_703 : vector<8x576xf32>
    %lt3A_705 = arith.cmpf olt, %add3A_704, %select_n3A_694 : vector<8x576xf32>
    %select_n3A_706 = arith.select %lt3A_705, %add3A_704, %select_n3A_694 : vector<8x576xi1>, vector<8x576xf32>
    %add3A_707 = arith.constant 464 : i32
    %add3A_708 = vector.broadcast %add3A_707 : i32 to vector<8x576xi32>
    %add3A_709 = arith.addi %iota3A, %add3A_708 : vector<8x576xi32>
    %select_n3A_710 = arith.select %lt3A_705, %add3A_709, %select_n3A_698 : vector<8x576xi1>, vector<8x576xi32>
    %slice3A_711 = vector.extract_strided_slice %dot_general3A_12 {offsets = [472, 0], sizes = [8, 576], strides = [1, 1]} : vector<1024x576xf32> to vector<8x576xf32>
    %sub3A_712 = vector.broadcast %broadcast_in_dim3A : vector<1x576xf32> to vector<8x576xf32>
    %sub3A_713 = arith.subf %sub3A_712, %slice3A_711 : vector<8x576xf32>
    %slice3A_714 = vector.extract_strided_slice %broadcast_in_dim3A_11 {offsets = [472, 0], sizes = [8, 1], strides = [1, 1]} : vector<1024x1xf32> to vector<8x1xf32>
    %add3A_715 = vector.broadcast %slice3A_714 : vector<8x1xf32> to vector<8x576xf32>
    %add3A_716 = arith.addf %sub3A_713, %add3A_715 : vector<8x576xf32>
    %lt3A_717 = arith.cmpf olt, %add3A_716, %select_n3A_706 : vector<8x576xf32>
    %select_n3A_718 = arith.select %lt3A_717, %add3A_716, %select_n3A_706 : vector<8x576xi1>, vector<8x576xf32>
    %add3A_719 = arith.constant 472 : i32
    %add3A_720 = vector.broadcast %add3A_719 : i32 to vector<8x576xi32>
    %add3A_721 = arith.addi %iota3A, %add3A_720 : vector<8x576xi32>
    %select_n3A_722 = arith.select %lt3A_717, %add3A_721, %select_n3A_710 : vector<8x576xi1>, vector<8x576xi32>
    %slice3A_723 = vector.extract_strided_slice %dot_general3A_12 {offsets = [480, 0], sizes = [8, 576], strides = [1, 1]} : vector<1024x576xf32> to vector<8x576xf32>
    %sub3A_724 = vector.broadcast %broadcast_in_dim3A : vector<1x576xf32> to vector<8x576xf32>
    %sub3A_725 = arith.subf %sub3A_724, %slice3A_723 : vector<8x576xf32>
    %slice3A_726 = vector.extract_strided_slice %broadcast_in_dim3A_11 {offsets = [480, 0], sizes = [8, 1], strides = [1, 1]} : vector<1024x1xf32> to vector<8x1xf32>
    %add3A_727 = vector.broadcast %slice3A_726 : vector<8x1xf32> to vector<8x576xf32>
    %add3A_728 = arith.addf %sub3A_725, %add3A_727 : vector<8x576xf32>
    %lt3A_729 = arith.cmpf olt, %add3A_728, %select_n3A_718 : vector<8x576xf32>
    %select_n3A_730 = arith.select %lt3A_729, %add3A_728, %select_n3A_718 : vector<8x576xi1>, vector<8x576xf32>
    %add3A_731 = arith.constant 480 : i32
    %add3A_732 = vector.broadcast %add3A_731 : i32 to vector<8x576xi32>
    %add3A_733 = arith.addi %iota3A, %add3A_732 : vector<8x576xi32>
    %select_n3A_734 = arith.select %lt3A_729, %add3A_733, %select_n3A_722 : vector<8x576xi1>, vector<8x576xi32>
    %slice3A_735 = vector.extract_strided_slice %dot_general3A_12 {offsets = [488, 0], sizes = [8, 576], strides = [1, 1]} : vector<1024x576xf32> to vector<8x576xf32>
    %sub3A_736 = vector.broadcast %broadcast_in_dim3A : vector<1x576xf32> to vector<8x576xf32>
    %sub3A_737 = arith.subf %sub3A_736, %slice3A_735 : vector<8x576xf32>
    %slice3A_738 = vector.extract_strided_slice %broadcast_in_dim3A_11 {offsets = [488, 0], sizes = [8, 1], strides = [1, 1]} : vector<1024x1xf32> to vector<8x1xf32>
    %add3A_739 = vector.broadcast %slice3A_738 : vector<8x1xf32> to vector<8x576xf32>
    %add3A_740 = arith.addf %sub3A_737, %add3A_739 : vector<8x576xf32>
    %lt3A_741 = arith.cmpf olt, %add3A_740, %select_n3A_730 : vector<8x576xf32>
    %select_n3A_742 = arith.select %lt3A_741, %add3A_740, %select_n3A_730 : vector<8x576xi1>, vector<8x576xf32>
    %add3A_743 = arith.constant 488 : i32
    %add3A_744 = vector.broadcast %add3A_743 : i32 to vector<8x576xi32>
    %add3A_745 = arith.addi %iota3A, %add3A_744 : vector<8x576xi32>
    %select_n3A_746 = arith.select %lt3A_741, %add3A_745, %select_n3A_734 : vector<8x576xi1>, vector<8x576xi32>
    %slice3A_747 = vector.extract_strided_slice %dot_general3A_12 {offsets = [496, 0], sizes = [8, 576], strides = [1, 1]} : vector<1024x576xf32> to vector<8x576xf32>
    %sub3A_748 = vector.broadcast %broadcast_in_dim3A : vector<1x576xf32> to vector<8x576xf32>
    %sub3A_749 = arith.subf %sub3A_748, %slice3A_747 : vector<8x576xf32>
    %slice3A_750 = vector.extract_strided_slice %broadcast_in_dim3A_11 {offsets = [496, 0], sizes = [8, 1], strides = [1, 1]} : vector<1024x1xf32> to vector<8x1xf32>
    %add3A_751 = vector.broadcast %slice3A_750 : vector<8x1xf32> to vector<8x576xf32>
    %add3A_752 = arith.addf %sub3A_749, %add3A_751 : vector<8x576xf32>
    %lt3A_753 = arith.cmpf olt, %add3A_752, %select_n3A_742 : vector<8x576xf32>
    %select_n3A_754 = arith.select %lt3A_753, %add3A_752, %select_n3A_742 : vector<8x576xi1>, vector<8x576xf32>
    %add3A_755 = arith.constant 496 : i32
    %add3A_756 = vector.broadcast %add3A_755 : i32 to vector<8x576xi32>
    %add3A_757 = arith.addi %iota3A, %add3A_756 : vector<8x576xi32>
    %select_n3A_758 = arith.select %lt3A_753, %add3A_757, %select_n3A_746 : vector<8x576xi1>, vector<8x576xi32>
    %slice3A_759 = vector.extract_strided_slice %dot_general3A_12 {offsets = [504, 0], sizes = [8, 576], strides = [1, 1]} : vector<1024x576xf32> to vector<8x576xf32>
    %sub3A_760 = vector.broadcast %broadcast_in_dim3A : vector<1x576xf32> to vector<8x576xf32>
    %sub3A_761 = arith.subf %sub3A_760, %slice3A_759 : vector<8x576xf32>
    %slice3A_762 = vector.extract_strided_slice %broadcast_in_dim3A_11 {offsets = [504, 0], sizes = [8, 1], strides = [1, 1]} : vector<1024x1xf32> to vector<8x1xf32>
    %add3A_763 = vector.broadcast %slice3A_762 : vector<8x1xf32> to vector<8x576xf32>
    %add3A_764 = arith.addf %sub3A_761, %add3A_763 : vector<8x576xf32>
    %lt3A_765 = arith.cmpf olt, %add3A_764, %select_n3A_754 : vector<8x576xf32>
    %select_n3A_766 = arith.select %lt3A_765, %add3A_764, %select_n3A_754 : vector<8x576xi1>, vector<8x576xf32>
    %add3A_767 = arith.constant 504 : i32
    %add3A_768 = vector.broadcast %add3A_767 : i32 to vector<8x576xi32>
    %add3A_769 = arith.addi %iota3A, %add3A_768 : vector<8x576xi32>
    %select_n3A_770 = arith.select %lt3A_765, %add3A_769, %select_n3A_758 : vector<8x576xi1>, vector<8x576xi32>
    %slice3A_771 = vector.extract_strided_slice %dot_general3A_12 {offsets = [512, 0], sizes = [8, 576], strides = [1, 1]} : vector<1024x576xf32> to vector<8x576xf32>
    %sub3A_772 = vector.broadcast %broadcast_in_dim3A : vector<1x576xf32> to vector<8x576xf32>
    %sub3A_773 = arith.subf %sub3A_772, %slice3A_771 : vector<8x576xf32>
    %slice3A_774 = vector.extract_strided_slice %broadcast_in_dim3A_11 {offsets = [512, 0], sizes = [8, 1], strides = [1, 1]} : vector<1024x1xf32> to vector<8x1xf32>
    %add3A_775 = vector.broadcast %slice3A_774 : vector<8x1xf32> to vector<8x576xf32>
    %add3A_776 = arith.addf %sub3A_773, %add3A_775 : vector<8x576xf32>
    %lt3A_777 = arith.cmpf olt, %add3A_776, %select_n3A_766 : vector<8x576xf32>
    %select_n3A_778 = arith.select %lt3A_777, %add3A_776, %select_n3A_766 : vector<8x576xi1>, vector<8x576xf32>
    %add3A_779 = arith.constant 512 : i32
    %add3A_780 = vector.broadcast %add3A_779 : i32 to vector<8x576xi32>
    %add3A_781 = arith.addi %iota3A, %add3A_780 : vector<8x576xi32>
    %select_n3A_782 = arith.select %lt3A_777, %add3A_781, %select_n3A_770 : vector<8x576xi1>, vector<8x576xi32>
    %slice3A_783 = vector.extract_strided_slice %dot_general3A_12 {offsets = [520, 0], sizes = [8, 576], strides = [1, 1]} : vector<1024x576xf32> to vector<8x576xf32>
    %sub3A_784 = vector.broadcast %broadcast_in_dim3A : vector<1x576xf32> to vector<8x576xf32>
    %sub3A_785 = arith.subf %sub3A_784, %slice3A_783 : vector<8x576xf32>
    %slice3A_786 = vector.extract_strided_slice %broadcast_in_dim3A_11 {offsets = [520, 0], sizes = [8, 1], strides = [1, 1]} : vector<1024x1xf32> to vector<8x1xf32>
    %add3A_787 = vector.broadcast %slice3A_786 : vector<8x1xf32> to vector<8x576xf32>
    %add3A_788 = arith.addf %sub3A_785, %add3A_787 : vector<8x576xf32>
    %lt3A_789 = arith.cmpf olt, %add3A_788, %select_n3A_778 : vector<8x576xf32>
    %select_n3A_790 = arith.select %lt3A_789, %add3A_788, %select_n3A_778 : vector<8x576xi1>, vector<8x576xf32>
    %add3A_791 = arith.constant 520 : i32
    %add3A_792 = vector.broadcast %add3A_791 : i32 to vector<8x576xi32>
    %add3A_793 = arith.addi %iota3A, %add3A_792 : vector<8x576xi32>
    %select_n3A_794 = arith.select %lt3A_789, %add3A_793, %select_n3A_782 : vector<8x576xi1>, vector<8x576xi32>
    %slice3A_795 = vector.extract_strided_slice %dot_general3A_12 {offsets = [528, 0], sizes = [8, 576], strides = [1, 1]} : vector<1024x576xf32> to vector<8x576xf32>
    %sub3A_796 = vector.broadcast %broadcast_in_dim3A : vector<1x576xf32> to vector<8x576xf32>
    %sub3A_797 = arith.subf %sub3A_796, %slice3A_795 : vector<8x576xf32>
    %slice3A_798 = vector.extract_strided_slice %broadcast_in_dim3A_11 {offsets = [528, 0], sizes = [8, 1], strides = [1, 1]} : vector<1024x1xf32> to vector<8x1xf32>
    %add3A_799 = vector.broadcast %slice3A_798 : vector<8x1xf32> to vector<8x576xf32>
    %add3A_800 = arith.addf %sub3A_797, %add3A_799 : vector<8x576xf32>
    %lt3A_801 = arith.cmpf olt, %add3A_800, %select_n3A_790 : vector<8x576xf32>
    %select_n3A_802 = arith.select %lt3A_801, %add3A_800, %select_n3A_790 : vector<8x576xi1>, vector<8x576xf32>
    %add3A_803 = arith.constant 528 : i32
    %add3A_804 = vector.broadcast %add3A_803 : i32 to vector<8x576xi32>
    %add3A_805 = arith.addi %iota3A, %add3A_804 : vector<8x576xi32>
    %select_n3A_806 = arith.select %lt3A_801, %add3A_805, %select_n3A_794 : vector<8x576xi1>, vector<8x576xi32>
    %slice3A_807 = vector.extract_strided_slice %dot_general3A_12 {offsets = [536, 0], sizes = [8, 576], strides = [1, 1]} : vector<1024x576xf32> to vector<8x576xf32>
    %sub3A_808 = vector.broadcast %broadcast_in_dim3A : vector<1x576xf32> to vector<8x576xf32>
    %sub3A_809 = arith.subf %sub3A_808, %slice3A_807 : vector<8x576xf32>
    %slice3A_810 = vector.extract_strided_slice %broadcast_in_dim3A_11 {offsets = [536, 0], sizes = [8, 1], strides = [1, 1]} : vector<1024x1xf32> to vector<8x1xf32>
    %add3A_811 = vector.broadcast %slice3A_810 : vector<8x1xf32> to vector<8x576xf32>
    %add3A_812 = arith.addf %sub3A_809, %add3A_811 : vector<8x576xf32>
    %lt3A_813 = arith.cmpf olt, %add3A_812, %select_n3A_802 : vector<8x576xf32>
    %select_n3A_814 = arith.select %lt3A_813, %add3A_812, %select_n3A_802 : vector<8x576xi1>, vector<8x576xf32>
    %add3A_815 = arith.constant 536 : i32
    %add3A_816 = vector.broadcast %add3A_815 : i32 to vector<8x576xi32>
    %add3A_817 = arith.addi %iota3A, %add3A_816 : vector<8x576xi32>
    %select_n3A_818 = arith.select %lt3A_813, %add3A_817, %select_n3A_806 : vector<8x576xi1>, vector<8x576xi32>
    %slice3A_819 = vector.extract_strided_slice %dot_general3A_12 {offsets = [544, 0], sizes = [8, 576], strides = [1, 1]} : vector<1024x576xf32> to vector<8x576xf32>
    %sub3A_820 = vector.broadcast %broadcast_in_dim3A : vector<1x576xf32> to vector<8x576xf32>
    %sub3A_821 = arith.subf %sub3A_820, %slice3A_819 : vector<8x576xf32>
    %slice3A_822 = vector.extract_strided_slice %broadcast_in_dim3A_11 {offsets = [544, 0], sizes = [8, 1], strides = [1, 1]} : vector<1024x1xf32> to vector<8x1xf32>
    %add3A_823 = vector.broadcast %slice3A_822 : vector<8x1xf32> to vector<8x576xf32>
    %add3A_824 = arith.addf %sub3A_821, %add3A_823 : vector<8x576xf32>
    %lt3A_825 = arith.cmpf olt, %add3A_824, %select_n3A_814 : vector<8x576xf32>
    %select_n3A_826 = arith.select %lt3A_825, %add3A_824, %select_n3A_814 : vector<8x576xi1>, vector<8x576xf32>
    %add3A_827 = arith.constant 544 : i32
    %add3A_828 = vector.broadcast %add3A_827 : i32 to vector<8x576xi32>
    %add3A_829 = arith.addi %iota3A, %add3A_828 : vector<8x576xi32>
    %select_n3A_830 = arith.select %lt3A_825, %add3A_829, %select_n3A_818 : vector<8x576xi1>, vector<8x576xi32>
    %slice3A_831 = vector.extract_strided_slice %dot_general3A_12 {offsets = [552, 0], sizes = [8, 576], strides = [1, 1]} : vector<1024x576xf32> to vector<8x576xf32>
    %sub3A_832 = vector.broadcast %broadcast_in_dim3A : vector<1x576xf32> to vector<8x576xf32>
    %sub3A_833 = arith.subf %sub3A_832, %slice3A_831 : vector<8x576xf32>
    %slice3A_834 = vector.extract_strided_slice %broadcast_in_dim3A_11 {offsets = [552, 0], sizes = [8, 1], strides = [1, 1]} : vector<1024x1xf32> to vector<8x1xf32>
    %add3A_835 = vector.broadcast %slice3A_834 : vector<8x1xf32> to vector<8x576xf32>
    %add3A_836 = arith.addf %sub3A_833, %add3A_835 : vector<8x576xf32>
    %lt3A_837 = arith.cmpf olt, %add3A_836, %select_n3A_826 : vector<8x576xf32>
    %select_n3A_838 = arith.select %lt3A_837, %add3A_836, %select_n3A_826 : vector<8x576xi1>, vector<8x576xf32>
    %add3A_839 = arith.constant 552 : i32
    %add3A_840 = vector.broadcast %add3A_839 : i32 to vector<8x576xi32>
    %add3A_841 = arith.addi %iota3A, %add3A_840 : vector<8x576xi32>
    %select_n3A_842 = arith.select %lt3A_837, %add3A_841, %select_n3A_830 : vector<8x576xi1>, vector<8x576xi32>
    %slice3A_843 = vector.extract_strided_slice %dot_general3A_12 {offsets = [560, 0], sizes = [8, 576], strides = [1, 1]} : vector<1024x576xf32> to vector<8x576xf32>
    %sub3A_844 = vector.broadcast %broadcast_in_dim3A : vector<1x576xf32> to vector<8x576xf32>
    %sub3A_845 = arith.subf %sub3A_844, %slice3A_843 : vector<8x576xf32>
    %slice3A_846 = vector.extract_strided_slice %broadcast_in_dim3A_11 {offsets = [560, 0], sizes = [8, 1], strides = [1, 1]} : vector<1024x1xf32> to vector<8x1xf32>
    %add3A_847 = vector.broadcast %slice3A_846 : vector<8x1xf32> to vector<8x576xf32>
    %add3A_848 = arith.addf %sub3A_845, %add3A_847 : vector<8x576xf32>
    %lt3A_849 = arith.cmpf olt, %add3A_848, %select_n3A_838 : vector<8x576xf32>
    %select_n3A_850 = arith.select %lt3A_849, %add3A_848, %select_n3A_838 : vector<8x576xi1>, vector<8x576xf32>
    %add3A_851 = arith.constant 560 : i32
    %add3A_852 = vector.broadcast %add3A_851 : i32 to vector<8x576xi32>
    %add3A_853 = arith.addi %iota3A, %add3A_852 : vector<8x576xi32>
    %select_n3A_854 = arith.select %lt3A_849, %add3A_853, %select_n3A_842 : vector<8x576xi1>, vector<8x576xi32>
    %slice3A_855 = vector.extract_strided_slice %dot_general3A_12 {offsets = [568, 0], sizes = [8, 576], strides = [1, 1]} : vector<1024x576xf32> to vector<8x576xf32>
    %sub3A_856 = vector.broadcast %broadcast_in_dim3A : vector<1x576xf32> to vector<8x576xf32>
    %sub3A_857 = arith.subf %sub3A_856, %slice3A_855 : vector<8x576xf32>
    %slice3A_858 = vector.extract_strided_slice %broadcast_in_dim3A_11 {offsets = [568, 0], sizes = [8, 1], strides = [1, 1]} : vector<1024x1xf32> to vector<8x1xf32>
    %add3A_859 = vector.broadcast %slice3A_858 : vector<8x1xf32> to vector<8x576xf32>
    %add3A_860 = arith.addf %sub3A_857, %add3A_859 : vector<8x576xf32>
    %lt3A_861 = arith.cmpf olt, %add3A_860, %select_n3A_850 : vector<8x576xf32>
    %select_n3A_862 = arith.select %lt3A_861, %add3A_860, %select_n3A_850 : vector<8x576xi1>, vector<8x576xf32>
    %add3A_863 = arith.constant 568 : i32
    %add3A_864 = vector.broadcast %add3A_863 : i32 to vector<8x576xi32>
    %add3A_865 = arith.addi %iota3A, %add3A_864 : vector<8x576xi32>
    %select_n3A_866 = arith.select %lt3A_861, %add3A_865, %select_n3A_854 : vector<8x576xi1>, vector<8x576xi32>
    %slice3A_867 = vector.extract_strided_slice %dot_general3A_12 {offsets = [576, 0], sizes = [8, 576], strides = [1, 1]} : vector<1024x576xf32> to vector<8x576xf32>
    %sub3A_868 = vector.broadcast %broadcast_in_dim3A : vector<1x576xf32> to vector<8x576xf32>
    %sub3A_869 = arith.subf %sub3A_868, %slice3A_867 : vector<8x576xf32>
    %slice3A_870 = vector.extract_strided_slice %broadcast_in_dim3A_11 {offsets = [576, 0], sizes = [8, 1], strides = [1, 1]} : vector<1024x1xf32> to vector<8x1xf32>
    %add3A_871 = vector.broadcast %slice3A_870 : vector<8x1xf32> to vector<8x576xf32>
    %add3A_872 = arith.addf %sub3A_869, %add3A_871 : vector<8x576xf32>
    %lt3A_873 = arith.cmpf olt, %add3A_872, %select_n3A_862 : vector<8x576xf32>
    %select_n3A_874 = arith.select %lt3A_873, %add3A_872, %select_n3A_862 : vector<8x576xi1>, vector<8x576xf32>
    %add3A_875 = arith.constant 576 : i32
    %add3A_876 = vector.broadcast %add3A_875 : i32 to vector<8x576xi32>
    %add3A_877 = arith.addi %iota3A, %add3A_876 : vector<8x576xi32>
    %select_n3A_878 = arith.select %lt3A_873, %add3A_877, %select_n3A_866 : vector<8x576xi1>, vector<8x576xi32>
    %slice3A_879 = vector.extract_strided_slice %dot_general3A_12 {offsets = [584, 0], sizes = [8, 576], strides = [1, 1]} : vector<1024x576xf32> to vector<8x576xf32>
    %sub3A_880 = vector.broadcast %broadcast_in_dim3A : vector<1x576xf32> to vector<8x576xf32>
    %sub3A_881 = arith.subf %sub3A_880, %slice3A_879 : vector<8x576xf32>
    %slice3A_882 = vector.extract_strided_slice %broadcast_in_dim3A_11 {offsets = [584, 0], sizes = [8, 1], strides = [1, 1]} : vector<1024x1xf32> to vector<8x1xf32>
    %add3A_883 = vector.broadcast %slice3A_882 : vector<8x1xf32> to vector<8x576xf32>
    %add3A_884 = arith.addf %sub3A_881, %add3A_883 : vector<8x576xf32>
    %lt3A_885 = arith.cmpf olt, %add3A_884, %select_n3A_874 : vector<8x576xf32>
    %select_n3A_886 = arith.select %lt3A_885, %add3A_884, %select_n3A_874 : vector<8x576xi1>, vector<8x576xf32>
    %add3A_887 = arith.constant 584 : i32
    %add3A_888 = vector.broadcast %add3A_887 : i32 to vector<8x576xi32>
    %add3A_889 = arith.addi %iota3A, %add3A_888 : vector<8x576xi32>
    %select_n3A_890 = arith.select %lt3A_885, %add3A_889, %select_n3A_878 : vector<8x576xi1>, vector<8x576xi32>
    %slice3A_891 = vector.extract_strided_slice %dot_general3A_12 {offsets = [592, 0], sizes = [8, 576], strides = [1, 1]} : vector<1024x576xf32> to vector<8x576xf32>
    %sub3A_892 = vector.broadcast %broadcast_in_dim3A : vector<1x576xf32> to vector<8x576xf32>
    %sub3A_893 = arith.subf %sub3A_892, %slice3A_891 : vector<8x576xf32>
    %slice3A_894 = vector.extract_strided_slice %broadcast_in_dim3A_11 {offsets = [592, 0], sizes = [8, 1], strides = [1, 1]} : vector<1024x1xf32> to vector<8x1xf32>
    %add3A_895 = vector.broadcast %slice3A_894 : vector<8x1xf32> to vector<8x576xf32>
    %add3A_896 = arith.addf %sub3A_893, %add3A_895 : vector<8x576xf32>
    %lt3A_897 = arith.cmpf olt, %add3A_896, %select_n3A_886 : vector<8x576xf32>
    %select_n3A_898 = arith.select %lt3A_897, %add3A_896, %select_n3A_886 : vector<8x576xi1>, vector<8x576xf32>
    %add3A_899 = arith.constant 592 : i32
    %add3A_900 = vector.broadcast %add3A_899 : i32 to vector<8x576xi32>
    %add3A_901 = arith.addi %iota3A, %add3A_900 : vector<8x576xi32>
    %select_n3A_902 = arith.select %lt3A_897, %add3A_901, %select_n3A_890 : vector<8x576xi1>, vector<8x576xi32>
    %slice3A_903 = vector.extract_strided_slice %dot_general3A_12 {offsets = [600, 0], sizes = [8, 576], strides = [1, 1]} : vector<1024x576xf32> to vector<8x576xf32>
    %sub3A_904 = vector.broadcast %broadcast_in_dim3A : vector<1x576xf32> to vector<8x576xf32>
    %sub3A_905 = arith.subf %sub3A_904, %slice3A_903 : vector<8x576xf32>
    %slice3A_906 = vector.extract_strided_slice %broadcast_in_dim3A_11 {offsets = [600, 0], sizes = [8, 1], strides = [1, 1]} : vector<1024x1xf32> to vector<8x1xf32>
    %add3A_907 = vector.broadcast %slice3A_906 : vector<8x1xf32> to vector<8x576xf32>
    %add3A_908 = arith.addf %sub3A_905, %add3A_907 : vector<8x576xf32>
    %lt3A_909 = arith.cmpf olt, %add3A_908, %select_n3A_898 : vector<8x576xf32>
    %select_n3A_910 = arith.select %lt3A_909, %add3A_908, %select_n3A_898 : vector<8x576xi1>, vector<8x576xf32>
    %add3A_911 = arith.constant 600 : i32
    %add3A_912 = vector.broadcast %add3A_911 : i32 to vector<8x576xi32>
    %add3A_913 = arith.addi %iota3A, %add3A_912 : vector<8x576xi32>
    %select_n3A_914 = arith.select %lt3A_909, %add3A_913, %select_n3A_902 : vector<8x576xi1>, vector<8x576xi32>
    %slice3A_915 = vector.extract_strided_slice %dot_general3A_12 {offsets = [608, 0], sizes = [8, 576], strides = [1, 1]} : vector<1024x576xf32> to vector<8x576xf32>
    %sub3A_916 = vector.broadcast %broadcast_in_dim3A : vector<1x576xf32> to vector<8x576xf32>
    %sub3A_917 = arith.subf %sub3A_916, %slice3A_915 : vector<8x576xf32>
    %slice3A_918 = vector.extract_strided_slice %broadcast_in_dim3A_11 {offsets = [608, 0], sizes = [8, 1], strides = [1, 1]} : vector<1024x1xf32> to vector<8x1xf32>
    %add3A_919 = vector.broadcast %slice3A_918 : vector<8x1xf32> to vector<8x576xf32>
    %add3A_920 = arith.addf %sub3A_917, %add3A_919 : vector<8x576xf32>
    %lt3A_921 = arith.cmpf olt, %add3A_920, %select_n3A_910 : vector<8x576xf32>
    %select_n3A_922 = arith.select %lt3A_921, %add3A_920, %select_n3A_910 : vector<8x576xi1>, vector<8x576xf32>
    %add3A_923 = arith.constant 608 : i32
    %add3A_924 = vector.broadcast %add3A_923 : i32 to vector<8x576xi32>
    %add3A_925 = arith.addi %iota3A, %add3A_924 : vector<8x576xi32>
    %select_n3A_926 = arith.select %lt3A_921, %add3A_925, %select_n3A_914 : vector<8x576xi1>, vector<8x576xi32>
    %slice3A_927 = vector.extract_strided_slice %dot_general3A_12 {offsets = [616, 0], sizes = [8, 576], strides = [1, 1]} : vector<1024x576xf32> to vector<8x576xf32>
    %sub3A_928 = vector.broadcast %broadcast_in_dim3A : vector<1x576xf32> to vector<8x576xf32>
    %sub3A_929 = arith.subf %sub3A_928, %slice3A_927 : vector<8x576xf32>
    %slice3A_930 = vector.extract_strided_slice %broadcast_in_dim3A_11 {offsets = [616, 0], sizes = [8, 1], strides = [1, 1]} : vector<1024x1xf32> to vector<8x1xf32>
    %add3A_931 = vector.broadcast %slice3A_930 : vector<8x1xf32> to vector<8x576xf32>
    %add3A_932 = arith.addf %sub3A_929, %add3A_931 : vector<8x576xf32>
    %lt3A_933 = arith.cmpf olt, %add3A_932, %select_n3A_922 : vector<8x576xf32>
    %select_n3A_934 = arith.select %lt3A_933, %add3A_932, %select_n3A_922 : vector<8x576xi1>, vector<8x576xf32>
    %add3A_935 = arith.constant 616 : i32
    %add3A_936 = vector.broadcast %add3A_935 : i32 to vector<8x576xi32>
    %add3A_937 = arith.addi %iota3A, %add3A_936 : vector<8x576xi32>
    %select_n3A_938 = arith.select %lt3A_933, %add3A_937, %select_n3A_926 : vector<8x576xi1>, vector<8x576xi32>
    %slice3A_939 = vector.extract_strided_slice %dot_general3A_12 {offsets = [624, 0], sizes = [8, 576], strides = [1, 1]} : vector<1024x576xf32> to vector<8x576xf32>
    %sub3A_940 = vector.broadcast %broadcast_in_dim3A : vector<1x576xf32> to vector<8x576xf32>
    %sub3A_941 = arith.subf %sub3A_940, %slice3A_939 : vector<8x576xf32>
    %slice3A_942 = vector.extract_strided_slice %broadcast_in_dim3A_11 {offsets = [624, 0], sizes = [8, 1], strides = [1, 1]} : vector<1024x1xf32> to vector<8x1xf32>
    %add3A_943 = vector.broadcast %slice3A_942 : vector<8x1xf32> to vector<8x576xf32>
    %add3A_944 = arith.addf %sub3A_941, %add3A_943 : vector<8x576xf32>
    %lt3A_945 = arith.cmpf olt, %add3A_944, %select_n3A_934 : vector<8x576xf32>
    %select_n3A_946 = arith.select %lt3A_945, %add3A_944, %select_n3A_934 : vector<8x576xi1>, vector<8x576xf32>
    %add3A_947 = arith.constant 624 : i32
    %add3A_948 = vector.broadcast %add3A_947 : i32 to vector<8x576xi32>
    %add3A_949 = arith.addi %iota3A, %add3A_948 : vector<8x576xi32>
    %select_n3A_950 = arith.select %lt3A_945, %add3A_949, %select_n3A_938 : vector<8x576xi1>, vector<8x576xi32>
    %slice3A_951 = vector.extract_strided_slice %dot_general3A_12 {offsets = [632, 0], sizes = [8, 576], strides = [1, 1]} : vector<1024x576xf32> to vector<8x576xf32>
    %sub3A_952 = vector.broadcast %broadcast_in_dim3A : vector<1x576xf32> to vector<8x576xf32>
    %sub3A_953 = arith.subf %sub3A_952, %slice3A_951 : vector<8x576xf32>
    %slice3A_954 = vector.extract_strided_slice %broadcast_in_dim3A_11 {offsets = [632, 0], sizes = [8, 1], strides = [1, 1]} : vector<1024x1xf32> to vector<8x1xf32>
    %add3A_955 = vector.broadcast %slice3A_954 : vector<8x1xf32> to vector<8x576xf32>
    %add3A_956 = arith.addf %sub3A_953, %add3A_955 : vector<8x576xf32>
    %lt3A_957 = arith.cmpf olt, %add3A_956, %select_n3A_946 : vector<8x576xf32>
    %select_n3A_958 = arith.select %lt3A_957, %add3A_956, %select_n3A_946 : vector<8x576xi1>, vector<8x576xf32>
    %add3A_959 = arith.constant 632 : i32
    %add3A_960 = vector.broadcast %add3A_959 : i32 to vector<8x576xi32>
    %add3A_961 = arith.addi %iota3A, %add3A_960 : vector<8x576xi32>
    %select_n3A_962 = arith.select %lt3A_957, %add3A_961, %select_n3A_950 : vector<8x576xi1>, vector<8x576xi32>
    %slice3A_963 = vector.extract_strided_slice %dot_general3A_12 {offsets = [640, 0], sizes = [8, 576], strides = [1, 1]} : vector<1024x576xf32> to vector<8x576xf32>
    %sub3A_964 = vector.broadcast %broadcast_in_dim3A : vector<1x576xf32> to vector<8x576xf32>
    %sub3A_965 = arith.subf %sub3A_964, %slice3A_963 : vector<8x576xf32>
    %slice3A_966 = vector.extract_strided_slice %broadcast_in_dim3A_11 {offsets = [640, 0], sizes = [8, 1], strides = [1, 1]} : vector<1024x1xf32> to vector<8x1xf32>
    %add3A_967 = vector.broadcast %slice3A_966 : vector<8x1xf32> to vector<8x576xf32>
    %add3A_968 = arith.addf %sub3A_965, %add3A_967 : vector<8x576xf32>
    %lt3A_969 = arith.cmpf olt, %add3A_968, %select_n3A_958 : vector<8x576xf32>
    %select_n3A_970 = arith.select %lt3A_969, %add3A_968, %select_n3A_958 : vector<8x576xi1>, vector<8x576xf32>
    %add3A_971 = arith.constant 640 : i32
    %add3A_972 = vector.broadcast %add3A_971 : i32 to vector<8x576xi32>
    %add3A_973 = arith.addi %iota3A, %add3A_972 : vector<8x576xi32>
    %select_n3A_974 = arith.select %lt3A_969, %add3A_973, %select_n3A_962 : vector<8x576xi1>, vector<8x576xi32>
    %slice3A_975 = vector.extract_strided_slice %dot_general3A_12 {offsets = [648, 0], sizes = [8, 576], strides = [1, 1]} : vector<1024x576xf32> to vector<8x576xf32>
    %sub3A_976 = vector.broadcast %broadcast_in_dim3A : vector<1x576xf32> to vector<8x576xf32>
    %sub3A_977 = arith.subf %sub3A_976, %slice3A_975 : vector<8x576xf32>
    %slice3A_978 = vector.extract_strided_slice %broadcast_in_dim3A_11 {offsets = [648, 0], sizes = [8, 1], strides = [1, 1]} : vector<1024x1xf32> to vector<8x1xf32>
    %add3A_979 = vector.broadcast %slice3A_978 : vector<8x1xf32> to vector<8x576xf32>
    %add3A_980 = arith.addf %sub3A_977, %add3A_979 : vector<8x576xf32>
    %lt3A_981 = arith.cmpf olt, %add3A_980, %select_n3A_970 : vector<8x576xf32>
    %select_n3A_982 = arith.select %lt3A_981, %add3A_980, %select_n3A_970 : vector<8x576xi1>, vector<8x576xf32>
    %add3A_983 = arith.constant 648 : i32
    %add3A_984 = vector.broadcast %add3A_983 : i32 to vector<8x576xi32>
    %add3A_985 = arith.addi %iota3A, %add3A_984 : vector<8x576xi32>
    %select_n3A_986 = arith.select %lt3A_981, %add3A_985, %select_n3A_974 : vector<8x576xi1>, vector<8x576xi32>
    %slice3A_987 = vector.extract_strided_slice %dot_general3A_12 {offsets = [656, 0], sizes = [8, 576], strides = [1, 1]} : vector<1024x576xf32> to vector<8x576xf32>
    %sub3A_988 = vector.broadcast %broadcast_in_dim3A : vector<1x576xf32> to vector<8x576xf32>
    %sub3A_989 = arith.subf %sub3A_988, %slice3A_987 : vector<8x576xf32>
    %slice3A_990 = vector.extract_strided_slice %broadcast_in_dim3A_11 {offsets = [656, 0], sizes = [8, 1], strides = [1, 1]} : vector<1024x1xf32> to vector<8x1xf32>
    %add3A_991 = vector.broadcast %slice3A_990 : vector<8x1xf32> to vector<8x576xf32>
    %add3A_992 = arith.addf %sub3A_989, %add3A_991 : vector<8x576xf32>
    %lt3A_993 = arith.cmpf olt, %add3A_992, %select_n3A_982 : vector<8x576xf32>
    %select_n3A_994 = arith.select %lt3A_993, %add3A_992, %select_n3A_982 : vector<8x576xi1>, vector<8x576xf32>
    %add3A_995 = arith.constant 656 : i32
    %add3A_996 = vector.broadcast %add3A_995 : i32 to vector<8x576xi32>
    %add3A_997 = arith.addi %iota3A, %add3A_996 : vector<8x576xi32>
    %select_n3A_998 = arith.select %lt3A_993, %add3A_997, %select_n3A_986 : vector<8x576xi1>, vector<8x576xi32>
    %slice3A_999 = vector.extract_strided_slice %dot_general3A_12 {offsets = [664, 0], sizes = [8, 576], strides = [1, 1]} : vector<1024x576xf32> to vector<8x576xf32>
    %sub3A_1000 = vector.broadcast %broadcast_in_dim3A : vector<1x576xf32> to vector<8x576xf32>
    %sub3A_1001 = arith.subf %sub3A_1000, %slice3A_999 : vector<8x576xf32>
    %slice3A_1002 = vector.extract_strided_slice %broadcast_in_dim3A_11 {offsets = [664, 0], sizes = [8, 1], strides = [1, 1]} : vector<1024x1xf32> to vector<8x1xf32>
    %add3A_1003 = vector.broadcast %slice3A_1002 : vector<8x1xf32> to vector<8x576xf32>
    %add3A_1004 = arith.addf %sub3A_1001, %add3A_1003 : vector<8x576xf32>
    %lt3A_1005 = arith.cmpf olt, %add3A_1004, %select_n3A_994 : vector<8x576xf32>
    %select_n3A_1006 = arith.select %lt3A_1005, %add3A_1004, %select_n3A_994 : vector<8x576xi1>, vector<8x576xf32>
    %add3A_1007 = arith.constant 664 : i32
    %add3A_1008 = vector.broadcast %add3A_1007 : i32 to vector<8x576xi32>
    %add3A_1009 = arith.addi %iota3A, %add3A_1008 : vector<8x576xi32>
    %select_n3A_1010 = arith.select %lt3A_1005, %add3A_1009, %select_n3A_998 : vector<8x576xi1>, vector<8x576xi32>
    %slice3A_1011 = vector.extract_strided_slice %dot_general3A_12 {offsets = [672, 0], sizes = [8, 576], strides = [1, 1]} : vector<1024x576xf32> to vector<8x576xf32>
    %sub3A_1012 = vector.broadcast %broadcast_in_dim3A : vector<1x576xf32> to vector<8x576xf32>
    %sub3A_1013 = arith.subf %sub3A_1012, %slice3A_1011 : vector<8x576xf32>
    %slice3A_1014 = vector.extract_strided_slice %broadcast_in_dim3A_11 {offsets = [672, 0], sizes = [8, 1], strides = [1, 1]} : vector<1024x1xf32> to vector<8x1xf32>
    %add3A_1015 = vector.broadcast %slice3A_1014 : vector<8x1xf32> to vector<8x576xf32>
    %add3A_1016 = arith.addf %sub3A_1013, %add3A_1015 : vector<8x576xf32>
    %lt3A_1017 = arith.cmpf olt, %add3A_1016, %select_n3A_1006 : vector<8x576xf32>
    %select_n3A_1018 = arith.select %lt3A_1017, %add3A_1016, %select_n3A_1006 : vector<8x576xi1>, vector<8x576xf32>
    %add3A_1019 = arith.constant 672 : i32
    %add3A_1020 = vector.broadcast %add3A_1019 : i32 to vector<8x576xi32>
    %add3A_1021 = arith.addi %iota3A, %add3A_1020 : vector<8x576xi32>
    %select_n3A_1022 = arith.select %lt3A_1017, %add3A_1021, %select_n3A_1010 : vector<8x576xi1>, vector<8x576xi32>
    %slice3A_1023 = vector.extract_strided_slice %dot_general3A_12 {offsets = [680, 0], sizes = [8, 576], strides = [1, 1]} : vector<1024x576xf32> to vector<8x576xf32>
    %sub3A_1024 = vector.broadcast %broadcast_in_dim3A : vector<1x576xf32> to vector<8x576xf32>
    %sub3A_1025 = arith.subf %sub3A_1024, %slice3A_1023 : vector<8x576xf32>
    %slice3A_1026 = vector.extract_strided_slice %broadcast_in_dim3A_11 {offsets = [680, 0], sizes = [8, 1], strides = [1, 1]} : vector<1024x1xf32> to vector<8x1xf32>
    %add3A_1027 = vector.broadcast %slice3A_1026 : vector<8x1xf32> to vector<8x576xf32>
    %add3A_1028 = arith.addf %sub3A_1025, %add3A_1027 : vector<8x576xf32>
    %lt3A_1029 = arith.cmpf olt, %add3A_1028, %select_n3A_1018 : vector<8x576xf32>
    %select_n3A_1030 = arith.select %lt3A_1029, %add3A_1028, %select_n3A_1018 : vector<8x576xi1>, vector<8x576xf32>
    %add3A_1031 = arith.constant 680 : i32
    %add3A_1032 = vector.broadcast %add3A_1031 : i32 to vector<8x576xi32>
    %add3A_1033 = arith.addi %iota3A, %add3A_1032 : vector<8x576xi32>
    %select_n3A_1034 = arith.select %lt3A_1029, %add3A_1033, %select_n3A_1022 : vector<8x576xi1>, vector<8x576xi32>
    %slice3A_1035 = vector.extract_strided_slice %dot_general3A_12 {offsets = [688, 0], sizes = [8, 576], strides = [1, 1]} : vector<1024x576xf32> to vector<8x576xf32>
    %sub3A_1036 = vector.broadcast %broadcast_in_dim3A : vector<1x576xf32> to vector<8x576xf32>
    %sub3A_1037 = arith.subf %sub3A_1036, %slice3A_1035 : vector<8x576xf32>
    %slice3A_1038 = vector.extract_strided_slice %broadcast_in_dim3A_11 {offsets = [688, 0], sizes = [8, 1], strides = [1, 1]} : vector<1024x1xf32> to vector<8x1xf32>
    %add3A_1039 = vector.broadcast %slice3A_1038 : vector<8x1xf32> to vector<8x576xf32>
    %add3A_1040 = arith.addf %sub3A_1037, %add3A_1039 : vector<8x576xf32>
    %lt3A_1041 = arith.cmpf olt, %add3A_1040, %select_n3A_1030 : vector<8x576xf32>
    %select_n3A_1042 = arith.select %lt3A_1041, %add3A_1040, %select_n3A_1030 : vector<8x576xi1>, vector<8x576xf32>
    %add3A_1043 = arith.constant 688 : i32
    %add3A_1044 = vector.broadcast %add3A_1043 : i32 to vector<8x576xi32>
    %add3A_1045 = arith.addi %iota3A, %add3A_1044 : vector<8x576xi32>
    %select_n3A_1046 = arith.select %lt3A_1041, %add3A_1045, %select_n3A_1034 : vector<8x576xi1>, vector<8x576xi32>
    %slice3A_1047 = vector.extract_strided_slice %dot_general3A_12 {offsets = [696, 0], sizes = [8, 576], strides = [1, 1]} : vector<1024x576xf32> to vector<8x576xf32>
    %sub3A_1048 = vector.broadcast %broadcast_in_dim3A : vector<1x576xf32> to vector<8x576xf32>
    %sub3A_1049 = arith.subf %sub3A_1048, %slice3A_1047 : vector<8x576xf32>
    %slice3A_1050 = vector.extract_strided_slice %broadcast_in_dim3A_11 {offsets = [696, 0], sizes = [8, 1], strides = [1, 1]} : vector<1024x1xf32> to vector<8x1xf32>
    %add3A_1051 = vector.broadcast %slice3A_1050 : vector<8x1xf32> to vector<8x576xf32>
    %add3A_1052 = arith.addf %sub3A_1049, %add3A_1051 : vector<8x576xf32>
    %lt3A_1053 = arith.cmpf olt, %add3A_1052, %select_n3A_1042 : vector<8x576xf32>
    %select_n3A_1054 = arith.select %lt3A_1053, %add3A_1052, %select_n3A_1042 : vector<8x576xi1>, vector<8x576xf32>
    %add3A_1055 = arith.constant 696 : i32
    %add3A_1056 = vector.broadcast %add3A_1055 : i32 to vector<8x576xi32>
    %add3A_1057 = arith.addi %iota3A, %add3A_1056 : vector<8x576xi32>
    %select_n3A_1058 = arith.select %lt3A_1053, %add3A_1057, %select_n3A_1046 : vector<8x576xi1>, vector<8x576xi32>
    %slice3A_1059 = vector.extract_strided_slice %dot_general3A_12 {offsets = [704, 0], sizes = [8, 576], strides = [1, 1]} : vector<1024x576xf32> to vector<8x576xf32>
    %sub3A_1060 = vector.broadcast %broadcast_in_dim3A : vector<1x576xf32> to vector<8x576xf32>
    %sub3A_1061 = arith.subf %sub3A_1060, %slice3A_1059 : vector<8x576xf32>
    %slice3A_1062 = vector.extract_strided_slice %broadcast_in_dim3A_11 {offsets = [704, 0], sizes = [8, 1], strides = [1, 1]} : vector<1024x1xf32> to vector<8x1xf32>
    %add3A_1063 = vector.broadcast %slice3A_1062 : vector<8x1xf32> to vector<8x576xf32>
    %add3A_1064 = arith.addf %sub3A_1061, %add3A_1063 : vector<8x576xf32>
    %lt3A_1065 = arith.cmpf olt, %add3A_1064, %select_n3A_1054 : vector<8x576xf32>
    %select_n3A_1066 = arith.select %lt3A_1065, %add3A_1064, %select_n3A_1054 : vector<8x576xi1>, vector<8x576xf32>
    %add3A_1067 = arith.constant 704 : i32
    %add3A_1068 = vector.broadcast %add3A_1067 : i32 to vector<8x576xi32>
    %add3A_1069 = arith.addi %iota3A, %add3A_1068 : vector<8x576xi32>
    %select_n3A_1070 = arith.select %lt3A_1065, %add3A_1069, %select_n3A_1058 : vector<8x576xi1>, vector<8x576xi32>
    %slice3A_1071 = vector.extract_strided_slice %dot_general3A_12 {offsets = [712, 0], sizes = [8, 576], strides = [1, 1]} : vector<1024x576xf32> to vector<8x576xf32>
    %sub3A_1072 = vector.broadcast %broadcast_in_dim3A : vector<1x576xf32> to vector<8x576xf32>
    %sub3A_1073 = arith.subf %sub3A_1072, %slice3A_1071 : vector<8x576xf32>
    %slice3A_1074 = vector.extract_strided_slice %broadcast_in_dim3A_11 {offsets = [712, 0], sizes = [8, 1], strides = [1, 1]} : vector<1024x1xf32> to vector<8x1xf32>
    %add3A_1075 = vector.broadcast %slice3A_1074 : vector<8x1xf32> to vector<8x576xf32>
    %add3A_1076 = arith.addf %sub3A_1073, %add3A_1075 : vector<8x576xf32>
    %lt3A_1077 = arith.cmpf olt, %add3A_1076, %select_n3A_1066 : vector<8x576xf32>
    %select_n3A_1078 = arith.select %lt3A_1077, %add3A_1076, %select_n3A_1066 : vector<8x576xi1>, vector<8x576xf32>
    %add3A_1079 = arith.constant 712 : i32
    %add3A_1080 = vector.broadcast %add3A_1079 : i32 to vector<8x576xi32>
    %add3A_1081 = arith.addi %iota3A, %add3A_1080 : vector<8x576xi32>
    %select_n3A_1082 = arith.select %lt3A_1077, %add3A_1081, %select_n3A_1070 : vector<8x576xi1>, vector<8x576xi32>
    %slice3A_1083 = vector.extract_strided_slice %dot_general3A_12 {offsets = [720, 0], sizes = [8, 576], strides = [1, 1]} : vector<1024x576xf32> to vector<8x576xf32>
    %sub3A_1084 = vector.broadcast %broadcast_in_dim3A : vector<1x576xf32> to vector<8x576xf32>
    %sub3A_1085 = arith.subf %sub3A_1084, %slice3A_1083 : vector<8x576xf32>
    %slice3A_1086 = vector.extract_strided_slice %broadcast_in_dim3A_11 {offsets = [720, 0], sizes = [8, 1], strides = [1, 1]} : vector<1024x1xf32> to vector<8x1xf32>
    %add3A_1087 = vector.broadcast %slice3A_1086 : vector<8x1xf32> to vector<8x576xf32>
    %add3A_1088 = arith.addf %sub3A_1085, %add3A_1087 : vector<8x576xf32>
    %lt3A_1089 = arith.cmpf olt, %add3A_1088, %select_n3A_1078 : vector<8x576xf32>
    %select_n3A_1090 = arith.select %lt3A_1089, %add3A_1088, %select_n3A_1078 : vector<8x576xi1>, vector<8x576xf32>
    %add3A_1091 = arith.constant 720 : i32
    %add3A_1092 = vector.broadcast %add3A_1091 : i32 to vector<8x576xi32>
    %add3A_1093 = arith.addi %iota3A, %add3A_1092 : vector<8x576xi32>
    %select_n3A_1094 = arith.select %lt3A_1089, %add3A_1093, %select_n3A_1082 : vector<8x576xi1>, vector<8x576xi32>
    %slice3A_1095 = vector.extract_strided_slice %dot_general3A_12 {offsets = [728, 0], sizes = [8, 576], strides = [1, 1]} : vector<1024x576xf32> to vector<8x576xf32>
    %sub3A_1096 = vector.broadcast %broadcast_in_dim3A : vector<1x576xf32> to vector<8x576xf32>
    %sub3A_1097 = arith.subf %sub3A_1096, %slice3A_1095 : vector<8x576xf32>
    %slice3A_1098 = vector.extract_strided_slice %broadcast_in_dim3A_11 {offsets = [728, 0], sizes = [8, 1], strides = [1, 1]} : vector<1024x1xf32> to vector<8x1xf32>
    %add3A_1099 = vector.broadcast %slice3A_1098 : vector<8x1xf32> to vector<8x576xf32>
    %add3A_1100 = arith.addf %sub3A_1097, %add3A_1099 : vector<8x576xf32>
    %lt3A_1101 = arith.cmpf olt, %add3A_1100, %select_n3A_1090 : vector<8x576xf32>
    %select_n3A_1102 = arith.select %lt3A_1101, %add3A_1100, %select_n3A_1090 : vector<8x576xi1>, vector<8x576xf32>
    %add3A_1103 = arith.constant 728 : i32
    %add3A_1104 = vector.broadcast %add3A_1103 : i32 to vector<8x576xi32>
    %add3A_1105 = arith.addi %iota3A, %add3A_1104 : vector<8x576xi32>
    %select_n3A_1106 = arith.select %lt3A_1101, %add3A_1105, %select_n3A_1094 : vector<8x576xi1>, vector<8x576xi32>
    %slice3A_1107 = vector.extract_strided_slice %dot_general3A_12 {offsets = [736, 0], sizes = [8, 576], strides = [1, 1]} : vector<1024x576xf32> to vector<8x576xf32>
    %sub3A_1108 = vector.broadcast %broadcast_in_dim3A : vector<1x576xf32> to vector<8x576xf32>
    %sub3A_1109 = arith.subf %sub3A_1108, %slice3A_1107 : vector<8x576xf32>
    %slice3A_1110 = vector.extract_strided_slice %broadcast_in_dim3A_11 {offsets = [736, 0], sizes = [8, 1], strides = [1, 1]} : vector<1024x1xf32> to vector<8x1xf32>
    %add3A_1111 = vector.broadcast %slice3A_1110 : vector<8x1xf32> to vector<8x576xf32>
    %add3A_1112 = arith.addf %sub3A_1109, %add3A_1111 : vector<8x576xf32>
    %lt3A_1113 = arith.cmpf olt, %add3A_1112, %select_n3A_1102 : vector<8x576xf32>
    %select_n3A_1114 = arith.select %lt3A_1113, %add3A_1112, %select_n3A_1102 : vector<8x576xi1>, vector<8x576xf32>
    %add3A_1115 = arith.constant 736 : i32
    %add3A_1116 = vector.broadcast %add3A_1115 : i32 to vector<8x576xi32>
    %add3A_1117 = arith.addi %iota3A, %add3A_1116 : vector<8x576xi32>
    %select_n3A_1118 = arith.select %lt3A_1113, %add3A_1117, %select_n3A_1106 : vector<8x576xi1>, vector<8x576xi32>
    %slice3A_1119 = vector.extract_strided_slice %dot_general3A_12 {offsets = [744, 0], sizes = [8, 576], strides = [1, 1]} : vector<1024x576xf32> to vector<8x576xf32>
    %sub3A_1120 = vector.broadcast %broadcast_in_dim3A : vector<1x576xf32> to vector<8x576xf32>
    %sub3A_1121 = arith.subf %sub3A_1120, %slice3A_1119 : vector<8x576xf32>
    %slice3A_1122 = vector.extract_strided_slice %broadcast_in_dim3A_11 {offsets = [744, 0], sizes = [8, 1], strides = [1, 1]} : vector<1024x1xf32> to vector<8x1xf32>
    %add3A_1123 = vector.broadcast %slice3A_1122 : vector<8x1xf32> to vector<8x576xf32>
    %add3A_1124 = arith.addf %sub3A_1121, %add3A_1123 : vector<8x576xf32>
    %lt3A_1125 = arith.cmpf olt, %add3A_1124, %select_n3A_1114 : vector<8x576xf32>
    %select_n3A_1126 = arith.select %lt3A_1125, %add3A_1124, %select_n3A_1114 : vector<8x576xi1>, vector<8x576xf32>
    %add3A_1127 = arith.constant 744 : i32
    %add3A_1128 = vector.broadcast %add3A_1127 : i32 to vector<8x576xi32>
    %add3A_1129 = arith.addi %iota3A, %add3A_1128 : vector<8x576xi32>
    %select_n3A_1130 = arith.select %lt3A_1125, %add3A_1129, %select_n3A_1118 : vector<8x576xi1>, vector<8x576xi32>
    %slice3A_1131 = vector.extract_strided_slice %dot_general3A_12 {offsets = [752, 0], sizes = [8, 576], strides = [1, 1]} : vector<1024x576xf32> to vector<8x576xf32>
    %sub3A_1132 = vector.broadcast %broadcast_in_dim3A : vector<1x576xf32> to vector<8x576xf32>
    %sub3A_1133 = arith.subf %sub3A_1132, %slice3A_1131 : vector<8x576xf32>
    %slice3A_1134 = vector.extract_strided_slice %broadcast_in_dim3A_11 {offsets = [752, 0], sizes = [8, 1], strides = [1, 1]} : vector<1024x1xf32> to vector<8x1xf32>
    %add3A_1135 = vector.broadcast %slice3A_1134 : vector<8x1xf32> to vector<8x576xf32>
    %add3A_1136 = arith.addf %sub3A_1133, %add3A_1135 : vector<8x576xf32>
    %lt3A_1137 = arith.cmpf olt, %add3A_1136, %select_n3A_1126 : vector<8x576xf32>
    %select_n3A_1138 = arith.select %lt3A_1137, %add3A_1136, %select_n3A_1126 : vector<8x576xi1>, vector<8x576xf32>
    %add3A_1139 = arith.constant 752 : i32
    %add3A_1140 = vector.broadcast %add3A_1139 : i32 to vector<8x576xi32>
    %add3A_1141 = arith.addi %iota3A, %add3A_1140 : vector<8x576xi32>
    %select_n3A_1142 = arith.select %lt3A_1137, %add3A_1141, %select_n3A_1130 : vector<8x576xi1>, vector<8x576xi32>
    %slice3A_1143 = vector.extract_strided_slice %dot_general3A_12 {offsets = [760, 0], sizes = [8, 576], strides = [1, 1]} : vector<1024x576xf32> to vector<8x576xf32>
    %sub3A_1144 = vector.broadcast %broadcast_in_dim3A : vector<1x576xf32> to vector<8x576xf32>
    %sub3A_1145 = arith.subf %sub3A_1144, %slice3A_1143 : vector<8x576xf32>
    %slice3A_1146 = vector.extract_strided_slice %broadcast_in_dim3A_11 {offsets = [760, 0], sizes = [8, 1], strides = [1, 1]} : vector<1024x1xf32> to vector<8x1xf32>
    %add3A_1147 = vector.broadcast %slice3A_1146 : vector<8x1xf32> to vector<8x576xf32>
    %add3A_1148 = arith.addf %sub3A_1145, %add3A_1147 : vector<8x576xf32>
    %lt3A_1149 = arith.cmpf olt, %add3A_1148, %select_n3A_1138 : vector<8x576xf32>
    %select_n3A_1150 = arith.select %lt3A_1149, %add3A_1148, %select_n3A_1138 : vector<8x576xi1>, vector<8x576xf32>
    %add3A_1151 = arith.constant 760 : i32
    %add3A_1152 = vector.broadcast %add3A_1151 : i32 to vector<8x576xi32>
    %add3A_1153 = arith.addi %iota3A, %add3A_1152 : vector<8x576xi32>
    %select_n3A_1154 = arith.select %lt3A_1149, %add3A_1153, %select_n3A_1142 : vector<8x576xi1>, vector<8x576xi32>
    %slice3A_1155 = vector.extract_strided_slice %dot_general3A_12 {offsets = [768, 0], sizes = [8, 576], strides = [1, 1]} : vector<1024x576xf32> to vector<8x576xf32>
    %sub3A_1156 = vector.broadcast %broadcast_in_dim3A : vector<1x576xf32> to vector<8x576xf32>
    %sub3A_1157 = arith.subf %sub3A_1156, %slice3A_1155 : vector<8x576xf32>
    %slice3A_1158 = vector.extract_strided_slice %broadcast_in_dim3A_11 {offsets = [768, 0], sizes = [8, 1], strides = [1, 1]} : vector<1024x1xf32> to vector<8x1xf32>
    %add3A_1159 = vector.broadcast %slice3A_1158 : vector<8x1xf32> to vector<8x576xf32>
    %add3A_1160 = arith.addf %sub3A_1157, %add3A_1159 : vector<8x576xf32>
    %lt3A_1161 = arith.cmpf olt, %add3A_1160, %select_n3A_1150 : vector<8x576xf32>
    %select_n3A_1162 = arith.select %lt3A_1161, %add3A_1160, %select_n3A_1150 : vector<8x576xi1>, vector<8x576xf32>
    %add3A_1163 = arith.constant 768 : i32
    %add3A_1164 = vector.broadcast %add3A_1163 : i32 to vector<8x576xi32>
    %add3A_1165 = arith.addi %iota3A, %add3A_1164 : vector<8x576xi32>
    %select_n3A_1166 = arith.select %lt3A_1161, %add3A_1165, %select_n3A_1154 : vector<8x576xi1>, vector<8x576xi32>
    %slice3A_1167 = vector.extract_strided_slice %dot_general3A_12 {offsets = [776, 0], sizes = [8, 576], strides = [1, 1]} : vector<1024x576xf32> to vector<8x576xf32>
    %sub3A_1168 = vector.broadcast %broadcast_in_dim3A : vector<1x576xf32> to vector<8x576xf32>
    %sub3A_1169 = arith.subf %sub3A_1168, %slice3A_1167 : vector<8x576xf32>
    %slice3A_1170 = vector.extract_strided_slice %broadcast_in_dim3A_11 {offsets = [776, 0], sizes = [8, 1], strides = [1, 1]} : vector<1024x1xf32> to vector<8x1xf32>
    %add3A_1171 = vector.broadcast %slice3A_1170 : vector<8x1xf32> to vector<8x576xf32>
    %add3A_1172 = arith.addf %sub3A_1169, %add3A_1171 : vector<8x576xf32>
    %lt3A_1173 = arith.cmpf olt, %add3A_1172, %select_n3A_1162 : vector<8x576xf32>
    %select_n3A_1174 = arith.select %lt3A_1173, %add3A_1172, %select_n3A_1162 : vector<8x576xi1>, vector<8x576xf32>
    %add3A_1175 = arith.constant 776 : i32
    %add3A_1176 = vector.broadcast %add3A_1175 : i32 to vector<8x576xi32>
    %add3A_1177 = arith.addi %iota3A, %add3A_1176 : vector<8x576xi32>
    %select_n3A_1178 = arith.select %lt3A_1173, %add3A_1177, %select_n3A_1166 : vector<8x576xi1>, vector<8x576xi32>
    %slice3A_1179 = vector.extract_strided_slice %dot_general3A_12 {offsets = [784, 0], sizes = [8, 576], strides = [1, 1]} : vector<1024x576xf32> to vector<8x576xf32>
    %sub3A_1180 = vector.broadcast %broadcast_in_dim3A : vector<1x576xf32> to vector<8x576xf32>
    %sub3A_1181 = arith.subf %sub3A_1180, %slice3A_1179 : vector<8x576xf32>
    %slice3A_1182 = vector.extract_strided_slice %broadcast_in_dim3A_11 {offsets = [784, 0], sizes = [8, 1], strides = [1, 1]} : vector<1024x1xf32> to vector<8x1xf32>
    %add3A_1183 = vector.broadcast %slice3A_1182 : vector<8x1xf32> to vector<8x576xf32>
    %add3A_1184 = arith.addf %sub3A_1181, %add3A_1183 : vector<8x576xf32>
    %lt3A_1185 = arith.cmpf olt, %add3A_1184, %select_n3A_1174 : vector<8x576xf32>
    %select_n3A_1186 = arith.select %lt3A_1185, %add3A_1184, %select_n3A_1174 : vector<8x576xi1>, vector<8x576xf32>
    %add3A_1187 = arith.constant 784 : i32
    %add3A_1188 = vector.broadcast %add3A_1187 : i32 to vector<8x576xi32>
    %add3A_1189 = arith.addi %iota3A, %add3A_1188 : vector<8x576xi32>
    %select_n3A_1190 = arith.select %lt3A_1185, %add3A_1189, %select_n3A_1178 : vector<8x576xi1>, vector<8x576xi32>
    %slice3A_1191 = vector.extract_strided_slice %dot_general3A_12 {offsets = [792, 0], sizes = [8, 576], strides = [1, 1]} : vector<1024x576xf32> to vector<8x576xf32>
    %sub3A_1192 = vector.broadcast %broadcast_in_dim3A : vector<1x576xf32> to vector<8x576xf32>
    %sub3A_1193 = arith.subf %sub3A_1192, %slice3A_1191 : vector<8x576xf32>
    %slice3A_1194 = vector.extract_strided_slice %broadcast_in_dim3A_11 {offsets = [792, 0], sizes = [8, 1], strides = [1, 1]} : vector<1024x1xf32> to vector<8x1xf32>
    %add3A_1195 = vector.broadcast %slice3A_1194 : vector<8x1xf32> to vector<8x576xf32>
    %add3A_1196 = arith.addf %sub3A_1193, %add3A_1195 : vector<8x576xf32>
    %lt3A_1197 = arith.cmpf olt, %add3A_1196, %select_n3A_1186 : vector<8x576xf32>
    %select_n3A_1198 = arith.select %lt3A_1197, %add3A_1196, %select_n3A_1186 : vector<8x576xi1>, vector<8x576xf32>
    %add3A_1199 = arith.constant 792 : i32
    %add3A_1200 = vector.broadcast %add3A_1199 : i32 to vector<8x576xi32>
    %add3A_1201 = arith.addi %iota3A, %add3A_1200 : vector<8x576xi32>
    %select_n3A_1202 = arith.select %lt3A_1197, %add3A_1201, %select_n3A_1190 : vector<8x576xi1>, vector<8x576xi32>
    %slice3A_1203 = vector.extract_strided_slice %dot_general3A_12 {offsets = [800, 0], sizes = [8, 576], strides = [1, 1]} : vector<1024x576xf32> to vector<8x576xf32>
    %sub3A_1204 = vector.broadcast %broadcast_in_dim3A : vector<1x576xf32> to vector<8x576xf32>
    %sub3A_1205 = arith.subf %sub3A_1204, %slice3A_1203 : vector<8x576xf32>
    %slice3A_1206 = vector.extract_strided_slice %broadcast_in_dim3A_11 {offsets = [800, 0], sizes = [8, 1], strides = [1, 1]} : vector<1024x1xf32> to vector<8x1xf32>
    %add3A_1207 = vector.broadcast %slice3A_1206 : vector<8x1xf32> to vector<8x576xf32>
    %add3A_1208 = arith.addf %sub3A_1205, %add3A_1207 : vector<8x576xf32>
    %lt3A_1209 = arith.cmpf olt, %add3A_1208, %select_n3A_1198 : vector<8x576xf32>
    %select_n3A_1210 = arith.select %lt3A_1209, %add3A_1208, %select_n3A_1198 : vector<8x576xi1>, vector<8x576xf32>
    %add3A_1211 = arith.constant 800 : i32
    %add3A_1212 = vector.broadcast %add3A_1211 : i32 to vector<8x576xi32>
    %add3A_1213 = arith.addi %iota3A, %add3A_1212 : vector<8x576xi32>
    %select_n3A_1214 = arith.select %lt3A_1209, %add3A_1213, %select_n3A_1202 : vector<8x576xi1>, vector<8x576xi32>
    %slice3A_1215 = vector.extract_strided_slice %dot_general3A_12 {offsets = [808, 0], sizes = [8, 576], strides = [1, 1]} : vector<1024x576xf32> to vector<8x576xf32>
    %sub3A_1216 = vector.broadcast %broadcast_in_dim3A : vector<1x576xf32> to vector<8x576xf32>
    %sub3A_1217 = arith.subf %sub3A_1216, %slice3A_1215 : vector<8x576xf32>
    %slice3A_1218 = vector.extract_strided_slice %broadcast_in_dim3A_11 {offsets = [808, 0], sizes = [8, 1], strides = [1, 1]} : vector<1024x1xf32> to vector<8x1xf32>
    %add3A_1219 = vector.broadcast %slice3A_1218 : vector<8x1xf32> to vector<8x576xf32>
    %add3A_1220 = arith.addf %sub3A_1217, %add3A_1219 : vector<8x576xf32>
    %lt3A_1221 = arith.cmpf olt, %add3A_1220, %select_n3A_1210 : vector<8x576xf32>
    %select_n3A_1222 = arith.select %lt3A_1221, %add3A_1220, %select_n3A_1210 : vector<8x576xi1>, vector<8x576xf32>
    %add3A_1223 = arith.constant 808 : i32
    %add3A_1224 = vector.broadcast %add3A_1223 : i32 to vector<8x576xi32>
    %add3A_1225 = arith.addi %iota3A, %add3A_1224 : vector<8x576xi32>
    %select_n3A_1226 = arith.select %lt3A_1221, %add3A_1225, %select_n3A_1214 : vector<8x576xi1>, vector<8x576xi32>
    %slice3A_1227 = vector.extract_strided_slice %dot_general3A_12 {offsets = [816, 0], sizes = [8, 576], strides = [1, 1]} : vector<1024x576xf32> to vector<8x576xf32>
    %sub3A_1228 = vector.broadcast %broadcast_in_dim3A : vector<1x576xf32> to vector<8x576xf32>
    %sub3A_1229 = arith.subf %sub3A_1228, %slice3A_1227 : vector<8x576xf32>
    %slice3A_1230 = vector.extract_strided_slice %broadcast_in_dim3A_11 {offsets = [816, 0], sizes = [8, 1], strides = [1, 1]} : vector<1024x1xf32> to vector<8x1xf32>
    %add3A_1231 = vector.broadcast %slice3A_1230 : vector<8x1xf32> to vector<8x576xf32>
    %add3A_1232 = arith.addf %sub3A_1229, %add3A_1231 : vector<8x576xf32>
    %lt3A_1233 = arith.cmpf olt, %add3A_1232, %select_n3A_1222 : vector<8x576xf32>
    %select_n3A_1234 = arith.select %lt3A_1233, %add3A_1232, %select_n3A_1222 : vector<8x576xi1>, vector<8x576xf32>
    %add3A_1235 = arith.constant 816 : i32
    %add3A_1236 = vector.broadcast %add3A_1235 : i32 to vector<8x576xi32>
    %add3A_1237 = arith.addi %iota3A, %add3A_1236 : vector<8x576xi32>
    %select_n3A_1238 = arith.select %lt3A_1233, %add3A_1237, %select_n3A_1226 : vector<8x576xi1>, vector<8x576xi32>
    %slice3A_1239 = vector.extract_strided_slice %dot_general3A_12 {offsets = [824, 0], sizes = [8, 576], strides = [1, 1]} : vector<1024x576xf32> to vector<8x576xf32>
    %sub3A_1240 = vector.broadcast %broadcast_in_dim3A : vector<1x576xf32> to vector<8x576xf32>
    %sub3A_1241 = arith.subf %sub3A_1240, %slice3A_1239 : vector<8x576xf32>
    %slice3A_1242 = vector.extract_strided_slice %broadcast_in_dim3A_11 {offsets = [824, 0], sizes = [8, 1], strides = [1, 1]} : vector<1024x1xf32> to vector<8x1xf32>
    %add3A_1243 = vector.broadcast %slice3A_1242 : vector<8x1xf32> to vector<8x576xf32>
    %add3A_1244 = arith.addf %sub3A_1241, %add3A_1243 : vector<8x576xf32>
    %lt3A_1245 = arith.cmpf olt, %add3A_1244, %select_n3A_1234 : vector<8x576xf32>
    %select_n3A_1246 = arith.select %lt3A_1245, %add3A_1244, %select_n3A_1234 : vector<8x576xi1>, vector<8x576xf32>
    %add3A_1247 = arith.constant 824 : i32
    %add3A_1248 = vector.broadcast %add3A_1247 : i32 to vector<8x576xi32>
    %add3A_1249 = arith.addi %iota3A, %add3A_1248 : vector<8x576xi32>
    %select_n3A_1250 = arith.select %lt3A_1245, %add3A_1249, %select_n3A_1238 : vector<8x576xi1>, vector<8x576xi32>
    %slice3A_1251 = vector.extract_strided_slice %dot_general3A_12 {offsets = [832, 0], sizes = [8, 576], strides = [1, 1]} : vector<1024x576xf32> to vector<8x576xf32>
    %sub3A_1252 = vector.broadcast %broadcast_in_dim3A : vector<1x576xf32> to vector<8x576xf32>
    %sub3A_1253 = arith.subf %sub3A_1252, %slice3A_1251 : vector<8x576xf32>
    %slice3A_1254 = vector.extract_strided_slice %broadcast_in_dim3A_11 {offsets = [832, 0], sizes = [8, 1], strides = [1, 1]} : vector<1024x1xf32> to vector<8x1xf32>
    %add3A_1255 = vector.broadcast %slice3A_1254 : vector<8x1xf32> to vector<8x576xf32>
    %add3A_1256 = arith.addf %sub3A_1253, %add3A_1255 : vector<8x576xf32>
    %lt3A_1257 = arith.cmpf olt, %add3A_1256, %select_n3A_1246 : vector<8x576xf32>
    %select_n3A_1258 = arith.select %lt3A_1257, %add3A_1256, %select_n3A_1246 : vector<8x576xi1>, vector<8x576xf32>
    %add3A_1259 = arith.constant 832 : i32
    %add3A_1260 = vector.broadcast %add3A_1259 : i32 to vector<8x576xi32>
    %add3A_1261 = arith.addi %iota3A, %add3A_1260 : vector<8x576xi32>
    %select_n3A_1262 = arith.select %lt3A_1257, %add3A_1261, %select_n3A_1250 : vector<8x576xi1>, vector<8x576xi32>
    %slice3A_1263 = vector.extract_strided_slice %dot_general3A_12 {offsets = [840, 0], sizes = [8, 576], strides = [1, 1]} : vector<1024x576xf32> to vector<8x576xf32>
    %sub3A_1264 = vector.broadcast %broadcast_in_dim3A : vector<1x576xf32> to vector<8x576xf32>
    %sub3A_1265 = arith.subf %sub3A_1264, %slice3A_1263 : vector<8x576xf32>
    %slice3A_1266 = vector.extract_strided_slice %broadcast_in_dim3A_11 {offsets = [840, 0], sizes = [8, 1], strides = [1, 1]} : vector<1024x1xf32> to vector<8x1xf32>
    %add3A_1267 = vector.broadcast %slice3A_1266 : vector<8x1xf32> to vector<8x576xf32>
    %add3A_1268 = arith.addf %sub3A_1265, %add3A_1267 : vector<8x576xf32>
    %lt3A_1269 = arith.cmpf olt, %add3A_1268, %select_n3A_1258 : vector<8x576xf32>
    %select_n3A_1270 = arith.select %lt3A_1269, %add3A_1268, %select_n3A_1258 : vector<8x576xi1>, vector<8x576xf32>
    %add3A_1271 = arith.constant 840 : i32
    %add3A_1272 = vector.broadcast %add3A_1271 : i32 to vector<8x576xi32>
    %add3A_1273 = arith.addi %iota3A, %add3A_1272 : vector<8x576xi32>
    %select_n3A_1274 = arith.select %lt3A_1269, %add3A_1273, %select_n3A_1262 : vector<8x576xi1>, vector<8x576xi32>
    %slice3A_1275 = vector.extract_strided_slice %dot_general3A_12 {offsets = [848, 0], sizes = [8, 576], strides = [1, 1]} : vector<1024x576xf32> to vector<8x576xf32>
    %sub3A_1276 = vector.broadcast %broadcast_in_dim3A : vector<1x576xf32> to vector<8x576xf32>
    %sub3A_1277 = arith.subf %sub3A_1276, %slice3A_1275 : vector<8x576xf32>
    %slice3A_1278 = vector.extract_strided_slice %broadcast_in_dim3A_11 {offsets = [848, 0], sizes = [8, 1], strides = [1, 1]} : vector<1024x1xf32> to vector<8x1xf32>
    %add3A_1279 = vector.broadcast %slice3A_1278 : vector<8x1xf32> to vector<8x576xf32>
    %add3A_1280 = arith.addf %sub3A_1277, %add3A_1279 : vector<8x576xf32>
    %lt3A_1281 = arith.cmpf olt, %add3A_1280, %select_n3A_1270 : vector<8x576xf32>
    %select_n3A_1282 = arith.select %lt3A_1281, %add3A_1280, %select_n3A_1270 : vector<8x576xi1>, vector<8x576xf32>
    %add3A_1283 = arith.constant 848 : i32
    %add3A_1284 = vector.broadcast %add3A_1283 : i32 to vector<8x576xi32>
    %add3A_1285 = arith.addi %iota3A, %add3A_1284 : vector<8x576xi32>
    %select_n3A_1286 = arith.select %lt3A_1281, %add3A_1285, %select_n3A_1274 : vector<8x576xi1>, vector<8x576xi32>
    %slice3A_1287 = vector.extract_strided_slice %dot_general3A_12 {offsets = [856, 0], sizes = [8, 576], strides = [1, 1]} : vector<1024x576xf32> to vector<8x576xf32>
    %sub3A_1288 = vector.broadcast %broadcast_in_dim3A : vector<1x576xf32> to vector<8x576xf32>
    %sub3A_1289 = arith.subf %sub3A_1288, %slice3A_1287 : vector<8x576xf32>
    %slice3A_1290 = vector.extract_strided_slice %broadcast_in_dim3A_11 {offsets = [856, 0], sizes = [8, 1], strides = [1, 1]} : vector<1024x1xf32> to vector<8x1xf32>
    %add3A_1291 = vector.broadcast %slice3A_1290 : vector<8x1xf32> to vector<8x576xf32>
    %add3A_1292 = arith.addf %sub3A_1289, %add3A_1291 : vector<8x576xf32>
    %lt3A_1293 = arith.cmpf olt, %add3A_1292, %select_n3A_1282 : vector<8x576xf32>
    %select_n3A_1294 = arith.select %lt3A_1293, %add3A_1292, %select_n3A_1282 : vector<8x576xi1>, vector<8x576xf32>
    %add3A_1295 = arith.constant 856 : i32
    %add3A_1296 = vector.broadcast %add3A_1295 : i32 to vector<8x576xi32>
    %add3A_1297 = arith.addi %iota3A, %add3A_1296 : vector<8x576xi32>
    %select_n3A_1298 = arith.select %lt3A_1293, %add3A_1297, %select_n3A_1286 : vector<8x576xi1>, vector<8x576xi32>
    %slice3A_1299 = vector.extract_strided_slice %dot_general3A_12 {offsets = [864, 0], sizes = [8, 576], strides = [1, 1]} : vector<1024x576xf32> to vector<8x576xf32>
    %sub3A_1300 = vector.broadcast %broadcast_in_dim3A : vector<1x576xf32> to vector<8x576xf32>
    %sub3A_1301 = arith.subf %sub3A_1300, %slice3A_1299 : vector<8x576xf32>
    %slice3A_1302 = vector.extract_strided_slice %broadcast_in_dim3A_11 {offsets = [864, 0], sizes = [8, 1], strides = [1, 1]} : vector<1024x1xf32> to vector<8x1xf32>
    %add3A_1303 = vector.broadcast %slice3A_1302 : vector<8x1xf32> to vector<8x576xf32>
    %add3A_1304 = arith.addf %sub3A_1301, %add3A_1303 : vector<8x576xf32>
    %lt3A_1305 = arith.cmpf olt, %add3A_1304, %select_n3A_1294 : vector<8x576xf32>
    %select_n3A_1306 = arith.select %lt3A_1305, %add3A_1304, %select_n3A_1294 : vector<8x576xi1>, vector<8x576xf32>
    %add3A_1307 = arith.constant 864 : i32
    %add3A_1308 = vector.broadcast %add3A_1307 : i32 to vector<8x576xi32>
    %add3A_1309 = arith.addi %iota3A, %add3A_1308 : vector<8x576xi32>
    %select_n3A_1310 = arith.select %lt3A_1305, %add3A_1309, %select_n3A_1298 : vector<8x576xi1>, vector<8x576xi32>
    %slice3A_1311 = vector.extract_strided_slice %dot_general3A_12 {offsets = [872, 0], sizes = [8, 576], strides = [1, 1]} : vector<1024x576xf32> to vector<8x576xf32>
    %sub3A_1312 = vector.broadcast %broadcast_in_dim3A : vector<1x576xf32> to vector<8x576xf32>
    %sub3A_1313 = arith.subf %sub3A_1312, %slice3A_1311 : vector<8x576xf32>
    %slice3A_1314 = vector.extract_strided_slice %broadcast_in_dim3A_11 {offsets = [872, 0], sizes = [8, 1], strides = [1, 1]} : vector<1024x1xf32> to vector<8x1xf32>
    %add3A_1315 = vector.broadcast %slice3A_1314 : vector<8x1xf32> to vector<8x576xf32>
    %add3A_1316 = arith.addf %sub3A_1313, %add3A_1315 : vector<8x576xf32>
    %lt3A_1317 = arith.cmpf olt, %add3A_1316, %select_n3A_1306 : vector<8x576xf32>
    %select_n3A_1318 = arith.select %lt3A_1317, %add3A_1316, %select_n3A_1306 : vector<8x576xi1>, vector<8x576xf32>
    %add3A_1319 = arith.constant 872 : i32
    %add3A_1320 = vector.broadcast %add3A_1319 : i32 to vector<8x576xi32>
    %add3A_1321 = arith.addi %iota3A, %add3A_1320 : vector<8x576xi32>
    %select_n3A_1322 = arith.select %lt3A_1317, %add3A_1321, %select_n3A_1310 : vector<8x576xi1>, vector<8x576xi32>
    %slice3A_1323 = vector.extract_strided_slice %dot_general3A_12 {offsets = [880, 0], sizes = [8, 576], strides = [1, 1]} : vector<1024x576xf32> to vector<8x576xf32>
    %sub3A_1324 = vector.broadcast %broadcast_in_dim3A : vector<1x576xf32> to vector<8x576xf32>
    %sub3A_1325 = arith.subf %sub3A_1324, %slice3A_1323 : vector<8x576xf32>
    %slice3A_1326 = vector.extract_strided_slice %broadcast_in_dim3A_11 {offsets = [880, 0], sizes = [8, 1], strides = [1, 1]} : vector<1024x1xf32> to vector<8x1xf32>
    %add3A_1327 = vector.broadcast %slice3A_1326 : vector<8x1xf32> to vector<8x576xf32>
    %add3A_1328 = arith.addf %sub3A_1325, %add3A_1327 : vector<8x576xf32>
    %lt3A_1329 = arith.cmpf olt, %add3A_1328, %select_n3A_1318 : vector<8x576xf32>
    %select_n3A_1330 = arith.select %lt3A_1329, %add3A_1328, %select_n3A_1318 : vector<8x576xi1>, vector<8x576xf32>
    %add3A_1331 = arith.constant 880 : i32
    %add3A_1332 = vector.broadcast %add3A_1331 : i32 to vector<8x576xi32>
    %add3A_1333 = arith.addi %iota3A, %add3A_1332 : vector<8x576xi32>
    %select_n3A_1334 = arith.select %lt3A_1329, %add3A_1333, %select_n3A_1322 : vector<8x576xi1>, vector<8x576xi32>
    %slice3A_1335 = vector.extract_strided_slice %dot_general3A_12 {offsets = [888, 0], sizes = [8, 576], strides = [1, 1]} : vector<1024x576xf32> to vector<8x576xf32>
    %sub3A_1336 = vector.broadcast %broadcast_in_dim3A : vector<1x576xf32> to vector<8x576xf32>
    %sub3A_1337 = arith.subf %sub3A_1336, %slice3A_1335 : vector<8x576xf32>
    %slice3A_1338 = vector.extract_strided_slice %broadcast_in_dim3A_11 {offsets = [888, 0], sizes = [8, 1], strides = [1, 1]} : vector<1024x1xf32> to vector<8x1xf32>
    %add3A_1339 = vector.broadcast %slice3A_1338 : vector<8x1xf32> to vector<8x576xf32>
    %add3A_1340 = arith.addf %sub3A_1337, %add3A_1339 : vector<8x576xf32>
    %lt3A_1341 = arith.cmpf olt, %add3A_1340, %select_n3A_1330 : vector<8x576xf32>
    %select_n3A_1342 = arith.select %lt3A_1341, %add3A_1340, %select_n3A_1330 : vector<8x576xi1>, vector<8x576xf32>
    %add3A_1343 = arith.constant 888 : i32
    %add3A_1344 = vector.broadcast %add3A_1343 : i32 to vector<8x576xi32>
    %add3A_1345 = arith.addi %iota3A, %add3A_1344 : vector<8x576xi32>
    %select_n3A_1346 = arith.select %lt3A_1341, %add3A_1345, %select_n3A_1334 : vector<8x576xi1>, vector<8x576xi32>
    %slice3A_1347 = vector.extract_strided_slice %dot_general3A_12 {offsets = [896, 0], sizes = [8, 576], strides = [1, 1]} : vector<1024x576xf32> to vector<8x576xf32>
    %sub3A_1348 = vector.broadcast %broadcast_in_dim3A : vector<1x576xf32> to vector<8x576xf32>
    %sub3A_1349 = arith.subf %sub3A_1348, %slice3A_1347 : vector<8x576xf32>
    %slice3A_1350 = vector.extract_strided_slice %broadcast_in_dim3A_11 {offsets = [896, 0], sizes = [8, 1], strides = [1, 1]} : vector<1024x1xf32> to vector<8x1xf32>
    %add3A_1351 = vector.broadcast %slice3A_1350 : vector<8x1xf32> to vector<8x576xf32>
    %add3A_1352 = arith.addf %sub3A_1349, %add3A_1351 : vector<8x576xf32>
    %lt3A_1353 = arith.cmpf olt, %add3A_1352, %select_n3A_1342 : vector<8x576xf32>
    %select_n3A_1354 = arith.select %lt3A_1353, %add3A_1352, %select_n3A_1342 : vector<8x576xi1>, vector<8x576xf32>
    %add3A_1355 = arith.constant 896 : i32
    %add3A_1356 = vector.broadcast %add3A_1355 : i32 to vector<8x576xi32>
    %add3A_1357 = arith.addi %iota3A, %add3A_1356 : vector<8x576xi32>
    %select_n3A_1358 = arith.select %lt3A_1353, %add3A_1357, %select_n3A_1346 : vector<8x576xi1>, vector<8x576xi32>
    %slice3A_1359 = vector.extract_strided_slice %dot_general3A_12 {offsets = [904, 0], sizes = [8, 576], strides = [1, 1]} : vector<1024x576xf32> to vector<8x576xf32>
    %sub3A_1360 = vector.broadcast %broadcast_in_dim3A : vector<1x576xf32> to vector<8x576xf32>
    %sub3A_1361 = arith.subf %sub3A_1360, %slice3A_1359 : vector<8x576xf32>
    %slice3A_1362 = vector.extract_strided_slice %broadcast_in_dim3A_11 {offsets = [904, 0], sizes = [8, 1], strides = [1, 1]} : vector<1024x1xf32> to vector<8x1xf32>
    %add3A_1363 = vector.broadcast %slice3A_1362 : vector<8x1xf32> to vector<8x576xf32>
    %add3A_1364 = arith.addf %sub3A_1361, %add3A_1363 : vector<8x576xf32>
    %lt3A_1365 = arith.cmpf olt, %add3A_1364, %select_n3A_1354 : vector<8x576xf32>
    %select_n3A_1366 = arith.select %lt3A_1365, %add3A_1364, %select_n3A_1354 : vector<8x576xi1>, vector<8x576xf32>
    %add3A_1367 = arith.constant 904 : i32
    %add3A_1368 = vector.broadcast %add3A_1367 : i32 to vector<8x576xi32>
    %add3A_1369 = arith.addi %iota3A, %add3A_1368 : vector<8x576xi32>
    %select_n3A_1370 = arith.select %lt3A_1365, %add3A_1369, %select_n3A_1358 : vector<8x576xi1>, vector<8x576xi32>
    %slice3A_1371 = vector.extract_strided_slice %dot_general3A_12 {offsets = [912, 0], sizes = [8, 576], strides = [1, 1]} : vector<1024x576xf32> to vector<8x576xf32>
    %sub3A_1372 = vector.broadcast %broadcast_in_dim3A : vector<1x576xf32> to vector<8x576xf32>
    %sub3A_1373 = arith.subf %sub3A_1372, %slice3A_1371 : vector<8x576xf32>
    %slice3A_1374 = vector.extract_strided_slice %broadcast_in_dim3A_11 {offsets = [912, 0], sizes = [8, 1], strides = [1, 1]} : vector<1024x1xf32> to vector<8x1xf32>
    %add3A_1375 = vector.broadcast %slice3A_1374 : vector<8x1xf32> to vector<8x576xf32>
    %add3A_1376 = arith.addf %sub3A_1373, %add3A_1375 : vector<8x576xf32>
    %lt3A_1377 = arith.cmpf olt, %add3A_1376, %select_n3A_1366 : vector<8x576xf32>
    %select_n3A_1378 = arith.select %lt3A_1377, %add3A_1376, %select_n3A_1366 : vector<8x576xi1>, vector<8x576xf32>
    %add3A_1379 = arith.constant 912 : i32
    %add3A_1380 = vector.broadcast %add3A_1379 : i32 to vector<8x576xi32>
    %add3A_1381 = arith.addi %iota3A, %add3A_1380 : vector<8x576xi32>
    %select_n3A_1382 = arith.select %lt3A_1377, %add3A_1381, %select_n3A_1370 : vector<8x576xi1>, vector<8x576xi32>
    %slice3A_1383 = vector.extract_strided_slice %dot_general3A_12 {offsets = [920, 0], sizes = [8, 576], strides = [1, 1]} : vector<1024x576xf32> to vector<8x576xf32>
    %sub3A_1384 = vector.broadcast %broadcast_in_dim3A : vector<1x576xf32> to vector<8x576xf32>
    %sub3A_1385 = arith.subf %sub3A_1384, %slice3A_1383 : vector<8x576xf32>
    %slice3A_1386 = vector.extract_strided_slice %broadcast_in_dim3A_11 {offsets = [920, 0], sizes = [8, 1], strides = [1, 1]} : vector<1024x1xf32> to vector<8x1xf32>
    %add3A_1387 = vector.broadcast %slice3A_1386 : vector<8x1xf32> to vector<8x576xf32>
    %add3A_1388 = arith.addf %sub3A_1385, %add3A_1387 : vector<8x576xf32>
    %lt3A_1389 = arith.cmpf olt, %add3A_1388, %select_n3A_1378 : vector<8x576xf32>
    %select_n3A_1390 = arith.select %lt3A_1389, %add3A_1388, %select_n3A_1378 : vector<8x576xi1>, vector<8x576xf32>
    %add3A_1391 = arith.constant 920 : i32
    %add3A_1392 = vector.broadcast %add3A_1391 : i32 to vector<8x576xi32>
    %add3A_1393 = arith.addi %iota3A, %add3A_1392 : vector<8x576xi32>
    %select_n3A_1394 = arith.select %lt3A_1389, %add3A_1393, %select_n3A_1382 : vector<8x576xi1>, vector<8x576xi32>
    %slice3A_1395 = vector.extract_strided_slice %dot_general3A_12 {offsets = [928, 0], sizes = [8, 576], strides = [1, 1]} : vector<1024x576xf32> to vector<8x576xf32>
    %sub3A_1396 = vector.broadcast %broadcast_in_dim3A : vector<1x576xf32> to vector<8x576xf32>
    %sub3A_1397 = arith.subf %sub3A_1396, %slice3A_1395 : vector<8x576xf32>
    %slice3A_1398 = vector.extract_strided_slice %broadcast_in_dim3A_11 {offsets = [928, 0], sizes = [8, 1], strides = [1, 1]} : vector<1024x1xf32> to vector<8x1xf32>
    %add3A_1399 = vector.broadcast %slice3A_1398 : vector<8x1xf32> to vector<8x576xf32>
    %add3A_1400 = arith.addf %sub3A_1397, %add3A_1399 : vector<8x576xf32>
    %lt3A_1401 = arith.cmpf olt, %add3A_1400, %select_n3A_1390 : vector<8x576xf32>
    %select_n3A_1402 = arith.select %lt3A_1401, %add3A_1400, %select_n3A_1390 : vector<8x576xi1>, vector<8x576xf32>
    %add3A_1403 = arith.constant 928 : i32
    %add3A_1404 = vector.broadcast %add3A_1403 : i32 to vector<8x576xi32>
    %add3A_1405 = arith.addi %iota3A, %add3A_1404 : vector<8x576xi32>
    %select_n3A_1406 = arith.select %lt3A_1401, %add3A_1405, %select_n3A_1394 : vector<8x576xi1>, vector<8x576xi32>
    %slice3A_1407 = vector.extract_strided_slice %dot_general3A_12 {offsets = [936, 0], sizes = [8, 576], strides = [1, 1]} : vector<1024x576xf32> to vector<8x576xf32>
    %sub3A_1408 = vector.broadcast %broadcast_in_dim3A : vector<1x576xf32> to vector<8x576xf32>
    %sub3A_1409 = arith.subf %sub3A_1408, %slice3A_1407 : vector<8x576xf32>
    %slice3A_1410 = vector.extract_strided_slice %broadcast_in_dim3A_11 {offsets = [936, 0], sizes = [8, 1], strides = [1, 1]} : vector<1024x1xf32> to vector<8x1xf32>
    %add3A_1411 = vector.broadcast %slice3A_1410 : vector<8x1xf32> to vector<8x576xf32>
    %add3A_1412 = arith.addf %sub3A_1409, %add3A_1411 : vector<8x576xf32>
    %lt3A_1413 = arith.cmpf olt, %add3A_1412, %select_n3A_1402 : vector<8x576xf32>
    %select_n3A_1414 = arith.select %lt3A_1413, %add3A_1412, %select_n3A_1402 : vector<8x576xi1>, vector<8x576xf32>
    %add3A_1415 = arith.constant 936 : i32
    %add3A_1416 = vector.broadcast %add3A_1415 : i32 to vector<8x576xi32>
    %add3A_1417 = arith.addi %iota3A, %add3A_1416 : vector<8x576xi32>
    %select_n3A_1418 = arith.select %lt3A_1413, %add3A_1417, %select_n3A_1406 : vector<8x576xi1>, vector<8x576xi32>
    %slice3A_1419 = vector.extract_strided_slice %dot_general3A_12 {offsets = [944, 0], sizes = [8, 576], strides = [1, 1]} : vector<1024x576xf32> to vector<8x576xf32>
    %sub3A_1420 = vector.broadcast %broadcast_in_dim3A : vector<1x576xf32> to vector<8x576xf32>
    %sub3A_1421 = arith.subf %sub3A_1420, %slice3A_1419 : vector<8x576xf32>
    %slice3A_1422 = vector.extract_strided_slice %broadcast_in_dim3A_11 {offsets = [944, 0], sizes = [8, 1], strides = [1, 1]} : vector<1024x1xf32> to vector<8x1xf32>
    %add3A_1423 = vector.broadcast %slice3A_1422 : vector<8x1xf32> to vector<8x576xf32>
    %add3A_1424 = arith.addf %sub3A_1421, %add3A_1423 : vector<8x576xf32>
    %lt3A_1425 = arith.cmpf olt, %add3A_1424, %select_n3A_1414 : vector<8x576xf32>
    %select_n3A_1426 = arith.select %lt3A_1425, %add3A_1424, %select_n3A_1414 : vector<8x576xi1>, vector<8x576xf32>
    %add3A_1427 = arith.constant 944 : i32
    %add3A_1428 = vector.broadcast %add3A_1427 : i32 to vector<8x576xi32>
    %add3A_1429 = arith.addi %iota3A, %add3A_1428 : vector<8x576xi32>
    %select_n3A_1430 = arith.select %lt3A_1425, %add3A_1429, %select_n3A_1418 : vector<8x576xi1>, vector<8x576xi32>
    %slice3A_1431 = vector.extract_strided_slice %dot_general3A_12 {offsets = [952, 0], sizes = [8, 576], strides = [1, 1]} : vector<1024x576xf32> to vector<8x576xf32>
    %sub3A_1432 = vector.broadcast %broadcast_in_dim3A : vector<1x576xf32> to vector<8x576xf32>
    %sub3A_1433 = arith.subf %sub3A_1432, %slice3A_1431 : vector<8x576xf32>
    %slice3A_1434 = vector.extract_strided_slice %broadcast_in_dim3A_11 {offsets = [952, 0], sizes = [8, 1], strides = [1, 1]} : vector<1024x1xf32> to vector<8x1xf32>
    %add3A_1435 = vector.broadcast %slice3A_1434 : vector<8x1xf32> to vector<8x576xf32>
    %add3A_1436 = arith.addf %sub3A_1433, %add3A_1435 : vector<8x576xf32>
    %lt3A_1437 = arith.cmpf olt, %add3A_1436, %select_n3A_1426 : vector<8x576xf32>
    %select_n3A_1438 = arith.select %lt3A_1437, %add3A_1436, %select_n3A_1426 : vector<8x576xi1>, vector<8x576xf32>
    %add3A_1439 = arith.constant 952 : i32
    %add3A_1440 = vector.broadcast %add3A_1439 : i32 to vector<8x576xi32>
    %add3A_1441 = arith.addi %iota3A, %add3A_1440 : vector<8x576xi32>
    %select_n3A_1442 = arith.select %lt3A_1437, %add3A_1441, %select_n3A_1430 : vector<8x576xi1>, vector<8x576xi32>
    %slice3A_1443 = vector.extract_strided_slice %dot_general3A_12 {offsets = [960, 0], sizes = [8, 576], strides = [1, 1]} : vector<1024x576xf32> to vector<8x576xf32>
    %sub3A_1444 = vector.broadcast %broadcast_in_dim3A : vector<1x576xf32> to vector<8x576xf32>
    %sub3A_1445 = arith.subf %sub3A_1444, %slice3A_1443 : vector<8x576xf32>
    %slice3A_1446 = vector.extract_strided_slice %broadcast_in_dim3A_11 {offsets = [960, 0], sizes = [8, 1], strides = [1, 1]} : vector<1024x1xf32> to vector<8x1xf32>
    %add3A_1447 = vector.broadcast %slice3A_1446 : vector<8x1xf32> to vector<8x576xf32>
    %add3A_1448 = arith.addf %sub3A_1445, %add3A_1447 : vector<8x576xf32>
    %lt3A_1449 = arith.cmpf olt, %add3A_1448, %select_n3A_1438 : vector<8x576xf32>
    %select_n3A_1450 = arith.select %lt3A_1449, %add3A_1448, %select_n3A_1438 : vector<8x576xi1>, vector<8x576xf32>
    %add3A_1451 = arith.constant 960 : i32
    %add3A_1452 = vector.broadcast %add3A_1451 : i32 to vector<8x576xi32>
    %add3A_1453 = arith.addi %iota3A, %add3A_1452 : vector<8x576xi32>
    %select_n3A_1454 = arith.select %lt3A_1449, %add3A_1453, %select_n3A_1442 : vector<8x576xi1>, vector<8x576xi32>
    %slice3A_1455 = vector.extract_strided_slice %dot_general3A_12 {offsets = [968, 0], sizes = [8, 576], strides = [1, 1]} : vector<1024x576xf32> to vector<8x576xf32>
    %sub3A_1456 = vector.broadcast %broadcast_in_dim3A : vector<1x576xf32> to vector<8x576xf32>
    %sub3A_1457 = arith.subf %sub3A_1456, %slice3A_1455 : vector<8x576xf32>
    %slice3A_1458 = vector.extract_strided_slice %broadcast_in_dim3A_11 {offsets = [968, 0], sizes = [8, 1], strides = [1, 1]} : vector<1024x1xf32> to vector<8x1xf32>
    %add3A_1459 = vector.broadcast %slice3A_1458 : vector<8x1xf32> to vector<8x576xf32>
    %add3A_1460 = arith.addf %sub3A_1457, %add3A_1459 : vector<8x576xf32>
    %lt3A_1461 = arith.cmpf olt, %add3A_1460, %select_n3A_1450 : vector<8x576xf32>
    %select_n3A_1462 = arith.select %lt3A_1461, %add3A_1460, %select_n3A_1450 : vector<8x576xi1>, vector<8x576xf32>
    %add3A_1463 = arith.constant 968 : i32
    %add3A_1464 = vector.broadcast %add3A_1463 : i32 to vector<8x576xi32>
    %add3A_1465 = arith.addi %iota3A, %add3A_1464 : vector<8x576xi32>
    %select_n3A_1466 = arith.select %lt3A_1461, %add3A_1465, %select_n3A_1454 : vector<8x576xi1>, vector<8x576xi32>
    %slice3A_1467 = vector.extract_strided_slice %dot_general3A_12 {offsets = [976, 0], sizes = [8, 576], strides = [1, 1]} : vector<1024x576xf32> to vector<8x576xf32>
    %sub3A_1468 = vector.broadcast %broadcast_in_dim3A : vector<1x576xf32> to vector<8x576xf32>
    %sub3A_1469 = arith.subf %sub3A_1468, %slice3A_1467 : vector<8x576xf32>
    %slice3A_1470 = vector.extract_strided_slice %broadcast_in_dim3A_11 {offsets = [976, 0], sizes = [8, 1], strides = [1, 1]} : vector<1024x1xf32> to vector<8x1xf32>
    %add3A_1471 = vector.broadcast %slice3A_1470 : vector<8x1xf32> to vector<8x576xf32>
    %add3A_1472 = arith.addf %sub3A_1469, %add3A_1471 : vector<8x576xf32>
    %lt3A_1473 = arith.cmpf olt, %add3A_1472, %select_n3A_1462 : vector<8x576xf32>
    %select_n3A_1474 = arith.select %lt3A_1473, %add3A_1472, %select_n3A_1462 : vector<8x576xi1>, vector<8x576xf32>
    %add3A_1475 = arith.constant 976 : i32
    %add3A_1476 = vector.broadcast %add3A_1475 : i32 to vector<8x576xi32>
    %add3A_1477 = arith.addi %iota3A, %add3A_1476 : vector<8x576xi32>
    %select_n3A_1478 = arith.select %lt3A_1473, %add3A_1477, %select_n3A_1466 : vector<8x576xi1>, vector<8x576xi32>
    %slice3A_1479 = vector.extract_strided_slice %dot_general3A_12 {offsets = [984, 0], sizes = [8, 576], strides = [1, 1]} : vector<1024x576xf32> to vector<8x576xf32>
    %sub3A_1480 = vector.broadcast %broadcast_in_dim3A : vector<1x576xf32> to vector<8x576xf32>
    %sub3A_1481 = arith.subf %sub3A_1480, %slice3A_1479 : vector<8x576xf32>
    %slice3A_1482 = vector.extract_strided_slice %broadcast_in_dim3A_11 {offsets = [984, 0], sizes = [8, 1], strides = [1, 1]} : vector<1024x1xf32> to vector<8x1xf32>
    %add3A_1483 = vector.broadcast %slice3A_1482 : vector<8x1xf32> to vector<8x576xf32>
    %add3A_1484 = arith.addf %sub3A_1481, %add3A_1483 : vector<8x576xf32>
    %lt3A_1485 = arith.cmpf olt, %add3A_1484, %select_n3A_1474 : vector<8x576xf32>
    %select_n3A_1486 = arith.select %lt3A_1485, %add3A_1484, %select_n3A_1474 : vector<8x576xi1>, vector<8x576xf32>
    %add3A_1487 = arith.constant 984 : i32
    %add3A_1488 = vector.broadcast %add3A_1487 : i32 to vector<8x576xi32>
    %add3A_1489 = arith.addi %iota3A, %add3A_1488 : vector<8x576xi32>
    %select_n3A_1490 = arith.select %lt3A_1485, %add3A_1489, %select_n3A_1478 : vector<8x576xi1>, vector<8x576xi32>
    %slice3A_1491 = vector.extract_strided_slice %dot_general3A_12 {offsets = [992, 0], sizes = [8, 576], strides = [1, 1]} : vector<1024x576xf32> to vector<8x576xf32>
    %sub3A_1492 = vector.broadcast %broadcast_in_dim3A : vector<1x576xf32> to vector<8x576xf32>
    %sub3A_1493 = arith.subf %sub3A_1492, %slice3A_1491 : vector<8x576xf32>
    %slice3A_1494 = vector.extract_strided_slice %broadcast_in_dim3A_11 {offsets = [992, 0], sizes = [8, 1], strides = [1, 1]} : vector<1024x1xf32> to vector<8x1xf32>
    %add3A_1495 = vector.broadcast %slice3A_1494 : vector<8x1xf32> to vector<8x576xf32>
    %add3A_1496 = arith.addf %sub3A_1493, %add3A_1495 : vector<8x576xf32>
    %lt3A_1497 = arith.cmpf olt, %add3A_1496, %select_n3A_1486 : vector<8x576xf32>
    %select_n3A_1498 = arith.select %lt3A_1497, %add3A_1496, %select_n3A_1486 : vector<8x576xi1>, vector<8x576xf32>
    %add3A_1499 = arith.constant 992 : i32
    %add3A_1500 = vector.broadcast %add3A_1499 : i32 to vector<8x576xi32>
    %add3A_1501 = arith.addi %iota3A, %add3A_1500 : vector<8x576xi32>
    %select_n3A_1502 = arith.select %lt3A_1497, %add3A_1501, %select_n3A_1490 : vector<8x576xi1>, vector<8x576xi32>
    %slice3A_1503 = vector.extract_strided_slice %dot_general3A_12 {offsets = [1000, 0], sizes = [8, 576], strides = [1, 1]} : vector<1024x576xf32> to vector<8x576xf32>
    %sub3A_1504 = vector.broadcast %broadcast_in_dim3A : vector<1x576xf32> to vector<8x576xf32>
    %sub3A_1505 = arith.subf %sub3A_1504, %slice3A_1503 : vector<8x576xf32>
    %slice3A_1506 = vector.extract_strided_slice %broadcast_in_dim3A_11 {offsets = [1000, 0], sizes = [8, 1], strides = [1, 1]} : vector<1024x1xf32> to vector<8x1xf32>
    %add3A_1507 = vector.broadcast %slice3A_1506 : vector<8x1xf32> to vector<8x576xf32>
    %add3A_1508 = arith.addf %sub3A_1505, %add3A_1507 : vector<8x576xf32>
    %lt3A_1509 = arith.cmpf olt, %add3A_1508, %select_n3A_1498 : vector<8x576xf32>
    %select_n3A_1510 = arith.select %lt3A_1509, %add3A_1508, %select_n3A_1498 : vector<8x576xi1>, vector<8x576xf32>
    %add3A_1511 = arith.constant 1000 : i32
    %add3A_1512 = vector.broadcast %add3A_1511 : i32 to vector<8x576xi32>
    %add3A_1513 = arith.addi %iota3A, %add3A_1512 : vector<8x576xi32>
    %select_n3A_1514 = arith.select %lt3A_1509, %add3A_1513, %select_n3A_1502 : vector<8x576xi1>, vector<8x576xi32>
    %slice3A_1515 = vector.extract_strided_slice %dot_general3A_12 {offsets = [1008, 0], sizes = [8, 576], strides = [1, 1]} : vector<1024x576xf32> to vector<8x576xf32>
    %sub3A_1516 = vector.broadcast %broadcast_in_dim3A : vector<1x576xf32> to vector<8x576xf32>
    %sub3A_1517 = arith.subf %sub3A_1516, %slice3A_1515 : vector<8x576xf32>
    %slice3A_1518 = vector.extract_strided_slice %broadcast_in_dim3A_11 {offsets = [1008, 0], sizes = [8, 1], strides = [1, 1]} : vector<1024x1xf32> to vector<8x1xf32>
    %add3A_1519 = vector.broadcast %slice3A_1518 : vector<8x1xf32> to vector<8x576xf32>
    %add3A_1520 = arith.addf %sub3A_1517, %add3A_1519 : vector<8x576xf32>
    %lt3A_1521 = arith.cmpf olt, %add3A_1520, %select_n3A_1510 : vector<8x576xf32>
    %select_n3A_1522 = arith.select %lt3A_1521, %add3A_1520, %select_n3A_1510 : vector<8x576xi1>, vector<8x576xf32>
    %add3A_1523 = arith.constant 1008 : i32
    %add3A_1524 = vector.broadcast %add3A_1523 : i32 to vector<8x576xi32>
    %add3A_1525 = arith.addi %iota3A, %add3A_1524 : vector<8x576xi32>
    %select_n3A_1526 = arith.select %lt3A_1521, %add3A_1525, %select_n3A_1514 : vector<8x576xi1>, vector<8x576xi32>
    %slice3A_1527 = vector.extract_strided_slice %dot_general3A_12 {offsets = [1016, 0], sizes = [8, 576], strides = [1, 1]} : vector<1024x576xf32> to vector<8x576xf32>
    %sub3A_1528 = vector.broadcast %broadcast_in_dim3A : vector<1x576xf32> to vector<8x576xf32>
    %sub3A_1529 = arith.subf %sub3A_1528, %slice3A_1527 : vector<8x576xf32>
    %slice3A_1530 = vector.extract_strided_slice %broadcast_in_dim3A_11 {offsets = [1016, 0], sizes = [8, 1], strides = [1, 1]} : vector<1024x1xf32> to vector<8x1xf32>
    %add3A_1531 = vector.broadcast %slice3A_1530 : vector<8x1xf32> to vector<8x576xf32>
    %add3A_1532 = arith.addf %sub3A_1529, %add3A_1531 : vector<8x576xf32>
    %lt3A_1533 = arith.cmpf olt, %add3A_1532, %select_n3A_1522 : vector<8x576xf32>
    %select_n3A_1534 = arith.select %lt3A_1533, %add3A_1532, %select_n3A_1522 : vector<8x576xi1>, vector<8x576xf32>
    %add3A_1535 = arith.constant 1016 : i32
    %add3A_1536 = vector.broadcast %add3A_1535 : i32 to vector<8x576xi32>
    %add3A_1537 = arith.addi %iota3A, %add3A_1536 : vector<8x576xi32>
    %select_n3A_1538 = arith.select %lt3A_1533, %add3A_1537, %select_n3A_1526 : vector<8x576xi1>, vector<8x576xi32>
    %slice3A_1539 = vector.extract_strided_slice %select_n3A_1534 {offsets = [0, 0], sizes = [4, 576], strides = [1, 1]} : vector<8x576xf32> to vector<4x576xf32>
    %slice3A_1540 = vector.extract_strided_slice %select_n3A_1534 {offsets = [4, 0], sizes = [4, 576], strides = [1, 1]} : vector<8x576xf32> to vector<4x576xf32>
    %slice3A_1541 = vector.extract_strided_slice %select_n3A_1538 {offsets = [0, 0], sizes = [4, 576], strides = [1, 1]} : vector<8x576xi32> to vector<4x576xi32>
    %slice3A_1542 = vector.extract_strided_slice %select_n3A_1538 {offsets = [4, 0], sizes = [4, 576], strides = [1, 1]} : vector<8x576xi32> to vector<4x576xi32>
    %lt3A_1543 = arith.cmpf olt, %slice3A_1540, %slice3A_1539 : vector<4x576xf32>
    %eq3A = arith.cmpf oeq, %slice3A_1540, %slice3A_1539 : vector<4x576xf32>
    %lt3A_1544 = arith.cmpi slt, %slice3A_1542, %slice3A_1541 : vector<4x576xi32>
    %and3A = arith.andi %eq3A, %lt3A_1544 : vector<4x576xi1>
    %or3A = arith.ori %lt3A_1543, %and3A : vector<4x576xi1>
    %select_n3A_1545 = arith.select %or3A, %slice3A_1540, %slice3A_1539 : vector<4x576xi1>, vector<4x576xf32>
    %select_n3A_1546 = arith.select %or3A, %slice3A_1542, %slice3A_1541 : vector<4x576xi1>, vector<4x576xi32>
    %slice3A_1547 = vector.extract_strided_slice %select_n3A_1545 {offsets = [0, 0], sizes = [2, 576], strides = [1, 1]} : vector<4x576xf32> to vector<2x576xf32>
    %slice3A_1548 = vector.extract_strided_slice %select_n3A_1545 {offsets = [2, 0], sizes = [2, 576], strides = [1, 1]} : vector<4x576xf32> to vector<2x576xf32>
    %slice3A_1549 = vector.extract_strided_slice %select_n3A_1546 {offsets = [0, 0], sizes = [2, 576], strides = [1, 1]} : vector<4x576xi32> to vector<2x576xi32>
    %slice3A_1550 = vector.extract_strided_slice %select_n3A_1546 {offsets = [2, 0], sizes = [2, 576], strides = [1, 1]} : vector<4x576xi32> to vector<2x576xi32>
    %lt3A_1551 = arith.cmpf olt, %slice3A_1548, %slice3A_1547 : vector<2x576xf32>
    %eq3A_1552 = arith.cmpf oeq, %slice3A_1548, %slice3A_1547 : vector<2x576xf32>
    %lt3A_1553 = arith.cmpi slt, %slice3A_1550, %slice3A_1549 : vector<2x576xi32>
    %and3A_1554 = arith.andi %eq3A_1552, %lt3A_1553 : vector<2x576xi1>
    %or3A_1555 = arith.ori %lt3A_1551, %and3A_1554 : vector<2x576xi1>
    %select_n3A_1556 = arith.select %or3A_1555, %slice3A_1548, %slice3A_1547 : vector<2x576xi1>, vector<2x576xf32>
    %select_n3A_1557 = arith.select %or3A_1555, %slice3A_1550, %slice3A_1549 : vector<2x576xi1>, vector<2x576xi32>
    %slice3A_1558 = vector.extract_strided_slice %select_n3A_1556 {offsets = [0, 0], sizes = [1, 576], strides = [1, 1]} : vector<2x576xf32> to vector<1x576xf32>
    %slice3A_1559 = vector.extract_strided_slice %select_n3A_1556 {offsets = [1, 0], sizes = [1, 576], strides = [1, 1]} : vector<2x576xf32> to vector<1x576xf32>
    %slice3A_1560 = vector.extract_strided_slice %select_n3A_1557 {offsets = [0, 0], sizes = [1, 576], strides = [1, 1]} : vector<2x576xi32> to vector<1x576xi32>
    %slice3A_1561 = vector.extract_strided_slice %select_n3A_1557 {offsets = [1, 0], sizes = [1, 576], strides = [1, 1]} : vector<2x576xi32> to vector<1x576xi32>
    %lt3A_1562 = arith.cmpf olt, %slice3A_1559, %slice3A_1558 : vector<1x576xf32>
    %eq3A_1563 = arith.cmpf oeq, %slice3A_1559, %slice3A_1558 : vector<1x576xf32>
    %lt3A_1564 = arith.cmpi slt, %slice3A_1561, %slice3A_1560 : vector<1x576xi32>
    %and3A_1565 = arith.andi %eq3A_1563, %lt3A_1564 : vector<1x576xi1>
    %or3A_1566 = arith.ori %lt3A_1562, %and3A_1565 : vector<1x576xi1>
    %select_n3A_1567 = arith.select %or3A_1566, %slice3A_1559, %slice3A_1558 : vector<1x576xi1>, vector<1x576xf32>
    %select_n3A_1568 = arith.select %or3A_1566, %slice3A_1561, %slice3A_1560 : vector<1x576xi1>, vector<1x576xi32>
    %swap3A = arith.constant 0 : index
    %swap3A_1569 = arith.constant 0 : index
    %swap3A_1570 = arith.constant 0 : index
    %swap3A_1571 = vector.load %arg4[%swap3A, %swap3A_1569, %swap3A_1570] : memref<1x1x576xi32, #tpu.memory_space<vmem>>, vector<1x1x576xi32>
    %swap3A_1572 = vector.shape_cast %swap3A_1571 : vector<1x1x576xi32> to vector<1x576xi32>
    %swap3A_1573 = vector.shape_cast %select_n3A_1568 : vector<1x576xi32> to vector<1x1x576xi32>
    tpu.vector_store %arg4[%swap3A, %swap3A_1569, %swap3A_1570], %swap3A_1573 {strides = array<i32>} : memref<1x1x576xi32, #tpu.memory_space<vmem>>, vector<1x1x576xi32>,
    %reduce_sum3A_1574 = arith.constant dense<0.000000e+00> : vector<1xf32>
    %reduce_sum3A_1575 = vector.multi_reduction <add>, %select_n3A_1567, %reduce_sum3A_1574 [1] : vector<1x576xf32> to vector<1xf32>
    %broadcast_in_dim3A_1576 = vector.shape_cast %reduce_sum3A_1575 : vector<1xf32> to vector<1x1xf32>
    %eq3A_1577 = arith.constant 0 : i32
    %eq3A_1578 = arith.cmpi eq, %arg0, %eq3A_1577 : i32
    %convert_element_type3A = arith.extui %eq3A_1578 : i1 to i32
    %cond3A = arith.constant 0 : i32
    %cond3A_1579 = arith.cmpi ne, %convert_element_type3A, %cond3A : i32
    scf.if %cond3A_1579 {
      %broadcast_in_dim3A_1593 = arith.constant 0.000000e+00 : f32
      %broadcast_in_dim3A_1594 = vector.broadcast %broadcast_in_dim3A_1593 : f32 to vector<1x1xf32>
      %swap3A_1595 = arith.constant 0 : index
      %swap3A_1596 = arith.constant 0 : index
      %swap3A_1597 = vector.load %arg3[%swap3A_1595, %swap3A_1596] : memref<1x1xf32, #tpu.memory_space<vmem>>, vector<1x1xf32>
      tpu.vector_store %arg3[%swap3A_1595, %swap3A_1596], %broadcast_in_dim3A_1594 {strides = array<i32>} : memref<1x1xf32, #tpu.memory_space<vmem>>, vector<1x1xf32>,
    } else {
    }
    %get3A_1580 = arith.constant 0 : index
    %get3A_1581 = arith.constant 0 : index
    %get3A_1582 = vector.load %arg3[%get3A_1580, %get3A_1581] : memref<1x1xf32, #tpu.memory_space<vmem>>, vector<1x1xf32>
    %add3A_1583 = arith.addf %get3A_1582, %broadcast_in_dim3A_1576 : vector<1x1xf32>
    %eq3A_1584 = arith.constant 31 : i32
    %eq3A_1585 = arith.cmpi eq, %arg0, %eq3A_1584 : i32
    %mul3A_1586 = arith.constant 1.05963818E-6 : f32
    %mul3A_1587 = vector.broadcast %mul3A_1586 : f32 to vector<1x1xf32>
    %mul3A_1588 = arith.mulf %add3A_1583, %mul3A_1587 : vector<1x1xf32>
    %select_n3A_1589 = arith.select %eq3A_1585, %mul3A_1588, %add3A_1583 : vector<1x1xf32>
    %swap3A_1590 = arith.constant 0 : index
    %swap3A_1591 = arith.constant 0 : index
    %swap3A_1592 = vector.load %arg3[%swap3A_1590, %swap3A_1591] : memref<1x1xf32, #tpu.memory_space<vmem>>, vector<1x1xf32>
    tpu.vector_store %arg3[%swap3A_1590, %swap3A_1591], %select_n3A_1589 {strides = array<i32>} : memref<1x1xf32, #tpu.memory_space<vmem>>, vector<1x1xf32>,
    return
  }
  func.func @transform_0(%arg0: i32) -> (i32, i32, i32) {
    %c0_i32 = arith.constant 0 : i32
    %c0_i32_0 = arith.constant 0 : i32
    %c0_i32_1 = arith.constant 0 : i32
    return %arg0, %c0_i32, %c0_i32_0 : i32, i32, i32
  }
  func.func @transform_1(%arg0: i32) -> (i32, i32) {
    %c0_i32 = arith.constant 0 : i32
    %c0_i32_0 = arith.constant 0 : i32
    %c0_i32_1 = arith.constant 0 : i32
    return %c0_i32, %c0_i32_0 : i32, i32
  }
  func.func @transform_2(%arg0: i32) -> (i32, i32) {
    %c0_i32 = arith.constant 0 : i32
    %c0_i32_0 = arith.constant 0 : i32
    %c0_i32_1 = arith.constant 0 : i32
    return %c0_i32, %c0_i32_0 : i32, i32
  }
  func.func @transform_3(%arg0: i32) -> (i32, i32, i32) {
    %c0_i32 = arith.constant 0 : i32
    %c0_i32_0 = arith.constant 0 : i32
    %c0_i32_1 = arith.constant 0 : i32
    return %arg0, %c0_i32, %c0_i32_0 : i32, i32, i32
  }
}

</mosaic_0001>

<sc_bundles>
// kernel: kernel.4.cloned.1.call-start
scs
__scs_entry_jumppad:
0x0: {  	(pc) =	sbr.rel $0x88, $3  }
0x1: {  	(tag) =	ssettag $0x0;
	lr =	simm.s32 $0x1  }
0x2: {  	[smem:$0x3F9F] =	sst lr;
	_ =	strace $0xD0000000  }
0x3: {  	_ = 	snop  }
0x4: {  	_ = 	snop  }
0x5: {  	_ = 	snop  }
0x6: {  	_ = 	snop  }
0x7: {  	_ = 	snop  }
__scs_overlays_trampoline_lowered:
0x8: {  	[smem:$0x3FAE] =	sst s0  }
0x9: {  	[smem:$0x3FAF] =	sst s1  }
0xa: {  	[smem:$0x3FB0] =	sst s2  }
0xb: {  	[smem:$0x3FB1] =	sst s3  }
0xc: {  	[smem:$0x3FB2] =	sst s4  }
0xd: {  	[smem:$0x3FB3] =	sst s5  }
0xe: {  	[smem:$0x3FB4] =	sst s6  }
0xf: {  	[smem:$0x3FB5] =	sst s7  }
0x10: {  	[smem:$0x3FB6] =	sst s8  }
0x11: {  	[smem:$0x3FB7] =	sst s9;
	s0 =	simm.s32 @!p0 $0x0  }
0x12: {  	s1 =	sld [smem:$0x3F9D];
	s0 =	simm.s32 @p0 $0x1  }
0x13: {  	[smem:$0x3FB8] =	sst s0;
	s0 =	simm.s32 @!p1 $0x0  }
0x14: {  	s2 =	sld [smem:$0x3F9C];
	s0 =	simm.s32 @p1 $0x1  }
0x15: {  	[smem:$0x3FB9] =	sst s0;
	s0 =	simm.s32 @!p2 $0x0  }
0x16: {  	s3 =	sld [smem:$0x3FDB];
	s0 =	simm.s32 @p2 $0x1  }
0x17: {  	s4 =	simm.s32 $0x1BF5;
	[smem:$0x3FBB] =	sst s0  }
0x18: {  	s0 =	sld [smem:$0x3F9E];
	_ =	swait.ge [sflag:s4], $0x0  }
0x19: {  	s7 =	sld [smem:$0x3F9F]  }
0x1a: {  	s8 =	sadd.s32 $0xFFFFE003, lr  }
0x1b: {  	s9 =	sadd.s32 $0xFFFFFEF7, lr;
	s5 =	simm.s32 $0xFFFFFFFF;
	p2 =	slt.u32 s8, $0xFFFFF086  }
0x1c: {  	p1 =	slt.u32 s9, $0xF7A;
	s5 =	simm.s32 @!p2 $0x0  }
0x1d: {  	s5 =	simm.s32 @p1 $0x1;
	p0 =	seq.s32 s7, s2  }
0x1e: {  	s7 =	smul.u32 @!p0 $0xF7A, s2;
	p2 =	seq.s32 @!p0 s5, $0x0  }
0x1f: {  	s9 =	smul.u32 $0xF7A, s1;
	s8 =	simm.s32 @!p0 $0x1BF5;
	p2 =	por !p2, p0  }
0x20: {  	[sflag:s8] =	ssyncset.s32 @!p0 $0xFFFFF086;
	s6 =	sadd.s32 @!p0 s3, s7;
	s7 =	simm.s32 @!p0 $0x108  }
0x21: {  	s3 =	sadd.s32 s3, s9;
	s6 =	sadd.s32 @!p0 $0x88, s6;
	s7 =	simm.s32 @p2 $0x1082  }
0x22: {  	[simem:s7], [sflag:s8] =	dma.local @!p0 [hbm:s6], $0xF7A  }
0x23: {  	s9 =	sor.u32 $0xD0000000, s2;
	s6 =	simm.s32 $0x108;
	_ =	swait.ge @!p0 [sflag:s8], $0x0  }
0x24: {  	s3 =	sadd.s32 $0x88, s3;
	s6 =	simm.s32 @!p1 $0x1082;
	[sflag:s4] =	ssyncset.s32 $0xFFFFF086  }
0x25: {  	[simem:s6], [sflag:s4] =	dma.local [hbm:s3], $0xF7A  }
0x26: {  	[smem:$0x3F9F] =	sst s1;
	(tag) =	ssettag s2;
	_ =	strace s9  }
0x27: {  	s1 =	sld [smem:$0x3FAF]  }
0x28: {  	s2 =	sld [smem:$0x3FB0]  }
0x29: {  	s4 =	sld [smem:$0x3FB2]  }
0x2a: {  	p0 =	seq.s32 s5, $0x0;
	s5 =	sld [smem:$0x3FB3]  }
0x2b: {  	s6 =	sld [smem:$0x3FB4]  }
0x2c: {  	s7 =	sld [smem:$0x3FB5]  }
0x2d: {  	s3 =	simm.s32 $0x108;
	s8 =	sld [smem:$0x3FB6]  }
0x2e: {  	s3 =	simm.s32 @!p0 $0x1082;
	s9 =	sld [smem:$0x3FB7]  }
0x2f: {  	lr =	sadd.s32 s0, s3;
	s0 =	sld [smem:$0x3FAE]  }
0x30: {  	s3 =	sld [smem:$0x3FB1]  }
0x31: {  	[smem:$0x3FBA] =	sst s10  }
0x32: {  	s10 =	sld [smem:$0x3FB8];
	_ =	sdelay $0x3  }
0x33: {  	p0 =	seq.s32 s10, $0x1;
	s10 =	sld [smem:$0x3FBA];
	_ =	sdelay $0x3  }
0x34: {  	[smem:$0x3FBA] =	sst s10  }
0x35: {  	s10 =	sld [smem:$0x3FB9];
	_ =	sdelay $0x3  }
0x36: {  	p1 =	seq.s32 s10, $0x1;
	s10 =	sld [smem:$0x3FBA];
	_ =	sdelay $0x3  }
0x37: {  	[smem:$0x3FBA] =	sst s10  }
0x38: {  	s10 =	sld [smem:$0x3FBB]  }
0x39: {  	_ = 	snop;
	(pc) =	sbr.ind lr, $3  }
0x3a: {  	_ = 	snop  }
0x3b: {  	_ = 	snop  }
0x3c: {  	p2 =	seq.s32 s10, $0x1;
	s10 =	sld [smem:$0x3FBA]  }
0x3d: {  	_ =	shalt  }
0x3e: {  	_ =	shalt  }
0x3f: {  	_ =	shalt  }
0x40: {  	_ =	shalt  }
0x41: {  	_ =	shalt  }
0x42: {  	_ =	shalt  }
0x43: {  	_ =	shalt  }
0x44: {  	_ =	shalt  }
0x45: {  	_ =	shalt  }
0x46: {  	_ =	shalt  }
0x47: {  	_ =	shalt  }
0x48: {  	_ =	shalt  }
0x49: {  	_ =	shalt  }
0x4a: {  	_ =	shalt  }
0x4b: {  	_ =	shalt  }
0x4c: {  	_ =	shalt  }
0x4d: {  	_ =	shalt  }
0x4e: {  	_ =	shalt  }
0x4f: {  	_ =	shalt  }
0x50: {  	_ =	shalt  }
0x51: {  	_ =	shalt  }
0x52: {  	_ =	shalt  }
0x53: {  	_ =	shalt  }
0x54: {  	_ =	shalt  }
0x55: {  	_ =	shalt  }
0x56: {  	_ =	shalt  }
0x57: {  	_ =	shalt  }
0x58: {  	_ =	shalt  }
0x59: {  	_ =	shalt  }
0x5a: {  	_ =	shalt  }
0x5b: {  	_ =	shalt  }
0x5c: {  	_ =	shalt  }
0x5d: {  	_ =	shalt  }
0x5e: {  	_ =	shalt  }
0x5f: {  	_ =	shalt  }
0x60: {  	_ =	shalt  }
0x61: {  	_ =	shalt  }
0x62: {  	_ =	shalt  }
0x63: {  	_ =	shalt  }
0x64: {  	_ =	shalt  }
0x65: {  	_ =	shalt  }
0x66: {  	_ =	shalt  }
0x67: {  	_ =	shalt  }
0x68: {  	_ =	shalt  }
0x69: {  	_ =	shalt  }
0x6a: {  	_ =	shalt  }
0x6b: {  	_ =	shalt  }
0x6c: {  	_ =	shalt  }
0x6d: {  	_ =	shalt  }
0x6e: {  	_ =	shalt  }
0x6f: {  	_ =	shalt  }
0x70: {  	_ =	shalt  }
0x71: {  	_ =	shalt  }
0x72: {  	_ =	shalt  }
0x73: {  	_ =	shalt  }
0x74: {  	_ =	shalt  }
0x75: {  	_ =	shalt  }
0x76: {  	_ =	shalt  }
0x77: {  	_ =	shalt  }
0x78: {  	_ =	shalt  }
0x79: {  	_ =	shalt  }
0x7a: {  	_ =	shalt  }
0x7b: {  	_ =	shalt  }
0x7c: {  	_ =	shalt  }
0x7d: {  	_ =	shalt  }
0x7e: {  	_ =	shalt  }
0x7f: {  	_ =	shalt  }
0x80: {  	_ =	shalt  }
0x81: {  	_ =	shalt  }
0x82: {  	_ =	shalt  }
0x83: {  	_ =	shalt  }
0x84: {  	_ =	shalt  }
0x85: {  	_ =	shalt  }
0x86: {  	_ =	shalt  }
0x87: {  	_ =	shalt  }
.Lfunc_end0:
.L_simem_size_0:
called_computation_lowered:
.L_overlay_start_0:
0x88: {  	s2 =	sld [smem:$0x3FD9]  }
0x89: {  	s3 =	sld [smem:$0x3FFE];
	_ =	sdelay $0x1  }
0x8a: {  	s1 =	srdreg.scid  }
0x8b: {  	s0 =	sand.u32 $0x1, s1  }
0x8c: {  	s14 =	sshll.u32 s0, $0xA;
	s2 =	sadd.s32 s3, s2  }
0x8d: {  	s2 =	sadd.s32 s2, s14  }
0x8e: {  	[smem:$0x3FC6] =	sst s2  }
0x8f: {  	_ = 	snop  }
0x90: {  	s2 =	sld [smem:$0x3FD0];
	_ =	sdelay $0x2  }
0x91: {  	s15 =	simm.s32 $0xA;
	s4 =	simm.s32 $0x10  }
0x92: {  	[smem:s4], [sflag:s15] =	dma.local [hbm:s2], $0x1  }
0x93: {  	_ =	swait.eq [sflag:s15], $0x1  }
0x94: {  	[sflag:s15] =	ssyncset.done $0x0  }
0x95: {  	s16 =	sld [smem:$0x10];
	[sflag:s15] =	ssyncadd.s32 $0xFFFFFFFF  }
0x96: {  	s17 =	sld [smem:$0x12];
	(tm) =	ssettm $0x1  }
0x97: {  	s18 =	sld [smem:$0x3FFB];
	_ =	sdelay $0x3  }
0x98: {  	_ =	strace s18  }
0x99: {  	s4 =	sld [smem:$0x3FFC];
	_ =	sdelay $0x3  }
0x9a: {  	_ =	strace s4  }
0x9b: {  	s4 =	sld [smem:$0x3FFD];
	_ =	sdelay $0x3  }
0x9c: {  	_ =	strace s4  }
0x9d: {  	_ =	strace $0x8FFFFFFF  }
0x9e: {  	s19 =	sld [smem:$0x3FDB];
	_ =	sdelay $0x1  }
0x9f: {  	s5 =	simm.s32 $_scs_section_size  }
0xa0: {  	s6 =	simm.s32 $_size__tile_overlayer_lowered;
	s7 =	simm.s32 $_tile_overlayer_lowered  }
0xa1: {  	s22 =	simm.s32 $0x1BFF;
	s21 =	sshll.u32 s7, $0x1;
	s4 =	sadd.s32 s5, s19  }
0xa2: {  	s8 =	simm.s32 $0x0;
	s20 =	sshll.u32 s6, $0x1;
	s6 =	sadd.s32 s21, s4  }
0xa3: {  	[timem:s8], [sflag:s22] =	dma.local [hbm:s6], s20  }
0xa4: {  	_ =	swait.ge [sflag:s22], s20  }
0xa5: {  	s5 =	ssub.s32 $0x0, s20;
	[sflag:s22] =	ssyncset.done $0x0  }
0xa6: {  	[sflag:s22] =	ssyncadd.s32 s5;
	_ =	sdelay $0x1  }
0xa7: {  	s23 =	simm.s32 $0x1B8B  }
0xa8: {  	_ =	swait.ge [sflag:s23], $0x1  }
0xa9: {  	[sflag:s23] =	ssyncset.done $0x0  }
0xaa: {  	s25 =	simm.s32 $0x1B8E;
	s24 =	sld [smem:$0x3FFE];
	[sflag:s23] =	ssyncadd.s32 $0xFFFFFFFF  }
0xab: {  	s26 =	simm.s32 $execute0_lowered;
	[smem:$0x3FD2] =	sst s25  }
0xac: {  	s6 =	sshll.u32 s26, $0x1;
	_ =	strace $0x80000046;
	[dreg:$0x1] =	wrdreg $0xFFFFFFFF  }
0xad: {  	s28 =	simm.s32 $_size_execute0_lowered;
	s4 =	sadd.s32 s4, s6;
	[dreg:$0x0] =	wrdreg $0x0  }
0xae: {  	s6 =	sshll.u32 s28, $0x1;
	[dreg:$0x2] =	wrdreg s4  }
0xaf: {  	[dreg:$0x3] =	wrdreg s6  }
0xb0: {  	[dreg:$0x4] =	wrdreg $0xC0  }
0xb1: {  	_ =	task [dreg:s8], $0x5FFFF  }
0xb2: {  	[dreg:$0x1] =	wrdreg $0xFFFFFFFF  }
0xb3: {  	[dreg:$0x0] =	wrdreg $0x60  }
0xb4: {  	[dreg:$0x2] =	wrdreg s24  }
0xb5: {  	[dreg:$0x3] =	wrdreg s17  }
0xb6: {  	[dreg:$0x4] =	wrdreg s16  }
0xb7: {  	[dreg:$0x5] =	wrdreg $0x9  }
0xb8: {  	_ =	task.clear_ibuf [dreg:s8], $0x6FFFF;
	_ =	strace $0x90000046  }
0xb9: {  	s29 =	simm.s32 $0x9;
	_ =	strace $0x80000048  }
0xba: {  	_ =	swait.ge [sflag:s29], $0x1  }
0xbb: {  	[sflag:s29] =	ssyncadd.s32 $0xFFFFFFFF  }
0xbc: {  	_ =	strace $0x90000048  }
0xbd: {  	_ =	sfence  }
0xbe: {  	s30 =	sld [smem:$0x0];
	_ =	sdelay $0x2  }
0xbf: {  	s31 =	sshll.u32 s1, $0xD;
	s1 =	sshrl.u32 s1, $0x2  }
0xc0: {  	s3 =	sand.u32 $0x4000, s31;
	s1 =	sadd.s32 s1, s30  }
0xc1: {  	s0 =	sor.u32 s3, s0;
	s1 =	sshll.u32 s1, $0x11  }
0xc2: {  	s0 =	sor.u32 s1, s0  }
0xc3: {  	s0 =	sadd.s32 $0x8F2B, s0  }
0xc4: {  	[sflag:s0] =	ssyncadd.remote.s32 $0x1  }
0xc5: {  	_ =	sfence.sel $0xFFFF  }
0xc6: {  	[dreg:$0x0] =	wrdreg $0xFFFFFFFF;
	(pc) =	sbr.abs _section_cstart, $3  }
0xc7: {  	[dreg:$0x1] =	wrdreg $0xFFFFFFFF  }
0xc8: {  	_ =	task.clear_ibuf [dreg:s8], $0x2FFFF;
	_ =	strace $0x9FFFFFFF  }
0xc9: {  	(tm) =	ssettm $0x7FFFFFFF  }
tec
execute0_lowered:
.L_overlay_start_1:
0x0: {  	(tag) =	ssettag $0x1  }
0x1: {  	s0 =	rddreg [dreg:$0x0]  }
0x2: {  	s1 =	rddreg [dreg:$0x1];
	s2 =	srdreg.scid  }
0x3: {  	s6 =	stileid.u32;
	s5 =	rddreg [dreg:$0x2];
	s10 =	simm.s32 $0x60  }
0x4: {  	s12 =	simm.s32 $0x780;
	s19 =	simm.s32 $0xC780;
	s20 =	simm.s32 $0x460  }
0x5: {  	s21 =	simm.s32 $0xF780;
	s22 =	simm.s32 $0x1;
	s23 =	simm.s32 $0x2  }
0x6: {  	s24 =	simm.s32 $0x3;
	s28 =	simm.s32 $0x12780;
	s29 =	simm.s32 $0x0  }
0x7: {  	s3 =	sand.u32 $0x1, s2;
	s25 =	sshll.u32 s6, $0x1;
	s6 =	sshrl.u32 s6, $0x2  }
0x8: {  	s2 =	simm.s32 $0x0;
	s4 =	sor.u32 s3, s25;
	s6 =	smul.u32 $0x1400, s6  }
0x9: {  	[smem:$0x7FF] =	sst s2;
	s8 =	ssub.s32 $0x2, s3;
	s3 =	sadd.s32 $0x800, s0  }
0xa: {  	s25 =	simm.s32 $0x4;
	s7 =	sshll.u32 s4, $0x7;
	_ =	strace $0x80000047  }
0xb: {  	s30 =	sshrl.u32 s8, $0x1;
	s9 =	smul.u32 $0x1400, s4;
	s7 =	sand.u32 $0x380, s7  }
0xc: {  	s31 =	ssub.s32 s8, s30;
	s8 =	simm.s32 $0x400;
	s26 =	sor.u32 s6, s7  }
0xd: {  	v0 =	vlaneseq.u32;
	s5 =	sadd.s32 s5, s9;
	s6 =	smax.u32 s31, $0x1;
	s7 =	sshrl.u32 s26, $0x3  }
0xe: {  	v0 =	vmul.u32 $0x80, v0;
	s9 =	simm.s32 $0x7;
	s26 =	simm.s32 $0x5;
	s4 =	sadd.s32 s1, s7  }
.LBB2_1:
0xf: {  	s0 =	simm.s32 $0x80  }
0x10: {  	[tilespmem:s2], [sflag:$0x7] =	stream.strided.gather [hbm4b:s4+s0], $0x280, s8, s0, $0x38;
	[tilespmem:$0x1C780] =	vst v63  }
0x11: {  	_ =	swait.ge [sflag:s9], $0x280  }
0x12: {  	[sflag:s9] =	ssyncset.done $0x0  }
0x13: {  	[sflag:s9] =	ssyncadd.s32 $0xFFFFFD80  }
0x14: {  	v1 =	vld [tilespmem:$0x0];
	_ =	sdelay $0x1  }
0x15: {  	v2 =	vld [tilespmem:$0x10];
	_ =	sdelay $0x1  }
0x16: {  	v3 =	vld [tilespmem:$0x20]  }
0x17: {  	v4 =	vshra.s32 v1, $0x1;
	v1 =	vshll.u32 v1, $0x6  }
0x18: {  	v53 =	vld [tilespmem:$0x30];
	[tilespmem:$0x280] =	vst v4;
	v1 =	vand.u32 $0x40, v1  }
0x19: {  	[tilespmem:$0x500] =	vst v1;
	v1 =	vshra.s32 v2, $0x1;
	v2 =	vshll.u32 v2, $0x6  }
0x1a: {  	[tilespmem:$0x290] =	vst v1;
	v1 =	vand.u32 $0x40, v2;
	v2 =	vld [tilespmem:$0x40]  }
0x1b: {  	[tilespmem:$0x510] =	vst v1;
	v1 =	vshra.s32 v3, $0x1;
	v3 =	vshll.u32 v3, $0x6  }
0x1c: {  	[tilespmem:$0x2A0] =	vst v1;
	v1 =	vand.u32 $0x40, v3;
	v3 =	vld [tilespmem:$0x50]  }
0x1d: {  	v4 =	vshll.u32 v53, $0x6;
	[tilespmem:$0x520] =	vst v1;
	v1 =	vshra.s32 v53, $0x1  }
0x1e: {  	v54 =	vld [tilespmem:$0x60];
	[tilespmem:$0x2B0] =	vst v1;
	v1 =	vand.u32 $0x40, v4  }
0x1f: {  	[tilespmem:$0x530] =	vst v1;
	v1 =	vshra.s32 v2, $0x1;
	v2 =	vshll.u32 v2, $0x6  }
0x20: {  	[tilespmem:$0x2C0] =	vst v1;
	v1 =	vand.u32 $0x40, v2;
	v2 =	vld [tilespmem:$0x70]  }
0x21: {  	[tilespmem:$0x540] =	vst v1;
	v1 =	vshra.s32 v3, $0x1;
	v3 =	vshll.u32 v3, $0x6  }
0x22: {  	[tilespmem:$0x2D0] =	vst v1;
	v1 =	vand.u32 $0x40, v3;
	v3 =	vld [tilespmem:$0x80]  }
0x23: {  	v4 =	vshll.u32 v54, $0x6;
	[tilespmem:$0x550] =	vst v1;
	v1 =	vshra.s32 v54, $0x1  }
0x24: {  	v55 =	vld [tilespmem:$0x90];
	[tilespmem:$0x2E0] =	vst v1;
	v1 =	vand.u32 $0x40, v4  }
0x25: {  	[tilespmem:$0x560] =	vst v1;
	v1 =	vshra.s32 v2, $0x1;
	v2 =	vshll.u32 v2, $0x6  }
0x26: {  	[tilespmem:$0x2F0] =	vst v1;
	v1 =	vand.u32 $0x40, v2;
	v2 =	vld [tilespmem:$0xA0]  }
0x27: {  	[tilespmem:$0x570] =	vst v1;
	v1 =	vshra.s32 v3, $0x1;
	v3 =	vshll.u32 v3, $0x6  }
0x28: {  	[tilespmem:$0x300] =	vst v1;
	v1 =	vand.u32 $0x40, v3;
	v3 =	vld [tilespmem:$0xB0]  }
0x29: {  	v4 =	vshll.u32 v55, $0x6;
	[tilespmem:$0x580] =	vst v1;
	v1 =	vshra.s32 v55, $0x1  }
0x2a: {  	v56 =	vld [tilespmem:$0xC0];
	[tilespmem:$0x310] =	vst v1;
	v1 =	vand.u32 $0x40, v4  }
0x2b: {  	[tilespmem:$0x590] =	vst v1;
	v1 =	vshra.s32 v2, $0x1;
	v2 =	vshll.u32 v2, $0x6  }
0x2c: {  	[tilespmem:$0x320] =	vst v1;
	v1 =	vand.u32 $0x40, v2;
	v2 =	vld [tilespmem:$0xD0]  }
0x2d: {  	[tilespmem:$0x5A0] =	vst v1;
	v1 =	vshra.s32 v3, $0x1;
	v3 =	vshll.u32 v3, $0x6  }
0x2e: {  	[tilespmem:$0x330] =	vst v1;
	v1 =	vand.u32 $0x40, v3;
	v3 =	vld [tilespmem:$0xE0]  }
0x2f: {  	v4 =	vshll.u32 v56, $0x6;
	[tilespmem:$0x5B0] =	vst v1;
	v1 =	vshra.s32 v56, $0x1  }
0x30: {  	v57 =	vld [tilespmem:$0xF0];
	[tilespmem:$0x340] =	vst v1;
	v1 =	vand.u32 $0x40, v4  }
0x31: {  	[tilespmem:$0x5C0] =	vst v1;
	v1 =	vshra.s32 v2, $0x1;
	v2 =	vshll.u32 v2, $0x6  }
0x32: {  	[tilespmem:$0x350] =	vst v1;
	v1 =	vand.u32 $0x40, v2;
	v2 =	vld [tilespmem:$0x100]  }
0x33: {  	[tilespmem:$0x5D0] =	vst v1;
	v1 =	vshra.s32 v3, $0x1;
	v3 =	vshll.u32 v3, $0x6  }
0x34: {  	[tilespmem:$0x360] =	vst v1;
	v1 =	vand.u32 $0x40, v3;
	v3 =	vld [tilespmem:$0x110]  }
0x35: {  	v4 =	vshll.u32 v57, $0x6;
	[tilespmem:$0x5E0] =	vst v1;
	v1 =	vshra.s32 v57, $0x1  }
0x36: {  	v58 =	vld [tilespmem:$0x120];
	[tilespmem:$0x370] =	vst v1;
	v1 =	vand.u32 $0x40, v4  }
0x37: {  	[tilespmem:$0x5F0] =	vst v1;
	v1 =	vshra.s32 v2, $0x1;
	v2 =	vshll.u32 v2, $0x6  }
0x38: {  	[tilespmem:$0x380] =	vst v1;
	v1 =	vand.u32 $0x40, v2;
	v2 =	vld [tilespmem:$0x130]  }
0x39: {  	[tilespmem:$0x600] =	vst v1;
	v1 =	vshra.s32 v3, $0x1;
	v3 =	vshll.u32 v3, $0x6  }
0x3a: {  	[tilespmem:$0x390] =	vst v1;
	v1 =	vand.u32 $0x40, v3;
	v3 =	vld [tilespmem:$0x140]  }
0x3b: {  	v4 =	vshll.u32 v58, $0x6;
	[tilespmem:$0x610] =	vst v1;
	v1 =	vshra.s32 v58, $0x1  }
0x3c: {  	v59 =	vld [tilespmem:$0x150];
	[tilespmem:$0x3A0] =	vst v1;
	v1 =	vand.u32 $0x40, v4  }
0x3d: {  	[tilespmem:$0x620] =	vst v1;
	v1 =	vshra.s32 v2, $0x1;
	v2 =	vshll.u32 v2, $0x6  }
0x3e: {  	[tilespmem:$0x3B0] =	vst v1;
	v1 =	vand.u32 $0x40, v2;
	v2 =	vld [tilespmem:$0x160]  }
0x3f: {  	[tilespmem:$0x630] =	vst v1;
	v1 =	vshra.s32 v3, $0x1;
	v3 =	vshll.u32 v3, $0x6  }
0x40: {  	[tilespmem:$0x3C0] =	vst v1;
	v1 =	vand.u32 $0x40, v3;
	v3 =	vld [tilespmem:$0x170]  }
0x41: {  	v4 =	vshll.u32 v59, $0x6;
	[tilespmem:$0x640] =	vst v1;
	v1 =	vshra.s32 v59, $0x1  }
0x42: {  	v60 =	vld [tilespmem:$0x180];
	[tilespmem:$0x3D0] =	vst v1;
	v1 =	vand.u32 $0x40, v4  }
0x43: {  	[tilespmem:$0x650] =	vst v1;
	v1 =	vshra.s32 v2, $0x1;
	v2 =	vshll.u32 v2, $0x6  }
0x44: {  	[tilespmem:$0x3E0] =	vst v1;
	v1 =	vand.u32 $0x40, v2;
	v2 =	vld [tilespmem:$0x190]  }
0x45: {  	[tilespmem:$0x660] =	vst v1;
	v1 =	vshra.s32 v3, $0x1;
	v3 =	vshll.u32 v3, $0x6  }
0x46: {  	[tilespmem:$0x3F0] =	vst v1;
	v1 =	vand.u32 $0x40, v3;
	v3 =	vld [tilespmem:$0x1A0]  }
0x47: {  	v4 =	vshll.u32 v60, $0x6;
	[tilespmem:$0x670] =	vst v1;
	v1 =	vshra.s32 v60, $0x1  }
0x48: {  	v61 =	vld [tilespmem:$0x1B0];
	[tilespmem:$0x400] =	vst v1;
	v1 =	vand.u32 $0x40, v4  }
0x49: {  	[tilespmem:$0x680] =	vst v1;
	v1 =	vshra.s32 v2, $0x1;
	v2 =	vshll.u32 v2, $0x6  }
0x4a: {  	[tilespmem:$0x410] =	vst v1;
	v1 =	vand.u32 $0x40, v2;
	v2 =	vld [tilespmem:$0x1C0]  }
0x4b: {  	[tilespmem:$0x690] =	vst v1;
	v1 =	vshra.s32 v3, $0x1;
	v3 =	vshll.u32 v3, $0x6  }
0x4c: {  	[tilespmem:$0x420] =	vst v1;
	v1 =	vand.u32 $0x40, v3;
	v3 =	vld [tilespmem:$0x1D0]  }
0x4d: {  	v4 =	vshll.u32 v61, $0x6;
	[tilespmem:$0x6A0] =	vst v1;
	v1 =	vshra.s32 v61, $0x1  }
0x4e: {  	v62 =	vld [tilespmem:$0x1E0];
	[tilespmem:$0x430] =	vst v1;
	v1 =	vand.u32 $0x40, v4  }
0x4f: {  	[tilespmem:$0x6B0] =	vst v1;
	v1 =	vshra.s32 v2, $0x1;
	v2 =	vshll.u32 v2, $0x6  }
0x50: {  	[tilespmem:$0x440] =	vst v1;
	v1 =	vand.u32 $0x40, v2;
	v2 =	vld [tilespmem:$0x1F0]  }
0x51: {  	[tilespmem:$0x6C0] =	vst v1;
	v1 =	vshra.s32 v3, $0x1;
	v3 =	vshll.u32 v3, $0x6  }
0x52: {  	[tilespmem:$0x450] =	vst v1;
	v1 =	vand.u32 $0x40, v3;
	v3 =	vld [tilespmem:$0x200]  }
0x53: {  	v4 =	vshll.u32 v62, $0x6;
	[tilespmem:$0x6D0] =	vst v1;
	v1 =	vshra.s32 v62, $0x1  }
0x54: {  	v63 =	vld [tilespmem:$0x210];
	[tilespmem:$0x460] =	vst v1;
	v1 =	vand.u32 $0x40, v4  }
0x55: {  	[tilespmem:$0x6E0] =	vst v1;
	v1 =	vshra.s32 v2, $0x1;
	v2 =	vshll.u32 v2, $0x6  }
0x56: {  	[tilespmem:$0x470] =	vst v1;
	v1 =	vand.u32 $0x40, v2;
	v2 =	vld [tilespmem:$0x220]  }
0x57: {  	[tilespmem:$0x6F0] =	vst v1;
	v1 =	vshra.s32 v3, $0x1;
	v3 =	vshll.u32 v3, $0x6  }
0x58: {  	[tilespmem:$0x480] =	vst v1;
	v1 =	vand.u32 $0x40, v3;
	v3 =	vld [tilespmem:$0x230]  }
0x59: {  	v4 =	vshll.u32 v63, $0x6;
	[tilespmem:$0x700] =	vst v1;
	v1 =	vshra.s32 v63, $0x1  }
0x5a: {  	[tilespmem:$0x490] =	vst v1;
	v1 =	vand.u32 $0x40, v4  }
0x5b: {  	[tilespmem:$0x710] =	vst v1;
	v1 =	vshra.s32 v2, $0x1;
	v2 =	vshll.u32 v2, $0x6  }
0x5c: {  	[tilespmem:$0x4A0] =	vst v1;
	v1 =	vand.u32 $0x40, v2  }
0x5d: {  	[tilespmem:$0x720] =	vst v1;
	v1 =	vshra.s32 v3, $0x1;
	v2 =	vshll.u32 v3, $0x6  }
0x5e: {  	[tilespmem:$0x4B0] =	vst v1;
	v1 =	vand.u32 $0x40, v2  }
0x5f: {  	s14 =	simm.s32 $0x280;
	[tilespmem:$0x730] =	vst v1  }
0x60: {  	[tilespmem:s12], [sflag:$0x1] =	stream.indirect.gather [hbm4b:s3+s10], $0x80, s14, s10, $0xb8;
	[tilespmem:$0x1C780] =	vst v63  }
0x61: {  	s15 =	simm.s32 $0x2E0;
	s1 =	simm.s32 $0x3780  }
0x62: {  	[tilespmem:s1], [sflag:$0x2] =	stream.indirect.gather [hbm4b:s3+s10], $0x80, s15, s10, $0xb8;
	[tilespmem:$0x1C780] =	vst v63  }
0x63: {  	s16 =	simm.s32 $0x340;
	s17 =	simm.s32 $0x6780  }
0x64: {  	[tilespmem:s17], [sflag:$0x3] =	stream.indirect.gather [hbm4b:s3+s10], $0x80, s16, s10, $0xb8;
	[tilespmem:$0x1C780] =	vst v63  }
0x65: {  	s18 =	simm.s32 $0x3A0;
	s31 =	simm.s32 $0x9780  }
0x66: {  	[tilespmem:s31], [sflag:$0x4] =	stream.indirect.gather [hbm4b:s3+s10], $0x80, s18, s10, $0xb8;
	[tilespmem:$0x1C780] =	vst v63  }
0x67: {  	_ = 	snop  }
0x68: {  	[tilespmem:s19], [sflag:$0x5] =	stream.indirect.gather [hbm4b:s3+s10], $0x80, s8, s10, $0xb8;
	[tilespmem:$0x1C780] =	vst v63  }
0x69: {  	_ = 	snop  }
0x6a: {  	[tilespmem:s21], [sflag:$0x6] =	stream.indirect.gather [hbm4b:s3+s10], $0x80, s20, s10, $0xb8;
	[tilespmem:$0x1C780] =	vst v63  }
0x6b: {  	_ =	swait.ge [sflag:s22], $0x3000  }
0x6c: {  	[sflag:s22] =	ssyncset.done $0x0  }
0x6d: {  	s30 =	simm.s32 $0x0;
	s1 =	simm.s32 $0x13F00;
	[sflag:s22] =	ssyncadd.s32 $0xFFFFD000  }
.LBB2_2:
0x6e: {  	s0 =	sshll.u32 s30, $0x4  }
0x6f: {  	v1 =	vld [tilespmem:s0+$0x500];
	_ =	sdelay $0x2  }
0x70: {  	v2 =	vmov s0  }
0x71: {  	s13 =	simm.s32 $0x1;
	s7 =	simm.s32 $0x2;
	v2 =	vshll.u32 v2, $0x7  }
0x72: {  	s11 =	simm.s32 $0x3;
	s14 =	simm.s32 $0x4;
	s15 =	simm.s32 $0x5;
	v2 =	vor.u32 v0, v2;
	v4 =	vadd.s32 s13, v1;
	v3 =	vadd.s32 s7, v1  }
0x73: {  	s16 =	simm.s32 $0x6;
	s17 =	simm.s32 $0x7;
	s18 =	simm.s32 $0x8;
	v5 =	vadd.s32 s11, v1;
	v6 =	vadd.s32 s14, v1;
	v7 =	vadd.s32 s15, v1  }
0x74: {  	v8 =	vadd.s32 s16, v1;
	v9 =	vadd.s32 s17, v1;
	v10 =	vadd.s32 s18, v1;
	s7 =	simm.s32 $0xA;
	s11 =	simm.s32 $0xB  }
0x75: {  	s13 =	simm.s32 $0xD;
	s14 =	simm.s32 $0xE;
	v11 =	vand.u32 $0x7F, v5;
	v12 =	vadd.s32 s7, v1;
	v13 =	vadd.s32 s11, v1  }
0x76: {  	s15 =	simm.s32 $0xF;
	v5 =	vand.u32 $0xFFFFFF80, v5;
	v14 =	vadd.s32 s13, v1;
	v15 =	vadd.s32 s14, v1  }
0x77: {  	s16 =	simm.s32 $0x9;
	v18 =	vand.u32 $0x7F, v6;
	v17 =	vadd.s32 s15, v1;
	v19 =	vand.u32 $0xFFFFFF80, v6  }
0x78: {  	v6 =	vand.u32 $0xFFFFFF80, v9;
	v58 =	vand.u32 $0xFFFFFF80, v10;
	v22 =	vadd.s32 s16, v1  }
0x79: {  	s17 =	simm.s32 $0x0;
	v10 =	vand.u32 $0x7F, v10;
	v24 =	vand.u32 $0xFFFFFF80, v7;
	v7 =	vand.u32 $0x7F, v7  }
0x7a: {  	v25 =	vadd.s32 s17, v1;
	v26 =	vand.u32 $0xFFFFFF80, v8;
	v9 =	vand.u32 $0x7F, v9  }
0x7b: {  	v16 =	vand.u32 $0xFFFFFF80, v15;
	v20 =	vand.u32 $0xFFFFFF80, v17;
	v21 =	vadd.s32 v2, v5  }
0x7c: {  	v5 =	vand.u32 $0x7F, v17;
	v23 =	vand.u32 $0x7F, v13;
	v13 =	vand.u32 $0xFFFFFF80, v13  }
0x7d: {  	v24 =	vadd.s32 v2, v24;
	v59 =	vand.u32 $0xFFFFFF80, v25;
	v25 =	vand.u32 $0x7F, v25  }
0x7e: {  	v27 =	vand.u32 $0x7F, v14;
	v28 =	vand.u32 $0xFFFFFF80, v12;
	v6 =	vadd.s32 v2, v6  }
0x7f: {  	v15 =	vand.u32 $0x7F, v15;
	v12 =	vand.u32 $0x7F, v12;
	v17 =	vadd.s32 v2, v20  }
0x80: {  	v13 =	vadd.s32 v2, v13;
	v60 =	vor.u32 v9, v6;
	v5 =	vor.u32 v5, v17  }
0x81: {  	v6 =	vand.u32 $0xFFFFFF80, v14;
	v14 =	vadd.s32 v2, v16;
	v13 =	vor.u32 v23, v13  }
0x82: {  	v16 =	vadd.s32 v2, v28;
	v9 =	vor.u32 v7, v24;
	v17 =	vand.u32 $0x7F, v4  }
0x83: {  	s18 =	simm.s32 $0xC;
	v4 =	vand.u32 $0xFFFFFF80, v4;
	v23 =	vadd.s32 v2, v59;
	v61 =	vadd.s32 v2, v6  }
0x84: {  	v7 =	vor.u32 v12, v16;
	v12 =	vadd.s32 s18, v1;
	v16 =	vor.u32 v11, v21  }
0x85: {  	v4 =	vadd.s32 v2, v4;
	v23 =	vor.u32 v25, v23;
	v29 =	vand.u32 $0x7F, v12;
	v62 =	vld.idx.msk [tilespmem:v5+s12+$0x0], $0xffff  }
0x86: {  	v11 =	vand.u32 $0xFFFFFF80, v12;
	v17 =	vor.u32 v17, v4;
	v4 =	vadd.s32 v2, v58;
	v63 =	vld.idx.msk [tilespmem:v13+s12+$0x0], $0xffff  }
0x87: {  	v12 =	vand.u32 $0x7F, v8;
	v11 =	vadd.s32 v2, v11;
	v6 =	vor.u32 v10, v4  }
0x88: {  	v4 =	vor.u32 v15, v14;
	v14 =	vand.u32 $0xFFFFFF80, v22;
	v8 =	vld.idx.msk [tilespmem:v60+s12+$0x0], $0xffff;
	v13 =	vadd.s32 v2, v26  }
0x89: {  	v14 =	vadd.s32 v2, v14;
	v5 =	vor.u32 v27, v61;
	v15 =	vld.idx.msk [tilespmem:v7+s12+$0x0], $0xffff;
	v13 =	vor.u32 v12, v13  }
0x8a: {  	v10 =	vld.idx.msk [tilespmem:v23+s12+$0x0], $0xffff;
	v12 =	vor.u32 v29, v11;
	v11 =	vadd.s32 v2, v19;
	v19 =	vand.u32 $0x7F, v22;
	[tilespmem:s1+$0x0] =	vst v62  }
0x8b: {  	s31 =	sadd.s32 $0x2800, s1;
	s0 =	smov.u32 s1;
	s14 =	simm.s32 $0x10;
	v7 =	vld.idx.msk [tilespmem:v17+s12+$0x0], $0xffff;
	v17 =	vand.u32 $0xFFFFFF80, v3;
	v11 =	vor.u32 v18, v11;
	v14 =	vor.u32 v19, v14;
	[tilespmem:s1+$0xFFFFFE00] =	vst v63  }
.LBB2_3:
0x8c: {  	s7 =	sadd.s32 $0x1, s14  }
0x8d: {  	s11 =	sadd.s32 $0x2, s14;
	s15 =	sadd.s32 $0x3, s14;
	v18 =	vand.u32 $0x7F, v3;
	v17 =	vadd.s32 v2, v17;
	v16 =	vld.idx.msk [tilespmem:v16+s12+$0x0], $0xffff;
	s13 =	smov.u32 s14  }
0x8e: {  	v19 =	vadd.s32 s7, v1;
	v3 =	vadd.s32 s11, v1;
	v20 =	vadd.s32 s15, v1;
	s7 =	sadd.s32 $0x4, s14;
	s11 =	sadd.s32 $0x5, s14;
	s15 =	sadd.s32 $0x6, s14;
	v9 =	vld.idx.msk [tilespmem:v9+s12+$0x0], $0xffff  }
0x8f: {  	s16 =	sadd.s32 $0x9, s14;
	v17 =	vor.u32 v18, v17;
	v21 =	vadd.s32 s7, v1;
	v22 =	vadd.s32 s11, v1;
	s7 =	sadd.s32 $0x7, s14;
	s11 =	sadd.s32 $0x8, s14;
	v13 =	vld.idx.msk [tilespmem:v13+s12+$0x0], $0xffff  }
0x90: {  	v18 =	vadd.s32 s15, v1;
	s15 =	sadd.s32 $0xB, s14;
	v23 =	vadd.s32 s7, v1;
	v24 =	vadd.s32 s11, v1;
	s7 =	sadd.s32 $0xA, s14;
	s11 =	sadd.s32 $0xC, s14;
	[tilespmem:s0+$0xFFFFE880] =	vst v10  }
0x91: {  	s17 =	sadd.s32 $0xE, s13;
	v25 =	vand.u32 $0x7F, v20;
	v26 =	vadd.s32 s15, v1;
	s15 =	sadd.s32 $0xD, s13;
	v10 =	vadd.s32 s7, v1;
	s7 =	sadd.s32 $0x10, s14;
	[tilespmem:s0+$0xFFFFFD80] =	vst v15;
	v12 =	vld.idx.msk [tilespmem:v12+s12+$0x0], $0xffff  }
0x92: {  	p0 =	slt.u32 s14, $0x30;
	v27 =	vadd.s32 s17, v1;
	v15 =	vand.u32 $0xFFFFFF80, v20;
	v20 =	vadd.s32 s15, v1;
	s15 =	sadd.s32 $0xF, s13;
	[tilespmem:s0+$0xFFFFEC00] =	vst v8;
	v8 =	vld.idx.msk [tilespmem:v14+s12+$0x0], $0xffff  }
0x93: {  	v28 =	vand.u32 $0xFFFFFF80, v27;
	v14 =	vand.u32 $0x7F, v21;
	v29 =	vadd.s32 s15, v1;
	[tilespmem:s0+$0xFFFFEA00] =	vst v16;
	v11 =	vld.idx.msk [tilespmem:v11+s12+$0x0], $0xffff  }
0x94: {  	v21 =	vand.u32 $0xFFFFFF80, v21;
	v16 =	vand.u32 $0xFFFFFF80, v23;
	v30 =	vand.u32 $0xFFFFFF80, v29;
	v6 =	vld.idx.msk [tilespmem:v6+s12+$0x0], $0xffff  }
0x95: {  	v15 =	vadd.s32 v2, v15;
	v29 =	vand.u32 $0x7F, v29;
	v30 =	vadd.s32 v2, v30;
	[tilespmem:s0+$0xFFFFEB00] =	vst v9;
	v5 =	vld.idx.msk [tilespmem:v5+s12+$0x0], $0xffff  }
0x96: {  	v31 =	vadd.s32 s16, v1;
	v9 =	vand.u32 $0xFFFFFF80, v24;
	v29 =	vor.u32 v29, v30;
	[tilespmem:s0+$0xFFFFE900] =	vst v7;
	v7 =	vld.idx.msk [tilespmem:v17+s12+$0x0], $0xffff  }
0x97: {  	v24 =	vand.u32 $0x7F, v24;
	v30 =	vand.u32 $0x7F, v26;
	v17 =	vand.u32 $0x7F, v19;
	[tilespmem:s0+$0xFFFFFE80] =	vst v12  }
0x98: {  	v26 =	vand.u32 $0xFFFFFF80, v26;
	v12 =	vand.u32 $0xFFFFFF80, v19;
	v19 =	vand.u32 $0xFFFFFF80, v22;
	[tilespmem:s0+$0xFFFFFD00] =	vst v8;
	v4 =	vld.idx.msk [tilespmem:v4+s12+$0x0], $0xffff  }
0x99: {  	v8 =	vand.u32 $0x7F, v22;
	v19 =	vadd.s32 v2, v19;
	v22 =	vadd.s32 v2, v26;
	[tilespmem:s0+$0xFFFFEB80] =	vst v13  }
0x9a: {  	v26 =	vand.u32 $0xFFFFFF80, v18;
	v13 =	vadd.s32 s13, v1;
	v22 =	vor.u32 v30, v22;
	[tilespmem:s0+$0xFFFFFC80] =	vst v6  }
0x9b: {  	v30 =	vand.u32 $0x7F, v20;
	v6 =	vand.u32 $0xFFFFFF80, v13;
	v13 =	vand.u32 $0x7F, v13;
	v29 =	vld.idx.msk [tilespmem:v29+s12+$0x0], $0xffff;
	[tilespmem:s0+$0xFFFFEA80] =	vst v11  }
0x9c: {  	v6 =	vadd.s32 v2, v6;
	v11 =	vadd.s32 v2, v12;
	v12 =	vand.u32 $0xFFFFFF80, v10;
	[tilespmem:s0+$0xFFFFE980] =	vst v7  }
0x9d: {  	v7 =	vor.u32 v13, v6;
	v11 =	vor.u32 v17, v11;
	v6 =	vadd.s32 v2, v9;
	[tilespmem:s0+$0xFFFFFF00] =	vst v5  }
0x9e: {  	v9 =	vadd.s32 v2, v16;
	v13 =	vand.u32 $0x7F, v27;
	v5 =	vand.u32 $0x7F, v23;
	[tilespmem:s0+$0xFFFFFF80] =	vst v4;
	s0 =	smov.u32 s31  }
0x9f: {  	v17 =	vor.u32 v5, v9;
	v4 =	vand.u32 $0xFFFFFF80, v20;
	v20 =	vadd.s32 v2, v28  }
0xa0: {  	v5 =	vand.u32 $0x7F, v10;
	v10 =	vadd.s32 v2, v12;
	v4 =	vadd.s32 v2, v4  }
0xa1: {  	v9 =	vor.u32 v8, v19;
	v8 =	vadd.s32 s11, v1;
	v19 =	vor.u32 v5, v10;
	v22 =	vld.idx.msk [tilespmem:v22+s12+$0x0], $0xffff  }
0xa2: {  	v6 =	vor.u32 v24, v6;
	v12 =	vand.u32 $0x7F, v8;
	v5 =	vor.u32 v30, v4;
	[tilespmem:s31+$0x0] =	vst v29  }
.Ltmp0:
0xa3: {  	v16 =	vor.u32 v25, v15;
	v4 =	vor.u32 v13, v20;
	v10 =	vld.idx.msk [tilespmem:v7+s12+$0x0], $0xffff;
	v7 =	vand.u32 $0xFFFFFF80, v8;
	(pc) =	sbr.rel @p0 .LBB2_3-.Ltmp0, $4  }
0xa4: {  	v15 =	vadd.s32 v2, v26;
	v13 =	vand.u32 $0x7F, v18;
	v8 =	vld.idx.msk [tilespmem:v17+s12+$0x0], $0xffff;
	v7 =	vadd.s32 v2, v7  }
0xa5: {  	v13 =	vor.u32 v13, v15;
	v15 =	vand.u32 $0xFFFFFF80, v31;
	v12 =	vor.u32 v12, v7  }
0xa6: {  	v18 =	vadd.s32 v2, v21;
	v20 =	vand.u32 $0x7F, v31;
	v21 =	vadd.s32 v2, v15;
	v15 =	vld.idx.msk [tilespmem:v19+s12+$0x0], $0xffff  }
0xa7: {  	s14 =	smov.u32 s7;
	s31 =	sadd.s32 $0x2800, s31;
	v17 =	vand.u32 $0xFFFFFF80, v3;
	v7 =	vld.idx.msk [tilespmem:v11+s12+$0x0], $0xffff;
	v11 =	vor.u32 v14, v18;
	v14 =	vor.u32 v20, v21;
	[tilespmem:s0+$0xFFFFFE00] =	vst v22  }
0xa8: {  	_ =	sdelay $0x3  }
0xa9: {  	v1 =	vld.idx.msk [tilespmem:v16+s12+$0x0], $0xffff  }
0xaa: {  	v9 =	vld.idx.msk [tilespmem:v9+s12+$0x0], $0xffff;
	[tilespmem:s0+$0xFFFFE880] =	vst v10  }
0xab: {  	v3 =	vand.u32 $0x7F, v3;
	v2 =	vadd.s32 v2, v17;
	v61 =	vld.idx.msk [tilespmem:v14+s12+$0x0], $0xffff;
	[tilespmem:s0+$0xFFFFEC00] =	vst v8  }
0xac: {  	v62 =	vld.idx.msk [tilespmem:v13+s12+$0x0], $0xffff;
	v2 =	vor.u32 v3, v2;
	[tilespmem:s0+$0xFFFFFD80] =	vst v15  }
0xad: {  	v3 =	vld.idx.msk [tilespmem:v12+s12+$0x0], $0xffff;
	[tilespmem:s0+$0xFFFFE900] =	vst v7  }
0xae: {  	v63 =	vld.idx.msk [tilespmem:v11+s12+$0x0], $0xffff;
	[tilespmem:s0+$0xFFFFEA00] =	vst v1  }
0xaf: {  	v4 =	vld.idx.msk [tilespmem:v4+s12+$0x0], $0xffff;
	[tilespmem:s0+$0xFFFFEB00] =	vst v9  }
0xb0: {  	v1 =	vld.idx.msk [tilespmem:v6+s12+$0x0], $0xffff;
	[tilespmem:s0+$0xFFFFFD00] =	vst v61  }
0xb1: {  	s30 =	sadd.s32 $0x1, s30;
	[tilespmem:s0+$0xFFFFEB80] =	vst v62;
	v2 =	vld.idx.msk [tilespmem:v2+s12+$0x0], $0xffff  }
0xb2: {  	p0 =	sne.s32 s30, $0x6;
	[tilespmem:s0+$0xFFFFFE80] =	vst v3;
	v3 =	vld.idx.msk [tilespmem:v5+s12+$0x0], $0xffff  }
.Ltmp1:
0xb3: {  	[tilespmem:s0+$0xFFFFEA80] =	vst v63;
	(pc) =	sbr.rel @p0 .LBB2_2-.Ltmp1, $4  }
0xb4: {  	[tilespmem:s0+$0xFFFFFF80] =	vst v4  }
0xb5: {  	[tilespmem:s0+$0xFFFFFC80] =	vst v1  }
0xb6: {  	[tilespmem:s0+$0xFFFFE980] =	vst v2  }
0xb7: {  	s1 =	sadd.s32 $0x10, s1;
	[tilespmem:s0+$0xFFFFFF00] =	vst v3  }
0xb8: {  	_ =	swait.ge [sflag:s23], $0x3000  }
0xb9: {  	s30 =	simm.s32 $0x6;
	[sflag:s23] =	ssyncset.done $0x0  }
0xba: {  	s31 =	simm.s32 $0x300;
	s1 =	simm.s32 $0x6;
	[sflag:s23] =	ssyncadd.s32 $0xFFFFD000  }
.LBB2_6:
0xbb: {  	s0 =	sshll.u32 s1, $0x4  }
0xbc: {  	v1 =	vld [tilespmem:s0+$0x500];
	_ =	sdelay $0x2  }
0xbd: {  	v2 =	vmov s0  }
0xbe: {  	s15 =	simm.s32 $0x1;
	s7 =	simm.s32 $0x2;
	v2 =	vshll.u32 v2, $0x7  }
0xbf: {  	s11 =	simm.s32 $0x3;
	s16 =	simm.s32 $0x4;
	s17 =	simm.s32 $0x5;
	v2 =	vor.u32 v0, v2;
	v4 =	vadd.s32 s15, v1;
	v3 =	vadd.s32 s7, v1  }
0xc0: {  	s18 =	simm.s32 $0x6;
	s13 =	simm.s32 $0x7;
	s14 =	simm.s32 $0x8;
	v5 =	vadd.s32 s11, v1;
	v6 =	vadd.s32 s16, v1;
	v7 =	vadd.s32 s17, v1  }
0xc1: {  	v8 =	vadd.s32 s18, v1;
	v9 =	vadd.s32 s13, v1;
	v10 =	vadd.s32 s14, v1;
	s15 =	simm.s32 $0xA;
	s16 =	simm.s32 $0xB  }
0xc2: {  	s17 =	simm.s32 $0xD;
	s18 =	simm.s32 $0xE;
	v11 =	vand.u32 $0x7F, v5;
	v12 =	vadd.s32 s15, v1;
	v13 =	vadd.s32 s16, v1  }
0xc3: {  	s7 =	simm.s32 $0xF;
	v5 =	vand.u32 $0xFFFFFF80, v5;
	v14 =	vadd.s32 s17, v1;
	v15 =	vadd.s32 s18, v1  }
0xc4: {  	s11 =	simm.s32 $0x9;
	v18 =	vand.u32 $0x7F, v6;
	v17 =	vadd.s32 s7, v1;
	v19 =	vand.u32 $0xFFFFFF80, v6  }
0xc5: {  	v6 =	vand.u32 $0xFFFFFF80, v9;
	v58 =	vand.u32 $0xFFFFFF80, v10;
	v22 =	vadd.s32 s11, v1  }
0xc6: {  	s13 =	simm.s32 $0x0;
	v10 =	vand.u32 $0x7F, v10;
	v24 =	vand.u32 $0xFFFFFF80, v7;
	v7 =	vand.u32 $0x7F, v7  }
0xc7: {  	v25 =	vadd.s32 s13, v1;
	v26 =	vand.u32 $0xFFFFFF80, v8;
	v9 =	vand.u32 $0x7F, v9  }
0xc8: {  	v16 =	vand.u32 $0xFFFFFF80, v15;
	v20 =	vand.u32 $0xFFFFFF80, v17;
	v21 =	vadd.s32 v2, v5  }
0xc9: {  	v5 =	vand.u32 $0x7F, v17;
	v23 =	vand.u32 $0x7F, v13;
	v13 =	vand.u32 $0xFFFFFF80, v13  }
0xca: {  	v24 =	vadd.s32 v2, v24;
	v59 =	vand.u32 $0xFFFFFF80, v25;
	v25 =	vand.u32 $0x7F, v25  }
0xcb: {  	v27 =	vand.u32 $0x7F, v14;
	v28 =	vand.u32 $0xFFFFFF80, v12;
	v6 =	vadd.s32 v2, v6  }
0xcc: {  	v15 =	vand.u32 $0x7F, v15;
	v12 =	vand.u32 $0x7F, v12;
	v17 =	vadd.s32 v2, v20  }
0xcd: {  	v13 =	vadd.s32 v2, v13;
	v60 =	vor.u32 v9, v6;
	v5 =	vor.u32 v5, v17  }
0xce: {  	v6 =	vand.u32 $0xFFFFFF80, v14;
	v14 =	vadd.s32 v2, v16;
	v13 =	vor.u32 v23, v13  }
0xcf: {  	v16 =	vadd.s32 v2, v28;
	v9 =	vor.u32 v7, v24;
	v17 =	vand.u32 $0x7F, v4  }
0xd0: {  	s14 =	simm.s32 $0xC;
	v4 =	vand.u32 $0xFFFFFF80, v4;
	v23 =	vadd.s32 v2, v59;
	v61 =	vadd.s32 v2, v6  }
0xd1: {  	v7 =	vor.u32 v12, v16;
	v12 =	vadd.s32 s14, v1;
	v16 =	vor.u32 v11, v21  }
0xd2: {  	s15 =	sshll.u32 s31, $0x2;
	s16 =	sand.u32 $0x7, s30;
	v4 =	vadd.s32 v2, v4;
	v23 =	vor.u32 v25, v23;
	v29 =	vand.u32 $0x7F, v12;
	v62 =	vld.idx.msk [tilespmem:v5+s12+$0x0], $0xffff  }
0xd3: {  	s17 =	sand.u32 $0xFFFFF000, s15;
	s18 =	sshll.u32 s16, $0x6;
	v11 =	vand.u32 $0xFFFFFF80, v12;
	v17 =	vor.u32 v17, v4;
	v4 =	vadd.s32 v2, v58;
	v63 =	vld.idx.msk [tilespmem:v13+s12+$0x0], $0xffff  }
0xd4: {  	s0 =	sor.u32 s18, s17;
	v12 =	vand.u32 $0x7F, v8;
	v11 =	vadd.s32 v2, v11;
	v6 =	vor.u32 v10, v4  }
0xd5: {  	s0 =	sshrl.u32 s0, $0x2;
	v4 =	vor.u32 v15, v14;
	v14 =	vand.u32 $0xFFFFFF80, v22;
	v8 =	vld.idx.msk [tilespmem:v60+s12+$0x0], $0xffff;
	v13 =	vadd.s32 v2, v26  }
0xd6: {  	s0 =	sadd.s32 $0x13F00, s0;
	v14 =	vadd.s32 v2, v14;
	v5 =	vor.u32 v27, v61;
	v15 =	vld.idx.msk [tilespmem:v7+s12+$0x0], $0xffff;
	v13 =	vor.u32 v12, v13  }
0xd7: {  	v10 =	vld.idx.msk [tilespmem:v23+s12+$0x0], $0xffff;
	v12 =	vor.u32 v29, v11;
	v11 =	vadd.s32 v2, v19;
	v19 =	vand.u32 $0x7F, v22;
	[tilespmem:s0+$0x0] =	vst v62  }
0xd8: {  	s15 =	simm.s32 $0x10;
	s7 =	sadd.s32 $0x2800, s0;
	v7 =	vld.idx.msk [tilespmem:v17+s12+$0x0], $0xffff;
	v17 =	vand.u32 $0xFFFFFF80, v3;
	v11 =	vor.u32 v18, v11;
	v14 =	vor.u32 v19, v14;
	[tilespmem:s0+$0xFFFFFE00] =	vst v63  }
.LBB2_7:
0xd9: {  	s11 =	sadd.s32 $0x1, s15  }
0xda: {  	s13 =	sadd.s32 $0x2, s15;
	s16 =	sadd.s32 $0x3, s15;
	v18 =	vand.u32 $0x7F, v3;
	v17 =	vadd.s32 v2, v17;
	v16 =	vld.idx.msk [tilespmem:v16+s12+$0x0], $0xffff;
	s14 =	smov.u32 s15  }
0xdb: {  	v19 =	vadd.s32 s11, v1;
	v3 =	vadd.s32 s13, v1;
	v20 =	vadd.s32 s16, v1;
	s11 =	sadd.s32 $0x4, s15;
	s13 =	sadd.s32 $0x5, s15;
	s16 =	sadd.s32 $0x6, s15;
	v9 =	vld.idx.msk [tilespmem:v9+s12+$0x0], $0xffff  }
0xdc: {  	s17 =	sadd.s32 $0x9, s15;
	v17 =	vor.u32 v18, v17;
	v21 =	vadd.s32 s11, v1;
	v22 =	vadd.s32 s13, v1;
	s11 =	sadd.s32 $0x7, s15;
	s13 =	sadd.s32 $0x8, s15;
	v13 =	vld.idx.msk [tilespmem:v13+s12+$0x0], $0xffff  }
0xdd: {  	v18 =	vadd.s32 s16, v1;
	s16 =	sadd.s32 $0xB, s15;
	v23 =	vadd.s32 s11, v1;
	v24 =	vadd.s32 s13, v1;
	s11 =	sadd.s32 $0xA, s15;
	s13 =	sadd.s32 $0xC, s15;
	[tilespmem:s0+$0xFFFFE880] =	vst v10  }
0xde: {  	s18 =	sadd.s32 $0xE, s14;
	v25 =	vand.u32 $0x7F, v20;
	v26 =	vadd.s32 s16, v1;
	s16 =	sadd.s32 $0xD, s14;
	v10 =	vadd.s32 s11, v1;
	s11 =	sadd.s32 $0x10, s15;
	[tilespmem:s0+$0xFFFFFD80] =	vst v15;
	v12 =	vld.idx.msk [tilespmem:v12+s12+$0x0], $0xffff  }
0xdf: {  	p0 =	slt.u32 s15, $0x30;
	v27 =	vadd.s32 s18, v1;
	v15 =	vand.u32 $0xFFFFFF80, v20;
	v20 =	vadd.s32 s16, v1;
	s16 =	sadd.s32 $0xF, s14;
	[tilespmem:s0+$0xFFFFEC00] =	vst v8;
	v8 =	vld.idx.msk [tilespmem:v14+s12+$0x0], $0xffff  }
0xe0: {  	v28 =	vand.u32 $0xFFFFFF80, v27;
	v14 =	vand.u32 $0x7F, v21;
	v29 =	vadd.s32 s16, v1;
	[tilespmem:s0+$0xFFFFEA00] =	vst v16;
	v11 =	vld.idx.msk [tilespmem:v11+s12+$0x0], $0xffff  }
0xe1: {  	v21 =	vand.u32 $0xFFFFFF80, v21;
	v16 =	vand.u32 $0xFFFFFF80, v23;
	v30 =	vand.u32 $0xFFFFFF80, v29;
	v6 =	vld.idx.msk [tilespmem:v6+s12+$0x0], $0xffff  }
0xe2: {  	v15 =	vadd.s32 v2, v15;
	v29 =	vand.u32 $0x7F, v29;
	v30 =	vadd.s32 v2, v30;
	[tilespmem:s0+$0xFFFFEB00] =	vst v9;
	v5 =	vld.idx.msk [tilespmem:v5+s12+$0x0], $0xffff  }
0xe3: {  	v31 =	vadd.s32 s17, v1;
	v9 =	vand.u32 $0xFFFFFF80, v24;
	v29 =	vor.u32 v29, v30;
	[tilespmem:s0+$0xFFFFE900] =	vst v7;
	v7 =	vld.idx.msk [tilespmem:v17+s12+$0x0], $0xffff  }
0xe4: {  	v24 =	vand.u32 $0x7F, v24;
	v30 =	vand.u32 $0x7F, v26;
	v17 =	vand.u32 $0x7F, v19;
	[tilespmem:s0+$0xFFFFFE80] =	vst v12  }
0xe5: {  	v26 =	vand.u32 $0xFFFFFF80, v26;
	v12 =	vand.u32 $0xFFFFFF80, v19;
	v19 =	vand.u32 $0xFFFFFF80, v22;
	[tilespmem:s0+$0xFFFFFD00] =	vst v8;
	v4 =	vld.idx.msk [tilespmem:v4+s12+$0x0], $0xffff  }
0xe6: {  	v8 =	vand.u32 $0x7F, v22;
	v19 =	vadd.s32 v2, v19;
	v22 =	vadd.s32 v2, v26;
	[tilespmem:s0+$0xFFFFEB80] =	vst v13  }
0xe7: {  	v26 =	vand.u32 $0xFFFFFF80, v18;
	v13 =	vadd.s32 s14, v1;
	v22 =	vor.u32 v30, v22;
	[tilespmem:s0+$0xFFFFFC80] =	vst v6  }
0xe8: {  	v30 =	vand.u32 $0x7F, v20;
	v6 =	vand.u32 $0xFFFFFF80, v13;
	v13 =	vand.u32 $0x7F, v13;
	v29 =	vld.idx.msk [tilespmem:v29+s12+$0x0], $0xffff;
	[tilespmem:s0+$0xFFFFEA80] =	vst v11  }
0xe9: {  	v6 =	vadd.s32 v2, v6;
	v11 =	vadd.s32 v2, v12;
	v12 =	vand.u32 $0xFFFFFF80, v10;
	[tilespmem:s0+$0xFFFFE980] =	vst v7  }
0xea: {  	v7 =	vor.u32 v13, v6;
	v11 =	vor.u32 v17, v11;
	v6 =	vadd.s32 v2, v9;
	[tilespmem:s0+$0xFFFFFF00] =	vst v5  }
0xeb: {  	v9 =	vadd.s32 v2, v16;
	v13 =	vand.u32 $0x7F, v27;
	v5 =	vand.u32 $0x7F, v23;
	[tilespmem:s0+$0xFFFFFF80] =	vst v4;
	s0 =	smov.u32 s7  }
0xec: {  	v17 =	vor.u32 v5, v9;
	v4 =	vand.u32 $0xFFFFFF80, v20;
	v20 =	vadd.s32 v2, v28  }
0xed: {  	v5 =	vand.u32 $0x7F, v10;
	v10 =	vadd.s32 v2, v12;
	v4 =	vadd.s32 v2, v4  }
0xee: {  	v9 =	vor.u32 v8, v19;
	v8 =	vadd.s32 s13, v1;
	v19 =	vor.u32 v5, v10;
	v22 =	vld.idx.msk [tilespmem:v22+s12+$0x0], $0xffff  }
0xef: {  	v6 =	vor.u32 v24, v6;
	v12 =	vand.u32 $0x7F, v8;
	v5 =	vor.u32 v30, v4;
	[tilespmem:s7+$0x0] =	vst v29  }
.Ltmp2:
0xf0: {  	v16 =	vor.u32 v25, v15;
	v4 =	vor.u32 v13, v20;
	v10 =	vld.idx.msk [tilespmem:v7+s12+$0x0], $0xffff;
	v7 =	vand.u32 $0xFFFFFF80, v8;
	(pc) =	sbr.rel @p0 .LBB2_7-.Ltmp2, $4  }
0xf1: {  	v15 =	vadd.s32 v2, v26;
	v13 =	vand.u32 $0x7F, v18;
	v8 =	vld.idx.msk [tilespmem:v17+s12+$0x0], $0xffff;
	v7 =	vadd.s32 v2, v7  }
0xf2: {  	v13 =	vor.u32 v13, v15;
	v15 =	vand.u32 $0xFFFFFF80, v31;
	v12 =	vor.u32 v12, v7  }
0xf3: {  	v18 =	vadd.s32 v2, v21;
	v20 =	vand.u32 $0x7F, v31;
	v21 =	vadd.s32 v2, v15;
	v15 =	vld.idx.msk [tilespmem:v19+s12+$0x0], $0xffff  }
0xf4: {  	s15 =	smov.u32 s11;
	s7 =	sadd.s32 $0x2800, s7;
	v17 =	vand.u32 $0xFFFFFF80, v3;
	v7 =	vld.idx.msk [tilespmem:v11+s12+$0x0], $0xffff;
	v11 =	vor.u32 v14, v18;
	v14 =	vor.u32 v20, v21;
	[tilespmem:s0+$0xFFFFFE00] =	vst v22  }
0xf5: {  	_ =	sdelay $0x3  }
0xf6: {  	v1 =	vld.idx.msk [tilespmem:v16+s12+$0x0], $0xffff  }
0xf7: {  	v9 =	vld.idx.msk [tilespmem:v9+s12+$0x0], $0xffff;
	[tilespmem:s0+$0xFFFFE880] =	vst v10  }
0xf8: {  	v3 =	vand.u32 $0x7F, v3;
	v2 =	vadd.s32 v2, v17;
	v61 =	vld.idx.msk [tilespmem:v14+s12+$0x0], $0xffff;
	[tilespmem:s0+$0xFFFFEC00] =	vst v8  }
0xf9: {  	v62 =	vld.idx.msk [tilespmem:v13+s12+$0x0], $0xffff;
	v2 =	vor.u32 v3, v2;
	[tilespmem:s0+$0xFFFFFD80] =	vst v15  }
0xfa: {  	v3 =	vld.idx.msk [tilespmem:v12+s12+$0x0], $0xffff;
	[tilespmem:s0+$0xFFFFE900] =	vst v7  }
0xfb: {  	v63 =	vld.idx.msk [tilespmem:v11+s12+$0x0], $0xffff;
	[tilespmem:s0+$0xFFFFEA00] =	vst v1  }
0xfc: {  	v4 =	vld.idx.msk [tilespmem:v4+s12+$0x0], $0xffff;
	[tilespmem:s0+$0xFFFFEB00] =	vst v9  }
0xfd: {  	v1 =	vld.idx.msk [tilespmem:v6+s12+$0x0], $0xffff;
	[tilespmem:s0+$0xFFFFFD00] =	vst v61  }
0xfe: {  	s1 =	sadd.s32 $0x1, s1;
	[tilespmem:s0+$0xFFFFEB80] =	vst v62;
	v2 =	vld.idx.msk [tilespmem:v2+s12+$0x0], $0xffff  }
0xff: {  	p0 =	sne.s32 s1, $0xC;
	[tilespmem:s0+$0xFFFFFE80] =	vst v3;
	v3 =	vld.idx.msk [tilespmem:v5+s12+$0x0], $0xffff  }
.Ltmp3:
0x100: {  	[tilespmem:s0+$0xFFFFEA80] =	vst v63;
	(pc) =	sbr.rel @p0 .LBB2_6-.Ltmp3, $4  }
0x101: {  	[tilespmem:s0+$0xFFFFFF80] =	vst v4  }
0x102: {  	[tilespmem:s0+$0xFFFFFC80] =	vst v1  }
0x103: {  	[tilespmem:s0+$0xFFFFE980] =	vst v2  }
0x104: {  	s31 =	sadd.s32 $0x80, s31;
	s30 =	sadd.s32 $0x1, s30;
	[tilespmem:s0+$0xFFFFFF00] =	vst v3  }
0x105: {  	_ =	swait.ge [sflag:s24], $0x3000  }
0x106: {  	s30 =	simm.s32 $0xC;
	[sflag:s24] =	ssyncset.done $0x0  }
0x107: {  	s31 =	simm.s32 $0x600;
	s1 =	simm.s32 $0x4;
	[sflag:s24] =	ssyncadd.s32 $0xFFFFD000  }
.LBB2_10:
0x108: {  	s0 =	sshll.u32 s30, $0x4  }
0x109: {  	v1 =	vld [tilespmem:s0+$0x500];
	_ =	sdelay $0x2  }
0x10a: {  	v2 =	vmov s0  }
0x10b: {  	s15 =	simm.s32 $0x1;
	s7 =	simm.s32 $0x2;
	v2 =	vshll.u32 v2, $0x7  }
0x10c: {  	s11 =	simm.s32 $0x3;
	s16 =	simm.s32 $0x4;
	s17 =	simm.s32 $0x5;
	v2 =	vor.u32 v0, v2;
	v4 =	vadd.s32 s15, v1;
	v3 =	vadd.s32 s7, v1  }
0x10d: {  	s18 =	simm.s32 $0x6;
	s13 =	simm.s32 $0x7;
	s14 =	simm.s32 $0x8;
	v5 =	vadd.s32 s11, v1;
	v6 =	vadd.s32 s16, v1;
	v7 =	vadd.s32 s17, v1  }
0x10e: {  	v8 =	vadd.s32 s18, v1;
	v9 =	vadd.s32 s13, v1;
	v10 =	vadd.s32 s14, v1;
	s15 =	simm.s32 $0xA;
	s16 =	simm.s32 $0xB  }
0x10f: {  	s17 =	simm.s32 $0xD;
	s18 =	simm.s32 $0xE;
	v11 =	vand.u32 $0x7F, v5;
	v12 =	vadd.s32 s15, v1;
	v13 =	vadd.s32 s16, v1  }
0x110: {  	s7 =	simm.s32 $0xF;
	v5 =	vand.u32 $0xFFFFFF80, v5;
	v14 =	vadd.s32 s17, v1;
	v15 =	vadd.s32 s18, v1  }
0x111: {  	s11 =	simm.s32 $0x9;
	v18 =	vand.u32 $0x7F, v6;
	v17 =	vadd.s32 s7, v1;
	v19 =	vand.u32 $0xFFFFFF80, v6  }
0x112: {  	v6 =	vand.u32 $0xFFFFFF80, v9;
	v58 =	vand.u32 $0xFFFFFF80, v10;
	v22 =	vadd.s32 s11, v1  }
0x113: {  	s13 =	simm.s32 $0x0;
	v10 =	vand.u32 $0x7F, v10;
	v24 =	vand.u32 $0xFFFFFF80, v7;
	v7 =	vand.u32 $0x7F, v7  }
0x114: {  	v25 =	vadd.s32 s13, v1;
	v26 =	vand.u32 $0xFFFFFF80, v8;
	v9 =	vand.u32 $0x7F, v9  }
0x115: {  	v16 =	vand.u32 $0xFFFFFF80, v15;
	v20 =	vand.u32 $0xFFFFFF80, v17;
	v21 =	vadd.s32 v2, v5  }
0x116: {  	v5 =	vand.u32 $0x7F, v17;
	v23 =	vand.u32 $0x7F, v13;
	v13 =	vand.u32 $0xFFFFFF80, v13  }
0x117: {  	v24 =	vadd.s32 v2, v24;
	v59 =	vand.u32 $0xFFFFFF80, v25;
	v25 =	vand.u32 $0x7F, v25  }
0x118: {  	v27 =	vand.u32 $0x7F, v14;
	v28 =	vand.u32 $0xFFFFFF80, v12;
	v6 =	vadd.s32 v2, v6  }
0x119: {  	v15 =	vand.u32 $0x7F, v15;
	v12 =	vand.u32 $0x7F, v12;
	v17 =	vadd.s32 v2, v20  }
0x11a: {  	v13 =	vadd.s32 v2, v13;
	v60 =	vor.u32 v9, v6;
	v5 =	vor.u32 v5, v17  }
0x11b: {  	v6 =	vand.u32 $0xFFFFFF80, v14;
	v14 =	vadd.s32 v2, v16;
	v13 =	vor.u32 v23, v13  }
0x11c: {  	v16 =	vadd.s32 v2, v28;
	v9 =	vor.u32 v7, v24;
	v17 =	vand.u32 $0x7F, v4  }
0x11d: {  	s14 =	simm.s32 $0xC;
	v4 =	vand.u32 $0xFFFFFF80, v4;
	v23 =	vadd.s32 v2, v59;
	v61 =	vadd.s32 v2, v6  }
0x11e: {  	v7 =	vor.u32 v12, v16;
	v12 =	vadd.s32 s14, v1;
	v16 =	vor.u32 v11, v21  }
0x11f: {  	s15 =	sshll.u32 s31, $0x2;
	s16 =	sand.u32 $0x7, s1;
	v4 =	vadd.s32 v2, v4;
	v23 =	vor.u32 v25, v23;
	v29 =	vand.u32 $0x7F, v12;
	v62 =	vld.idx.msk [tilespmem:v5+s12+$0x0], $0xffff  }
0x120: {  	s17 =	sand.u32 $0xFFFFF000, s15;
	s18 =	sshll.u32 s16, $0x6;
	v11 =	vand.u32 $0xFFFFFF80, v12;
	v17 =	vor.u32 v17, v4;
	v4 =	vadd.s32 v2, v58;
	v63 =	vld.idx.msk [tilespmem:v13+s12+$0x0], $0xffff  }
0x121: {  	s0 =	sor.u32 s18, s17;
	v12 =	vand.u32 $0x7F, v8;
	v11 =	vadd.s32 v2, v11;
	v6 =	vor.u32 v10, v4  }
0x122: {  	s0 =	sshrl.u32 s0, $0x2;
	v4 =	vor.u32 v15, v14;
	v14 =	vand.u32 $0xFFFFFF80, v22;
	v8 =	vld.idx.msk [tilespmem:v60+s12+$0x0], $0xffff;
	v13 =	vadd.s32 v2, v26  }
0x123: {  	s0 =	sadd.s32 $0x13F00, s0;
	v14 =	vadd.s32 v2, v14;
	v5 =	vor.u32 v27, v61;
	v15 =	vld.idx.msk [tilespmem:v7+s12+$0x0], $0xffff;
	v13 =	vor.u32 v12, v13  }
0x124: {  	v10 =	vld.idx.msk [tilespmem:v23+s12+$0x0], $0xffff;
	v12 =	vor.u32 v29, v11;
	v11 =	vadd.s32 v2, v19;
	v19 =	vand.u32 $0x7F, v22;
	[tilespmem:s0+$0x0] =	vst v62  }
0x125: {  	s15 =	simm.s32 $0x10;
	s7 =	sadd.s32 $0x2800, s0;
	v7 =	vld.idx.msk [tilespmem:v17+s12+$0x0], $0xffff;
	v17 =	vand.u32 $0xFFFFFF80, v3;
	v11 =	vor.u32 v18, v11;
	v14 =	vor.u32 v19, v14;
	[tilespmem:s0+$0xFFFFFE00] =	vst v63  }
.LBB2_11:
0x126: {  	s11 =	sadd.s32 $0x1, s15  }
0x127: {  	s13 =	sadd.s32 $0x2, s15;
	s16 =	sadd.s32 $0x3, s15;
	v18 =	vand.u32 $0x7F, v3;
	v17 =	vadd.s32 v2, v17;
	v16 =	vld.idx.msk [tilespmem:v16+s12+$0x0], $0xffff;
	s14 =	smov.u32 s15  }
0x128: {  	v19 =	vadd.s32 s11, v1;
	v3 =	vadd.s32 s13, v1;
	v20 =	vadd.s32 s16, v1;
	s11 =	sadd.s32 $0x4, s15;
	s13 =	sadd.s32 $0x5, s15;
	s16 =	sadd.s32 $0x6, s15;
	v9 =	vld.idx.msk [tilespmem:v9+s12+$0x0], $0xffff  }
0x129: {  	s17 =	sadd.s32 $0x9, s15;
	v17 =	vor.u32 v18, v17;
	v21 =	vadd.s32 s11, v1;
	v22 =	vadd.s32 s13, v1;
	s11 =	sadd.s32 $0x7, s15;
	s13 =	sadd.s32 $0x8, s15;
	v13 =	vld.idx.msk [tilespmem:v13+s12+$0x0], $0xffff  }
0x12a: {  	v18 =	vadd.s32 s16, v1;
	s16 =	sadd.s32 $0xB, s15;
	v23 =	vadd.s32 s11, v1;
	v24 =	vadd.s32 s13, v1;
	s11 =	sadd.s32 $0xA, s15;
	s13 =	sadd.s32 $0xC, s15;
	[tilespmem:s0+$0xFFFFE880] =	vst v10  }
0x12b: {  	s18 =	sadd.s32 $0xE, s14;
	v25 =	vand.u32 $0x7F, v20;
	v26 =	vadd.s32 s16, v1;
	s16 =	sadd.s32 $0xD, s14;
	v10 =	vadd.s32 s11, v1;
	s11 =	sadd.s32 $0x10, s15;
	[tilespmem:s0+$0xFFFFFD80] =	vst v15;
	v12 =	vld.idx.msk [tilespmem:v12+s12+$0x0], $0xffff  }
0x12c: {  	p0 =	slt.u32 s15, $0x30;
	v27 =	vadd.s32 s18, v1;
	v15 =	vand.u32 $0xFFFFFF80, v20;
	v20 =	vadd.s32 s16, v1;
	s16 =	sadd.s32 $0xF, s14;
	[tilespmem:s0+$0xFFFFEC00] =	vst v8;
	v8 =	vld.idx.msk [tilespmem:v14+s12+$0x0], $0xffff  }
0x12d: {  	v28 =	vand.u32 $0xFFFFFF80, v27;
	v14 =	vand.u32 $0x7F, v21;
	v29 =	vadd.s32 s16, v1;
	[tilespmem:s0+$0xFFFFEA00] =	vst v16;
	v11 =	vld.idx.msk [tilespmem:v11+s12+$0x0], $0xffff  }
0x12e: {  	v21 =	vand.u32 $0xFFFFFF80, v21;
	v16 =	vand.u32 $0xFFFFFF80, v23;
	v30 =	vand.u32 $0xFFFFFF80, v29;
	v6 =	vld.idx.msk [tilespmem:v6+s12+$0x0], $0xffff  }
0x12f: {  	v15 =	vadd.s32 v2, v15;
	v29 =	vand.u32 $0x7F, v29;
	v30 =	vadd.s32 v2, v30;
	[tilespmem:s0+$0xFFFFEB00] =	vst v9;
	v5 =	vld.idx.msk [tilespmem:v5+s12+$0x0], $0xffff  }
0x130: {  	v31 =	vadd.s32 s17, v1;
	v9 =	vand.u32 $0xFFFFFF80, v24;
	v29 =	vor.u32 v29, v30;
	[tilespmem:s0+$0xFFFFE900] =	vst v7;
	v7 =	vld.idx.msk [tilespmem:v17+s12+$0x0], $0xffff  }
0x131: {  	v24 =	vand.u32 $0x7F, v24;
	v30 =	vand.u32 $0x7F, v26;
	v17 =	vand.u32 $0x7F, v19;
	[tilespmem:s0+$0xFFFFFE80] =	vst v12  }
0x132: {  	v26 =	vand.u32 $0xFFFFFF80, v26;
	v12 =	vand.u32 $0xFFFFFF80, v19;
	v19 =	vand.u32 $0xFFFFFF80, v22;
	[tilespmem:s0+$0xFFFFFD00] =	vst v8;
	v4 =	vld.idx.msk [tilespmem:v4+s12+$0x0], $0xffff  }
0x133: {  	v8 =	vand.u32 $0x7F, v22;
	v19 =	vadd.s32 v2, v19;
	v22 =	vadd.s32 v2, v26;
	[tilespmem:s0+$0xFFFFEB80] =	vst v13  }
0x134: {  	v26 =	vand.u32 $0xFFFFFF80, v18;
	v13 =	vadd.s32 s14, v1;
	v22 =	vor.u32 v30, v22;
	[tilespmem:s0+$0xFFFFFC80] =	vst v6  }
0x135: {  	v30 =	vand.u32 $0x7F, v20;
	v6 =	vand.u32 $0xFFFFFF80, v13;
	v13 =	vand.u32 $0x7F, v13;
	v29 =	vld.idx.msk [tilespmem:v29+s12+$0x0], $0xffff;
	[tilespmem:s0+$0xFFFFEA80] =	vst v11  }
0x136: {  	v6 =	vadd.s32 v2, v6;
	v11 =	vadd.s32 v2, v12;
	v12 =	vand.u32 $0xFFFFFF80, v10;
	[tilespmem:s0+$0xFFFFE980] =	vst v7  }
0x137: {  	v7 =	vor.u32 v13, v6;
	v11 =	vor.u32 v17, v11;
	v6 =	vadd.s32 v2, v9;
	[tilespmem:s0+$0xFFFFFF00] =	vst v5  }
0x138: {  	v9 =	vadd.s32 v2, v16;
	v13 =	vand.u32 $0x7F, v27;
	v5 =	vand.u32 $0x7F, v23;
	[tilespmem:s0+$0xFFFFFF80] =	vst v4;
	s0 =	smov.u32 s7  }
0x139: {  	v17 =	vor.u32 v5, v9;
	v4 =	vand.u32 $0xFFFFFF80, v20;
	v20 =	vadd.s32 v2, v28  }
0x13a: {  	v5 =	vand.u32 $0x7F, v10;
	v10 =	vadd.s32 v2, v12;
	v4 =	vadd.s32 v2, v4  }
0x13b: {  	v9 =	vor.u32 v8, v19;
	v8 =	vadd.s32 s13, v1;
	v19 =	vor.u32 v5, v10;
	v22 =	vld.idx.msk [tilespmem:v22+s12+$0x0], $0xffff  }
0x13c: {  	v6 =	vor.u32 v24, v6;
	v12 =	vand.u32 $0x7F, v8;
	v5 =	vor.u32 v30, v4;
	[tilespmem:s7+$0x0] =	vst v29  }
.Ltmp4:
0x13d: {  	v16 =	vor.u32 v25, v15;
	v4 =	vor.u32 v13, v20;
	v10 =	vld.idx.msk [tilespmem:v7+s12+$0x0], $0xffff;
	v7 =	vand.u32 $0xFFFFFF80, v8;
	(pc) =	sbr.rel @p0 .LBB2_11-.Ltmp4, $4  }
0x13e: {  	v15 =	vadd.s32 v2, v26;
	v13 =	vand.u32 $0x7F, v18;
	v8 =	vld.idx.msk [tilespmem:v17+s12+$0x0], $0xffff;
	v7 =	vadd.s32 v2, v7  }
0x13f: {  	v13 =	vor.u32 v13, v15;
	v15 =	vand.u32 $0xFFFFFF80, v31;
	v12 =	vor.u32 v12, v7  }
0x140: {  	v18 =	vadd.s32 v2, v21;
	v20 =	vand.u32 $0x7F, v31;
	v21 =	vadd.s32 v2, v15;
	v15 =	vld.idx.msk [tilespmem:v19+s12+$0x0], $0xffff  }
0x141: {  	s15 =	smov.u32 s11;
	s7 =	sadd.s32 $0x2800, s7;
	v17 =	vand.u32 $0xFFFFFF80, v3;
	v7 =	vld.idx.msk [tilespmem:v11+s12+$0x0], $0xffff;
	v11 =	vor.u32 v14, v18;
	v14 =	vor.u32 v20, v21;
	[tilespmem:s0+$0xFFFFFE00] =	vst v22  }
0x142: {  	_ =	sdelay $0x3  }
0x143: {  	v1 =	vld.idx.msk [tilespmem:v16+s12+$0x0], $0xffff  }
0x144: {  	v9 =	vld.idx.msk [tilespmem:v9+s12+$0x0], $0xffff;
	[tilespmem:s0+$0xFFFFE880] =	vst v10  }
0x145: {  	v3 =	vand.u32 $0x7F, v3;
	v2 =	vadd.s32 v2, v17;
	v61 =	vld.idx.msk [tilespmem:v14+s12+$0x0], $0xffff;
	[tilespmem:s0+$0xFFFFEC00] =	vst v8  }
0x146: {  	v62 =	vld.idx.msk [tilespmem:v13+s12+$0x0], $0xffff;
	v2 =	vor.u32 v3, v2;
	[tilespmem:s0+$0xFFFFFD80] =	vst v15  }
0x147: {  	v3 =	vld.idx.msk [tilespmem:v12+s12+$0x0], $0xffff;
	[tilespmem:s0+$0xFFFFE900] =	vst v7  }
0x148: {  	v63 =	vld.idx.msk [tilespmem:v11+s12+$0x0], $0xffff;
	[tilespmem:s0+$0xFFFFEA00] =	vst v1  }
0x149: {  	v4 =	vld.idx.msk [tilespmem:v4+s12+$0x0], $0xffff;
	[tilespmem:s0+$0xFFFFEB00] =	vst v9  }
0x14a: {  	v1 =	vld.idx.msk [tilespmem:v6+s12+$0x0], $0xffff;
	[tilespmem:s0+$0xFFFFFD00] =	vst v61  }
0x14b: {  	s30 =	sadd.s32 $0x1, s30;
	[tilespmem:s0+$0xFFFFEB80] =	vst v62;
	v2 =	vld.idx.msk [tilespmem:v2+s12+$0x0], $0xffff  }
0x14c: {  	p0 =	sne.s32 s30, $0x12;
	[tilespmem:s0+$0xFFFFFE80] =	vst v3;
	v3 =	vld.idx.msk [tilespmem:v5+s12+$0x0], $0xffff  }
.Ltmp5:
0x14d: {  	[tilespmem:s0+$0xFFFFEA80] =	vst v63;
	(pc) =	sbr.rel @p0 .LBB2_10-.Ltmp5, $4  }
0x14e: {  	[tilespmem:s0+$0xFFFFFF80] =	vst v4  }
0x14f: {  	[tilespmem:s0+$0xFFFFFC80] =	vst v1  }
0x150: {  	[tilespmem:s0+$0xFFFFE980] =	vst v2  }
0x151: {  	s31 =	sadd.s32 $0x80, s31;
	s1 =	sadd.s32 $0x1, s1;
	[tilespmem:s0+$0xFFFFFF00] =	vst v3  }
0x152: {  	_ =	swait.ge [sflag:s25], $0x3000  }
0x153: {  	s1 =	simm.s32 $0x12;
	[sflag:s25] =	ssyncset.done $0x0  }
0x154: {  	s30 =	simm.s32 $0x900;
	s31 =	simm.s32 $0x13F20;
	[sflag:s25] =	ssyncadd.s32 $0xFFFFD000  }
.LBB2_14:
0x155: {  	s0 =	sshll.u32 s1, $0x4  }
0x156: {  	v2 =	vld [tilespmem:s0+$0x500]  }
0x157: {  	s7 =	sshll.u32 s30, $0x2  }
0x158: {  	v1 =	vmov s0;
	s17 =	sand.u32 $0xFFFFF000, s7  }
0x159: {  	v1 =	vshll.u32 v1, $0x7;
	s0 =	sshra.s32 s17, $0x2  }
0x15a: {  	s18 =	simm.s32 $0x1;
	s11 =	simm.s32 $0x2;
	s13 =	simm.s32 $0x3;
	v3 =	vor.u32 v0, v1;
	v1 =	vmov s0  }
0x15b: {  	s14 =	simm.s32 $0x4;
	s15 =	simm.s32 $0x5;
	s16 =	simm.s32 $0x6;
	v4 =	vadd.s32 s18, v2;
	v6 =	vadd.s32 s11, v2;
	v5 =	vadd.s32 s13, v2  }
0x15c: {  	s7 =	simm.s32 $0xA;
	s17 =	simm.s32 $0x7;
	v7 =	vadd.s32 s14, v2;
	v8 =	vadd.s32 s15, v2;
	s18 =	simm.s32 $0x8;
	v9 =	vadd.s32 s16, v2  }
0x15d: {  	v10 =	vadd.s32 s17, v2;
	s11 =	simm.s32 $0xB;
	v13 =	vadd.s32 s7, v2;
	v11 =	vadd.s32 s18, v2  }
0x15e: {  	s13 =	simm.s32 $0xD;
	s14 =	simm.s32 $0xE;
	v12 =	vand.u32 $0x7F, v5;
	v14 =	vadd.s32 s11, v2;
	v5 =	vand.u32 $0xFFFFFF80, v5  }
0x15f: {  	s15 =	simm.s32 $0xF;
	v15 =	vadd.s32 s13, v2;
	v16 =	vadd.s32 s14, v2;
	v18 =	vand.u32 $0x7F, v7  }
0x160: {  	v19 =	vadd.s32 s15, v2;
	v20 =	vand.u32 $0xFFFFFF80, v6;
	v21 =	vand.u32 $0xFFFFFF80, v10  }
0x161: {  	v23 =	vand.u32 $0x7F, v9;
	v56 =	vand.u32 $0xFFFFFF80, v7;
	v26 =	vand.u32 $0x7F, v8  }
0x162: {  	s17 =	simm.s32 $0xC;
	v28 =	vand.u32 $0xFFFFFF80, v13;
	v6 =	vand.u32 $0x7F, v6;
	v13 =	vand.u32 $0x7F, v13  }
0x163: {  	v59 =	vadd.s32 s17, v2;
	v17 =	vand.u32 $0xFFFFFF80, v16;
	v22 =	vand.u32 $0xFFFFFF80, v19  }
0x164: {  	v19 =	vand.u32 $0x7F, v19;
	v5 =	vadd.s32 v3, v5;
	v24 =	vand.u32 $0xFFFFFF80, v11  }
0x165: {  	v7 =	vand.u32 $0x7F, v11;
	v11 =	vand.u32 $0x7F, v14;
	v14 =	vand.u32 $0xFFFFFF80, v14  }
0x166: {  	s18 =	simm.s32 $0x9;
	v20 =	vadd.s32 v3, v20;
	v29 =	vand.u32 $0x7F, v15;
	v16 =	vand.u32 $0x7F, v16  }
0x167: {  	v61 =	vadd.s32 s18, v2;
	v62 =	vand.u32 $0xFFFFFF80, v59;
	v22 =	vadd.s32 v3, v22  }
0x168: {  	s16 =	simm.s32 $0x0;
	v12 =	vor.u32 v12, v5;
	v5 =	vand.u32 $0xFFFFFF80, v8;
	v19 =	vor.u32 v19, v22  }
0x169: {  	v25 =	vadd.s32 v3, v5;
	v5 =	vadd.s32 v3, v14;
	v14 =	vadd.s32 s16, v2  }
0x16a: {  	v24 =	vadd.s32 v3, v24;
	v11 =	vor.u32 v11, v5;
	v5 =	vand.u32 $0xFFFFFF80, v14  }
0x16b: {  	v8 =	vand.u32 $0x7F, v14;
	v14 =	vand.u32 $0xFFFFFF80, v9;
	v9 =	vadd.s32 v3, v5  }
0x16c: {  	v63 =	vadd.s32 v3, v62;
	v27 =	vor.u32 v8, v9;
	v9 =	vand.u32 $0x7F, v10  }
0x16d: {  	v10 =	vand.u32 $0xFFFFFF80, v15;
	v15 =	vadd.s32 v3, v17;
	v17 =	vadd.s32 v3, v28;
	v12 =	vld.idx.msk [tilespmem:v12+s12+$0x0], $0xffff  }
0x16e: {  	v8 =	vadd.s32 v3, v21;
	v57 =	vadd.s32 v3, v10;
	v58 =	vor.u32 v13, v17;
	v19 =	vld.idx.msk [tilespmem:v19+s12+$0x0], $0xffff  }
0x16f: {  	v10 =	vor.u32 v26, v25;
	v60 =	vld.idx.msk [tilespmem:v11+s12+$0x0], $0xffff;
	v11 =	vadd.s32 v3, v14;
	v14 =	vor.u32 v7, v24  }
0x170: {  	v16 =	vor.u32 v16, v15;
	v15 =	vor.u32 v6, v20;
	v6 =	vadd.s32 v3, v56  }
0x171: {  	v6 =	vor.u32 v18, v6;
	v17 =	vor.u32 v23, v11;
	v11 =	vand.u32 $0xFFFFFF80, v61  }
0x172: {  	v13 =	vld.idx.msk [tilespmem:v27+s12+$0x0], $0xffff;
	v11 =	vadd.s32 v3, v11;
	[tilespmem:v1+s31+$0xFFFFEA00 ss:$0x1] =	vst.idx.msk $0xffff, v12;
	v12 =	vand.u32 $0x7F, v61  }
0x173: {  	v5 =	vand.u32 $0xFFFFFF80, v4;
	[tilespmem:v1+s31+$0x0 ss:$0x1] =	vst.idx.msk $0xffff, v19;
	v19 =	vand.u32 $0x7F, v59;
	v12 =	vor.u32 v12, v11;
	v11 =	vld.idx.msk [tilespmem:v58+s12+$0x0], $0xffff  }
0x174: {  	s0 =	smov.u32 s31;
	s7 =	sadd.s32 $0x2800, s31;
	s11 =	simm.s32 $0x10;
	v7 =	vor.u32 v29, v57;
	v18 =	vld.idx.msk [tilespmem:v14+s12+$0x0], $0xffff;
	[tilespmem:v1+s31+$0xFFFFFE00 ss:$0x1] =	vst.idx.msk $0xffff, v60;
	v14 =	vor.u32 v19, v63  }
.LBB2_15:
0x175: {  	s13 =	sadd.s32 $0x1, s11  }
0x176: {  	s14 =	sadd.s32 $0x2, s11;
	s16 =	sadd.s32 $0x3, s11;
	v19 =	vand.u32 $0x7F, v4;
	v5 =	vadd.s32 v3, v5;
	v8 =	vor.u32 v9, v8;
	v9 =	vld.idx.msk [tilespmem:v16+s12+$0x0], $0xffff;
	s15 =	smov.u32 s11  }
0x177: {  	v4 =	vadd.s32 s13, v2;
	v16 =	vadd.s32 s14, v2;
	v20 =	vadd.s32 s16, v2;
	s13 =	sadd.s32 $0x4, s11;
	s14 =	sadd.s32 $0x5, s11;
	s16 =	sadd.s32 $0x6, s11;
	v10 =	vld.idx.msk [tilespmem:v10+s12+$0x0], $0xffff  }
0x178: {  	s17 =	sadd.s32 $0x8, s11;
	v5 =	vor.u32 v19, v5;
	v21 =	vadd.s32 s13, v2;
	v22 =	vadd.s32 s14, v2;
	s14 =	sadd.s32 $0x7, s11;
	s13 =	sadd.s32 $0x9, s11;
	[tilespmem:v1+s0+$0xFFFFE880 ss:$0x1] =	vst.idx.msk $0xffff, v13;
	v13 =	vld.idx.msk [tilespmem:v17+s12+$0x0], $0xffff  }
0x179: {  	v23 =	vadd.s32 s17, v2;
	s17 =	sadd.s32 $0xB, s11;
	v17 =	vadd.s32 s16, v2;
	s16 =	sadd.s32 $0xA, s11;
	v19 =	vadd.s32 s14, v2;
	s14 =	sadd.s32 $0xC, s11;
	v7 =	vld.idx.msk [tilespmem:v7+s12+$0x0], $0xffff  }
0x17a: {  	s18 =	sadd.s32 $0xE, s15;
	v24 =	vand.u32 $0x7F, v20;
	v26 =	vadd.s32 s17, v2;
	s17 =	sadd.s32 $0xD, s15;
	v25 =	vadd.s32 s16, v2;
	s16 =	sadd.s32 $0x10, s11;
	v15 =	vld.idx.msk [tilespmem:v15+s12+$0x0], $0xffff  }
0x17b: {  	p0 =	slt.u32 s11, $0x30;
	v20 =	vand.u32 $0xFFFFFF80, v20;
	v28 =	vadd.s32 s18, v2;
	v27 =	vadd.s32 s17, v2;
	s17 =	sadd.s32 $0xF, s15;
	[tilespmem:v1+s0+$0xFFFFFC80 ss:$0x1] =	vst.idx.msk $0xffff, v18;
	v12 =	vld.idx.msk [tilespmem:v12+s12+$0x0], $0xffff  }
0x17c: {  	v29 =	vand.u32 $0xFFFFFF80, v28;
	v30 =	vadd.s32 s17, v2;
	v18 =	vand.u32 $0x7F, v21;
	[tilespmem:v1+s0+$0xFFFFFD80 ss:$0x1] =	vst.idx.msk $0xffff, v11;
	v11 =	vld.idx.msk [tilespmem:v14+s12+$0x0], $0xffff  }
0x17d: {  	v31 =	vand.u32 $0xFFFFFF80, v19;
	v32 =	vand.u32 $0xFFFFFF80, v30;
	v14 =	vand.u32 $0xFFFFFF80, v16;
	[tilespmem:v1+s0+$0xFFFFEB00 ss:$0x1] =	vst.idx.msk $0xffff, v10;
	v8 =	vld.idx.msk [tilespmem:v8+s12+$0x0], $0xffff  }
0x17e: {  	v33 =	vand.u32 $0x7F, v17;
	v10 =	vand.u32 $0x7F, v30;
	v30 =	vadd.s32 v3, v32;
	v32 =	vld.idx.msk [tilespmem:v5+s12+$0x0], $0xffff;
	[tilespmem:v1+s0+$0xFFFFEB80 ss:$0x1] =	vst.idx.msk $0xffff, v13  }
0x17f: {  	v5 =	vadd.s32 v3, v20;
	v13 =	vand.u32 $0xFFFFFF80, v23;
	v10 =	vor.u32 v10, v30;
	v6 =	vld.idx.msk [tilespmem:v6+s12+$0x0], $0xffff  }
0x180: {  	v20 =	vand.u32 $0xFFFFFF80, v21;
	v21 =	vand.u32 $0x7F, v23;
	v23 =	vand.u32 $0x7F, v26;
	[tilespmem:v1+s0+$0xFFFFE980 ss:$0x1] =	vst.idx.msk $0xffff, v15  }
0x181: {  	v15 =	vor.u32 v24, v5;
	v5 =	vand.u32 $0xFFFFFF80, v22;
	v24 =	vand.u32 $0xFFFFFF80, v26;
	[tilespmem:v1+s0+$0xFFFFFD00 ss:$0x1] =	vst.idx.msk $0xffff, v12  }
0x182: {  	v12 =	vadd.s32 v3, v14;
	v14 =	vadd.s32 v3, v5;
	v5 =	vadd.s32 v3, v24  }
0x183: {  	v22 =	vand.u32 $0x7F, v22;
	v24 =	vadd.s32 s15, v2;
	v23 =	vor.u32 v23, v5;
	[tilespmem:v1+s0+$0xFFFFEC00 ss:$0x1] =	vst.idx.msk $0xffff, v8  }
0x184: {  	v17 =	vand.u32 $0xFFFFFF80, v17;
	v5 =	vand.u32 $0xFFFFFF80, v24;
	v8 =	vand.u32 $0x7F, v24;
	v24 =	vld.idx.msk [tilespmem:v10+s12+$0x0], $0xffff;
	[tilespmem:v1+s0+$0xFFFFFE80 ss:$0x1] =	vst.idx.msk $0xffff, v11  }
0x185: {  	v10 =	vadd.s32 v3, v5;
	v5 =	vand.u32 $0xFFFFFF80, v4;
	v11 =	vadd.s32 v3, v13;
	[tilespmem:v1+s0+$0xFFFFE900 ss:$0x1] =	vst.idx.msk $0xffff, v32  }
0x186: {  	v26 =	vand.u32 $0x7F, v27;
	v13 =	vor.u32 v8, v10;
	v10 =	vand.u32 $0xFFFFFF80, v25;
	[tilespmem:v1+s0+$0xFFFFFF80 ss:$0x1] =	vst.idx.msk $0xffff, v9  }
0x187: {  	v30 =	vand.u32 $0x7F, v16;
	v16 =	vand.u32 $0x7F, v28;
	v8 =	vadd.s32 v3, v31;
	v15 =	vld.idx.msk [tilespmem:v15+s12+$0x0], $0xffff;
	[tilespmem:v1+s0+$0xFFFFFF00 ss:$0x1] =	vst.idx.msk $0xffff, v7  }
0x188: {  	v9 =	vand.u32 $0x7F, v19;
	v19 =	vadd.s32 v3, v29;
	v7 =	vand.u32 $0xFFFFFF80, v27;
	[tilespmem:v1+s0+$0xFFFFEA80 ss:$0x1] =	vst.idx.msk $0xffff, v6;
	s0 =	smov.u32 s7  }
0x189: {  	v6 =	vand.u32 $0x7F, v25;
	v25 =	vadd.s32 v3, v10;
	v7 =	vadd.s32 v3, v7  }
0x18a: {  	v10 =	vor.u32 v22, v14;
	v22 =	vadd.s32 s14, v2;
	v6 =	vor.u32 v6, v25;
	v14 =	vld.idx.msk [tilespmem:v23+s12+$0x0], $0xffff  }
0x18b: {  	v17 =	vadd.s32 v3, v17;
	v21 =	vor.u32 v21, v11;
	v7 =	vor.u32 v26, v7  }
.Ltmp6:
0x18c: {  	v11 =	vadd.s32 s13, v2;
	v16 =	vor.u32 v16, v19;
	v23 =	vand.u32 $0xFFFFFF80, v22;
	v13 =	vld.idx.msk [tilespmem:v13+s12+$0x0], $0xffff;
	[tilespmem:v1+s7+$0x0 ss:$0x1] =	vst.idx.msk $0xffff, v24;
	(pc) =	sbr.rel @p0 .LBB2_15-.Ltmp6, $4  }
0x18d: {  	v17 =	vor.u32 v33, v17;
	v19 =	vand.u32 $0x7F, v22;
	[tilespmem:v1+s7+$0xFFFFEA00 ss:$0x1] =	vst.idx.msk $0xffff, v15;
	v15 =	vand.u32 $0xFFFFFF80, v11  }
0x18e: {  	v23 =	vadd.s32 v3, v23;
	v11 =	vand.u32 $0x7F, v11;
	v22 =	vadd.s32 v3, v15  }
0x18f: {  	v20 =	vadd.s32 v3, v20;
	v15 =	vor.u32 v30, v12;
	v12 =	vor.u32 v11, v22;
	v11 =	vld.idx.msk [tilespmem:v6+s12+$0x0], $0xffff  }
0x190: {  	s11 =	smov.u32 s16;
	s7 =	sadd.s32 $0x2800, s7;
	v6 =	vor.u32 v18, v20;
	v18 =	vld.idx.msk [tilespmem:v21+s12+$0x0], $0xffff;
	[tilespmem:v1+s0+$0xFFFFFE00 ss:$0x1] =	vst.idx.msk $0xffff, v14;
	v14 =	vor.u32 v19, v23  }
0x191: {  	_ =	sdelay $0x3  }
0x192: {  	v57 =	vld.idx.msk [tilespmem:v10+s12+$0x0], $0xffff  }
0x193: {  	v58 =	vld.idx.msk [tilespmem:v17+s12+$0x0], $0xffff  }
0x194: {  	v2 =	vor.u32 v9, v8;
	[tilespmem:v1+s0+$0xFFFFE880 ss:$0x1] =	vst.idx.msk $0xffff, v13;
	v59 =	vld.idx.msk [tilespmem:v15+s12+$0x0], $0xffff  }
0x195: {  	v4 =	vand.u32 $0x7F, v4;
	v3 =	vadd.s32 v3, v5;
	v60 =	vld.idx.msk [tilespmem:v12+s12+$0x0], $0xffff;
	[tilespmem:v1+s0+$0xFFFFFD80 ss:$0x1] =	vst.idx.msk $0xffff, v11  }
0x196: {  	v61 =	vld.idx.msk [tilespmem:v14+s12+$0x0], $0xffff;
	v3 =	vor.u32 v4, v3;
	[tilespmem:v1+s0+$0xFFFFFC80 ss:$0x1] =	vst.idx.msk $0xffff, v18  }
0x197: {  	v62 =	vld.idx.msk [tilespmem:v16+s12+$0x0], $0xffff;
	[tilespmem:v1+s0+$0xFFFFEB00 ss:$0x1] =	vst.idx.msk $0xffff, v57  }
0x198: {  	v63 =	vld.idx.msk [tilespmem:v7+s12+$0x0], $0xffff;
	[tilespmem:v1+s0+$0xFFFFEB80 ss:$0x1] =	vst.idx.msk $0xffff, v58  }
0x199: {  	v6 =	vld.idx.msk [tilespmem:v6+s12+$0x0], $0xffff;
	[tilespmem:v1+s0+$0xFFFFE980 ss:$0x1] =	vst.idx.msk $0xffff, v59  }
0x19a: {  	s1 =	sadd.s32 $0x1, s1;
	v2 =	vld.idx.msk [tilespmem:v2+s12+$0x0], $0xffff;
	[tilespmem:v1+s0+$0xFFFFFD00 ss:$0x1] =	vst.idx.msk $0xffff, v60  }
0x19b: {  	p0 =	sne.s32 s1, $0x18;
	[tilespmem:v1+s0+$0xFFFFFE80 ss:$0x1] =	vst.idx.msk $0xffff, v61;
	v3 =	vld.idx.msk [tilespmem:v3+s12+$0x0], $0xffff  }
.Ltmp7:
0x19c: {  	[tilespmem:v1+s0+$0xFFFFFF80 ss:$0x1] =	vst.idx.msk $0xffff, v62;
	(pc) =	sbr.rel @p0 .LBB2_14-.Ltmp7, $4  }
0x19d: {  	[tilespmem:v1+s0+$0xFFFFFF00 ss:$0x1] =	vst.idx.msk $0xffff, v63  }
0x19e: {  	[tilespmem:v1+s0+$0xFFFFEA80 ss:$0x1] =	vst.idx.msk $0xffff, v6  }
0x19f: {  	[tilespmem:v1+s0+$0xFFFFEC00 ss:$0x1] =	vst.idx.msk $0xffff, v2  }
0x1a0: {  	s30 =	sadd.s32 $0x80, s30;
	s31 =	sadd.s32 $0x10, s31;
	[tilespmem:v1+s0+$0xFFFFE900 ss:$0x1] =	vst.idx.msk $0xffff, v3  }
0x1a1: {  	_ =	swait.ge [sflag:s26], $0x3000  }
0x1a2: {  	s1 =	simm.s32 $0x18;
	[sflag:s26] =	ssyncset.done $0x0  }
0x1a3: {  	s30 =	simm.s32 $0xC00;
	s31 =	simm.s32 $0x13F00;
	[sflag:s26] =	ssyncadd.s32 $0xFFFFD000  }
.LBB2_18:
0x1a4: {  	s0 =	sshll.u32 s1, $0x4  }
0x1a5: {  	v2 =	vld [tilespmem:s0+$0x500]  }
0x1a6: {  	s7 =	sshll.u32 s30, $0x2  }
0x1a7: {  	v1 =	vmov s0;
	s17 =	sand.u32 $0xFFFFF000, s7  }
0x1a8: {  	v1 =	vshll.u32 v1, $0x7;
	s0 =	sshra.s32 s17, $0x2  }
0x1a9: {  	s18 =	simm.s32 $0x1;
	s11 =	simm.s32 $0x2;
	s13 =	simm.s32 $0x3;
	v3 =	vor.u32 v0, v1;
	v1 =	vmov s0  }
0x1aa: {  	s14 =	simm.s32 $0x4;
	s15 =	simm.s32 $0x5;
	s16 =	simm.s32 $0x6;
	v4 =	vadd.s32 s18, v2;
	v6 =	vadd.s32 s11, v2;
	v5 =	vadd.s32 s13, v2  }
0x1ab: {  	s7 =	simm.s32 $0xA;
	s17 =	simm.s32 $0x7;
	v7 =	vadd.s32 s14, v2;
	v8 =	vadd.s32 s15, v2;
	s18 =	simm.s32 $0x8;
	v9 =	vadd.s32 s16, v2  }
0x1ac: {  	v10 =	vadd.s32 s17, v2;
	s11 =	simm.s32 $0xB;
	v13 =	vadd.s32 s7, v2;
	v11 =	vadd.s32 s18, v2  }
0x1ad: {  	s13 =	simm.s32 $0xD;
	s14 =	simm.s32 $0xE;
	v12 =	vand.u32 $0x7F, v5;
	v14 =	vadd.s32 s11, v2;
	v5 =	vand.u32 $0xFFFFFF80, v5  }
0x1ae: {  	s15 =	simm.s32 $0xF;
	v15 =	vadd.s32 s13, v2;
	v16 =	vadd.s32 s14, v2;
	v18 =	vand.u32 $0x7F, v7  }
0x1af: {  	v19 =	vadd.s32 s15, v2;
	v20 =	vand.u32 $0xFFFFFF80, v6;
	v21 =	vand.u32 $0xFFFFFF80, v10  }
0x1b0: {  	v23 =	vand.u32 $0x7F, v9;
	v56 =	vand.u32 $0xFFFFFF80, v7;
	v26 =	vand.u32 $0x7F, v8  }
0x1b1: {  	s17 =	simm.s32 $0xC;
	v28 =	vand.u32 $0xFFFFFF80, v13;
	v6 =	vand.u32 $0x7F, v6;
	v13 =	vand.u32 $0x7F, v13  }
0x1b2: {  	v59 =	vadd.s32 s17, v2;
	v17 =	vand.u32 $0xFFFFFF80, v16;
	v22 =	vand.u32 $0xFFFFFF80, v19  }
0x1b3: {  	v19 =	vand.u32 $0x7F, v19;
	v5 =	vadd.s32 v3, v5;
	v24 =	vand.u32 $0xFFFFFF80, v11  }
0x1b4: {  	v7 =	vand.u32 $0x7F, v11;
	v11 =	vand.u32 $0x7F, v14;
	v14 =	vand.u32 $0xFFFFFF80, v14  }
0x1b5: {  	s18 =	simm.s32 $0x9;
	v20 =	vadd.s32 v3, v20;
	v29 =	vand.u32 $0x7F, v15;
	v16 =	vand.u32 $0x7F, v16  }
0x1b6: {  	v61 =	vadd.s32 s18, v2;
	v62 =	vand.u32 $0xFFFFFF80, v59;
	v22 =	vadd.s32 v3, v22  }
0x1b7: {  	s16 =	simm.s32 $0x0;
	v12 =	vor.u32 v12, v5;
	v5 =	vand.u32 $0xFFFFFF80, v8;
	v19 =	vor.u32 v19, v22  }
0x1b8: {  	v25 =	vadd.s32 v3, v5;
	v5 =	vadd.s32 v3, v14;
	v14 =	vadd.s32 s16, v2  }
0x1b9: {  	v24 =	vadd.s32 v3, v24;
	v11 =	vor.u32 v11, v5;
	v5 =	vand.u32 $0xFFFFFF80, v14  }
0x1ba: {  	v8 =	vand.u32 $0x7F, v14;
	v14 =	vand.u32 $0xFFFFFF80, v9;
	v9 =	vadd.s32 v3, v5  }
0x1bb: {  	v63 =	vadd.s32 v3, v62;
	v27 =	vor.u32 v8, v9;
	v9 =	vand.u32 $0x7F, v10  }
0x1bc: {  	v10 =	vand.u32 $0xFFFFFF80, v15;
	v15 =	vadd.s32 v3, v17;
	v17 =	vadd.s32 v3, v28;
	v12 =	vld.idx.msk [tilespmem:v12+s12+$0x0], $0xffff  }
0x1bd: {  	v8 =	vadd.s32 v3, v21;
	v57 =	vadd.s32 v3, v10;
	v58 =	vor.u32 v13, v17;
	v19 =	vld.idx.msk [tilespmem:v19+s12+$0x0], $0xffff  }
0x1be: {  	v10 =	vor.u32 v26, v25;
	v60 =	vld.idx.msk [tilespmem:v11+s12+$0x0], $0xffff;
	v11 =	vadd.s32 v3, v14;
	v14 =	vor.u32 v7, v24  }
0x1bf: {  	v16 =	vor.u32 v16, v15;
	v15 =	vor.u32 v6, v20;
	v6 =	vadd.s32 v3, v56  }
0x1c0: {  	v6 =	vor.u32 v18, v6;
	v17 =	vor.u32 v23, v11;
	v11 =	vand.u32 $0xFFFFFF80, v61  }
0x1c1: {  	v13 =	vld.idx.msk [tilespmem:v27+s12+$0x0], $0xffff;
	v11 =	vadd.s32 v3, v11;
	[tilespmem:v1+s31+$0xFFFFEA00 ss:$0x1] =	vst.idx.msk $0xffff, v12;
	v12 =	vand.u32 $0x7F, v61  }
0x1c2: {  	v5 =	vand.u32 $0xFFFFFF80, v4;
	[tilespmem:v1+s31+$0x0 ss:$0x1] =	vst.idx.msk $0xffff, v19;
	v19 =	vand.u32 $0x7F, v59;
	v12 =	vor.u32 v12, v11;
	v11 =	vld.idx.msk [tilespmem:v58+s12+$0x0], $0xffff  }
0x1c3: {  	s0 =	smov.u32 s31;
	s7 =	sadd.s32 $0x2800, s31;
	s16 =	simm.s32 $0x10;
	v7 =	vor.u32 v29, v57;
	v18 =	vld.idx.msk [tilespmem:v14+s12+$0x0], $0xffff;
	[tilespmem:v1+s31+$0xFFFFFE00 ss:$0x1] =	vst.idx.msk $0xffff, v60;
	v14 =	vor.u32 v19, v63  }
.LBB2_19:
0x1c4: {  	s11 =	sadd.s32 $0x1, s16  }
0x1c5: {  	s13 =	sadd.s32 $0x2, s16;
	s14 =	sadd.s32 $0x3, s16;
	v19 =	vand.u32 $0x7F, v4;
	v5 =	vadd.s32 v3, v5;
	v8 =	vor.u32 v9, v8;
	v9 =	vld.idx.msk [tilespmem:v16+s12+$0x0], $0xffff;
	s15 =	smov.u32 s16  }
0x1c6: {  	v4 =	vadd.s32 s11, v2;
	v16 =	vadd.s32 s13, v2;
	v20 =	vadd.s32 s14, v2;
	s11 =	sadd.s32 $0x4, s16;
	s13 =	sadd.s32 $0x5, s16;
	s14 =	sadd.s32 $0x6, s16;
	v10 =	vld.idx.msk [tilespmem:v10+s12+$0x0], $0xffff  }
0x1c7: {  	s17 =	sadd.s32 $0x8, s16;
	v5 =	vor.u32 v19, v5;
	v21 =	vadd.s32 s11, v2;
	v22 =	vadd.s32 s13, v2;
	s11 =	sadd.s32 $0x7, s16;
	s13 =	sadd.s32 $0x9, s16;
	[tilespmem:v1+s0+$0xFFFFE880 ss:$0x1] =	vst.idx.msk $0xffff, v13;
	v13 =	vld.idx.msk [tilespmem:v17+s12+$0x0], $0xffff  }
0x1c8: {  	v23 =	vadd.s32 s17, v2;
	s17 =	sadd.s32 $0xB, s16;
	v17 =	vadd.s32 s14, v2;
	s14 =	sadd.s32 $0xC, s16;
	v19 =	vadd.s32 s11, v2;
	s11 =	sadd.s32 $0xA, s16;
	v7 =	vld.idx.msk [tilespmem:v7+s12+$0x0], $0xffff  }
0x1c9: {  	s18 =	sadd.s32 $0xE, s15;
	v24 =	vand.u32 $0x7F, v20;
	v26 =	vadd.s32 s17, v2;
	s17 =	sadd.s32 $0xD, s15;
	v25 =	vadd.s32 s11, v2;
	s11 =	sadd.s32 $0x10, s16;
	v15 =	vld.idx.msk [tilespmem:v15+s12+$0x0], $0xffff  }
0x1ca: {  	p0 =	slt.u32 s16, $0x30;
	v20 =	vand.u32 $0xFFFFFF80, v20;
	v28 =	vadd.s32 s18, v2;
	v27 =	vadd.s32 s17, v2;
	s17 =	sadd.s32 $0xF, s15;
	[tilespmem:v1+s0+$0xFFFFFC80 ss:$0x1] =	vst.idx.msk $0xffff, v18;
	v12 =	vld.idx.msk [tilespmem:v12+s12+$0x0], $0xffff  }
0x1cb: {  	v29 =	vand.u32 $0xFFFFFF80, v28;
	v30 =	vadd.s32 s17, v2;
	v18 =	vand.u32 $0x7F, v21;
	[tilespmem:v1+s0+$0xFFFFFD80 ss:$0x1] =	vst.idx.msk $0xffff, v11;
	v11 =	vld.idx.msk [tilespmem:v14+s12+$0x0], $0xffff  }
0x1cc: {  	v31 =	vand.u32 $0xFFFFFF80, v19;
	v32 =	vand.u32 $0xFFFFFF80, v30;
	v14 =	vand.u32 $0xFFFFFF80, v16;
	[tilespmem:v1+s0+$0xFFFFEB00 ss:$0x1] =	vst.idx.msk $0xffff, v10;
	v8 =	vld.idx.msk [tilespmem:v8+s12+$0x0], $0xffff  }
0x1cd: {  	v33 =	vand.u32 $0x7F, v17;
	v10 =	vand.u32 $0x7F, v30;
	v30 =	vadd.s32 v3, v32;
	v32 =	vld.idx.msk [tilespmem:v5+s12+$0x0], $0xffff;
	[tilespmem:v1+s0+$0xFFFFEB80 ss:$0x1] =	vst.idx.msk $0xffff, v13  }
0x1ce: {  	v5 =	vadd.s32 v3, v20;
	v13 =	vand.u32 $0xFFFFFF80, v23;
	v10 =	vor.u32 v10, v30;
	v6 =	vld.idx.msk [tilespmem:v6+s12+$0x0], $0xffff  }
0x1cf: {  	v20 =	vand.u32 $0xFFFFFF80, v21;
	v21 =	vand.u32 $0x7F, v23;
	v23 =	vand.u32 $0x7F, v26;
	[tilespmem:v1+s0+$0xFFFFE980 ss:$0x1] =	vst.idx.msk $0xffff, v15  }
0x1d0: {  	v15 =	vor.u32 v24, v5;
	v5 =	vand.u32 $0xFFFFFF80, v22;
	v24 =	vand.u32 $0xFFFFFF80, v26;
	[tilespmem:v1+s0+$0xFFFFFD00 ss:$0x1] =	vst.idx.msk $0xffff, v12  }
0x1d1: {  	v12 =	vadd.s32 v3, v14;
	v14 =	vadd.s32 v3, v5;
	v5 =	vadd.s32 v3, v24  }
0x1d2: {  	v22 =	vand.u32 $0x7F, v22;
	v24 =	vadd.s32 s15, v2;
	v23 =	vor.u32 v23, v5;
	[tilespmem:v1+s0+$0xFFFFEC00 ss:$0x1] =	vst.idx.msk $0xffff, v8  }
0x1d3: {  	v17 =	vand.u32 $0xFFFFFF80, v17;
	v5 =	vand.u32 $0xFFFFFF80, v24;
	v8 =	vand.u32 $0x7F, v24;
	v24 =	vld.idx.msk [tilespmem:v10+s12+$0x0], $0xffff;
	[tilespmem:v1+s0+$0xFFFFFE80 ss:$0x1] =	vst.idx.msk $0xffff, v11  }
0x1d4: {  	v10 =	vadd.s32 v3, v5;
	v5 =	vand.u32 $0xFFFFFF80, v4;
	v11 =	vadd.s32 v3, v13;
	[tilespmem:v1+s0+$0xFFFFE900 ss:$0x1] =	vst.idx.msk $0xffff, v32  }
0x1d5: {  	v26 =	vand.u32 $0x7F, v27;
	v13 =	vor.u32 v8, v10;
	v10 =	vand.u32 $0xFFFFFF80, v25;
	[tilespmem:v1+s0+$0xFFFFFF80 ss:$0x1] =	vst.idx.msk $0xffff, v9  }
0x1d6: {  	v30 =	vand.u32 $0x7F, v16;
	v16 =	vand.u32 $0x7F, v28;
	v8 =	vadd.s32 v3, v31;
	v15 =	vld.idx.msk [tilespmem:v15+s12+$0x0], $0xffff;
	[tilespmem:v1+s0+$0xFFFFFF00 ss:$0x1] =	vst.idx.msk $0xffff, v7  }
0x1d7: {  	v9 =	vand.u32 $0x7F, v19;
	v19 =	vadd.s32 v3, v29;
	v7 =	vand.u32 $0xFFFFFF80, v27;
	[tilespmem:v1+s0+$0xFFFFEA80 ss:$0x1] =	vst.idx.msk $0xffff, v6;
	s0 =	smov.u32 s7  }
0x1d8: {  	v6 =	vand.u32 $0x7F, v25;
	v25 =	vadd.s32 v3, v10;
	v7 =	vadd.s32 v3, v7  }
0x1d9: {  	v10 =	vor.u32 v22, v14;
	v22 =	vadd.s32 s14, v2;
	v6 =	vor.u32 v6, v25;
	v14 =	vld.idx.msk [tilespmem:v23+s12+$0x0], $0xffff  }
0x1da: {  	v17 =	vadd.s32 v3, v17;
	v21 =	vor.u32 v21, v11;
	v7 =	vor.u32 v26, v7  }
.Ltmp8:
0x1db: {  	v11 =	vadd.s32 s13, v2;
	v16 =	vor.u32 v16, v19;
	v23 =	vand.u32 $0xFFFFFF80, v22;
	v13 =	vld.idx.msk [tilespmem:v13+s12+$0x0], $0xffff;
	[tilespmem:v1+s7+$0x0 ss:$0x1] =	vst.idx.msk $0xffff, v24;
	(pc) =	sbr.rel @p0 .LBB2_19-.Ltmp8, $4  }
0x1dc: {  	v17 =	vor.u32 v33, v17;
	v19 =	vand.u32 $0x7F, v22;
	[tilespmem:v1+s7+$0xFFFFEA00 ss:$0x1] =	vst.idx.msk $0xffff, v15;
	v15 =	vand.u32 $0xFFFFFF80, v11  }
0x1dd: {  	v23 =	vadd.s32 v3, v23;
	v11 =	vand.u32 $0x7F, v11;
	v22 =	vadd.s32 v3, v15  }
0x1de: {  	v20 =	vadd.s32 v3, v20;
	v15 =	vor.u32 v30, v12;
	v12 =	vor.u32 v11, v22;
	v11 =	vld.idx.msk [tilespmem:v6+s12+$0x0], $0xffff  }
0x1df: {  	s16 =	smov.u32 s11;
	s7 =	sadd.s32 $0x2800, s7;
	v6 =	vor.u32 v18, v20;
	v18 =	vld.idx.msk [tilespmem:v21+s12+$0x0], $0xffff;
	[tilespmem:v1+s0+$0xFFFFFE00 ss:$0x1] =	vst.idx.msk $0xffff, v14;
	v14 =	vor.u32 v19, v23  }
0x1e0: {  	_ =	sdelay $0x3  }
0x1e1: {  	v57 =	vld.idx.msk [tilespmem:v10+s12+$0x0], $0xffff  }
0x1e2: {  	v58 =	vld.idx.msk [tilespmem:v17+s12+$0x0], $0xffff  }
0x1e3: {  	v2 =	vor.u32 v9, v8;
	[tilespmem:v1+s0+$0xFFFFE880 ss:$0x1] =	vst.idx.msk $0xffff, v13;
	v59 =	vld.idx.msk [tilespmem:v15+s12+$0x0], $0xffff  }
0x1e4: {  	v4 =	vand.u32 $0x7F, v4;
	v3 =	vadd.s32 v3, v5;
	v60 =	vld.idx.msk [tilespmem:v12+s12+$0x0], $0xffff;
	[tilespmem:v1+s0+$0xFFFFFD80 ss:$0x1] =	vst.idx.msk $0xffff, v11  }
0x1e5: {  	v61 =	vld.idx.msk [tilespmem:v14+s12+$0x0], $0xffff;
	v3 =	vor.u32 v4, v3;
	[tilespmem:v1+s0+$0xFFFFFC80 ss:$0x1] =	vst.idx.msk $0xffff, v18  }
0x1e6: {  	v62 =	vld.idx.msk [tilespmem:v16+s12+$0x0], $0xffff;
	[tilespmem:v1+s0+$0xFFFFEB00 ss:$0x1] =	vst.idx.msk $0xffff, v57  }
0x1e7: {  	v63 =	vld.idx.msk [tilespmem:v7+s12+$0x0], $0xffff;
	[tilespmem:v1+s0+$0xFFFFEB80 ss:$0x1] =	vst.idx.msk $0xffff, v58  }
0x1e8: {  	v6 =	vld.idx.msk [tilespmem:v6+s12+$0x0], $0xffff;
	[tilespmem:v1+s0+$0xFFFFE980 ss:$0x1] =	vst.idx.msk $0xffff, v59  }
0x1e9: {  	s1 =	sadd.s32 $0x1, s1;
	v2 =	vld.idx.msk [tilespmem:v2+s12+$0x0], $0xffff;
	[tilespmem:v1+s0+$0xFFFFFD00 ss:$0x1] =	vst.idx.msk $0xffff, v60  }
0x1ea: {  	p0 =	sne.s32 s1, $0x1E;
	[tilespmem:v1+s0+$0xFFFFFE80 ss:$0x1] =	vst.idx.msk $0xffff, v61;
	v3 =	vld.idx.msk [tilespmem:v3+s12+$0x0], $0xffff  }
.Ltmp9:
0x1eb: {  	[tilespmem:v1+s0+$0xFFFFFF80 ss:$0x1] =	vst.idx.msk $0xffff, v62;
	(pc) =	sbr.rel @p0 .LBB2_18-.Ltmp9, $4  }
0x1ec: {  	[tilespmem:v1+s0+$0xFFFFFF00 ss:$0x1] =	vst.idx.msk $0xffff, v63  }
0x1ed: {  	[tilespmem:v1+s0+$0xFFFFEA80 ss:$0x1] =	vst.idx.msk $0xffff, v6  }
0x1ee: {  	[tilespmem:v1+s0+$0xFFFFEC00 ss:$0x1] =	vst.idx.msk $0xffff, v2  }
0x1ef: {  	s30 =	sadd.s32 $0x80, s30;
	s31 =	sadd.s32 $0x10, s31;
	[tilespmem:v1+s0+$0xFFFFE900 ss:$0x1] =	vst.idx.msk $0xffff, v3  }
0x1f0: {  	s30 =	simm.s32 $0x6  }
0x1f1: {  	_ =	swait.ge [sflag:s30], $0x3000  }
0x1f2: {  	[sflag:s30] =	ssyncset.done $0x0  }
0x1f3: {  	s31 =	simm.s32 $0x1E;
	s1 =	simm.s32 $0xF00;
	[sflag:s30] =	ssyncadd.s32 $0xFFFFD000  }
.LBB2_22:
0x1f4: {  	s0 =	sshll.u32 s31, $0x4  }
0x1f5: {  	v1 =	vld [tilespmem:s0+$0x500];
	_ =	sdelay $0x2  }
0x1f6: {  	v2 =	vmov s0  }
0x1f7: {  	s15 =	simm.s32 $0x1;
	s7 =	simm.s32 $0x2;
	v2 =	vshll.u32 v2, $0x7  }
0x1f8: {  	s11 =	simm.s32 $0x3;
	s16 =	simm.s32 $0x4;
	s17 =	simm.s32 $0x5;
	v2 =	vor.u32 v0, v2;
	v4 =	vadd.s32 s15, v1;
	v3 =	vadd.s32 s7, v1  }
0x1f9: {  	s18 =	simm.s32 $0x6;
	s13 =	simm.s32 $0x7;
	s14 =	simm.s32 $0x8;
	v5 =	vadd.s32 s11, v1;
	v6 =	vadd.s32 s16, v1;
	v7 =	vadd.s32 s17, v1  }
0x1fa: {  	v8 =	vadd.s32 s18, v1;
	v9 =	vadd.s32 s13, v1;
	v10 =	vadd.s32 s14, v1;
	s15 =	simm.s32 $0xA;
	s16 =	simm.s32 $0xB  }
0x1fb: {  	s17 =	simm.s32 $0xD;
	s18 =	simm.s32 $0xE;
	v11 =	vand.u32 $0x7F, v5;
	v12 =	vadd.s32 s15, v1;
	v13 =	vadd.s32 s16, v1  }
0x1fc: {  	s7 =	simm.s32 $0xF;
	v5 =	vand.u32 $0xFFFFFF80, v5;
	v14 =	vadd.s32 s17, v1;
	v15 =	vadd.s32 s18, v1  }
0x1fd: {  	s11 =	simm.s32 $0x9;
	v18 =	vand.u32 $0x7F, v6;
	v17 =	vadd.s32 s7, v1;
	v19 =	vand.u32 $0xFFFFFF80, v6  }
0x1fe: {  	v6 =	vand.u32 $0xFFFFFF80, v9;
	v58 =	vand.u32 $0xFFFFFF80, v10;
	v22 =	vadd.s32 s11, v1  }
0x1ff: {  	s13 =	simm.s32 $0x0;
	v10 =	vand.u32 $0x7F, v10;
	v24 =	vand.u32 $0xFFFFFF80, v7;
	v7 =	vand.u32 $0x7F, v7  }
0x200: {  	v25 =	vadd.s32 s13, v1;
	v26 =	vand.u32 $0xFFFFFF80, v8;
	v9 =	vand.u32 $0x7F, v9  }
0x201: {  	v16 =	vand.u32 $0xFFFFFF80, v15;
	v20 =	vand.u32 $0xFFFFFF80, v17;
	v21 =	vadd.s32 v2, v5  }
0x202: {  	v5 =	vand.u32 $0x7F, v17;
	v23 =	vand.u32 $0x7F, v13;
	v13 =	vand.u32 $0xFFFFFF80, v13  }
0x203: {  	v24 =	vadd.s32 v2, v24;
	v59 =	vand.u32 $0xFFFFFF80, v25;
	v25 =	vand.u32 $0x7F, v25  }
0x204: {  	v27 =	vand.u32 $0x7F, v14;
	v28 =	vand.u32 $0xFFFFFF80, v12;
	v6 =	vadd.s32 v2, v6  }
0x205: {  	v15 =	vand.u32 $0x7F, v15;
	v12 =	vand.u32 $0x7F, v12;
	v17 =	vadd.s32 v2, v20  }
0x206: {  	v13 =	vadd.s32 v2, v13;
	v60 =	vor.u32 v9, v6;
	v5 =	vor.u32 v5, v17  }
0x207: {  	v6 =	vand.u32 $0xFFFFFF80, v14;
	v14 =	vadd.s32 v2, v16;
	v13 =	vor.u32 v23, v13  }
0x208: {  	v16 =	vadd.s32 v2, v28;
	v9 =	vor.u32 v7, v24;
	v17 =	vand.u32 $0x7F, v4  }
0x209: {  	s14 =	simm.s32 $0xC;
	v4 =	vand.u32 $0xFFFFFF80, v4;
	v23 =	vadd.s32 v2, v59;
	v61 =	vadd.s32 v2, v6  }
0x20a: {  	v7 =	vor.u32 v12, v16;
	v12 =	vadd.s32 s14, v1;
	v16 =	vor.u32 v11, v21  }
0x20b: {  	s15 =	sshll.u32 s1, $0x2;
	s16 =	sand.u32 $0x7, s30;
	v4 =	vadd.s32 v2, v4;
	v23 =	vor.u32 v25, v23;
	v29 =	vand.u32 $0x7F, v12;
	v62 =	vld.idx.msk [tilespmem:v5+s12+$0x0], $0xffff  }
0x20c: {  	s17 =	sand.u32 $0xFFFFF000, s15;
	s18 =	sshll.u32 s16, $0x6;
	v11 =	vand.u32 $0xFFFFFF80, v12;
	v17 =	vor.u32 v17, v4;
	v4 =	vadd.s32 v2, v58;
	v63 =	vld.idx.msk [tilespmem:v13+s12+$0x0], $0xffff  }
0x20d: {  	s0 =	sor.u32 s18, s17;
	v12 =	vand.u32 $0x7F, v8;
	v11 =	vadd.s32 v2, v11;
	v6 =	vor.u32 v10, v4  }
0x20e: {  	s0 =	sshrl.u32 s0, $0x2;
	v4 =	vor.u32 v15, v14;
	v14 =	vand.u32 $0xFFFFFF80, v22;
	v8 =	vld.idx.msk [tilespmem:v60+s12+$0x0], $0xffff;
	v13 =	vadd.s32 v2, v26  }
0x20f: {  	s0 =	sadd.s32 $0x13F00, s0;
	v14 =	vadd.s32 v2, v14;
	v5 =	vor.u32 v27, v61;
	v15 =	vld.idx.msk [tilespmem:v7+s12+$0x0], $0xffff;
	v13 =	vor.u32 v12, v13  }
0x210: {  	v10 =	vld.idx.msk [tilespmem:v23+s12+$0x0], $0xffff;
	v12 =	vor.u32 v29, v11;
	v11 =	vadd.s32 v2, v19;
	v19 =	vand.u32 $0x7F, v22;
	[tilespmem:s0+$0x0] =	vst v62  }
0x211: {  	s15 =	simm.s32 $0x10;
	s7 =	sadd.s32 $0x2800, s0;
	v7 =	vld.idx.msk [tilespmem:v17+s12+$0x0], $0xffff;
	v17 =	vand.u32 $0xFFFFFF80, v3;
	v11 =	vor.u32 v18, v11;
	v14 =	vor.u32 v19, v14;
	[tilespmem:s0+$0xFFFFFE00] =	vst v63  }
.LBB2_23:
0x212: {  	s11 =	sadd.s32 $0x1, s15  }
0x213: {  	s13 =	sadd.s32 $0x2, s15;
	s16 =	sadd.s32 $0x3, s15;
	v18 =	vand.u32 $0x7F, v3;
	v17 =	vadd.s32 v2, v17;
	v16 =	vld.idx.msk [tilespmem:v16+s12+$0x0], $0xffff;
	s14 =	smov.u32 s15  }
0x214: {  	v19 =	vadd.s32 s11, v1;
	v3 =	vadd.s32 s13, v1;
	v20 =	vadd.s32 s16, v1;
	s11 =	sadd.s32 $0x4, s15;
	s13 =	sadd.s32 $0x5, s15;
	s16 =	sadd.s32 $0x6, s15;
	v9 =	vld.idx.msk [tilespmem:v9+s12+$0x0], $0xffff  }
0x215: {  	s17 =	sadd.s32 $0x9, s15;
	v17 =	vor.u32 v18, v17;
	v21 =	vadd.s32 s11, v1;
	v22 =	vadd.s32 s13, v1;
	s11 =	sadd.s32 $0x7, s15;
	s13 =	sadd.s32 $0x8, s15;
	v13 =	vld.idx.msk [tilespmem:v13+s12+$0x0], $0xffff  }
0x216: {  	v18 =	vadd.s32 s16, v1;
	s16 =	sadd.s32 $0xB, s15;
	v23 =	vadd.s32 s11, v1;
	v24 =	vadd.s32 s13, v1;
	s11 =	sadd.s32 $0xA, s15;
	s13 =	sadd.s32 $0xC, s15;
	[tilespmem:s0+$0xFFFFE880] =	vst v10  }
0x217: {  	s18 =	sadd.s32 $0xE, s14;
	v25 =	vand.u32 $0x7F, v20;
	v26 =	vadd.s32 s16, v1;
	s16 =	sadd.s32 $0xD, s14;
	v10 =	vadd.s32 s11, v1;
	s11 =	sadd.s32 $0x10, s15;
	[tilespmem:s0+$0xFFFFFD80] =	vst v15;
	v12 =	vld.idx.msk [tilespmem:v12+s12+$0x0], $0xffff  }
0x218: {  	p0 =	slt.u32 s15, $0x30;
	v27 =	vadd.s32 s18, v1;
	v15 =	vand.u32 $0xFFFFFF80, v20;
	v20 =	vadd.s32 s16, v1;
	s16 =	sadd.s32 $0xF, s14;
	[tilespmem:s0+$0xFFFFEC00] =	vst v8;
	v8 =	vld.idx.msk [tilespmem:v14+s12+$0x0], $0xffff  }
0x219: {  	v28 =	vand.u32 $0xFFFFFF80, v27;
	v14 =	vand.u32 $0x7F, v21;
	v29 =	vadd.s32 s16, v1;
	[tilespmem:s0+$0xFFFFEA00] =	vst v16;
	v11 =	vld.idx.msk [tilespmem:v11+s12+$0x0], $0xffff  }
0x21a: {  	v21 =	vand.u32 $0xFFFFFF80, v21;
	v16 =	vand.u32 $0xFFFFFF80, v23;
	v30 =	vand.u32 $0xFFFFFF80, v29;
	v6 =	vld.idx.msk [tilespmem:v6+s12+$0x0], $0xffff  }
0x21b: {  	v15 =	vadd.s32 v2, v15;
	v29 =	vand.u32 $0x7F, v29;
	v30 =	vadd.s32 v2, v30;
	[tilespmem:s0+$0xFFFFEB00] =	vst v9;
	v5 =	vld.idx.msk [tilespmem:v5+s12+$0x0], $0xffff  }
0x21c: {  	v31 =	vadd.s32 s17, v1;
	v9 =	vand.u32 $0xFFFFFF80, v24;
	v29 =	vor.u32 v29, v30;
	[tilespmem:s0+$0xFFFFE900] =	vst v7;
	v7 =	vld.idx.msk [tilespmem:v17+s12+$0x0], $0xffff  }
0x21d: {  	v24 =	vand.u32 $0x7F, v24;
	v30 =	vand.u32 $0x7F, v26;
	v17 =	vand.u32 $0x7F, v19;
	[tilespmem:s0+$0xFFFFFE80] =	vst v12  }
0x21e: {  	v26 =	vand.u32 $0xFFFFFF80, v26;
	v12 =	vand.u32 $0xFFFFFF80, v19;
	v19 =	vand.u32 $0xFFFFFF80, v22;
	[tilespmem:s0+$0xFFFFFD00] =	vst v8;
	v4 =	vld.idx.msk [tilespmem:v4+s12+$0x0], $0xffff  }
0x21f: {  	v8 =	vand.u32 $0x7F, v22;
	v19 =	vadd.s32 v2, v19;
	v22 =	vadd.s32 v2, v26;
	[tilespmem:s0+$0xFFFFEB80] =	vst v13  }
0x220: {  	v26 =	vand.u32 $0xFFFFFF80, v18;
	v13 =	vadd.s32 s14, v1;
	v22 =	vor.u32 v30, v22;
	[tilespmem:s0+$0xFFFFFC80] =	vst v6  }
0x221: {  	v30 =	vand.u32 $0x7F, v20;
	v6 =	vand.u32 $0xFFFFFF80, v13;
	v13 =	vand.u32 $0x7F, v13;
	v29 =	vld.idx.msk [tilespmem:v29+s12+$0x0], $0xffff;
	[tilespmem:s0+$0xFFFFEA80] =	vst v11  }
0x222: {  	v6 =	vadd.s32 v2, v6;
	v11 =	vadd.s32 v2, v12;
	v12 =	vand.u32 $0xFFFFFF80, v10;
	[tilespmem:s0+$0xFFFFE980] =	vst v7  }
0x223: {  	v7 =	vor.u32 v13, v6;
	v11 =	vor.u32 v17, v11;
	v6 =	vadd.s32 v2, v9;
	[tilespmem:s0+$0xFFFFFF00] =	vst v5  }
0x224: {  	v9 =	vadd.s32 v2, v16;
	v13 =	vand.u32 $0x7F, v27;
	v5 =	vand.u32 $0x7F, v23;
	[tilespmem:s0+$0xFFFFFF80] =	vst v4;
	s0 =	smov.u32 s7  }
0x225: {  	v17 =	vor.u32 v5, v9;
	v4 =	vand.u32 $0xFFFFFF80, v20;
	v20 =	vadd.s32 v2, v28  }
0x226: {  	v5 =	vand.u32 $0x7F, v10;
	v10 =	vadd.s32 v2, v12;
	v4 =	vadd.s32 v2, v4  }
0x227: {  	v9 =	vor.u32 v8, v19;
	v8 =	vadd.s32 s13, v1;
	v19 =	vor.u32 v5, v10;
	v22 =	vld.idx.msk [tilespmem:v22+s12+$0x0], $0xffff  }
0x228: {  	v6 =	vor.u32 v24, v6;
	v12 =	vand.u32 $0x7F, v8;
	v5 =	vor.u32 v30, v4;
	[tilespmem:s7+$0x0] =	vst v29  }
.Ltmp10:
0x229: {  	v16 =	vor.u32 v25, v15;
	v4 =	vor.u32 v13, v20;
	v10 =	vld.idx.msk [tilespmem:v7+s12+$0x0], $0xffff;
	v7 =	vand.u32 $0xFFFFFF80, v8;
	(pc) =	sbr.rel @p0 .LBB2_23-.Ltmp10, $4  }
0x22a: {  	v15 =	vadd.s32 v2, v26;
	v13 =	vand.u32 $0x7F, v18;
	v8 =	vld.idx.msk [tilespmem:v17+s12+$0x0], $0xffff;
	v7 =	vadd.s32 v2, v7  }
0x22b: {  	v13 =	vor.u32 v13, v15;
	v15 =	vand.u32 $0xFFFFFF80, v31;
	v12 =	vor.u32 v12, v7  }
0x22c: {  	v18 =	vadd.s32 v2, v21;
	v20 =	vand.u32 $0x7F, v31;
	v21 =	vadd.s32 v2, v15;
	v15 =	vld.idx.msk [tilespmem:v19+s12+$0x0], $0xffff  }
0x22d: {  	s15 =	smov.u32 s11;
	s7 =	sadd.s32 $0x2800, s7;
	v17 =	vand.u32 $0xFFFFFF80, v3;
	v7 =	vld.idx.msk [tilespmem:v11+s12+$0x0], $0xffff;
	v11 =	vor.u32 v14, v18;
	v14 =	vor.u32 v20, v21;
	[tilespmem:s0+$0xFFFFFE00] =	vst v22  }
0x22e: {  	_ =	sdelay $0x3  }
0x22f: {  	v1 =	vld.idx.msk [tilespmem:v16+s12+$0x0], $0xffff  }
0x230: {  	v9 =	vld.idx.msk [tilespmem:v9+s12+$0x0], $0xffff;
	[tilespmem:s0+$0xFFFFE880] =	vst v10  }
0x231: {  	v3 =	vand.u32 $0x7F, v3;
	v2 =	vadd.s32 v2, v17;
	v61 =	vld.idx.msk [tilespmem:v14+s12+$0x0], $0xffff;
	[tilespmem:s0+$0xFFFFEC00] =	vst v8  }
0x232: {  	v62 =	vld.idx.msk [tilespmem:v13+s12+$0x0], $0xffff;
	v2 =	vor.u32 v3, v2;
	[tilespmem:s0+$0xFFFFFD80] =	vst v15  }
0x233: {  	v3 =	vld.idx.msk [tilespmem:v12+s12+$0x0], $0xffff;
	[tilespmem:s0+$0xFFFFE900] =	vst v7  }
0x234: {  	v63 =	vld.idx.msk [tilespmem:v11+s12+$0x0], $0xffff;
	[tilespmem:s0+$0xFFFFEA00] =	vst v1  }
0x235: {  	v4 =	vld.idx.msk [tilespmem:v4+s12+$0x0], $0xffff;
	[tilespmem:s0+$0xFFFFEB00] =	vst v9  }
0x236: {  	v1 =	vld.idx.msk [tilespmem:v6+s12+$0x0], $0xffff;
	[tilespmem:s0+$0xFFFFFD00] =	vst v61  }
0x237: {  	s31 =	sadd.s32 $0x1, s31;
	[tilespmem:s0+$0xFFFFEB80] =	vst v62;
	v2 =	vld.idx.msk [tilespmem:v2+s12+$0x0], $0xffff  }
0x238: {  	p0 =	sne.s32 s31, $0x24;
	[tilespmem:s0+$0xFFFFFE80] =	vst v3;
	v3 =	vld.idx.msk [tilespmem:v5+s12+$0x0], $0xffff  }
.Ltmp11:
0x239: {  	[tilespmem:s0+$0xFFFFEA80] =	vst v63;
	(pc) =	sbr.rel @p0 .LBB2_22-.Ltmp11, $4  }
0x23a: {  	[tilespmem:s0+$0xFFFFFF80] =	vst v4  }
0x23b: {  	[tilespmem:s0+$0xFFFFFC80] =	vst v1  }
0x23c: {  	[tilespmem:s0+$0xFFFFE980] =	vst v2  }
0x23d: {  	s1 =	sadd.s32 $0x80, s1;
	s30 =	sadd.s32 $0x1, s30;
	[tilespmem:s0+$0xFFFFFF00] =	vst v3  }
0x23e: {  	s29 =	sadd.s32 $0x1, s29  }
0x23f: {  	p0 =	sne.s32 s29, s6  }
.Ltmp12:
0x240: {  	_ = 	snop;
	(pc) =	sbr.rel @p0 .LBB2_1-.Ltmp12, $4  }
0x241: {  	[hbm4b:s5+s2] =	stream.linear.scatter [tilespmem:s28], [sflag:$0x7], $0xA000, $0x38;
	[tilespmem:$0x1C780] =	vst v63  }
0x242: {  	_ =	swait.ge [sflag:s9], $0xA000  }
0x243: {  	[sflag:s9] =	ssyncset.done $0x0  }
0x244: {  	[sflag:s9] =	ssyncadd.s32 $0xFFFF6000  }
0x245: {  	_ =	sfence.sel $0x180000  }
0x246: {  	[bflag:$0x0] =	sbarrier.arrive $0xFFFF  }
0x247: {  	_ =	strace $0x90000047  }
0x248: {  	s0 =	stileid.u32;
	[bflag:$0x2] =	sbarrier.arrive $0xFFFF  }
0x249: {  	p0 =	sne.s32 s0, $0x0;
	s0 =	rddreg [dreg:$0x3]  }
0x24a: {  	s0 =	sadd.s32 @!p0 $0x100000, s0  }
0x24b: {  	[sflag:s0] =	ssyncadd.tile.s32 @!p0 $0x1;
	_ =	shalt  }
.Lfunc_end2:
_tile_overlayer_lowered:
.L_overlay_start_2:
0x24c: {  	(tag) =	ssettag $0x2  }
0x24d: {  	s0 =	rddreg [dreg:$0x0];
	s2 =	stileid.u32  }
0x24e: {  	s1 =	rddreg [dreg:$0x1];
	p0 =	sne.s32 s2, $0x0  }
0x24f: {  	s3 =	rddreg [dreg:$0x2];
	[bflag:$0x3] =	sbarrier.arrive $0xFFFF;
	s2 =	simm.s32 @!p0 $0x1C07  }
0x250: {  	[timem:s3], [sflag:s2] =	dma.local @!p0 [hbm:s0], s1  }
0x251: {  	s0 =	simm.s32 @!p0 $0x7  }
0x252: {  	_ =	swait.ge @!p0 [sflag:s0], s1  }
0x253: {  	s1 =	ssub.s32 @!p0 $0x0, s1;
	[sflag:s0] =	ssyncset.done @!p0 $0x0  }
0x254: {  	[sflag:s0] =	ssyncadd.s32 @!p0 s1  }
0x255: {  	[bflag:$0x3] =	sbarrier.arrive $0xFFFF  }
0x256: {  	_ =	shalt  }

</sc_bundles>
